<compile_context>
chip_gen: v7x
topology: tpu7x:2x2x1
jax: 0.10.2.dev20260603
libtpu: 0.0.44.dev20260713+nightly
codegen_flags: <defaults>
</compile_context>

<pallas_src>
import jax
import jax.numpy as jnp
from jax import lax
from jax.experimental import pallas as pl
from jax.experimental.pallas import tpu as pltpu, tpu_sc as plsc

N = 8192
L = N * (N - 1) // 2
NC = 2
NS = 16
NW = NC * NS
G = 8
C = 2048
KT = N // C
NT = (N // G) * KT
MT = NT // NW
NQ = C // 16
SROW = C + 32
A8MAX = L - C - 16


def _body(comp, out, stage0, stage1, ob0, ob1, zb, isem0, isem1, osem0, osem1):
    wid = lax.axis_index("s") * NC + lax.axis_index("c")
    iota = lax.iota(jnp.int32, 16)
    zeros16 = jnp.zeros((16,), jnp.float32)

    for r in range(G):
        @plsc.parallel_loop(0, NQ, unroll=8)
        def _z(q, _r=r):
            zb[_r, pl.ds(q * 16, 16)] = zeros16

    def tile_of(m):
        idx = m * NW + wid
        g = idx & (N // G - 1)
        k = idx >> 10
        return g, k

    def is_zero_tile(g, k):
        return (k + 1) * C <= G * g

    def row_src(g, k, r):
        i = G * g + r
        b = i * (N - 1) - (i * (i - 1)) // 2 - i - 1 + k * C
        a8 = jnp.clip((b // 8) * 8, 0, A8MAX)
        return i, a8, b - a8

    def issue_in(m, stg, sem):
        g, k = tile_of(m)

        @pl.when(jnp.logical_not(is_zero_tile(g, k)))
        def _():
            for r in range(G):
                _, a8, _2 = row_src(g, k, r)
                pltpu.async_copy(
                    comp.at[pl.ds(pl.multiple_of(a8, 8), C + 16)],
                    stg.at[pl.ds(r * SROW + 8, C + 16)],
                    sem,
                )

    def wait_in(m, stg, sem):
        pltpu.make_async_copy(
            comp.at[pl.ds(0, G * (C + 16))],
            stg.at[pl.ds(0, G * (C + 16))],
            sem,
        ).wait()

    def wait_out(ob, osem):
        pltpu.make_async_copy(ob, out.at[0, :, pl.ds(0, C)], osem).wait()

    def process(m, stg, ob, isem, osem, not_first, not_last):
        g, k = tile_of(m)
        zero = is_zero_tile(g, k)
        data = jnp.logical_not(zero)
        full = k * C >= G * g + G

        @pl.when(data)
        def _():
            wait_in(m, stg, isem)

        @pl.when(not_first)
        def _():
            wait_out(ob, osem)

        @pl.when(data)
        def _():
            for r in range(G):
                i, _2, rr = row_src(g, k, r)
                colbase = k * C + iota

                @plsc.parallel_loop(0, NQ, unroll=8)
                def _shm(q, _r=r, _rr=rr, _i=i, _cb=colbase):
                    v = stg[pl.ds(_r * SROW + 8 + _rr + q * 16, 16)]
                    col = _cb + q * 16
                    ob[_r, pl.ds(q * 16, 16)] = jnp.where(col <= _i, 0.0, v)

        dst = out.at[g, :, pl.ds(pl.multiple_of(k * C, 128), C)]

        @pl.when(data)
        def _():
            pltpu.async_copy(ob, dst, osem)

        @pl.when(zero)
        def _():
            pltpu.async_copy(zb, dst, osem)

        @pl.when(not_last)
        def _():
            issue_in(m + 2, stg, isem)

    issue_in(0, stage0, isem0)
    issue_in(1, stage1, isem1)

    def pair_body(pp, carry):
        m0 = 2 * pp
        process(m0, stage0, ob0, isem0, osem0, pp > 0, pp < MT // 2 - 1)
        process(m0 + 1, stage1, ob1, isem1, osem1, pp > 0, pp < MT // 2 - 1)
        return carry

    lax.fori_loop(0, MT // 2, pair_body, 0)
    wait_out(ob0, osem0)
    wait_out(ob1, osem1)


def kernel(compressed_matrix):
    mesh = plsc.VectorSubcoreMesh(
        core_axis_name="c", subcore_axis_name="s", num_cores=NC, num_subcores=NS
    )
    f = pl.kernel(
        _body,
        out_type=jax.ShapeDtypeStruct((N // G, G, N), jnp.float32),
        mesh=mesh,
        scratch_types=[
            pltpu.VMEM((G * SROW,), jnp.float32),
            pltpu.VMEM((G * SROW,), jnp.float32),
            pltpu.VMEM((G, C), jnp.float32),
            pltpu.VMEM((G, C), jnp.float32),
            pltpu.VMEM((G, C), jnp.float32),
            pltpu.SemaphoreType.DMA,
            pltpu.SemaphoreType.DMA,
            pltpu.SemaphoreType.DMA,
            pltpu.SemaphoreType.DMA,
        ],
    )
    return f(compressed_matrix).reshape(N, N)

# --- scband reference (transcript-rebuilt; emitter-appended) ---
"""Pipeline reference for scband-uncompress-transform-layer-85366769975790 (READ-ONLY COPY).

The authoritative reference and input builder live on the scoring server;
editing this copy changes nothing except your own understanding.
"""

import jax, jax.numpy as jnp
import numpy as np
import math


def setup_inputs(seed: int = 0) -> dict:
    key = jax.random.key(seed)
    n = 8192
    L = n * (n - 1) // 2  # 33550336
    compressed_matrix = jax.random.normal(key, (L,), dtype=jnp.float32)
    return {"compressed_matrix": compressed_matrix}


def reference(compressed_matrix):
    L = compressed_matrix.shape[0]
    n = round(math.sqrt(2 * L)) + 1
    # torch.triu_indices(n, n, offset=1) enumerates the strict upper triangle
    # in row-major order, identical to np/jnp.triu_indices(n, k=1).
    rows, cols = jnp.triu_indices(n, k=1)
    uncompressed = jnp.zeros((n, n), dtype=compressed_matrix.dtype).at[rows, cols].set(compressed_matrix)
    return uncompressed

if __name__ == "__main__":
    import jax
    _d = setup_inputs()
    print(jax.jit(kernel)(*tuple(_d.values())))

</pallas_src>

<mosaic_0001>
#map = affine_map<(d0, d1) -> (0)>
#map1 = affine_map<(d0, d1) -> (0, 0, 0)>
module attributes {stable_mosaic.version = 14 : i64} {
  func.func @_body(%arg0: i32, %arg1: i32, %arg2: memref<33550336xf32, #tpu.memory_space<hbm>>, %arg3: memref<1024x8x8192xf32, #tpu.memory_space<hbm>>, %arg4: memref<16640xf32, #tpu.memory_space<vmem>>, %arg5: memref<16640xf32, #tpu.memory_space<vmem>>, %arg6: memref<8x2048xf32, #tpu.memory_space<vmem>>, %arg7: memref<8x2048xf32, #tpu.memory_space<vmem>>, %arg8: memref<8x2048xf32, #tpu.memory_space<vmem>>, %arg9: memref<!tpu.dma_semaphore, #tpu.memory_space<semaphore_mem>>, %arg10: memref<!tpu.dma_semaphore, #tpu.memory_space<semaphore_mem>>, %arg11: memref<!tpu.dma_semaphore, #tpu.memory_space<semaphore_mem>>, %arg12: memref<!tpu.dma_semaphore, #tpu.memory_space<semaphore_mem>>) attributes {dimension_semantics = [#tpu.dimension_semantics<core_parallel>, #tpu.dimension_semantics<subcore_parallel>], iteration_bounds = array<i64: 2, 16>, scalar_prefetch = 0 : i64, scratch_operands = 9 : i64, tpu.core_type = #tpu.core_type<sc_vector_subcore>, window_params = [{transform_indices = #map}, {transform_indices = #map1}]} {
    %mul3A = arith.constant 2 : i32
    %mul3A_0 = arith.muli %arg1, %mul3A : i32
    %add3A = arith.addi %mul3A_0, %arg0 : i32
    %iota3A = tpu.iota {dimensions = array<i32: 0>} : vector<16xi32>
    %broadcast_in_dim3A = arith.constant 0.000000e+00 : f32
    %broadcast_in_dim3A_1 = vector.broadcast %broadcast_in_dim3A : f32 to vector<16xf32>
    %parallel_loop3A = arith.constant 0 : i32
    %parallel_loop3A_2 = arith.constant 128 : i32
    %parallel_loop3A_3 = arith.constant 1 : i32
    scf.for %parallel_loop3A_77 = %parallel_loop3A to %parallel_loop3A_2 step %parallel_loop3A_3  : i32 {
      %parallel_loop3A_78 = arith.constant 16 : i32
      %parallel_loop3A_79 = arith.muli %parallel_loop3A_77, %parallel_loop3A_78 : i32
      %parallel_loop3A_80 = arith.constant 0 : i32
      %parallel_loop3A_81 = arith.index_cast %parallel_loop3A_80 : i32 to index
      %parallel_loop3A_82 = arith.index_cast %parallel_loop3A_79 : i32 to index
      %parallel_loop3A_83 = tpu.vector_load %arg8[%parallel_loop3A_81, %parallel_loop3A_82] {strides = array<i32>} : memref<8x2048xf32, #tpu.memory_space<vmem>>, vector<1x16xf32>,
      %parallel_loop3A_84 = vector.shape_cast %parallel_loop3A_83 : vector<1x16xf32> to vector<16xf32>
      %parallel_loop3A_85 = vector.shape_cast %broadcast_in_dim3A_1 : vector<16xf32> to vector<1x16xf32>
      tpu.vector_store %arg8[%parallel_loop3A_81, %parallel_loop3A_82], %parallel_loop3A_85 {strides = array<i32>} : memref<8x2048xf32, #tpu.memory_space<vmem>>, vector<1x16xf32>,
    } {sc.loop_unroll_factor = 8 : i64, sc.parallel_access}
    %parallel_loop3A_4 = arith.constant 0 : i32
    %parallel_loop3A_5 = arith.constant 128 : i32
    %parallel_loop3A_6 = arith.constant 1 : i32
    scf.for %parallel_loop3A_77 = %parallel_loop3A_4 to %parallel_loop3A_5 step %parallel_loop3A_6  : i32 {
      %parallel_loop3A_78 = arith.constant 16 : i32
      %parallel_loop3A_79 = arith.muli %parallel_loop3A_77, %parallel_loop3A_78 : i32
      %parallel_loop3A_80 = arith.constant 1 : i32
      %parallel_loop3A_81 = arith.index_cast %parallel_loop3A_80 : i32 to index
      %parallel_loop3A_82 = arith.index_cast %parallel_loop3A_79 : i32 to index
      %parallel_loop3A_83 = tpu.vector_load %arg8[%parallel_loop3A_81, %parallel_loop3A_82] {strides = array<i32>} : memref<8x2048xf32, #tpu.memory_space<vmem>>, vector<1x16xf32>,
      %parallel_loop3A_84 = vector.shape_cast %parallel_loop3A_83 : vector<1x16xf32> to vector<16xf32>
      %parallel_loop3A_85 = vector.shape_cast %broadcast_in_dim3A_1 : vector<16xf32> to vector<1x16xf32>
      tpu.vector_store %arg8[%parallel_loop3A_81, %parallel_loop3A_82], %parallel_loop3A_85 {strides = array<i32>} : memref<8x2048xf32, #tpu.memory_space<vmem>>, vector<1x16xf32>,
    } {sc.loop_unroll_factor = 8 : i64, sc.parallel_access}
    %parallel_loop3A_7 = arith.constant 0 : i32
    %parallel_loop3A_8 = arith.constant 128 : i32
    %parallel_loop3A_9 = arith.constant 1 : i32
    scf.for %parallel_loop3A_77 = %parallel_loop3A_7 to %parallel_loop3A_8 step %parallel_loop3A_9  : i32 {
      %parallel_loop3A_78 = arith.constant 16 : i32
      %parallel_loop3A_79 = arith.muli %parallel_loop3A_77, %parallel_loop3A_78 : i32
      %parallel_loop3A_80 = arith.constant 2 : i32
      %parallel_loop3A_81 = arith.index_cast %parallel_loop3A_80 : i32 to index
      %parallel_loop3A_82 = arith.index_cast %parallel_loop3A_79 : i32 to index
      %parallel_loop3A_83 = tpu.vector_load %arg8[%parallel_loop3A_81, %parallel_loop3A_82] {strides = array<i32>} : memref<8x2048xf32, #tpu.memory_space<vmem>>, vector<1x16xf32>,
      %parallel_loop3A_84 = vector.shape_cast %parallel_loop3A_83 : vector<1x16xf32> to vector<16xf32>
      %parallel_loop3A_85 = vector.shape_cast %broadcast_in_dim3A_1 : vector<16xf32> to vector<1x16xf32>
      tpu.vector_store %arg8[%parallel_loop3A_81, %parallel_loop3A_82], %parallel_loop3A_85 {strides = array<i32>} : memref<8x2048xf32, #tpu.memory_space<vmem>>, vector<1x16xf32>,
    } {sc.loop_unroll_factor = 8 : i64, sc.parallel_access}
    %parallel_loop3A_10 = arith.constant 0 : i32
    %parallel_loop3A_11 = arith.constant 128 : i32
    %parallel_loop3A_12 = arith.constant 1 : i32
    scf.for %parallel_loop3A_77 = %parallel_loop3A_10 to %parallel_loop3A_11 step %parallel_loop3A_12  : i32 {
      %parallel_loop3A_78 = arith.constant 16 : i32
      %parallel_loop3A_79 = arith.muli %parallel_loop3A_77, %parallel_loop3A_78 : i32
      %parallel_loop3A_80 = arith.constant 3 : i32
      %parallel_loop3A_81 = arith.index_cast %parallel_loop3A_80 : i32 to index
      %parallel_loop3A_82 = arith.index_cast %parallel_loop3A_79 : i32 to index
      %parallel_loop3A_83 = tpu.vector_load %arg8[%parallel_loop3A_81, %parallel_loop3A_82] {strides = array<i32>} : memref<8x2048xf32, #tpu.memory_space<vmem>>, vector<1x16xf32>,
      %parallel_loop3A_84 = vector.shape_cast %parallel_loop3A_83 : vector<1x16xf32> to vector<16xf32>
      %parallel_loop3A_85 = vector.shape_cast %broadcast_in_dim3A_1 : vector<16xf32> to vector<1x16xf32>
      tpu.vector_store %arg8[%parallel_loop3A_81, %parallel_loop3A_82], %parallel_loop3A_85 {strides = array<i32>} : memref<8x2048xf32, #tpu.memory_space<vmem>>, vector<1x16xf32>,
    } {sc.loop_unroll_factor = 8 : i64, sc.parallel_access}
    %parallel_loop3A_13 = arith.constant 0 : i32
    %parallel_loop3A_14 = arith.constant 128 : i32
    %parallel_loop3A_15 = arith.constant 1 : i32
    scf.for %parallel_loop3A_77 = %parallel_loop3A_13 to %parallel_loop3A_14 step %parallel_loop3A_15  : i32 {
      %parallel_loop3A_78 = arith.constant 16 : i32
      %parallel_loop3A_79 = arith.muli %parallel_loop3A_77, %parallel_loop3A_78 : i32
      %parallel_loop3A_80 = arith.constant 4 : i32
      %parallel_loop3A_81 = arith.index_cast %parallel_loop3A_80 : i32 to index
      %parallel_loop3A_82 = arith.index_cast %parallel_loop3A_79 : i32 to index
      %parallel_loop3A_83 = tpu.vector_load %arg8[%parallel_loop3A_81, %parallel_loop3A_82] {strides = array<i32>} : memref<8x2048xf32, #tpu.memory_space<vmem>>, vector<1x16xf32>,
      %parallel_loop3A_84 = vector.shape_cast %parallel_loop3A_83 : vector<1x16xf32> to vector<16xf32>
      %parallel_loop3A_85 = vector.shape_cast %broadcast_in_dim3A_1 : vector<16xf32> to vector<1x16xf32>
      tpu.vector_store %arg8[%parallel_loop3A_81, %parallel_loop3A_82], %parallel_loop3A_85 {strides = array<i32>} : memref<8x2048xf32, #tpu.memory_space<vmem>>, vector<1x16xf32>,
    } {sc.loop_unroll_factor = 8 : i64, sc.parallel_access}
    %parallel_loop3A_16 = arith.constant 0 : i32
    %parallel_loop3A_17 = arith.constant 128 : i32
    %parallel_loop3A_18 = arith.constant 1 : i32
    scf.for %parallel_loop3A_77 = %parallel_loop3A_16 to %parallel_loop3A_17 step %parallel_loop3A_18  : i32 {
      %parallel_loop3A_78 = arith.constant 16 : i32
      %parallel_loop3A_79 = arith.muli %parallel_loop3A_77, %parallel_loop3A_78 : i32
      %parallel_loop3A_80 = arith.constant 5 : i32
      %parallel_loop3A_81 = arith.index_cast %parallel_loop3A_80 : i32 to index
      %parallel_loop3A_82 = arith.index_cast %parallel_loop3A_79 : i32 to index
      %parallel_loop3A_83 = tpu.vector_load %arg8[%parallel_loop3A_81, %parallel_loop3A_82] {strides = array<i32>} : memref<8x2048xf32, #tpu.memory_space<vmem>>, vector<1x16xf32>,
      %parallel_loop3A_84 = vector.shape_cast %parallel_loop3A_83 : vector<1x16xf32> to vector<16xf32>
      %parallel_loop3A_85 = vector.shape_cast %broadcast_in_dim3A_1 : vector<16xf32> to vector<1x16xf32>
      tpu.vector_store %arg8[%parallel_loop3A_81, %parallel_loop3A_82], %parallel_loop3A_85 {strides = array<i32>} : memref<8x2048xf32, #tpu.memory_space<vmem>>, vector<1x16xf32>,
    } {sc.loop_unroll_factor = 8 : i64, sc.parallel_access}
    %parallel_loop3A_19 = arith.constant 0 : i32
    %parallel_loop3A_20 = arith.constant 128 : i32
    %parallel_loop3A_21 = arith.constant 1 : i32
    scf.for %parallel_loop3A_77 = %parallel_loop3A_19 to %parallel_loop3A_20 step %parallel_loop3A_21  : i32 {
      %parallel_loop3A_78 = arith.constant 16 : i32
      %parallel_loop3A_79 = arith.muli %parallel_loop3A_77, %parallel_loop3A_78 : i32
      %parallel_loop3A_80 = arith.constant 6 : i32
      %parallel_loop3A_81 = arith.index_cast %parallel_loop3A_80 : i32 to index
      %parallel_loop3A_82 = arith.index_cast %parallel_loop3A_79 : i32 to index
      %parallel_loop3A_83 = tpu.vector_load %arg8[%parallel_loop3A_81, %parallel_loop3A_82] {strides = array<i32>} : memref<8x2048xf32, #tpu.memory_space<vmem>>, vector<1x16xf32>,
      %parallel_loop3A_84 = vector.shape_cast %parallel_loop3A_83 : vector<1x16xf32> to vector<16xf32>
      %parallel_loop3A_85 = vector.shape_cast %broadcast_in_dim3A_1 : vector<16xf32> to vector<1x16xf32>
      tpu.vector_store %arg8[%parallel_loop3A_81, %parallel_loop3A_82], %parallel_loop3A_85 {strides = array<i32>} : memref<8x2048xf32, #tpu.memory_space<vmem>>, vector<1x16xf32>,
    } {sc.loop_unroll_factor = 8 : i64, sc.parallel_access}
    %parallel_loop3A_22 = arith.constant 0 : i32
    %parallel_loop3A_23 = arith.constant 128 : i32
    %parallel_loop3A_24 = arith.constant 1 : i32
    scf.for %parallel_loop3A_77 = %parallel_loop3A_22 to %parallel_loop3A_23 step %parallel_loop3A_24  : i32 {
      %parallel_loop3A_78 = arith.constant 16 : i32
      %parallel_loop3A_79 = arith.muli %parallel_loop3A_77, %parallel_loop3A_78 : i32
      %parallel_loop3A_80 = arith.constant 7 : i32
      %parallel_loop3A_81 = arith.index_cast %parallel_loop3A_80 : i32 to index
      %parallel_loop3A_82 = arith.index_cast %parallel_loop3A_79 : i32 to index
      %parallel_loop3A_83 = tpu.vector_load %arg8[%parallel_loop3A_81, %parallel_loop3A_82] {strides = array<i32>} : memref<8x2048xf32, #tpu.memory_space<vmem>>, vector<1x16xf32>,
      %parallel_loop3A_84 = vector.shape_cast %parallel_loop3A_83 : vector<1x16xf32> to vector<16xf32>
      %parallel_loop3A_85 = vector.shape_cast %broadcast_in_dim3A_1 : vector<16xf32> to vector<1x16xf32>
      tpu.vector_store %arg8[%parallel_loop3A_81, %parallel_loop3A_82], %parallel_loop3A_85 {strides = array<i32>} : memref<8x2048xf32, #tpu.memory_space<vmem>>, vector<1x16xf32>,
    } {sc.loop_unroll_factor = 8 : i64, sc.parallel_access}
    %add3A_25 = arith.constant 0 : i32
    %add3A_26 = arith.addi %add3A_25, %add3A : i32
    %and3A = arith.constant 1023 : i32
    %and3A_27 = arith.andi %add3A_26, %and3A : i32
    %shift_right_arithmetic3A = arith.constant 10 : i32
    %shift_right_arithmetic3A_28 = arith.shrsi %add3A_26, %shift_right_arithmetic3A : i32
    %add3A_29 = arith.constant 1 : i32
    %add3A_30 = arith.addi %shift_right_arithmetic3A_28, %add3A_29 : i32
    %mul3A_31 = arith.constant 2048 : i32
    %mul3A_32 = arith.muli %add3A_30, %mul3A_31 : i32
    %mul3A_33 = arith.constant 8 : i32
    %mul3A_34 = arith.muli %mul3A_33, %and3A_27 : i32
    %le3A = arith.cmpi sle, %mul3A_32, %mul3A_34 : i32
    %not3A = arith.constant true
    %not3A_35 = arith.xori %le3A, %not3A : i1
    %convert_element_type3A = arith.extui %not3A_35 : i1 to i32
    %cond3A = arith.constant 0 : i32
    %cond3A_36 = arith.cmpi ne, %convert_element_type3A, %cond3A : i32
    scf.if %cond3A_36 {
      %mul3A_77 = arith.constant 8 : i32
      %mul3A_78 = arith.muli %mul3A_77, %and3A_27 : i32
      %add3A_79 = arith.constant 0 : i32
      %add3A_80 = arith.addi %mul3A_78, %add3A_79 : i32
      %mul3A_81 = arith.constant 8191 : i32
      %mul3A_82 = arith.muli %add3A_80, %mul3A_81 : i32
      %sub3A = arith.constant 1 : i32
      %sub3A_83 = arith.subi %add3A_80, %sub3A : i32
      %mul3A_84 = arith.muli %add3A_80, %sub3A_83 : i32
      %jit3A = arith.constant 2 : i32
      %div3A = arith.divsi %mul3A_84, %jit3A : i32
      %sign3A = arith.constant 0 : i32
      %sign3A_85 = arith.cmpi sgt, %mul3A_84, %sign3A : i32
      %sign3A_86 = arith.extui %sign3A_85 : i1 to i32
      %sign3A_87 = arith.constant 0 : i32
      %sign3A_88 = arith.cmpi slt, %mul3A_84, %sign3A_87 : i32
      %sign3A_89 = arith.extui %sign3A_88 : i1 to i32
      %sign3A_90 = arith.subi %sign3A_86, %sign3A_89 : i32
      %sign3A_91 = arith.constant 0 : i32
      %sign3A_92 = arith.cmpi sgt, %jit3A, %sign3A_91 : i32
      %sign3A_93 = arith.extui %sign3A_92 : i1 to i32
      %sign3A_94 = arith.constant 0 : i32
      %sign3A_95 = arith.cmpi slt, %jit3A, %sign3A_94 : i32
      %sign3A_96 = arith.extui %sign3A_95 : i1 to i32
      %sign3A_97 = arith.subi %sign3A_93, %sign3A_96 : i32
      %ne3A = arith.cmpi ne, %sign3A_90, %sign3A_97 : i32
      %rem3A = arith.remsi %mul3A_84, %jit3A : i32
      %ne3A_98 = arith.constant 0 : i32
      %ne3A_99 = arith.cmpi ne, %rem3A, %ne3A_98 : i32
      %and3A_100 = arith.andi %ne3A, %ne3A_99 : i1
      %sub3A_101 = arith.constant 1 : i32
      %sub3A_102 = arith.subi %div3A, %sub3A_101 : i32
      %select_n3A = arith.select %and3A_100, %sub3A_102, %div3A : i32
      %sub3A_103 = arith.subi %mul3A_82, %select_n3A : i32
      %sub3A_104 = arith.subi %sub3A_103, %add3A_80 : i32
      %sub3A_105 = arith.constant 1 : i32
      %sub3A_106 = arith.subi %sub3A_104, %sub3A_105 : i32
      %mul3A_107 = arith.constant 2048 : i32
      %mul3A_108 = arith.muli %shift_right_arithmetic3A_28, %mul3A_107 : i32
      %add3A_109 = arith.addi %sub3A_106, %mul3A_108 : i32
      %jit3A_110 = arith.constant 8 : i32
      %div3A_111 = arith.divsi %add3A_109, %jit3A_110 : i32
      %sign3A_112 = arith.constant 0 : i32
      %sign3A_113 = arith.cmpi sgt, %add3A_109, %sign3A_112 : i32
      %sign3A_114 = arith.extui %sign3A_113 : i1 to i32
      %sign3A_115 = arith.constant 0 : i32
      %sign3A_116 = arith.cmpi slt, %add3A_109, %sign3A_115 : i32
      %sign3A_117 = arith.extui %sign3A_116 : i1 to i32
      %sign3A_118 = arith.subi %sign3A_114, %sign3A_117 : i32
      %sign3A_119 = arith.constant 0 : i32
      %sign3A_120 = arith.cmpi sgt, %jit3A_110, %sign3A_119 : i32
      %sign3A_121 = arith.extui %sign3A_120 : i1 to i32
      %sign3A_122 = arith.constant 0 : i32
      %sign3A_123 = arith.cmpi slt, %jit3A_110, %sign3A_122 : i32
      %sign3A_124 = arith.extui %sign3A_123 : i1 to i32
      %sign3A_125 = arith.subi %sign3A_121, %sign3A_124 : i32
      %ne3A_126 = arith.cmpi ne, %sign3A_118, %sign3A_125 : i32
      %rem3A_127 = arith.remsi %add3A_109, %jit3A_110 : i32
      %ne3A_128 = arith.constant 0 : i32
      %ne3A_129 = arith.cmpi ne, %rem3A_127, %ne3A_128 : i32
      %and3A_130 = arith.andi %ne3A_126, %ne3A_129 : i1
      %sub3A_131 = arith.constant 1 : i32
      %sub3A_132 = arith.subi %div3A_111, %sub3A_131 : i32
      %select_n3A_133 = arith.select %and3A_130, %sub3A_132, %div3A_111 : i32
      %mul3A_134 = arith.constant 8 : i32
      %mul3A_135 = arith.muli %select_n3A_133, %mul3A_134 : i32
      %jit3A_136 = arith.constant 0 : i32
      %jit3A_137 = arith.constant 33548272 : i32
      %max3A = arith.maxsi %jit3A_136, %mul3A_135 : i32
      %min3A = arith.minsi %jit3A_137, %max3A : i32
      %sub3A_138 = arith.subi %add3A_109, %min3A : i32
      %multiple_of3A = tpu.assume_multiple %min3A, 8 : i32
      %dma_start3A = arith.constant 8 : i32
      %dma_start3A_139 = tpu.memref_slice %arg4[%dma_start3A] : memref<16640xf32, #tpu.memory_space<vmem>> -> memref<2064xf32, #tpu.memory_space<vmem>>
      %dma_start3A_140 = tpu.memref_slice %arg2[%multiple_of3A] : memref<33550336xf32, #tpu.memory_space<hbm>> -> memref<2064xf32, #tpu.memory_space<hbm>>
      %dma_start3A_141 = arith.constant 8 : i32
      %dma_start3A_142 = tpu.memref_slice %arg4[%dma_start3A_141] : memref<16640xf32, #tpu.memory_space<vmem>> -> memref<2064xf32, #tpu.memory_space<vmem>>
      %dma_start3A_143 = tpu.memref_slice %arg2[%multiple_of3A] : memref<33550336xf32, #tpu.memory_space<hbm>> -> memref<2064xf32, #tpu.memory_space<hbm>>
      tpu.enqueue_dma source(%dma_start3A_143 : memref<2064xf32, #tpu.memory_space<hbm>>) target(%dma_start3A_142 : memref<2064xf32, #tpu.memory_space<vmem>>) target_semaphore(%arg9 : memref<!tpu.dma_semaphore, #tpu.memory_space<semaphore_mem>>)
      %mul3A_144 = arith.constant 8 : i32
      %mul3A_145 = arith.muli %mul3A_144, %and3A_27 : i32
      %add3A_146 = arith.constant 1 : i32
      %add3A_147 = arith.addi %mul3A_145, %add3A_146 : i32
      %mul3A_148 = arith.constant 8191 : i32
      %mul3A_149 = arith.muli %add3A_147, %mul3A_148 : i32
      %sub3A_150 = arith.constant 1 : i32
      %sub3A_151 = arith.subi %add3A_147, %sub3A_150 : i32
      %mul3A_152 = arith.muli %add3A_147, %sub3A_151 : i32
      %jit3A_153 = arith.constant 2 : i32
      %div3A_154 = arith.divsi %mul3A_152, %jit3A_153 : i32
      %sign3A_155 = arith.constant 0 : i32
      %sign3A_156 = arith.cmpi sgt, %mul3A_152, %sign3A_155 : i32
      %sign3A_157 = arith.extui %sign3A_156 : i1 to i32
      %sign3A_158 = arith.constant 0 : i32
      %sign3A_159 = arith.cmpi slt, %mul3A_152, %sign3A_158 : i32
      %sign3A_160 = arith.extui %sign3A_159 : i1 to i32
      %sign3A_161 = arith.subi %sign3A_157, %sign3A_160 : i32
      %sign3A_162 = arith.constant 0 : i32
      %sign3A_163 = arith.cmpi sgt, %jit3A_153, %sign3A_162 : i32
      %sign3A_164 = arith.extui %sign3A_163 : i1 to i32
      %sign3A_165 = arith.constant 0 : i32
      %sign3A_166 = arith.cmpi slt, %jit3A_153, %sign3A_165 : i32
      %sign3A_167 = arith.extui %sign3A_166 : i1 to i32
      %sign3A_168 = arith.subi %sign3A_164, %sign3A_167 : i32
      %ne3A_169 = arith.cmpi ne, %sign3A_161, %sign3A_168 : i32
      %rem3A_170 = arith.remsi %mul3A_152, %jit3A_153 : i32
      %ne3A_171 = arith.constant 0 : i32
      %ne3A_172 = arith.cmpi ne, %rem3A_170, %ne3A_171 : i32
      %and3A_173 = arith.andi %ne3A_169, %ne3A_172 : i1
      %sub3A_174 = arith.constant 1 : i32
      %sub3A_175 = arith.subi %div3A_154, %sub3A_174 : i32
      %select_n3A_176 = arith.select %and3A_173, %sub3A_175, %div3A_154 : i32
      %sub3A_177 = arith.subi %mul3A_149, %select_n3A_176 : i32
      %sub3A_178 = arith.subi %sub3A_177, %add3A_147 : i32
      %sub3A_179 = arith.constant 1 : i32
      %sub3A_180 = arith.subi %sub3A_178, %sub3A_179 : i32
      %mul3A_181 = arith.constant 2048 : i32
      %mul3A_182 = arith.muli %shift_right_arithmetic3A_28, %mul3A_181 : i32
      %add3A_183 = arith.addi %sub3A_180, %mul3A_182 : i32
      %jit3A_184 = arith.constant 8 : i32
      %div3A_185 = arith.divsi %add3A_183, %jit3A_184 : i32
      %sign3A_186 = arith.constant 0 : i32
      %sign3A_187 = arith.cmpi sgt, %add3A_183, %sign3A_186 : i32
      %sign3A_188 = arith.extui %sign3A_187 : i1 to i32
      %sign3A_189 = arith.constant 0 : i32
      %sign3A_190 = arith.cmpi slt, %add3A_183, %sign3A_189 : i32
      %sign3A_191 = arith.extui %sign3A_190 : i1 to i32
      %sign3A_192 = arith.subi %sign3A_188, %sign3A_191 : i32
      %sign3A_193 = arith.constant 0 : i32
      %sign3A_194 = arith.cmpi sgt, %jit3A_184, %sign3A_193 : i32
      %sign3A_195 = arith.extui %sign3A_194 : i1 to i32
      %sign3A_196 = arith.constant 0 : i32
      %sign3A_197 = arith.cmpi slt, %jit3A_184, %sign3A_196 : i32
      %sign3A_198 = arith.extui %sign3A_197 : i1 to i32
      %sign3A_199 = arith.subi %sign3A_195, %sign3A_198 : i32
      %ne3A_200 = arith.cmpi ne, %sign3A_192, %sign3A_199 : i32
      %rem3A_201 = arith.remsi %add3A_183, %jit3A_184 : i32
      %ne3A_202 = arith.constant 0 : i32
      %ne3A_203 = arith.cmpi ne, %rem3A_201, %ne3A_202 : i32
      %and3A_204 = arith.andi %ne3A_200, %ne3A_203 : i1
      %sub3A_205 = arith.constant 1 : i32
      %sub3A_206 = arith.subi %div3A_185, %sub3A_205 : i32
      %select_n3A_207 = arith.select %and3A_204, %sub3A_206, %div3A_185 : i32
      %mul3A_208 = arith.constant 8 : i32
      %mul3A_209 = arith.muli %select_n3A_207, %mul3A_208 : i32
      %jit3A_210 = arith.constant 0 : i32
      %jit3A_211 = arith.constant 33548272 : i32
      %max3A_212 = arith.maxsi %jit3A_210, %mul3A_209 : i32
      %min3A_213 = arith.minsi %jit3A_211, %max3A_212 : i32
      %sub3A_214 = arith.subi %add3A_183, %min3A_213 : i32
      %multiple_of3A_215 = tpu.assume_multiple %min3A_213, 8 : i32
      %dma_start3A_216 = arith.constant 2088 : i32
      %dma_start3A_217 = tpu.memref_slice %arg4[%dma_start3A_216] : memref<16640xf32, #tpu.memory_space<vmem>> -> memref<2064xf32, #tpu.memory_space<vmem>>
      %dma_start3A_218 = tpu.memref_slice %arg2[%multiple_of3A_215] : memref<33550336xf32, #tpu.memory_space<hbm>> -> memref<2064xf32, #tpu.memory_space<hbm>>
      %dma_start3A_219 = arith.constant 2088 : i32
      %dma_start3A_220 = tpu.memref_slice %arg4[%dma_start3A_219] : memref<16640xf32, #tpu.memory_space<vmem>> -> memref<2064xf32, #tpu.memory_space<vmem>>
      %dma_start3A_221 = tpu.memref_slice %arg2[%multiple_of3A_215] : memref<33550336xf32, #tpu.memory_space<hbm>> -> memref<2064xf32, #tpu.memory_space<hbm>>
      tpu.enqueue_dma source(%dma_start3A_221 : memref<2064xf32, #tpu.memory_space<hbm>>) target(%dma_start3A_220 : memref<2064xf32, #tpu.memory_space<vmem>>) target_semaphore(%arg9 : memref<!tpu.dma_semaphore, #tpu.memory_space<semaphore_mem>>)
      %mul3A_222 = arith.constant 8 : i32
      %mul3A_223 = arith.muli %mul3A_222, %and3A_27 : i32
      %add3A_224 = arith.constant 2 : i32
      %add3A_225 = arith.addi %mul3A_223, %add3A_224 : i32
      %mul3A_226 = arith.constant 8191 : i32
      %mul3A_227 = arith.muli %add3A_225, %mul3A_226 : i32
      %sub3A_228 = arith.constant 1 : i32
      %sub3A_229 = arith.subi %add3A_225, %sub3A_228 : i32
      %mul3A_230 = arith.muli %add3A_225, %sub3A_229 : i32
      %jit3A_231 = arith.constant 2 : i32
      %div3A_232 = arith.divsi %mul3A_230, %jit3A_231 : i32
      %sign3A_233 = arith.constant 0 : i32
      %sign3A_234 = arith.cmpi sgt, %mul3A_230, %sign3A_233 : i32
      %sign3A_235 = arith.extui %sign3A_234 : i1 to i32
      %sign3A_236 = arith.constant 0 : i32
      %sign3A_237 = arith.cmpi slt, %mul3A_230, %sign3A_236 : i32
      %sign3A_238 = arith.extui %sign3A_237 : i1 to i32
      %sign3A_239 = arith.subi %sign3A_235, %sign3A_238 : i32
      %sign3A_240 = arith.constant 0 : i32
      %sign3A_241 = arith.cmpi sgt, %jit3A_231, %sign3A_240 : i32
      %sign3A_242 = arith.extui %sign3A_241 : i1 to i32
      %sign3A_243 = arith.constant 0 : i32
      %sign3A_244 = arith.cmpi slt, %jit3A_231, %sign3A_243 : i32
      %sign3A_245 = arith.extui %sign3A_244 : i1 to i32
      %sign3A_246 = arith.subi %sign3A_242, %sign3A_245 : i32
      %ne3A_247 = arith.cmpi ne, %sign3A_239, %sign3A_246 : i32
      %rem3A_248 = arith.remsi %mul3A_230, %jit3A_231 : i32
      %ne3A_249 = arith.constant 0 : i32
      %ne3A_250 = arith.cmpi ne, %rem3A_248, %ne3A_249 : i32
      %and3A_251 = arith.andi %ne3A_247, %ne3A_250 : i1
      %sub3A_252 = arith.constant 1 : i32
      %sub3A_253 = arith.subi %div3A_232, %sub3A_252 : i32
      %select_n3A_254 = arith.select %and3A_251, %sub3A_253, %div3A_232 : i32
      %sub3A_255 = arith.subi %mul3A_227, %select_n3A_254 : i32
      %sub3A_256 = arith.subi %sub3A_255, %add3A_225 : i32
      %sub3A_257 = arith.constant 1 : i32
      %sub3A_258 = arith.subi %sub3A_256, %sub3A_257 : i32
      %mul3A_259 = arith.constant 2048 : i32
      %mul3A_260 = arith.muli %shift_right_arithmetic3A_28, %mul3A_259 : i32
      %add3A_261 = arith.addi %sub3A_258, %mul3A_260 : i32
      %jit3A_262 = arith.constant 8 : i32
      %div3A_263 = arith.divsi %add3A_261, %jit3A_262 : i32
      %sign3A_264 = arith.constant 0 : i32
      %sign3A_265 = arith.cmpi sgt, %add3A_261, %sign3A_264 : i32
      %sign3A_266 = arith.extui %sign3A_265 : i1 to i32
      %sign3A_267 = arith.constant 0 : i32
      %sign3A_268 = arith.cmpi slt, %add3A_261, %sign3A_267 : i32
      %sign3A_269 = arith.extui %sign3A_268 : i1 to i32
      %sign3A_270 = arith.subi %sign3A_266, %sign3A_269 : i32
      %sign3A_271 = arith.constant 0 : i32
      %sign3A_272 = arith.cmpi sgt, %jit3A_262, %sign3A_271 : i32
      %sign3A_273 = arith.extui %sign3A_272 : i1 to i32
      %sign3A_274 = arith.constant 0 : i32
      %sign3A_275 = arith.cmpi slt, %jit3A_262, %sign3A_274 : i32
      %sign3A_276 = arith.extui %sign3A_275 : i1 to i32
      %sign3A_277 = arith.subi %sign3A_273, %sign3A_276 : i32
      %ne3A_278 = arith.cmpi ne, %sign3A_270, %sign3A_277 : i32
      %rem3A_279 = arith.remsi %add3A_261, %jit3A_262 : i32
      %ne3A_280 = arith.constant 0 : i32
      %ne3A_281 = arith.cmpi ne, %rem3A_279, %ne3A_280 : i32
      %and3A_282 = arith.andi %ne3A_278, %ne3A_281 : i1
      %sub3A_283 = arith.constant 1 : i32
      %sub3A_284 = arith.subi %div3A_263, %sub3A_283 : i32
      %select_n3A_285 = arith.select %and3A_282, %sub3A_284, %div3A_263 : i32
      %mul3A_286 = arith.constant 8 : i32
      %mul3A_287 = arith.muli %select_n3A_285, %mul3A_286 : i32
      %jit3A_288 = arith.constant 0 : i32
      %jit3A_289 = arith.constant 33548272 : i32
      %max3A_290 = arith.maxsi %jit3A_288, %mul3A_287 : i32
      %min3A_291 = arith.minsi %jit3A_289, %max3A_290 : i32
      %sub3A_292 = arith.subi %add3A_261, %min3A_291 : i32
      %multiple_of3A_293 = tpu.assume_multiple %min3A_291, 8 : i32
      %dma_start3A_294 = arith.constant 4168 : i32
      %dma_start3A_295 = tpu.memref_slice %arg4[%dma_start3A_294] : memref<16640xf32, #tpu.memory_space<vmem>> -> memref<2064xf32, #tpu.memory_space<vmem>>
      %dma_start3A_296 = tpu.memref_slice %arg2[%multiple_of3A_293] : memref<33550336xf32, #tpu.memory_space<hbm>> -> memref<2064xf32, #tpu.memory_space<hbm>>
      %dma_start3A_297 = arith.constant 4168 : i32
      %dma_start3A_298 = tpu.memref_slice %arg4[%dma_start3A_297] : memref<16640xf32, #tpu.memory_space<vmem>> -> memref<2064xf32, #tpu.memory_space<vmem>>
      %dma_start3A_299 = tpu.memref_slice %arg2[%multiple_of3A_293] : memref<33550336xf32, #tpu.memory_space<hbm>> -> memref<2064xf32, #tpu.memory_space<hbm>>
      tpu.enqueue_dma source(%dma_start3A_299 : memref<2064xf32, #tpu.memory_space<hbm>>) target(%dma_start3A_298 : memref<2064xf32, #tpu.memory_space<vmem>>) target_semaphore(%arg9 : memref<!tpu.dma_semaphore, #tpu.memory_space<semaphore_mem>>)
      %mul3A_300 = arith.constant 8 : i32
      %mul3A_301 = arith.muli %mul3A_300, %and3A_27 : i32
      %add3A_302 = arith.constant 3 : i32
      %add3A_303 = arith.addi %mul3A_301, %add3A_302 : i32
      %mul3A_304 = arith.constant 8191 : i32
      %mul3A_305 = arith.muli %add3A_303, %mul3A_304 : i32
      %sub3A_306 = arith.constant 1 : i32
      %sub3A_307 = arith.subi %add3A_303, %sub3A_306 : i32
      %mul3A_308 = arith.muli %add3A_303, %sub3A_307 : i32
      %jit3A_309 = arith.constant 2 : i32
      %div3A_310 = arith.divsi %mul3A_308, %jit3A_309 : i32
      %sign3A_311 = arith.constant 0 : i32
      %sign3A_312 = arith.cmpi sgt, %mul3A_308, %sign3A_311 : i32
      %sign3A_313 = arith.extui %sign3A_312 : i1 to i32
      %sign3A_314 = arith.constant 0 : i32
      %sign3A_315 = arith.cmpi slt, %mul3A_308, %sign3A_314 : i32
      %sign3A_316 = arith.extui %sign3A_315 : i1 to i32
      %sign3A_317 = arith.subi %sign3A_313, %sign3A_316 : i32
      %sign3A_318 = arith.constant 0 : i32
      %sign3A_319 = arith.cmpi sgt, %jit3A_309, %sign3A_318 : i32
      %sign3A_320 = arith.extui %sign3A_319 : i1 to i32
      %sign3A_321 = arith.constant 0 : i32
      %sign3A_322 = arith.cmpi slt, %jit3A_309, %sign3A_321 : i32
      %sign3A_323 = arith.extui %sign3A_322 : i1 to i32
      %sign3A_324 = arith.subi %sign3A_320, %sign3A_323 : i32
      %ne3A_325 = arith.cmpi ne, %sign3A_317, %sign3A_324 : i32
      %rem3A_326 = arith.remsi %mul3A_308, %jit3A_309 : i32
      %ne3A_327 = arith.constant 0 : i32
      %ne3A_328 = arith.cmpi ne, %rem3A_326, %ne3A_327 : i32
      %and3A_329 = arith.andi %ne3A_325, %ne3A_328 : i1
      %sub3A_330 = arith.constant 1 : i32
      %sub3A_331 = arith.subi %div3A_310, %sub3A_330 : i32
      %select_n3A_332 = arith.select %and3A_329, %sub3A_331, %div3A_310 : i32
      %sub3A_333 = arith.subi %mul3A_305, %select_n3A_332 : i32
      %sub3A_334 = arith.subi %sub3A_333, %add3A_303 : i32
      %sub3A_335 = arith.constant 1 : i32
      %sub3A_336 = arith.subi %sub3A_334, %sub3A_335 : i32
      %mul3A_337 = arith.constant 2048 : i32
      %mul3A_338 = arith.muli %shift_right_arithmetic3A_28, %mul3A_337 : i32
      %add3A_339 = arith.addi %sub3A_336, %mul3A_338 : i32
      %jit3A_340 = arith.constant 8 : i32
      %div3A_341 = arith.divsi %add3A_339, %jit3A_340 : i32
      %sign3A_342 = arith.constant 0 : i32
      %sign3A_343 = arith.cmpi sgt, %add3A_339, %sign3A_342 : i32
      %sign3A_344 = arith.extui %sign3A_343 : i1 to i32
      %sign3A_345 = arith.constant 0 : i32
      %sign3A_346 = arith.cmpi slt, %add3A_339, %sign3A_345 : i32
      %sign3A_347 = arith.extui %sign3A_346 : i1 to i32
      %sign3A_348 = arith.subi %sign3A_344, %sign3A_347 : i32
      %sign3A_349 = arith.constant 0 : i32
      %sign3A_350 = arith.cmpi sgt, %jit3A_340, %sign3A_349 : i32
      %sign3A_351 = arith.extui %sign3A_350 : i1 to i32
      %sign3A_352 = arith.constant 0 : i32
      %sign3A_353 = arith.cmpi slt, %jit3A_340, %sign3A_352 : i32
      %sign3A_354 = arith.extui %sign3A_353 : i1 to i32
      %sign3A_355 = arith.subi %sign3A_351, %sign3A_354 : i32
      %ne3A_356 = arith.cmpi ne, %sign3A_348, %sign3A_355 : i32
      %rem3A_357 = arith.remsi %add3A_339, %jit3A_340 : i32
      %ne3A_358 = arith.constant 0 : i32
      %ne3A_359 = arith.cmpi ne, %rem3A_357, %ne3A_358 : i32
      %and3A_360 = arith.andi %ne3A_356, %ne3A_359 : i1
      %sub3A_361 = arith.constant 1 : i32
      %sub3A_362 = arith.subi %div3A_341, %sub3A_361 : i32
      %select_n3A_363 = arith.select %and3A_360, %sub3A_362, %div3A_341 : i32
      %mul3A_364 = arith.constant 8 : i32
      %mul3A_365 = arith.muli %select_n3A_363, %mul3A_364 : i32
      %jit3A_366 = arith.constant 0 : i32
      %jit3A_367 = arith.constant 33548272 : i32
      %max3A_368 = arith.maxsi %jit3A_366, %mul3A_365 : i32
      %min3A_369 = arith.minsi %jit3A_367, %max3A_368 : i32
      %sub3A_370 = arith.subi %add3A_339, %min3A_369 : i32
      %multiple_of3A_371 = tpu.assume_multiple %min3A_369, 8 : i32
      %dma_start3A_372 = arith.constant 6248 : i32
      %dma_start3A_373 = tpu.memref_slice %arg4[%dma_start3A_372] : memref<16640xf32, #tpu.memory_space<vmem>> -> memref<2064xf32, #tpu.memory_space<vmem>>
      %dma_start3A_374 = tpu.memref_slice %arg2[%multiple_of3A_371] : memref<33550336xf32, #tpu.memory_space<hbm>> -> memref<2064xf32, #tpu.memory_space<hbm>>
      %dma_start3A_375 = arith.constant 6248 : i32
      %dma_start3A_376 = tpu.memref_slice %arg4[%dma_start3A_375] : memref<16640xf32, #tpu.memory_space<vmem>> -> memref<2064xf32, #tpu.memory_space<vmem>>
      %dma_start3A_377 = tpu.memref_slice %arg2[%multiple_of3A_371] : memref<33550336xf32, #tpu.memory_space<hbm>> -> memref<2064xf32, #tpu.memory_space<hbm>>
      tpu.enqueue_dma source(%dma_start3A_377 : memref<2064xf32, #tpu.memory_space<hbm>>) target(%dma_start3A_376 : memref<2064xf32, #tpu.memory_space<vmem>>) target_semaphore(%arg9 : memref<!tpu.dma_semaphore, #tpu.memory_space<semaphore_mem>>)
      %mul3A_378 = arith.constant 8 : i32
      %mul3A_379 = arith.muli %mul3A_378, %and3A_27 : i32
      %add3A_380 = arith.constant 4 : i32
      %add3A_381 = arith.addi %mul3A_379, %add3A_380 : i32
      %mul3A_382 = arith.constant 8191 : i32
      %mul3A_383 = arith.muli %add3A_381, %mul3A_382 : i32
      %sub3A_384 = arith.constant 1 : i32
      %sub3A_385 = arith.subi %add3A_381, %sub3A_384 : i32
      %mul3A_386 = arith.muli %add3A_381, %sub3A_385 : i32
      %jit3A_387 = arith.constant 2 : i32
      %div3A_388 = arith.divsi %mul3A_386, %jit3A_387 : i32
      %sign3A_389 = arith.constant 0 : i32
      %sign3A_390 = arith.cmpi sgt, %mul3A_386, %sign3A_389 : i32
      %sign3A_391 = arith.extui %sign3A_390 : i1 to i32
      %sign3A_392 = arith.constant 0 : i32
      %sign3A_393 = arith.cmpi slt, %mul3A_386, %sign3A_392 : i32
      %sign3A_394 = arith.extui %sign3A_393 : i1 to i32
      %sign3A_395 = arith.subi %sign3A_391, %sign3A_394 : i32
      %sign3A_396 = arith.constant 0 : i32
      %sign3A_397 = arith.cmpi sgt, %jit3A_387, %sign3A_396 : i32
      %sign3A_398 = arith.extui %sign3A_397 : i1 to i32
      %sign3A_399 = arith.constant 0 : i32
      %sign3A_400 = arith.cmpi slt, %jit3A_387, %sign3A_399 : i32
      %sign3A_401 = arith.extui %sign3A_400 : i1 to i32
      %sign3A_402 = arith.subi %sign3A_398, %sign3A_401 : i32
      %ne3A_403 = arith.cmpi ne, %sign3A_395, %sign3A_402 : i32
      %rem3A_404 = arith.remsi %mul3A_386, %jit3A_387 : i32
      %ne3A_405 = arith.constant 0 : i32
      %ne3A_406 = arith.cmpi ne, %rem3A_404, %ne3A_405 : i32
      %and3A_407 = arith.andi %ne3A_403, %ne3A_406 : i1
      %sub3A_408 = arith.constant 1 : i32
      %sub3A_409 = arith.subi %div3A_388, %sub3A_408 : i32
      %select_n3A_410 = arith.select %and3A_407, %sub3A_409, %div3A_388 : i32
      %sub3A_411 = arith.subi %mul3A_383, %select_n3A_410 : i32
      %sub3A_412 = arith.subi %sub3A_411, %add3A_381 : i32
      %sub3A_413 = arith.constant 1 : i32
      %sub3A_414 = arith.subi %sub3A_412, %sub3A_413 : i32
      %mul3A_415 = arith.constant 2048 : i32
      %mul3A_416 = arith.muli %shift_right_arithmetic3A_28, %mul3A_415 : i32
      %add3A_417 = arith.addi %sub3A_414, %mul3A_416 : i32
      %jit3A_418 = arith.constant 8 : i32
      %div3A_419 = arith.divsi %add3A_417, %jit3A_418 : i32
      %sign3A_420 = arith.constant 0 : i32
      %sign3A_421 = arith.cmpi sgt, %add3A_417, %sign3A_420 : i32
      %sign3A_422 = arith.extui %sign3A_421 : i1 to i32
      %sign3A_423 = arith.constant 0 : i32
      %sign3A_424 = arith.cmpi slt, %add3A_417, %sign3A_423 : i32
      %sign3A_425 = arith.extui %sign3A_424 : i1 to i32
      %sign3A_426 = arith.subi %sign3A_422, %sign3A_425 : i32
      %sign3A_427 = arith.constant 0 : i32
      %sign3A_428 = arith.cmpi sgt, %jit3A_418, %sign3A_427 : i32
      %sign3A_429 = arith.extui %sign3A_428 : i1 to i32
      %sign3A_430 = arith.constant 0 : i32
      %sign3A_431 = arith.cmpi slt, %jit3A_418, %sign3A_430 : i32
      %sign3A_432 = arith.extui %sign3A_431 : i1 to i32
      %sign3A_433 = arith.subi %sign3A_429, %sign3A_432 : i32
      %ne3A_434 = arith.cmpi ne, %sign3A_426, %sign3A_433 : i32
      %rem3A_435 = arith.remsi %add3A_417, %jit3A_418 : i32
      %ne3A_436 = arith.constant 0 : i32
      %ne3A_437 = arith.cmpi ne, %rem3A_435, %ne3A_436 : i32
      %and3A_438 = arith.andi %ne3A_434, %ne3A_437 : i1
      %sub3A_439 = arith.constant 1 : i32
      %sub3A_440 = arith.subi %div3A_419, %sub3A_439 : i32
      %select_n3A_441 = arith.select %and3A_438, %sub3A_440, %div3A_419 : i32
      %mul3A_442 = arith.constant 8 : i32
      %mul3A_443 = arith.muli %select_n3A_441, %mul3A_442 : i32
      %jit3A_444 = arith.constant 0 : i32
      %jit3A_445 = arith.constant 33548272 : i32
      %max3A_446 = arith.maxsi %jit3A_444, %mul3A_443 : i32
      %min3A_447 = arith.minsi %jit3A_445, %max3A_446 : i32
      %sub3A_448 = arith.subi %add3A_417, %min3A_447 : i32
      %multiple_of3A_449 = tpu.assume_multiple %min3A_447, 8 : i32
      %dma_start3A_450 = arith.constant 8328 : i32
      %dma_start3A_451 = tpu.memref_slice %arg4[%dma_start3A_450] : memref<16640xf32, #tpu.memory_space<vmem>> -> memref<2064xf32, #tpu.memory_space<vmem>>
      %dma_start3A_452 = tpu.memref_slice %arg2[%multiple_of3A_449] : memref<33550336xf32, #tpu.memory_space<hbm>> -> memref<2064xf32, #tpu.memory_space<hbm>>
      %dma_start3A_453 = arith.constant 8328 : i32
      %dma_start3A_454 = tpu.memref_slice %arg4[%dma_start3A_453] : memref<16640xf32, #tpu.memory_space<vmem>> -> memref<2064xf32, #tpu.memory_space<vmem>>
      %dma_start3A_455 = tpu.memref_slice %arg2[%multiple_of3A_449] : memref<33550336xf32, #tpu.memory_space<hbm>> -> memref<2064xf32, #tpu.memory_space<hbm>>
      tpu.enqueue_dma source(%dma_start3A_455 : memref<2064xf32, #tpu.memory_space<hbm>>) target(%dma_start3A_454 : memref<2064xf32, #tpu.memory_space<vmem>>) target_semaphore(%arg9 : memref<!tpu.dma_semaphore, #tpu.memory_space<semaphore_mem>>)
      %mul3A_456 = arith.constant 8 : i32
      %mul3A_457 = arith.muli %mul3A_456, %and3A_27 : i32
      %add3A_458 = arith.constant 5 : i32
      %add3A_459 = arith.addi %mul3A_457, %add3A_458 : i32
      %mul3A_460 = arith.constant 8191 : i32
      %mul3A_461 = arith.muli %add3A_459, %mul3A_460 : i32
      %sub3A_462 = arith.constant 1 : i32
      %sub3A_463 = arith.subi %add3A_459, %sub3A_462 : i32
      %mul3A_464 = arith.muli %add3A_459, %sub3A_463 : i32
      %jit3A_465 = arith.constant 2 : i32
      %div3A_466 = arith.divsi %mul3A_464, %jit3A_465 : i32
      %sign3A_467 = arith.constant 0 : i32
      %sign3A_468 = arith.cmpi sgt, %mul3A_464, %sign3A_467 : i32
      %sign3A_469 = arith.extui %sign3A_468 : i1 to i32
      %sign3A_470 = arith.constant 0 : i32
      %sign3A_471 = arith.cmpi slt, %mul3A_464, %sign3A_470 : i32
      %sign3A_472 = arith.extui %sign3A_471 : i1 to i32
      %sign3A_473 = arith.subi %sign3A_469, %sign3A_472 : i32
      %sign3A_474 = arith.constant 0 : i32
      %sign3A_475 = arith.cmpi sgt, %jit3A_465, %sign3A_474 : i32
      %sign3A_476 = arith.extui %sign3A_475 : i1 to i32
      %sign3A_477 = arith.constant 0 : i32
      %sign3A_478 = arith.cmpi slt, %jit3A_465, %sign3A_477 : i32
      %sign3A_479 = arith.extui %sign3A_478 : i1 to i32
      %sign3A_480 = arith.subi %sign3A_476, %sign3A_479 : i32
      %ne3A_481 = arith.cmpi ne, %sign3A_473, %sign3A_480 : i32
      %rem3A_482 = arith.remsi %mul3A_464, %jit3A_465 : i32
      %ne3A_483 = arith.constant 0 : i32
      %ne3A_484 = arith.cmpi ne, %rem3A_482, %ne3A_483 : i32
      %and3A_485 = arith.andi %ne3A_481, %ne3A_484 : i1
      %sub3A_486 = arith.constant 1 : i32
      %sub3A_487 = arith.subi %div3A_466, %sub3A_486 : i32
      %select_n3A_488 = arith.select %and3A_485, %sub3A_487, %div3A_466 : i32
      %sub3A_489 = arith.subi %mul3A_461, %select_n3A_488 : i32
      %sub3A_490 = arith.subi %sub3A_489, %add3A_459 : i32
      %sub3A_491 = arith.constant 1 : i32
      %sub3A_492 = arith.subi %sub3A_490, %sub3A_491 : i32
      %mul3A_493 = arith.constant 2048 : i32
      %mul3A_494 = arith.muli %shift_right_arithmetic3A_28, %mul3A_493 : i32
      %add3A_495 = arith.addi %sub3A_492, %mul3A_494 : i32
      %jit3A_496 = arith.constant 8 : i32
      %div3A_497 = arith.divsi %add3A_495, %jit3A_496 : i32
      %sign3A_498 = arith.constant 0 : i32
      %sign3A_499 = arith.cmpi sgt, %add3A_495, %sign3A_498 : i32
      %sign3A_500 = arith.extui %sign3A_499 : i1 to i32
      %sign3A_501 = arith.constant 0 : i32
      %sign3A_502 = arith.cmpi slt, %add3A_495, %sign3A_501 : i32
      %sign3A_503 = arith.extui %sign3A_502 : i1 to i32
      %sign3A_504 = arith.subi %sign3A_500, %sign3A_503 : i32
      %sign3A_505 = arith.constant 0 : i32
      %sign3A_506 = arith.cmpi sgt, %jit3A_496, %sign3A_505 : i32
      %sign3A_507 = arith.extui %sign3A_506 : i1 to i32
      %sign3A_508 = arith.constant 0 : i32
      %sign3A_509 = arith.cmpi slt, %jit3A_496, %sign3A_508 : i32
      %sign3A_510 = arith.extui %sign3A_509 : i1 to i32
      %sign3A_511 = arith.subi %sign3A_507, %sign3A_510 : i32
      %ne3A_512 = arith.cmpi ne, %sign3A_504, %sign3A_511 : i32
      %rem3A_513 = arith.remsi %add3A_495, %jit3A_496 : i32
      %ne3A_514 = arith.constant 0 : i32
      %ne3A_515 = arith.cmpi ne, %rem3A_513, %ne3A_514 : i32
      %and3A_516 = arith.andi %ne3A_512, %ne3A_515 : i1
      %sub3A_517 = arith.constant 1 : i32
      %sub3A_518 = arith.subi %div3A_497, %sub3A_517 : i32
      %select_n3A_519 = arith.select %and3A_516, %sub3A_518, %div3A_497 : i32
      %mul3A_520 = arith.constant 8 : i32
      %mul3A_521 = arith.muli %select_n3A_519, %mul3A_520 : i32
      %jit3A_522 = arith.constant 0 : i32
      %jit3A_523 = arith.constant 33548272 : i32
      %max3A_524 = arith.maxsi %jit3A_522, %mul3A_521 : i32
      %min3A_525 = arith.minsi %jit3A_523, %max3A_524 : i32
      %sub3A_526 = arith.subi %add3A_495, %min3A_525 : i32
      %multiple_of3A_527 = tpu.assume_multiple %min3A_525, 8 : i32
      %dma_start3A_528 = arith.constant 10408 : i32
      %dma_start3A_529 = tpu.memref_slice %arg4[%dma_start3A_528] : memref<16640xf32, #tpu.memory_space<vmem>> -> memref<2064xf32, #tpu.memory_space<vmem>>
      %dma_start3A_530 = tpu.memref_slice %arg2[%multiple_of3A_527] : memref<33550336xf32, #tpu.memory_space<hbm>> -> memref<2064xf32, #tpu.memory_space<hbm>>
      %dma_start3A_531 = arith.constant 10408 : i32
      %dma_start3A_532 = tpu.memref_slice %arg4[%dma_start3A_531] : memref<16640xf32, #tpu.memory_space<vmem>> -> memref<2064xf32, #tpu.memory_space<vmem>>
      %dma_start3A_533 = tpu.memref_slice %arg2[%multiple_of3A_527] : memref<33550336xf32, #tpu.memory_space<hbm>> -> memref<2064xf32, #tpu.memory_space<hbm>>
      tpu.enqueue_dma source(%dma_start3A_533 : memref<2064xf32, #tpu.memory_space<hbm>>) target(%dma_start3A_532 : memref<2064xf32, #tpu.memory_space<vmem>>) target_semaphore(%arg9 : memref<!tpu.dma_semaphore, #tpu.memory_space<semaphore_mem>>)
      %mul3A_534 = arith.constant 8 : i32
      %mul3A_535 = arith.muli %mul3A_534, %and3A_27 : i32
      %add3A_536 = arith.constant 6 : i32
      %add3A_537 = arith.addi %mul3A_535, %add3A_536 : i32
      %mul3A_538 = arith.constant 8191 : i32
      %mul3A_539 = arith.muli %add3A_537, %mul3A_538 : i32
      %sub3A_540 = arith.constant 1 : i32
      %sub3A_541 = arith.subi %add3A_537, %sub3A_540 : i32
      %mul3A_542 = arith.muli %add3A_537, %sub3A_541 : i32
      %jit3A_543 = arith.constant 2 : i32
      %div3A_544 = arith.divsi %mul3A_542, %jit3A_543 : i32
      %sign3A_545 = arith.constant 0 : i32
      %sign3A_546 = arith.cmpi sgt, %mul3A_542, %sign3A_545 : i32
      %sign3A_547 = arith.extui %sign3A_546 : i1 to i32
      %sign3A_548 = arith.constant 0 : i32
      %sign3A_549 = arith.cmpi slt, %mul3A_542, %sign3A_548 : i32
      %sign3A_550 = arith.extui %sign3A_549 : i1 to i32
      %sign3A_551 = arith.subi %sign3A_547, %sign3A_550 : i32
      %sign3A_552 = arith.constant 0 : i32
      %sign3A_553 = arith.cmpi sgt, %jit3A_543, %sign3A_552 : i32
      %sign3A_554 = arith.extui %sign3A_553 : i1 to i32
      %sign3A_555 = arith.constant 0 : i32
      %sign3A_556 = arith.cmpi slt, %jit3A_543, %sign3A_555 : i32
      %sign3A_557 = arith.extui %sign3A_556 : i1 to i32
      %sign3A_558 = arith.subi %sign3A_554, %sign3A_557 : i32
      %ne3A_559 = arith.cmpi ne, %sign3A_551, %sign3A_558 : i32
      %rem3A_560 = arith.remsi %mul3A_542, %jit3A_543 : i32
      %ne3A_561 = arith.constant 0 : i32
      %ne3A_562 = arith.cmpi ne, %rem3A_560, %ne3A_561 : i32
      %and3A_563 = arith.andi %ne3A_559, %ne3A_562 : i1
      %sub3A_564 = arith.constant 1 : i32
      %sub3A_565 = arith.subi %div3A_544, %sub3A_564 : i32
      %select_n3A_566 = arith.select %and3A_563, %sub3A_565, %div3A_544 : i32
      %sub3A_567 = arith.subi %mul3A_539, %select_n3A_566 : i32
      %sub3A_568 = arith.subi %sub3A_567, %add3A_537 : i32
      %sub3A_569 = arith.constant 1 : i32
      %sub3A_570 = arith.subi %sub3A_568, %sub3A_569 : i32
      %mul3A_571 = arith.constant 2048 : i32
      %mul3A_572 = arith.muli %shift_right_arithmetic3A_28, %mul3A_571 : i32
      %add3A_573 = arith.addi %sub3A_570, %mul3A_572 : i32
      %jit3A_574 = arith.constant 8 : i32
      %div3A_575 = arith.divsi %add3A_573, %jit3A_574 : i32
      %sign3A_576 = arith.constant 0 : i32
      %sign3A_577 = arith.cmpi sgt, %add3A_573, %sign3A_576 : i32
      %sign3A_578 = arith.extui %sign3A_577 : i1 to i32
      %sign3A_579 = arith.constant 0 : i32
      %sign3A_580 = arith.cmpi slt, %add3A_573, %sign3A_579 : i32
      %sign3A_581 = arith.extui %sign3A_580 : i1 to i32
      %sign3A_582 = arith.subi %sign3A_578, %sign3A_581 : i32
      %sign3A_583 = arith.constant 0 : i32
      %sign3A_584 = arith.cmpi sgt, %jit3A_574, %sign3A_583 : i32
      %sign3A_585 = arith.extui %sign3A_584 : i1 to i32
      %sign3A_586 = arith.constant 0 : i32
      %sign3A_587 = arith.cmpi slt, %jit3A_574, %sign3A_586 : i32
      %sign3A_588 = arith.extui %sign3A_587 : i1 to i32
      %sign3A_589 = arith.subi %sign3A_585, %sign3A_588 : i32
      %ne3A_590 = arith.cmpi ne, %sign3A_582, %sign3A_589 : i32
      %rem3A_591 = arith.remsi %add3A_573, %jit3A_574 : i32
      %ne3A_592 = arith.constant 0 : i32
      %ne3A_593 = arith.cmpi ne, %rem3A_591, %ne3A_592 : i32
      %and3A_594 = arith.andi %ne3A_590, %ne3A_593 : i1
      %sub3A_595 = arith.constant 1 : i32
      %sub3A_596 = arith.subi %div3A_575, %sub3A_595 : i32
      %select_n3A_597 = arith.select %and3A_594, %sub3A_596, %div3A_575 : i32
      %mul3A_598 = arith.constant 8 : i32
      %mul3A_599 = arith.muli %select_n3A_597, %mul3A_598 : i32
      %jit3A_600 = arith.constant 0 : i32
      %jit3A_601 = arith.constant 33548272 : i32
      %max3A_602 = arith.maxsi %jit3A_600, %mul3A_599 : i32
      %min3A_603 = arith.minsi %jit3A_601, %max3A_602 : i32
      %sub3A_604 = arith.subi %add3A_573, %min3A_603 : i32
      %multiple_of3A_605 = tpu.assume_multiple %min3A_603, 8 : i32
      %dma_start3A_606 = arith.constant 12488 : i32
      %dma_start3A_607 = tpu.memref_slice %arg4[%dma_start3A_606] : memref<16640xf32, #tpu.memory_space<vmem>> -> memref<2064xf32, #tpu.memory_space<vmem>>
      %dma_start3A_608 = tpu.memref_slice %arg2[%multiple_of3A_605] : memref<33550336xf32, #tpu.memory_space<hbm>> -> memref<2064xf32, #tpu.memory_space<hbm>>
      %dma_start3A_609 = arith.constant 12488 : i32
      %dma_start3A_610 = tpu.memref_slice %arg4[%dma_start3A_609] : memref<16640xf32, #tpu.memory_space<vmem>> -> memref<2064xf32, #tpu.memory_space<vmem>>
      %dma_start3A_611 = tpu.memref_slice %arg2[%multiple_of3A_605] : memref<33550336xf32, #tpu.memory_space<hbm>> -> memref<2064xf32, #tpu.memory_space<hbm>>
      tpu.enqueue_dma source(%dma_start3A_611 : memref<2064xf32, #tpu.memory_space<hbm>>) target(%dma_start3A_610 : memref<2064xf32, #tpu.memory_space<vmem>>) target_semaphore(%arg9 : memref<!tpu.dma_semaphore, #tpu.memory_space<semaphore_mem>>)
      %mul3A_612 = arith.constant 8 : i32
      %mul3A_613 = arith.muli %mul3A_612, %and3A_27 : i32
      %add3A_614 = arith.constant 7 : i32
      %add3A_615 = arith.addi %mul3A_613, %add3A_614 : i32
      %mul3A_616 = arith.constant 8191 : i32
      %mul3A_617 = arith.muli %add3A_615, %mul3A_616 : i32
      %sub3A_618 = arith.constant 1 : i32
      %sub3A_619 = arith.subi %add3A_615, %sub3A_618 : i32
      %mul3A_620 = arith.muli %add3A_615, %sub3A_619 : i32
      %jit3A_621 = arith.constant 2 : i32
      %div3A_622 = arith.divsi %mul3A_620, %jit3A_621 : i32
      %sign3A_623 = arith.constant 0 : i32
      %sign3A_624 = arith.cmpi sgt, %mul3A_620, %sign3A_623 : i32
      %sign3A_625 = arith.extui %sign3A_624 : i1 to i32
      %sign3A_626 = arith.constant 0 : i32
      %sign3A_627 = arith.cmpi slt, %mul3A_620, %sign3A_626 : i32
      %sign3A_628 = arith.extui %sign3A_627 : i1 to i32
      %sign3A_629 = arith.subi %sign3A_625, %sign3A_628 : i32
      %sign3A_630 = arith.constant 0 : i32
      %sign3A_631 = arith.cmpi sgt, %jit3A_621, %sign3A_630 : i32
      %sign3A_632 = arith.extui %sign3A_631 : i1 to i32
      %sign3A_633 = arith.constant 0 : i32
      %sign3A_634 = arith.cmpi slt, %jit3A_621, %sign3A_633 : i32
      %sign3A_635 = arith.extui %sign3A_634 : i1 to i32
      %sign3A_636 = arith.subi %sign3A_632, %sign3A_635 : i32
      %ne3A_637 = arith.cmpi ne, %sign3A_629, %sign3A_636 : i32
      %rem3A_638 = arith.remsi %mul3A_620, %jit3A_621 : i32
      %ne3A_639 = arith.constant 0 : i32
      %ne3A_640 = arith.cmpi ne, %rem3A_638, %ne3A_639 : i32
      %and3A_641 = arith.andi %ne3A_637, %ne3A_640 : i1
      %sub3A_642 = arith.constant 1 : i32
      %sub3A_643 = arith.subi %div3A_622, %sub3A_642 : i32
      %select_n3A_644 = arith.select %and3A_641, %sub3A_643, %div3A_622 : i32
      %sub3A_645 = arith.subi %mul3A_617, %select_n3A_644 : i32
      %sub3A_646 = arith.subi %sub3A_645, %add3A_615 : i32
      %sub3A_647 = arith.constant 1 : i32
      %sub3A_648 = arith.subi %sub3A_646, %sub3A_647 : i32
      %mul3A_649 = arith.constant 2048 : i32
      %mul3A_650 = arith.muli %shift_right_arithmetic3A_28, %mul3A_649 : i32
      %add3A_651 = arith.addi %sub3A_648, %mul3A_650 : i32
      %jit3A_652 = arith.constant 8 : i32
      %div3A_653 = arith.divsi %add3A_651, %jit3A_652 : i32
      %sign3A_654 = arith.constant 0 : i32
      %sign3A_655 = arith.cmpi sgt, %add3A_651, %sign3A_654 : i32
      %sign3A_656 = arith.extui %sign3A_655 : i1 to i32
      %sign3A_657 = arith.constant 0 : i32
      %sign3A_658 = arith.cmpi slt, %add3A_651, %sign3A_657 : i32
      %sign3A_659 = arith.extui %sign3A_658 : i1 to i32
      %sign3A_660 = arith.subi %sign3A_656, %sign3A_659 : i32
      %sign3A_661 = arith.constant 0 : i32
      %sign3A_662 = arith.cmpi sgt, %jit3A_652, %sign3A_661 : i32
      %sign3A_663 = arith.extui %sign3A_662 : i1 to i32
      %sign3A_664 = arith.constant 0 : i32
      %sign3A_665 = arith.cmpi slt, %jit3A_652, %sign3A_664 : i32
      %sign3A_666 = arith.extui %sign3A_665 : i1 to i32
      %sign3A_667 = arith.subi %sign3A_663, %sign3A_666 : i32
      %ne3A_668 = arith.cmpi ne, %sign3A_660, %sign3A_667 : i32
      %rem3A_669 = arith.remsi %add3A_651, %jit3A_652 : i32
      %ne3A_670 = arith.constant 0 : i32
      %ne3A_671 = arith.cmpi ne, %rem3A_669, %ne3A_670 : i32
      %and3A_672 = arith.andi %ne3A_668, %ne3A_671 : i1
      %sub3A_673 = arith.constant 1 : i32
      %sub3A_674 = arith.subi %div3A_653, %sub3A_673 : i32
      %select_n3A_675 = arith.select %and3A_672, %sub3A_674, %div3A_653 : i32
      %mul3A_676 = arith.constant 8 : i32
      %mul3A_677 = arith.muli %select_n3A_675, %mul3A_676 : i32
      %jit3A_678 = arith.constant 0 : i32
      %jit3A_679 = arith.constant 33548272 : i32
      %max3A_680 = arith.maxsi %jit3A_678, %mul3A_677 : i32
      %min3A_681 = arith.minsi %jit3A_679, %max3A_680 : i32
      %sub3A_682 = arith.subi %add3A_651, %min3A_681 : i32
      %multiple_of3A_683 = tpu.assume_multiple %min3A_681, 8 : i32
      %dma_start3A_684 = arith.constant 14568 : i32
      %dma_start3A_685 = tpu.memref_slice %arg4[%dma_start3A_684] : memref<16640xf32, #tpu.memory_space<vmem>> -> memref<2064xf32, #tpu.memory_space<vmem>>
      %dma_start3A_686 = tpu.memref_slice %arg2[%multiple_of3A_683] : memref<33550336xf32, #tpu.memory_space<hbm>> -> memref<2064xf32, #tpu.memory_space<hbm>>
      %dma_start3A_687 = arith.constant 14568 : i32
      %dma_start3A_688 = tpu.memref_slice %arg4[%dma_start3A_687] : memref<16640xf32, #tpu.memory_space<vmem>> -> memref<2064xf32, #tpu.memory_space<vmem>>
      %dma_start3A_689 = tpu.memref_slice %arg2[%multiple_of3A_683] : memref<33550336xf32, #tpu.memory_space<hbm>> -> memref<2064xf32, #tpu.memory_space<hbm>>
      tpu.enqueue_dma source(%dma_start3A_689 : memref<2064xf32, #tpu.memory_space<hbm>>) target(%dma_start3A_688 : memref<2064xf32, #tpu.memory_space<vmem>>) target_semaphore(%arg9 : memref<!tpu.dma_semaphore, #tpu.memory_space<semaphore_mem>>)
    } else {
    }
    %add3A_37 = arith.constant 32 : i32
    %add3A_38 = arith.addi %add3A_37, %add3A : i32
    %and3A_39 = arith.constant 1023 : i32
    %and3A_40 = arith.andi %add3A_38, %and3A_39 : i32
    %shift_right_arithmetic3A_41 = arith.constant 10 : i32
    %shift_right_arithmetic3A_42 = arith.shrsi %add3A_38, %shift_right_arithmetic3A_41 : i32
    %add3A_43 = arith.constant 1 : i32
    %add3A_44 = arith.addi %shift_right_arithmetic3A_42, %add3A_43 : i32
    %mul3A_45 = arith.constant 2048 : i32
    %mul3A_46 = arith.muli %add3A_44, %mul3A_45 : i32
    %mul3A_47 = arith.constant 8 : i32
    %mul3A_48 = arith.muli %mul3A_47, %and3A_40 : i32
    %le3A_49 = arith.cmpi sle, %mul3A_46, %mul3A_48 : i32
    %not3A_50 = arith.constant true
    %not3A_51 = arith.xori %le3A_49, %not3A_50 : i1
    %convert_element_type3A_52 = arith.extui %not3A_51 : i1 to i32
    %cond3A_53 = arith.constant 0 : i32
    %cond3A_54 = arith.cmpi ne, %convert_element_type3A_52, %cond3A_53 : i32
    scf.if %cond3A_54 {
      %mul3A_77 = arith.constant 8 : i32
      %mul3A_78 = arith.muli %mul3A_77, %and3A_40 : i32
      %add3A_79 = arith.constant 0 : i32
      %add3A_80 = arith.addi %mul3A_78, %add3A_79 : i32
      %mul3A_81 = arith.constant 8191 : i32
      %mul3A_82 = arith.muli %add3A_80, %mul3A_81 : i32
      %sub3A = arith.constant 1 : i32
      %sub3A_83 = arith.subi %add3A_80, %sub3A : i32
      %mul3A_84 = arith.muli %add3A_80, %sub3A_83 : i32
      %jit3A = arith.constant 2 : i32
      %div3A = arith.divsi %mul3A_84, %jit3A : i32
      %sign3A = arith.constant 0 : i32
      %sign3A_85 = arith.cmpi sgt, %mul3A_84, %sign3A : i32
      %sign3A_86 = arith.extui %sign3A_85 : i1 to i32
      %sign3A_87 = arith.constant 0 : i32
      %sign3A_88 = arith.cmpi slt, %mul3A_84, %sign3A_87 : i32
      %sign3A_89 = arith.extui %sign3A_88 : i1 to i32
      %sign3A_90 = arith.subi %sign3A_86, %sign3A_89 : i32
      %sign3A_91 = arith.constant 0 : i32
      %sign3A_92 = arith.cmpi sgt, %jit3A, %sign3A_91 : i32
      %sign3A_93 = arith.extui %sign3A_92 : i1 to i32
      %sign3A_94 = arith.constant 0 : i32
      %sign3A_95 = arith.cmpi slt, %jit3A, %sign3A_94 : i32
      %sign3A_96 = arith.extui %sign3A_95 : i1 to i32
      %sign3A_97 = arith.subi %sign3A_93, %sign3A_96 : i32
      %ne3A = arith.cmpi ne, %sign3A_90, %sign3A_97 : i32
      %rem3A = arith.remsi %mul3A_84, %jit3A : i32
      %ne3A_98 = arith.constant 0 : i32
      %ne3A_99 = arith.cmpi ne, %rem3A, %ne3A_98 : i32
      %and3A_100 = arith.andi %ne3A, %ne3A_99 : i1
      %sub3A_101 = arith.constant 1 : i32
      %sub3A_102 = arith.subi %div3A, %sub3A_101 : i32
      %select_n3A = arith.select %and3A_100, %sub3A_102, %div3A : i32
      %sub3A_103 = arith.subi %mul3A_82, %select_n3A : i32
      %sub3A_104 = arith.subi %sub3A_103, %add3A_80 : i32
      %sub3A_105 = arith.constant 1 : i32
      %sub3A_106 = arith.subi %sub3A_104, %sub3A_105 : i32
      %mul3A_107 = arith.constant 2048 : i32
      %mul3A_108 = arith.muli %shift_right_arithmetic3A_42, %mul3A_107 : i32
      %add3A_109 = arith.addi %sub3A_106, %mul3A_108 : i32
      %jit3A_110 = arith.constant 8 : i32
      %div3A_111 = arith.divsi %add3A_109, %jit3A_110 : i32
      %sign3A_112 = arith.constant 0 : i32
      %sign3A_113 = arith.cmpi sgt, %add3A_109, %sign3A_112 : i32
      %sign3A_114 = arith.extui %sign3A_113 : i1 to i32
      %sign3A_115 = arith.constant 0 : i32
      %sign3A_116 = arith.cmpi slt, %add3A_109, %sign3A_115 : i32
      %sign3A_117 = arith.extui %sign3A_116 : i1 to i32
      %sign3A_118 = arith.subi %sign3A_114, %sign3A_117 : i32
      %sign3A_119 = arith.constant 0 : i32
      %sign3A_120 = arith.cmpi sgt, %jit3A_110, %sign3A_119 : i32
      %sign3A_121 = arith.extui %sign3A_120 : i1 to i32
      %sign3A_122 = arith.constant 0 : i32
      %sign3A_123 = arith.cmpi slt, %jit3A_110, %sign3A_122 : i32
      %sign3A_124 = arith.extui %sign3A_123 : i1 to i32
      %sign3A_125 = arith.subi %sign3A_121, %sign3A_124 : i32
      %ne3A_126 = arith.cmpi ne, %sign3A_118, %sign3A_125 : i32
      %rem3A_127 = arith.remsi %add3A_109, %jit3A_110 : i32
      %ne3A_128 = arith.constant 0 : i32
      %ne3A_129 = arith.cmpi ne, %rem3A_127, %ne3A_128 : i32
      %and3A_130 = arith.andi %ne3A_126, %ne3A_129 : i1
      %sub3A_131 = arith.constant 1 : i32
      %sub3A_132 = arith.subi %div3A_111, %sub3A_131 : i32
      %select_n3A_133 = arith.select %and3A_130, %sub3A_132, %div3A_111 : i32
      %mul3A_134 = arith.constant 8 : i32
      %mul3A_135 = arith.muli %select_n3A_133, %mul3A_134 : i32
      %jit3A_136 = arith.constant 0 : i32
      %jit3A_137 = arith.constant 33548272 : i32
      %max3A = arith.maxsi %jit3A_136, %mul3A_135 : i32
      %min3A = arith.minsi %jit3A_137, %max3A : i32
      %sub3A_138 = arith.subi %add3A_109, %min3A : i32
      %multiple_of3A = tpu.assume_multiple %min3A, 8 : i32
      %dma_start3A = arith.constant 8 : i32
      %dma_start3A_139 = tpu.memref_slice %arg5[%dma_start3A] : memref<16640xf32, #tpu.memory_space<vmem>> -> memref<2064xf32, #tpu.memory_space<vmem>>
      %dma_start3A_140 = tpu.memref_slice %arg2[%multiple_of3A] : memref<33550336xf32, #tpu.memory_space<hbm>> -> memref<2064xf32, #tpu.memory_space<hbm>>
      %dma_start3A_141 = arith.constant 8 : i32
      %dma_start3A_142 = tpu.memref_slice %arg5[%dma_start3A_141] : memref<16640xf32, #tpu.memory_space<vmem>> -> memref<2064xf32, #tpu.memory_space<vmem>>
      %dma_start3A_143 = tpu.memref_slice %arg2[%multiple_of3A] : memref<33550336xf32, #tpu.memory_space<hbm>> -> memref<2064xf32, #tpu.memory_space<hbm>>
      tpu.enqueue_dma source(%dma_start3A_143 : memref<2064xf32, #tpu.memory_space<hbm>>) target(%dma_start3A_142 : memref<2064xf32, #tpu.memory_space<vmem>>) target_semaphore(%arg10 : memref<!tpu.dma_semaphore, #tpu.memory_space<semaphore_mem>>)
      %mul3A_144 = arith.constant 8 : i32
      %mul3A_145 = arith.muli %mul3A_144, %and3A_40 : i32
      %add3A_146 = arith.constant 1 : i32
      %add3A_147 = arith.addi %mul3A_145, %add3A_146 : i32
      %mul3A_148 = arith.constant 8191 : i32
      %mul3A_149 = arith.muli %add3A_147, %mul3A_148 : i32
      %sub3A_150 = arith.constant 1 : i32
      %sub3A_151 = arith.subi %add3A_147, %sub3A_150 : i32
      %mul3A_152 = arith.muli %add3A_147, %sub3A_151 : i32
      %jit3A_153 = arith.constant 2 : i32
      %div3A_154 = arith.divsi %mul3A_152, %jit3A_153 : i32
      %sign3A_155 = arith.constant 0 : i32
      %sign3A_156 = arith.cmpi sgt, %mul3A_152, %sign3A_155 : i32
      %sign3A_157 = arith.extui %sign3A_156 : i1 to i32
      %sign3A_158 = arith.constant 0 : i32
      %sign3A_159 = arith.cmpi slt, %mul3A_152, %sign3A_158 : i32
      %sign3A_160 = arith.extui %sign3A_159 : i1 to i32
      %sign3A_161 = arith.subi %sign3A_157, %sign3A_160 : i32
      %sign3A_162 = arith.constant 0 : i32
      %sign3A_163 = arith.cmpi sgt, %jit3A_153, %sign3A_162 : i32
      %sign3A_164 = arith.extui %sign3A_163 : i1 to i32
      %sign3A_165 = arith.constant 0 : i32
      %sign3A_166 = arith.cmpi slt, %jit3A_153, %sign3A_165 : i32
      %sign3A_167 = arith.extui %sign3A_166 : i1 to i32
      %sign3A_168 = arith.subi %sign3A_164, %sign3A_167 : i32
      %ne3A_169 = arith.cmpi ne, %sign3A_161, %sign3A_168 : i32
      %rem3A_170 = arith.remsi %mul3A_152, %jit3A_153 : i32
      %ne3A_171 = arith.constant 0 : i32
      %ne3A_172 = arith.cmpi ne, %rem3A_170, %ne3A_171 : i32
      %and3A_173 = arith.andi %ne3A_169, %ne3A_172 : i1
      %sub3A_174 = arith.constant 1 : i32
      %sub3A_175 = arith.subi %div3A_154, %sub3A_174 : i32
      %select_n3A_176 = arith.select %and3A_173, %sub3A_175, %div3A_154 : i32
      %sub3A_177 = arith.subi %mul3A_149, %select_n3A_176 : i32
      %sub3A_178 = arith.subi %sub3A_177, %add3A_147 : i32
      %sub3A_179 = arith.constant 1 : i32
      %sub3A_180 = arith.subi %sub3A_178, %sub3A_179 : i32
      %mul3A_181 = arith.constant 2048 : i32
      %mul3A_182 = arith.muli %shift_right_arithmetic3A_42, %mul3A_181 : i32
      %add3A_183 = arith.addi %sub3A_180, %mul3A_182 : i32
      %jit3A_184 = arith.constant 8 : i32
      %div3A_185 = arith.divsi %add3A_183, %jit3A_184 : i32
      %sign3A_186 = arith.constant 0 : i32
      %sign3A_187 = arith.cmpi sgt, %add3A_183, %sign3A_186 : i32
      %sign3A_188 = arith.extui %sign3A_187 : i1 to i32
      %sign3A_189 = arith.constant 0 : i32
      %sign3A_190 = arith.cmpi slt, %add3A_183, %sign3A_189 : i32
      %sign3A_191 = arith.extui %sign3A_190 : i1 to i32
      %sign3A_192 = arith.subi %sign3A_188, %sign3A_191 : i32
      %sign3A_193 = arith.constant 0 : i32
      %sign3A_194 = arith.cmpi sgt, %jit3A_184, %sign3A_193 : i32
      %sign3A_195 = arith.extui %sign3A_194 : i1 to i32
      %sign3A_196 = arith.constant 0 : i32
      %sign3A_197 = arith.cmpi slt, %jit3A_184, %sign3A_196 : i32
      %sign3A_198 = arith.extui %sign3A_197 : i1 to i32
      %sign3A_199 = arith.subi %sign3A_195, %sign3A_198 : i32
      %ne3A_200 = arith.cmpi ne, %sign3A_192, %sign3A_199 : i32
      %rem3A_201 = arith.remsi %add3A_183, %jit3A_184 : i32
      %ne3A_202 = arith.constant 0 : i32
      %ne3A_203 = arith.cmpi ne, %rem3A_201, %ne3A_202 : i32
      %and3A_204 = arith.andi %ne3A_200, %ne3A_203 : i1
      %sub3A_205 = arith.constant 1 : i32
      %sub3A_206 = arith.subi %div3A_185, %sub3A_205 : i32
      %select_n3A_207 = arith.select %and3A_204, %sub3A_206, %div3A_185 : i32
      %mul3A_208 = arith.constant 8 : i32
      %mul3A_209 = arith.muli %select_n3A_207, %mul3A_208 : i32
      %jit3A_210 = arith.constant 0 : i32
      %jit3A_211 = arith.constant 33548272 : i32
      %max3A_212 = arith.maxsi %jit3A_210, %mul3A_209 : i32
      %min3A_213 = arith.minsi %jit3A_211, %max3A_212 : i32
      %sub3A_214 = arith.subi %add3A_183, %min3A_213 : i32
      %multiple_of3A_215 = tpu.assume_multiple %min3A_213, 8 : i32
      %dma_start3A_216 = arith.constant 2088 : i32
      %dma_start3A_217 = tpu.memref_slice %arg5[%dma_start3A_216] : memref<16640xf32, #tpu.memory_space<vmem>> -> memref<2064xf32, #tpu.memory_space<vmem>>
      %dma_start3A_218 = tpu.memref_slice %arg2[%multiple_of3A_215] : memref<33550336xf32, #tpu.memory_space<hbm>> -> memref<2064xf32, #tpu.memory_space<hbm>>
      %dma_start3A_219 = arith.constant 2088 : i32
      %dma_start3A_220 = tpu.memref_slice %arg5[%dma_start3A_219] : memref<16640xf32, #tpu.memory_space<vmem>> -> memref<2064xf32, #tpu.memory_space<vmem>>
      %dma_start3A_221 = tpu.memref_slice %arg2[%multiple_of3A_215] : memref<33550336xf32, #tpu.memory_space<hbm>> -> memref<2064xf32, #tpu.memory_space<hbm>>
      tpu.enqueue_dma source(%dma_start3A_221 : memref<2064xf32, #tpu.memory_space<hbm>>) target(%dma_start3A_220 : memref<2064xf32, #tpu.memory_space<vmem>>) target_semaphore(%arg10 : memref<!tpu.dma_semaphore, #tpu.memory_space<semaphore_mem>>)
      %mul3A_222 = arith.constant 8 : i32
      %mul3A_223 = arith.muli %mul3A_222, %and3A_40 : i32
      %add3A_224 = arith.constant 2 : i32
      %add3A_225 = arith.addi %mul3A_223, %add3A_224 : i32
      %mul3A_226 = arith.constant 8191 : i32
      %mul3A_227 = arith.muli %add3A_225, %mul3A_226 : i32
      %sub3A_228 = arith.constant 1 : i32
      %sub3A_229 = arith.subi %add3A_225, %sub3A_228 : i32
      %mul3A_230 = arith.muli %add3A_225, %sub3A_229 : i32
      %jit3A_231 = arith.constant 2 : i32
      %div3A_232 = arith.divsi %mul3A_230, %jit3A_231 : i32
      %sign3A_233 = arith.constant 0 : i32
      %sign3A_234 = arith.cmpi sgt, %mul3A_230, %sign3A_233 : i32
      %sign3A_235 = arith.extui %sign3A_234 : i1 to i32
      %sign3A_236 = arith.constant 0 : i32
      %sign3A_237 = arith.cmpi slt, %mul3A_230, %sign3A_236 : i32
      %sign3A_238 = arith.extui %sign3A_237 : i1 to i32
      %sign3A_239 = arith.subi %sign3A_235, %sign3A_238 : i32
      %sign3A_240 = arith.constant 0 : i32
      %sign3A_241 = arith.cmpi sgt, %jit3A_231, %sign3A_240 : i32
      %sign3A_242 = arith.extui %sign3A_241 : i1 to i32
      %sign3A_243 = arith.constant 0 : i32
      %sign3A_244 = arith.cmpi slt, %jit3A_231, %sign3A_243 : i32
      %sign3A_245 = arith.extui %sign3A_244 : i1 to i32
      %sign3A_246 = arith.subi %sign3A_242, %sign3A_245 : i32
      %ne3A_247 = arith.cmpi ne, %sign3A_239, %sign3A_246 : i32
      %rem3A_248 = arith.remsi %mul3A_230, %jit3A_231 : i32
      %ne3A_249 = arith.constant 0 : i32
      %ne3A_250 = arith.cmpi ne, %rem3A_248, %ne3A_249 : i32
      %and3A_251 = arith.andi %ne3A_247, %ne3A_250 : i1
      %sub3A_252 = arith.constant 1 : i32
      %sub3A_253 = arith.subi %div3A_232, %sub3A_252 : i32
      %select_n3A_254 = arith.select %and3A_251, %sub3A_253, %div3A_232 : i32
      %sub3A_255 = arith.subi %mul3A_227, %select_n3A_254 : i32
      %sub3A_256 = arith.subi %sub3A_255, %add3A_225 : i32
      %sub3A_257 = arith.constant 1 : i32
      %sub3A_258 = arith.subi %sub3A_256, %sub3A_257 : i32
      %mul3A_259 = arith.constant 2048 : i32
      %mul3A_260 = arith.muli %shift_right_arithmetic3A_42, %mul3A_259 : i32
      %add3A_261 = arith.addi %sub3A_258, %mul3A_260 : i32
      %jit3A_262 = arith.constant 8 : i32
      %div3A_263 = arith.divsi %add3A_261, %jit3A_262 : i32
      %sign3A_264 = arith.constant 0 : i32
      %sign3A_265 = arith.cmpi sgt, %add3A_261, %sign3A_264 : i32
      %sign3A_266 = arith.extui %sign3A_265 : i1 to i32
      %sign3A_267 = arith.constant 0 : i32
      %sign3A_268 = arith.cmpi slt, %add3A_261, %sign3A_267 : i32
      %sign3A_269 = arith.extui %sign3A_268 : i1 to i32
      %sign3A_270 = arith.subi %sign3A_266, %sign3A_269 : i32
      %sign3A_271 = arith.constant 0 : i32
      %sign3A_272 = arith.cmpi sgt, %jit3A_262, %sign3A_271 : i32
      %sign3A_273 = arith.extui %sign3A_272 : i1 to i32
      %sign3A_274 = arith.constant 0 : i32
      %sign3A_275 = arith.cmpi slt, %jit3A_262, %sign3A_274 : i32
      %sign3A_276 = arith.extui %sign3A_275 : i1 to i32
      %sign3A_277 = arith.subi %sign3A_273, %sign3A_276 : i32
      %ne3A_278 = arith.cmpi ne, %sign3A_270, %sign3A_277 : i32
      %rem3A_279 = arith.remsi %add3A_261, %jit3A_262 : i32
      %ne3A_280 = arith.constant 0 : i32
      %ne3A_281 = arith.cmpi ne, %rem3A_279, %ne3A_280 : i32
      %and3A_282 = arith.andi %ne3A_278, %ne3A_281 : i1
      %sub3A_283 = arith.constant 1 : i32
      %sub3A_284 = arith.subi %div3A_263, %sub3A_283 : i32
      %select_n3A_285 = arith.select %and3A_282, %sub3A_284, %div3A_263 : i32
      %mul3A_286 = arith.constant 8 : i32
      %mul3A_287 = arith.muli %select_n3A_285, %mul3A_286 : i32
      %jit3A_288 = arith.constant 0 : i32
      %jit3A_289 = arith.constant 33548272 : i32
      %max3A_290 = arith.maxsi %jit3A_288, %mul3A_287 : i32
      %min3A_291 = arith.minsi %jit3A_289, %max3A_290 : i32
      %sub3A_292 = arith.subi %add3A_261, %min3A_291 : i32
      %multiple_of3A_293 = tpu.assume_multiple %min3A_291, 8 : i32
      %dma_start3A_294 = arith.constant 4168 : i32
      %dma_start3A_295 = tpu.memref_slice %arg5[%dma_start3A_294] : memref<16640xf32, #tpu.memory_space<vmem>> -> memref<2064xf32, #tpu.memory_space<vmem>>
      %dma_start3A_296 = tpu.memref_slice %arg2[%multiple_of3A_293] : memref<33550336xf32, #tpu.memory_space<hbm>> -> memref<2064xf32, #tpu.memory_space<hbm>>
      %dma_start3A_297 = arith.constant 4168 : i32
      %dma_start3A_298 = tpu.memref_slice %arg5[%dma_start3A_297] : memref<16640xf32, #tpu.memory_space<vmem>> -> memref<2064xf32, #tpu.memory_space<vmem>>
      %dma_start3A_299 = tpu.memref_slice %arg2[%multiple_of3A_293] : memref<33550336xf32, #tpu.memory_space<hbm>> -> memref<2064xf32, #tpu.memory_space<hbm>>
      tpu.enqueue_dma source(%dma_start3A_299 : memref<2064xf32, #tpu.memory_space<hbm>>) target(%dma_start3A_298 : memref<2064xf32, #tpu.memory_space<vmem>>) target_semaphore(%arg10 : memref<!tpu.dma_semaphore, #tpu.memory_space<semaphore_mem>>)
      %mul3A_300 = arith.constant 8 : i32
      %mul3A_301 = arith.muli %mul3A_300, %and3A_40 : i32
      %add3A_302 = arith.constant 3 : i32
      %add3A_303 = arith.addi %mul3A_301, %add3A_302 : i32
      %mul3A_304 = arith.constant 8191 : i32
      %mul3A_305 = arith.muli %add3A_303, %mul3A_304 : i32
      %sub3A_306 = arith.constant 1 : i32
      %sub3A_307 = arith.subi %add3A_303, %sub3A_306 : i32
      %mul3A_308 = arith.muli %add3A_303, %sub3A_307 : i32
      %jit3A_309 = arith.constant 2 : i32
      %div3A_310 = arith.divsi %mul3A_308, %jit3A_309 : i32
      %sign3A_311 = arith.constant 0 : i32
      %sign3A_312 = arith.cmpi sgt, %mul3A_308, %sign3A_311 : i32
      %sign3A_313 = arith.extui %sign3A_312 : i1 to i32
      %sign3A_314 = arith.constant 0 : i32
      %sign3A_315 = arith.cmpi slt, %mul3A_308, %sign3A_314 : i32
      %sign3A_316 = arith.extui %sign3A_315 : i1 to i32
      %sign3A_317 = arith.subi %sign3A_313, %sign3A_316 : i32
      %sign3A_318 = arith.constant 0 : i32
      %sign3A_319 = arith.cmpi sgt, %jit3A_309, %sign3A_318 : i32
      %sign3A_320 = arith.extui %sign3A_319 : i1 to i32
      %sign3A_321 = arith.constant 0 : i32
      %sign3A_322 = arith.cmpi slt, %jit3A_309, %sign3A_321 : i32
      %sign3A_323 = arith.extui %sign3A_322 : i1 to i32
      %sign3A_324 = arith.subi %sign3A_320, %sign3A_323 : i32
      %ne3A_325 = arith.cmpi ne, %sign3A_317, %sign3A_324 : i32
      %rem3A_326 = arith.remsi %mul3A_308, %jit3A_309 : i32
      %ne3A_327 = arith.constant 0 : i32
      %ne3A_328 = arith.cmpi ne, %rem3A_326, %ne3A_327 : i32
      %and3A_329 = arith.andi %ne3A_325, %ne3A_328 : i1
      %sub3A_330 = arith.constant 1 : i32
      %sub3A_331 = arith.subi %div3A_310, %sub3A_330 : i32
      %select_n3A_332 = arith.select %and3A_329, %sub3A_331, %div3A_310 : i32
      %sub3A_333 = arith.subi %mul3A_305, %select_n3A_332 : i32
      %sub3A_334 = arith.subi %sub3A_333, %add3A_303 : i32
      %sub3A_335 = arith.constant 1 : i32
      %sub3A_336 = arith.subi %sub3A_334, %sub3A_335 : i32
      %mul3A_337 = arith.constant 2048 : i32
      %mul3A_338 = arith.muli %shift_right_arithmetic3A_42, %mul3A_337 : i32
      %add3A_339 = arith.addi %sub3A_336, %mul3A_338 : i32
      %jit3A_340 = arith.constant 8 : i32
      %div3A_341 = arith.divsi %add3A_339, %jit3A_340 : i32
      %sign3A_342 = arith.constant 0 : i32
      %sign3A_343 = arith.cmpi sgt, %add3A_339, %sign3A_342 : i32
      %sign3A_344 = arith.extui %sign3A_343 : i1 to i32
      %sign3A_345 = arith.constant 0 : i32
      %sign3A_346 = arith.cmpi slt, %add3A_339, %sign3A_345 : i32
      %sign3A_347 = arith.extui %sign3A_346 : i1 to i32
      %sign3A_348 = arith.subi %sign3A_344, %sign3A_347 : i32
      %sign3A_349 = arith.constant 0 : i32
      %sign3A_350 = arith.cmpi sgt, %jit3A_340, %sign3A_349 : i32
      %sign3A_351 = arith.extui %sign3A_350 : i1 to i32
      %sign3A_352 = arith.constant 0 : i32
      %sign3A_353 = arith.cmpi slt, %jit3A_340, %sign3A_352 : i32
      %sign3A_354 = arith.extui %sign3A_353 : i1 to i32
      %sign3A_355 = arith.subi %sign3A_351, %sign3A_354 : i32
      %ne3A_356 = arith.cmpi ne, %sign3A_348, %sign3A_355 : i32
      %rem3A_357 = arith.remsi %add3A_339, %jit3A_340 : i32
      %ne3A_358 = arith.constant 0 : i32
      %ne3A_359 = arith.cmpi ne, %rem3A_357, %ne3A_358 : i32
      %and3A_360 = arith.andi %ne3A_356, %ne3A_359 : i1
      %sub3A_361 = arith.constant 1 : i32
      %sub3A_362 = arith.subi %div3A_341, %sub3A_361 : i32
      %select_n3A_363 = arith.select %and3A_360, %sub3A_362, %div3A_341 : i32
      %mul3A_364 = arith.constant 8 : i32
      %mul3A_365 = arith.muli %select_n3A_363, %mul3A_364 : i32
      %jit3A_366 = arith.constant 0 : i32
      %jit3A_367 = arith.constant 33548272 : i32
      %max3A_368 = arith.maxsi %jit3A_366, %mul3A_365 : i32
      %min3A_369 = arith.minsi %jit3A_367, %max3A_368 : i32
      %sub3A_370 = arith.subi %add3A_339, %min3A_369 : i32
      %multiple_of3A_371 = tpu.assume_multiple %min3A_369, 8 : i32
      %dma_start3A_372 = arith.constant 6248 : i32
      %dma_start3A_373 = tpu.memref_slice %arg5[%dma_start3A_372] : memref<16640xf32, #tpu.memory_space<vmem>> -> memref<2064xf32, #tpu.memory_space<vmem>>
      %dma_start3A_374 = tpu.memref_slice %arg2[%multiple_of3A_371] : memref<33550336xf32, #tpu.memory_space<hbm>> -> memref<2064xf32, #tpu.memory_space<hbm>>
      %dma_start3A_375 = arith.constant 6248 : i32
      %dma_start3A_376 = tpu.memref_slice %arg5[%dma_start3A_375] : memref<16640xf32, #tpu.memory_space<vmem>> -> memref<2064xf32, #tpu.memory_space<vmem>>
      %dma_start3A_377 = tpu.memref_slice %arg2[%multiple_of3A_371] : memref<33550336xf32, #tpu.memory_space<hbm>> -> memref<2064xf32, #tpu.memory_space<hbm>>
      tpu.enqueue_dma source(%dma_start3A_377 : memref<2064xf32, #tpu.memory_space<hbm>>) target(%dma_start3A_376 : memref<2064xf32, #tpu.memory_space<vmem>>) target_semaphore(%arg10 : memref<!tpu.dma_semaphore, #tpu.memory_space<semaphore_mem>>)
      %mul3A_378 = arith.constant 8 : i32
      %mul3A_379 = arith.muli %mul3A_378, %and3A_40 : i32
      %add3A_380 = arith.constant 4 : i32
      %add3A_381 = arith.addi %mul3A_379, %add3A_380 : i32
      %mul3A_382 = arith.constant 8191 : i32
      %mul3A_383 = arith.muli %add3A_381, %mul3A_382 : i32
      %sub3A_384 = arith.constant 1 : i32
      %sub3A_385 = arith.subi %add3A_381, %sub3A_384 : i32
      %mul3A_386 = arith.muli %add3A_381, %sub3A_385 : i32
      %jit3A_387 = arith.constant 2 : i32
      %div3A_388 = arith.divsi %mul3A_386, %jit3A_387 : i32
      %sign3A_389 = arith.constant 0 : i32
      %sign3A_390 = arith.cmpi sgt, %mul3A_386, %sign3A_389 : i32
      %sign3A_391 = arith.extui %sign3A_390 : i1 to i32
      %sign3A_392 = arith.constant 0 : i32
      %sign3A_393 = arith.cmpi slt, %mul3A_386, %sign3A_392 : i32
      %sign3A_394 = arith.extui %sign3A_393 : i1 to i32
      %sign3A_395 = arith.subi %sign3A_391, %sign3A_394 : i32
      %sign3A_396 = arith.constant 0 : i32
      %sign3A_397 = arith.cmpi sgt, %jit3A_387, %sign3A_396 : i32
      %sign3A_398 = arith.extui %sign3A_397 : i1 to i32
      %sign3A_399 = arith.constant 0 : i32
      %sign3A_400 = arith.cmpi slt, %jit3A_387, %sign3A_399 : i32
      %sign3A_401 = arith.extui %sign3A_400 : i1 to i32
      %sign3A_402 = arith.subi %sign3A_398, %sign3A_401 : i32
      %ne3A_403 = arith.cmpi ne, %sign3A_395, %sign3A_402 : i32
      %rem3A_404 = arith.remsi %mul3A_386, %jit3A_387 : i32
      %ne3A_405 = arith.constant 0 : i32
      %ne3A_406 = arith.cmpi ne, %rem3A_404, %ne3A_405 : i32
      %and3A_407 = arith.andi %ne3A_403, %ne3A_406 : i1
      %sub3A_408 = arith.constant 1 : i32
      %sub3A_409 = arith.subi %div3A_388, %sub3A_408 : i32
      %select_n3A_410 = arith.select %and3A_407, %sub3A_409, %div3A_388 : i32
      %sub3A_411 = arith.subi %mul3A_383, %select_n3A_410 : i32
      %sub3A_412 = arith.subi %sub3A_411, %add3A_381 : i32
      %sub3A_413 = arith.constant 1 : i32
      %sub3A_414 = arith.subi %sub3A_412, %sub3A_413 : i32
      %mul3A_415 = arith.constant 2048 : i32
      %mul3A_416 = arith.muli %shift_right_arithmetic3A_42, %mul3A_415 : i32
      %add3A_417 = arith.addi %sub3A_414, %mul3A_416 : i32
      %jit3A_418 = arith.constant 8 : i32
      %div3A_419 = arith.divsi %add3A_417, %jit3A_418 : i32
      %sign3A_420 = arith.constant 0 : i32
      %sign3A_421 = arith.cmpi sgt, %add3A_417, %sign3A_420 : i32
      %sign3A_422 = arith.extui %sign3A_421 : i1 to i32
      %sign3A_423 = arith.constant 0 : i32
      %sign3A_424 = arith.cmpi slt, %add3A_417, %sign3A_423 : i32
      %sign3A_425 = arith.extui %sign3A_424 : i1 to i32
      %sign3A_426 = arith.subi %sign3A_422, %sign3A_425 : i32
      %sign3A_427 = arith.constant 0 : i32
      %sign3A_428 = arith.cmpi sgt, %jit3A_418, %sign3A_427 : i32
      %sign3A_429 = arith.extui %sign3A_428 : i1 to i32
      %sign3A_430 = arith.constant 0 : i32
      %sign3A_431 = arith.cmpi slt, %jit3A_418, %sign3A_430 : i32
      %sign3A_432 = arith.extui %sign3A_431 : i1 to i32
      %sign3A_433 = arith.subi %sign3A_429, %sign3A_432 : i32
      %ne3A_434 = arith.cmpi ne, %sign3A_426, %sign3A_433 : i32
      %rem3A_435 = arith.remsi %add3A_417, %jit3A_418 : i32
      %ne3A_436 = arith.constant 0 : i32
      %ne3A_437 = arith.cmpi ne, %rem3A_435, %ne3A_436 : i32
      %and3A_438 = arith.andi %ne3A_434, %ne3A_437 : i1
      %sub3A_439 = arith.constant 1 : i32
      %sub3A_440 = arith.subi %div3A_419, %sub3A_439 : i32
      %select_n3A_441 = arith.select %and3A_438, %sub3A_440, %div3A_419 : i32
      %mul3A_442 = arith.constant 8 : i32
      %mul3A_443 = arith.muli %select_n3A_441, %mul3A_442 : i32
      %jit3A_444 = arith.constant 0 : i32
      %jit3A_445 = arith.constant 33548272 : i32
      %max3A_446 = arith.maxsi %jit3A_444, %mul3A_443 : i32
      %min3A_447 = arith.minsi %jit3A_445, %max3A_446 : i32
      %sub3A_448 = arith.subi %add3A_417, %min3A_447 : i32
      %multiple_of3A_449 = tpu.assume_multiple %min3A_447, 8 : i32
      %dma_start3A_450 = arith.constant 8328 : i32
      %dma_start3A_451 = tpu.memref_slice %arg5[%dma_start3A_450] : memref<16640xf32, #tpu.memory_space<vmem>> -> memref<2064xf32, #tpu.memory_space<vmem>>
      %dma_start3A_452 = tpu.memref_slice %arg2[%multiple_of3A_449] : memref<33550336xf32, #tpu.memory_space<hbm>> -> memref<2064xf32, #tpu.memory_space<hbm>>
      %dma_start3A_453 = arith.constant 8328 : i32
      %dma_start3A_454 = tpu.memref_slice %arg5[%dma_start3A_453] : memref<16640xf32, #tpu.memory_space<vmem>> -> memref<2064xf32, #tpu.memory_space<vmem>>
      %dma_start3A_455 = tpu.memref_slice %arg2[%multiple_of3A_449] : memref<33550336xf32, #tpu.memory_space<hbm>> -> memref<2064xf32, #tpu.memory_space<hbm>>
      tpu.enqueue_dma source(%dma_start3A_455 : memref<2064xf32, #tpu.memory_space<hbm>>) target(%dma_start3A_454 : memref<2064xf32, #tpu.memory_space<vmem>>) target_semaphore(%arg10 : memref<!tpu.dma_semaphore, #tpu.memory_space<semaphore_mem>>)
      %mul3A_456 = arith.constant 8 : i32
      %mul3A_457 = arith.muli %mul3A_456, %and3A_40 : i32
      %add3A_458 = arith.constant 5 : i32
      %add3A_459 = arith.addi %mul3A_457, %add3A_458 : i32
      %mul3A_460 = arith.constant 8191 : i32
      %mul3A_461 = arith.muli %add3A_459, %mul3A_460 : i32
      %sub3A_462 = arith.constant 1 : i32
      %sub3A_463 = arith.subi %add3A_459, %sub3A_462 : i32
      %mul3A_464 = arith.muli %add3A_459, %sub3A_463 : i32
      %jit3A_465 = arith.constant 2 : i32
      %div3A_466 = arith.divsi %mul3A_464, %jit3A_465 : i32
      %sign3A_467 = arith.constant 0 : i32
      %sign3A_468 = arith.cmpi sgt, %mul3A_464, %sign3A_467 : i32
      %sign3A_469 = arith.extui %sign3A_468 : i1 to i32
      %sign3A_470 = arith.constant 0 : i32
      %sign3A_471 = arith.cmpi slt, %mul3A_464, %sign3A_470 : i32
      %sign3A_472 = arith.extui %sign3A_471 : i1 to i32
      %sign3A_473 = arith.subi %sign3A_469, %sign3A_472 : i32
      %sign3A_474 = arith.constant 0 : i32
      %sign3A_475 = arith.cmpi sgt, %jit3A_465, %sign3A_474 : i32
      %sign3A_476 = arith.extui %sign3A_475 : i1 to i32
      %sign3A_477 = arith.constant 0 : i32
      %sign3A_478 = arith.cmpi slt, %jit3A_465, %sign3A_477 : i32
      %sign3A_479 = arith.extui %sign3A_478 : i1 to i32
      %sign3A_480 = arith.subi %sign3A_476, %sign3A_479 : i32
      %ne3A_481 = arith.cmpi ne, %sign3A_473, %sign3A_480 : i32
      %rem3A_482 = arith.remsi %mul3A_464, %jit3A_465 : i32
      %ne3A_483 = arith.constant 0 : i32
      %ne3A_484 = arith.cmpi ne, %rem3A_482, %ne3A_483 : i32
      %and3A_485 = arith.andi %ne3A_481, %ne3A_484 : i1
      %sub3A_486 = arith.constant 1 : i32
      %sub3A_487 = arith.subi %div3A_466, %sub3A_486 : i32
      %select_n3A_488 = arith.select %and3A_485, %sub3A_487, %div3A_466 : i32
      %sub3A_489 = arith.subi %mul3A_461, %select_n3A_488 : i32
      %sub3A_490 = arith.subi %sub3A_489, %add3A_459 : i32
      %sub3A_491 = arith.constant 1 : i32
      %sub3A_492 = arith.subi %sub3A_490, %sub3A_491 : i32
      %mul3A_493 = arith.constant 2048 : i32
      %mul3A_494 = arith.muli %shift_right_arithmetic3A_42, %mul3A_493 : i32
      %add3A_495 = arith.addi %sub3A_492, %mul3A_494 : i32
      %jit3A_496 = arith.constant 8 : i32
      %div3A_497 = arith.divsi %add3A_495, %jit3A_496 : i32
      %sign3A_498 = arith.constant 0 : i32
      %sign3A_499 = arith.cmpi sgt, %add3A_495, %sign3A_498 : i32
      %sign3A_500 = arith.extui %sign3A_499 : i1 to i32
      %sign3A_501 = arith.constant 0 : i32
      %sign3A_502 = arith.cmpi slt, %add3A_495, %sign3A_501 : i32
      %sign3A_503 = arith.extui %sign3A_502 : i1 to i32
      %sign3A_504 = arith.subi %sign3A_500, %sign3A_503 : i32
      %sign3A_505 = arith.constant 0 : i32
      %sign3A_506 = arith.cmpi sgt, %jit3A_496, %sign3A_505 : i32
      %sign3A_507 = arith.extui %sign3A_506 : i1 to i32
      %sign3A_508 = arith.constant 0 : i32
      %sign3A_509 = arith.cmpi slt, %jit3A_496, %sign3A_508 : i32
      %sign3A_510 = arith.extui %sign3A_509 : i1 to i32
      %sign3A_511 = arith.subi %sign3A_507, %sign3A_510 : i32
      %ne3A_512 = arith.cmpi ne, %sign3A_504, %sign3A_511 : i32
      %rem3A_513 = arith.remsi %add3A_495, %jit3A_496 : i32
      %ne3A_514 = arith.constant 0 : i32
      %ne3A_515 = arith.cmpi ne, %rem3A_513, %ne3A_514 : i32
      %and3A_516 = arith.andi %ne3A_512, %ne3A_515 : i1
      %sub3A_517 = arith.constant 1 : i32
      %sub3A_518 = arith.subi %div3A_497, %sub3A_517 : i32
      %select_n3A_519 = arith.select %and3A_516, %sub3A_518, %div3A_497 : i32
      %mul3A_520 = arith.constant 8 : i32
      %mul3A_521 = arith.muli %select_n3A_519, %mul3A_520 : i32
      %jit3A_522 = arith.constant 0 : i32
      %jit3A_523 = arith.constant 33548272 : i32
      %max3A_524 = arith.maxsi %jit3A_522, %mul3A_521 : i32
      %min3A_525 = arith.minsi %jit3A_523, %max3A_524 : i32
      %sub3A_526 = arith.subi %add3A_495, %min3A_525 : i32
      %multiple_of3A_527 = tpu.assume_multiple %min3A_525, 8 : i32
      %dma_start3A_528 = arith.constant 10408 : i32
      %dma_start3A_529 = tpu.memref_slice %arg5[%dma_start3A_528] : memref<16640xf32, #tpu.memory_space<vmem>> -> memref<2064xf32, #tpu.memory_space<vmem>>
      %dma_start3A_530 = tpu.memref_slice %arg2[%multiple_of3A_527] : memref<33550336xf32, #tpu.memory_space<hbm>> -> memref<2064xf32, #tpu.memory_space<hbm>>
      %dma_start3A_531 = arith.constant 10408 : i32
      %dma_start3A_532 = tpu.memref_slice %arg5[%dma_start3A_531] : memref<16640xf32, #tpu.memory_space<vmem>> -> memref<2064xf32, #tpu.memory_space<vmem>>
      %dma_start3A_533 = tpu.memref_slice %arg2[%multiple_of3A_527] : memref<33550336xf32, #tpu.memory_space<hbm>> -> memref<2064xf32, #tpu.memory_space<hbm>>
      tpu.enqueue_dma source(%dma_start3A_533 : memref<2064xf32, #tpu.memory_space<hbm>>) target(%dma_start3A_532 : memref<2064xf32, #tpu.memory_space<vmem>>) target_semaphore(%arg10 : memref<!tpu.dma_semaphore, #tpu.memory_space<semaphore_mem>>)
      %mul3A_534 = arith.constant 8 : i32
      %mul3A_535 = arith.muli %mul3A_534, %and3A_40 : i32
      %add3A_536 = arith.constant 6 : i32
      %add3A_537 = arith.addi %mul3A_535, %add3A_536 : i32
      %mul3A_538 = arith.constant 8191 : i32
      %mul3A_539 = arith.muli %add3A_537, %mul3A_538 : i32
      %sub3A_540 = arith.constant 1 : i32
      %sub3A_541 = arith.subi %add3A_537, %sub3A_540 : i32
      %mul3A_542 = arith.muli %add3A_537, %sub3A_541 : i32
      %jit3A_543 = arith.constant 2 : i32
      %div3A_544 = arith.divsi %mul3A_542, %jit3A_543 : i32
      %sign3A_545 = arith.constant 0 : i32
      %sign3A_546 = arith.cmpi sgt, %mul3A_542, %sign3A_545 : i32
      %sign3A_547 = arith.extui %sign3A_546 : i1 to i32
      %sign3A_548 = arith.constant 0 : i32
      %sign3A_549 = arith.cmpi slt, %mul3A_542, %sign3A_548 : i32
      %sign3A_550 = arith.extui %sign3A_549 : i1 to i32
      %sign3A_551 = arith.subi %sign3A_547, %sign3A_550 : i32
      %sign3A_552 = arith.constant 0 : i32
      %sign3A_553 = arith.cmpi sgt, %jit3A_543, %sign3A_552 : i32
      %sign3A_554 = arith.extui %sign3A_553 : i1 to i32
      %sign3A_555 = arith.constant 0 : i32
      %sign3A_556 = arith.cmpi slt, %jit3A_543, %sign3A_555 : i32
      %sign3A_557 = arith.extui %sign3A_556 : i1 to i32
      %sign3A_558 = arith.subi %sign3A_554, %sign3A_557 : i32
      %ne3A_559 = arith.cmpi ne, %sign3A_551, %sign3A_558 : i32
      %rem3A_560 = arith.remsi %mul3A_542, %jit3A_543 : i32
      %ne3A_561 = arith.constant 0 : i32
      %ne3A_562 = arith.cmpi ne, %rem3A_560, %ne3A_561 : i32
      %and3A_563 = arith.andi %ne3A_559, %ne3A_562 : i1
      %sub3A_564 = arith.constant 1 : i32
      %sub3A_565 = arith.subi %div3A_544, %sub3A_564 : i32
      %select_n3A_566 = arith.select %and3A_563, %sub3A_565, %div3A_544 : i32
      %sub3A_567 = arith.subi %mul3A_539, %select_n3A_566 : i32
      %sub3A_568 = arith.subi %sub3A_567, %add3A_537 : i32
      %sub3A_569 = arith.constant 1 : i32
      %sub3A_570 = arith.subi %sub3A_568, %sub3A_569 : i32
      %mul3A_571 = arith.constant 2048 : i32
      %mul3A_572 = arith.muli %shift_right_arithmetic3A_42, %mul3A_571 : i32
      %add3A_573 = arith.addi %sub3A_570, %mul3A_572 : i32
      %jit3A_574 = arith.constant 8 : i32
      %div3A_575 = arith.divsi %add3A_573, %jit3A_574 : i32
      %sign3A_576 = arith.constant 0 : i32
      %sign3A_577 = arith.cmpi sgt, %add3A_573, %sign3A_576 : i32
      %sign3A_578 = arith.extui %sign3A_577 : i1 to i32
      %sign3A_579 = arith.constant 0 : i32
      %sign3A_580 = arith.cmpi slt, %add3A_573, %sign3A_579 : i32
      %sign3A_581 = arith.extui %sign3A_580 : i1 to i32
      %sign3A_582 = arith.subi %sign3A_578, %sign3A_581 : i32
      %sign3A_583 = arith.constant 0 : i32
      %sign3A_584 = arith.cmpi sgt, %jit3A_574, %sign3A_583 : i32
      %sign3A_585 = arith.extui %sign3A_584 : i1 to i32
      %sign3A_586 = arith.constant 0 : i32
      %sign3A_587 = arith.cmpi slt, %jit3A_574, %sign3A_586 : i32
      %sign3A_588 = arith.extui %sign3A_587 : i1 to i32
      %sign3A_589 = arith.subi %sign3A_585, %sign3A_588 : i32
      %ne3A_590 = arith.cmpi ne, %sign3A_582, %sign3A_589 : i32
      %rem3A_591 = arith.remsi %add3A_573, %jit3A_574 : i32
      %ne3A_592 = arith.constant 0 : i32
      %ne3A_593 = arith.cmpi ne, %rem3A_591, %ne3A_592 : i32
      %and3A_594 = arith.andi %ne3A_590, %ne3A_593 : i1
      %sub3A_595 = arith.constant 1 : i32
      %sub3A_596 = arith.subi %div3A_575, %sub3A_595 : i32
      %select_n3A_597 = arith.select %and3A_594, %sub3A_596, %div3A_575 : i32
      %mul3A_598 = arith.constant 8 : i32
      %mul3A_599 = arith.muli %select_n3A_597, %mul3A_598 : i32
      %jit3A_600 = arith.constant 0 : i32
      %jit3A_601 = arith.constant 33548272 : i32
      %max3A_602 = arith.maxsi %jit3A_600, %mul3A_599 : i32
      %min3A_603 = arith.minsi %jit3A_601, %max3A_602 : i32
      %sub3A_604 = arith.subi %add3A_573, %min3A_603 : i32
      %multiple_of3A_605 = tpu.assume_multiple %min3A_603, 8 : i32
      %dma_start3A_606 = arith.constant 12488 : i32
      %dma_start3A_607 = tpu.memref_slice %arg5[%dma_start3A_606] : memref<16640xf32, #tpu.memory_space<vmem>> -> memref<2064xf32, #tpu.memory_space<vmem>>
      %dma_start3A_608 = tpu.memref_slice %arg2[%multiple_of3A_605] : memref<33550336xf32, #tpu.memory_space<hbm>> -> memref<2064xf32, #tpu.memory_space<hbm>>
      %dma_start3A_609 = arith.constant 12488 : i32
      %dma_start3A_610 = tpu.memref_slice %arg5[%dma_start3A_609] : memref<16640xf32, #tpu.memory_space<vmem>> -> memref<2064xf32, #tpu.memory_space<vmem>>
      %dma_start3A_611 = tpu.memref_slice %arg2[%multiple_of3A_605] : memref<33550336xf32, #tpu.memory_space<hbm>> -> memref<2064xf32, #tpu.memory_space<hbm>>
      tpu.enqueue_dma source(%dma_start3A_611 : memref<2064xf32, #tpu.memory_space<hbm>>) target(%dma_start3A_610 : memref<2064xf32, #tpu.memory_space<vmem>>) target_semaphore(%arg10 : memref<!tpu.dma_semaphore, #tpu.memory_space<semaphore_mem>>)
      %mul3A_612 = arith.constant 8 : i32
      %mul3A_613 = arith.muli %mul3A_612, %and3A_40 : i32
      %add3A_614 = arith.constant 7 : i32
      %add3A_615 = arith.addi %mul3A_613, %add3A_614 : i32
      %mul3A_616 = arith.constant 8191 : i32
      %mul3A_617 = arith.muli %add3A_615, %mul3A_616 : i32
      %sub3A_618 = arith.constant 1 : i32
      %sub3A_619 = arith.subi %add3A_615, %sub3A_618 : i32
      %mul3A_620 = arith.muli %add3A_615, %sub3A_619 : i32
      %jit3A_621 = arith.constant 2 : i32
      %div3A_622 = arith.divsi %mul3A_620, %jit3A_621 : i32
      %sign3A_623 = arith.constant 0 : i32
      %sign3A_624 = arith.cmpi sgt, %mul3A_620, %sign3A_623 : i32
      %sign3A_625 = arith.extui %sign3A_624 : i1 to i32
      %sign3A_626 = arith.constant 0 : i32
      %sign3A_627 = arith.cmpi slt, %mul3A_620, %sign3A_626 : i32
      %sign3A_628 = arith.extui %sign3A_627 : i1 to i32
      %sign3A_629 = arith.subi %sign3A_625, %sign3A_628 : i32
      %sign3A_630 = arith.constant 0 : i32
      %sign3A_631 = arith.cmpi sgt, %jit3A_621, %sign3A_630 : i32
      %sign3A_632 = arith.extui %sign3A_631 : i1 to i32
      %sign3A_633 = arith.constant 0 : i32
      %sign3A_634 = arith.cmpi slt, %jit3A_621, %sign3A_633 : i32
      %sign3A_635 = arith.extui %sign3A_634 : i1 to i32
      %sign3A_636 = arith.subi %sign3A_632, %sign3A_635 : i32
      %ne3A_637 = arith.cmpi ne, %sign3A_629, %sign3A_636 : i32
      %rem3A_638 = arith.remsi %mul3A_620, %jit3A_621 : i32
      %ne3A_639 = arith.constant 0 : i32
      %ne3A_640 = arith.cmpi ne, %rem3A_638, %ne3A_639 : i32
      %and3A_641 = arith.andi %ne3A_637, %ne3A_640 : i1
      %sub3A_642 = arith.constant 1 : i32
      %sub3A_643 = arith.subi %div3A_622, %sub3A_642 : i32
      %select_n3A_644 = arith.select %and3A_641, %sub3A_643, %div3A_622 : i32
      %sub3A_645 = arith.subi %mul3A_617, %select_n3A_644 : i32
      %sub3A_646 = arith.subi %sub3A_645, %add3A_615 : i32
      %sub3A_647 = arith.constant 1 : i32
      %sub3A_648 = arith.subi %sub3A_646, %sub3A_647 : i32
      %mul3A_649 = arith.constant 2048 : i32
      %mul3A_650 = arith.muli %shift_right_arithmetic3A_42, %mul3A_649 : i32
      %add3A_651 = arith.addi %sub3A_648, %mul3A_650 : i32
      %jit3A_652 = arith.constant 8 : i32
      %div3A_653 = arith.divsi %add3A_651, %jit3A_652 : i32
      %sign3A_654 = arith.constant 0 : i32
      %sign3A_655 = arith.cmpi sgt, %add3A_651, %sign3A_654 : i32
      %sign3A_656 = arith.extui %sign3A_655 : i1 to i32
      %sign3A_657 = arith.constant 0 : i32
      %sign3A_658 = arith.cmpi slt, %add3A_651, %sign3A_657 : i32
      %sign3A_659 = arith.extui %sign3A_658 : i1 to i32
      %sign3A_660 = arith.subi %sign3A_656, %sign3A_659 : i32
      %sign3A_661 = arith.constant 0 : i32
      %sign3A_662 = arith.cmpi sgt, %jit3A_652, %sign3A_661 : i32
      %sign3A_663 = arith.extui %sign3A_662 : i1 to i32
      %sign3A_664 = arith.constant 0 : i32
      %sign3A_665 = arith.cmpi slt, %jit3A_652, %sign3A_664 : i32
      %sign3A_666 = arith.extui %sign3A_665 : i1 to i32
      %sign3A_667 = arith.subi %sign3A_663, %sign3A_666 : i32
      %ne3A_668 = arith.cmpi ne, %sign3A_660, %sign3A_667 : i32
      %rem3A_669 = arith.remsi %add3A_651, %jit3A_652 : i32
      %ne3A_670 = arith.constant 0 : i32
      %ne3A_671 = arith.cmpi ne, %rem3A_669, %ne3A_670 : i32
      %and3A_672 = arith.andi %ne3A_668, %ne3A_671 : i1
      %sub3A_673 = arith.constant 1 : i32
      %sub3A_674 = arith.subi %div3A_653, %sub3A_673 : i32
      %select_n3A_675 = arith.select %and3A_672, %sub3A_674, %div3A_653 : i32
      %mul3A_676 = arith.constant 8 : i32
      %mul3A_677 = arith.muli %select_n3A_675, %mul3A_676 : i32
      %jit3A_678 = arith.constant 0 : i32
      %jit3A_679 = arith.constant 33548272 : i32
      %max3A_680 = arith.maxsi %jit3A_678, %mul3A_677 : i32
      %min3A_681 = arith.minsi %jit3A_679, %max3A_680 : i32
      %sub3A_682 = arith.subi %add3A_651, %min3A_681 : i32
      %multiple_of3A_683 = tpu.assume_multiple %min3A_681, 8 : i32
      %dma_start3A_684 = arith.constant 14568 : i32
      %dma_start3A_685 = tpu.memref_slice %arg5[%dma_start3A_684] : memref<16640xf32, #tpu.memory_space<vmem>> -> memref<2064xf32, #tpu.memory_space<vmem>>
      %dma_start3A_686 = tpu.memref_slice %arg2[%multiple_of3A_683] : memref<33550336xf32, #tpu.memory_space<hbm>> -> memref<2064xf32, #tpu.memory_space<hbm>>
      %dma_start3A_687 = arith.constant 14568 : i32
      %dma_start3A_688 = tpu.memref_slice %arg5[%dma_start3A_687] : memref<16640xf32, #tpu.memory_space<vmem>> -> memref<2064xf32, #tpu.memory_space<vmem>>
      %dma_start3A_689 = tpu.memref_slice %arg2[%multiple_of3A_683] : memref<33550336xf32, #tpu.memory_space<hbm>> -> memref<2064xf32, #tpu.memory_space<hbm>>
      tpu.enqueue_dma source(%dma_start3A_689 : memref<2064xf32, #tpu.memory_space<hbm>>) target(%dma_start3A_688 : memref<2064xf32, #tpu.memory_space<vmem>>) target_semaphore(%arg10 : memref<!tpu.dma_semaphore, #tpu.memory_space<semaphore_mem>>)
    } else {
    }
    %scan3A = arith.constant 0 : i32
    %scan3A_55 = arith.constant 0 : i32
    %scan3A_56 = arith.constant 64 : i32
    %scan3A_57 = arith.addi %scan3A_55, %scan3A_56 : i32
    %scan3A_58 = arith.constant 1 : i32
    scf.for %scan3A_77 = %scan3A_55 to %scan3A_57 step %scan3A_58  : i32 {
      %mul3A_78 = arith.constant 2 : i32
      %mul3A_79 = arith.muli %mul3A_78, %scan3A_77 : i32
      %gt3A = arith.constant 0 : i32
      %gt3A_80 = arith.cmpi sgt, %scan3A_77, %gt3A : i32
      %lt3A = arith.constant 63 : i32
      %lt3A_81 = arith.cmpi slt, %scan3A_77, %lt3A : i32
      %mul3A_82 = arith.constant 32 : i32
      %mul3A_83 = arith.muli %mul3A_79, %mul3A_82 : i32
      %add3A_84 = arith.addi %mul3A_83, %add3A : i32
      %and3A_85 = arith.constant 1023 : i32
      %and3A_86 = arith.andi %add3A_84, %and3A_85 : i32
      %shift_right_arithmetic3A_87 = arith.constant 10 : i32
      %shift_right_arithmetic3A_88 = arith.shrsi %add3A_84, %shift_right_arithmetic3A_87 : i32
      %add3A_89 = arith.constant 1 : i32
      %add3A_90 = arith.addi %shift_right_arithmetic3A_88, %add3A_89 : i32
      %mul3A_91 = arith.constant 2048 : i32
      %mul3A_92 = arith.muli %add3A_90, %mul3A_91 : i32
      %mul3A_93 = arith.constant 8 : i32
      %mul3A_94 = arith.muli %mul3A_93, %and3A_86 : i32
      %le3A_95 = arith.cmpi sle, %mul3A_92, %mul3A_94 : i32
      %not3A_96 = arith.constant true
      %not3A_97 = arith.xori %le3A_95, %not3A_96 : i1
      %mul3A_98 = arith.constant 2048 : i32
      %mul3A_99 = arith.muli %shift_right_arithmetic3A_88, %mul3A_98 : i32
      %mul3A_100 = arith.constant 8 : i32
      %mul3A_101 = arith.muli %mul3A_100, %and3A_86 : i32
      %add3A_102 = arith.constant 8 : i32
      %add3A_103 = arith.addi %mul3A_101, %add3A_102 : i32
      %ge3A = arith.cmpi sge, %mul3A_99, %add3A_103 : i32
      %convert_element_type3A_104 = arith.extui %not3A_97 : i1 to i32
      %cond3A_105 = arith.constant 0 : i32
      %cond3A_106 = arith.cmpi ne, %convert_element_type3A_104, %cond3A_105 : i32
      scf.if %cond3A_106 {
        %dma_wait3A_174 = arith.constant 0 : i32
        %dma_wait3A_175 = tpu.memref_slice %arg4[%dma_wait3A_174] : memref<16640xf32, #tpu.memory_space<vmem>> -> memref<16512xf32, #tpu.memory_space<vmem>>
        %dma_wait3A_176 = arith.constant 0 : i32
        %dma_wait3A_177 = tpu.memref_slice %arg2[%dma_wait3A_176] : memref<33550336xf32, #tpu.memory_space<hbm>> -> memref<16512xf32, #tpu.memory_space<hbm>>
        %dma_wait3A_178 = arith.constant 0 : i32
        %dma_wait3A_179 = tpu.memref_slice %arg4[%dma_wait3A_178] : memref<16640xf32, #tpu.memory_space<vmem>> -> memref<16512xf32, #tpu.memory_space<vmem>>
        %dma_wait3A_180 = arith.constant 0 : i32
        %dma_wait3A_181 = tpu.memref_slice %arg2[%dma_wait3A_180] : memref<33550336xf32, #tpu.memory_space<hbm>> -> memref<16512xf32, #tpu.memory_space<hbm>>
        tpu.wait_dma2 semaphore(%arg9 : memref<!tpu.dma_semaphore, #tpu.memory_space<semaphore_mem>>) src(%dma_wait3A_181 : memref<16512xf32, #tpu.memory_space<hbm>>) dst(%dma_wait3A_179 : memref<16512xf32, #tpu.memory_space<vmem>>)
      } else {
      }
      %convert_element_type3A_107 = arith.extui %gt3A_80 : i1 to i32
      %cond3A_108 = arith.constant 0 : i32
      %cond3A_109 = arith.cmpi ne, %convert_element_type3A_107, %cond3A_108 : i32
      scf.if %cond3A_109 {
        %dma_wait3A_174 = arith.constant 0 : i32
        %dma_wait3A_175 = arith.constant 0 : i32
        %dma_wait3A_176 = arith.constant 0 : i32
        %dma_wait3A_177 = tpu.memref_slice %arg3[%dma_wait3A_174, %dma_wait3A_175, %dma_wait3A_176] : memref<1024x8x8192xf32, #tpu.memory_space<hbm>> -> memref<1x8x2048xf32, #tpu.memory_space<hbm>>
        %dma_wait3A_178 = tpu.memref_squeeze %dma_wait3A_177 : memref<1x8x2048xf32, #tpu.memory_space<hbm>> -> memref<8x2048xf32, #tpu.memory_space<hbm>>
        %dma_wait3A_179 = arith.constant 0 : i32
        %dma_wait3A_180 = arith.constant 0 : i32
        %dma_wait3A_181 = tpu.memref_slice %arg3[%dma_wait3A_174, %dma_wait3A_179, %dma_wait3A_180] : memref<1024x8x8192xf32, #tpu.memory_space<hbm>> -> memref<1x8x2048xf32, #tpu.memory_space<hbm>>
        %dma_wait3A_182 = tpu.memref_squeeze %dma_wait3A_181 : memref<1x8x2048xf32, #tpu.memory_space<hbm>> -> memref<8x2048xf32, #tpu.memory_space<hbm>>
        tpu.wait_dma2 semaphore(%arg11 : memref<!tpu.dma_semaphore, #tpu.memory_space<semaphore_mem>>) src(%arg6 : memref<8x2048xf32, #tpu.memory_space<vmem>>) dst(%dma_wait3A_182 : memref<8x2048xf32, #tpu.memory_space<hbm>>)
      } else {
      }
      %convert_element_type3A_110 = arith.extui %not3A_97 : i1 to i32
      %cond3A_111 = arith.constant 0 : i32
      %cond3A_112 = arith.cmpi ne, %convert_element_type3A_110, %cond3A_111 : i32
      scf.if %cond3A_112 {
        %mul3A_174 = arith.constant 8 : i32
        %mul3A_175 = arith.muli %mul3A_174, %and3A_86 : i32
        %add3A_176 = arith.constant 0 : i32
        %add3A_177 = arith.addi %mul3A_175, %add3A_176 : i32
        %mul3A_178 = arith.constant 8191 : i32
        %mul3A_179 = arith.muli %add3A_177, %mul3A_178 : i32
        %sub3A = arith.constant 1 : i32
        %sub3A_180 = arith.subi %add3A_177, %sub3A : i32
        %mul3A_181 = arith.muli %add3A_177, %sub3A_180 : i32
        %jit3A = arith.constant 2 : i32
        %div3A = arith.divsi %mul3A_181, %jit3A : i32
        %sign3A = arith.constant 0 : i32
        %sign3A_182 = arith.cmpi sgt, %mul3A_181, %sign3A : i32
        %sign3A_183 = arith.extui %sign3A_182 : i1 to i32
        %sign3A_184 = arith.constant 0 : i32
        %sign3A_185 = arith.cmpi slt, %mul3A_181, %sign3A_184 : i32
        %sign3A_186 = arith.extui %sign3A_185 : i1 to i32
        %sign3A_187 = arith.subi %sign3A_183, %sign3A_186 : i32
        %sign3A_188 = arith.constant 0 : i32
        %sign3A_189 = arith.cmpi sgt, %jit3A, %sign3A_188 : i32
        %sign3A_190 = arith.extui %sign3A_189 : i1 to i32
        %sign3A_191 = arith.constant 0 : i32
        %sign3A_192 = arith.cmpi slt, %jit3A, %sign3A_191 : i32
        %sign3A_193 = arith.extui %sign3A_192 : i1 to i32
        %sign3A_194 = arith.subi %sign3A_190, %sign3A_193 : i32
        %ne3A = arith.cmpi ne, %sign3A_187, %sign3A_194 : i32
        %rem3A = arith.remsi %mul3A_181, %jit3A : i32
        %ne3A_195 = arith.constant 0 : i32
        %ne3A_196 = arith.cmpi ne, %rem3A, %ne3A_195 : i32
        %and3A_197 = arith.andi %ne3A, %ne3A_196 : i1
        %sub3A_198 = arith.constant 1 : i32
        %sub3A_199 = arith.subi %div3A, %sub3A_198 : i32
        %select_n3A = arith.select %and3A_197, %sub3A_199, %div3A : i32
        %sub3A_200 = arith.subi %mul3A_179, %select_n3A : i32
        %sub3A_201 = arith.subi %sub3A_200, %add3A_177 : i32
        %sub3A_202 = arith.constant 1 : i32
        %sub3A_203 = arith.subi %sub3A_201, %sub3A_202 : i32
        %mul3A_204 = arith.constant 2048 : i32
        %mul3A_205 = arith.muli %shift_right_arithmetic3A_88, %mul3A_204 : i32
        %add3A_206 = arith.addi %sub3A_203, %mul3A_205 : i32
        %jit3A_207 = arith.constant 8 : i32
        %div3A_208 = arith.divsi %add3A_206, %jit3A_207 : i32
        %sign3A_209 = arith.constant 0 : i32
        %sign3A_210 = arith.cmpi sgt, %add3A_206, %sign3A_209 : i32
        %sign3A_211 = arith.extui %sign3A_210 : i1 to i32
        %sign3A_212 = arith.constant 0 : i32
        %sign3A_213 = arith.cmpi slt, %add3A_206, %sign3A_212 : i32
        %sign3A_214 = arith.extui %sign3A_213 : i1 to i32
        %sign3A_215 = arith.subi %sign3A_211, %sign3A_214 : i32
        %sign3A_216 = arith.constant 0 : i32
        %sign3A_217 = arith.cmpi sgt, %jit3A_207, %sign3A_216 : i32
        %sign3A_218 = arith.extui %sign3A_217 : i1 to i32
        %sign3A_219 = arith.constant 0 : i32
        %sign3A_220 = arith.cmpi slt, %jit3A_207, %sign3A_219 : i32
        %sign3A_221 = arith.extui %sign3A_220 : i1 to i32
        %sign3A_222 = arith.subi %sign3A_218, %sign3A_221 : i32
        %ne3A_223 = arith.cmpi ne, %sign3A_215, %sign3A_222 : i32
        %rem3A_224 = arith.remsi %add3A_206, %jit3A_207 : i32
        %ne3A_225 = arith.constant 0 : i32
        %ne3A_226 = arith.cmpi ne, %rem3A_224, %ne3A_225 : i32
        %and3A_227 = arith.andi %ne3A_223, %ne3A_226 : i1
        %sub3A_228 = arith.constant 1 : i32
        %sub3A_229 = arith.subi %div3A_208, %sub3A_228 : i32
        %select_n3A_230 = arith.select %and3A_227, %sub3A_229, %div3A_208 : i32
        %mul3A_231 = arith.constant 8 : i32
        %mul3A_232 = arith.muli %select_n3A_230, %mul3A_231 : i32
        %jit3A_233 = arith.constant 0 : i32
        %jit3A_234 = arith.constant 33548272 : i32
        %max3A = arith.maxsi %jit3A_233, %mul3A_232 : i32
        %min3A = arith.minsi %jit3A_234, %max3A : i32
        %sub3A_235 = arith.subi %add3A_206, %min3A : i32
        %mul3A_236 = arith.constant 2048 : i32
        %mul3A_237 = arith.muli %shift_right_arithmetic3A_88, %mul3A_236 : i32
        %add3A_238 = vector.broadcast %mul3A_237 : i32 to vector<16xi32>
        %add3A_239 = arith.addi %add3A_238, %iota3A : vector<16xi32>
        %parallel_loop3A_240 = arith.constant 0 : i32
        %parallel_loop3A_241 = arith.constant 128 : i32
        %parallel_loop3A_242 = arith.constant 1 : i32
        scf.for %parallel_loop3A_789 = %parallel_loop3A_240 to %parallel_loop3A_241 step %parallel_loop3A_242  : i32 {
          %parallel_loop3A_790 = arith.constant 8 : i32
          %parallel_loop3A_791 = arith.addi %parallel_loop3A_790, %sub3A_235 : i32
          %parallel_loop3A_792 = arith.constant 16 : i32
          %parallel_loop3A_793 = arith.muli %parallel_loop3A_789, %parallel_loop3A_792 : i32
          %parallel_loop3A_794 = arith.addi %parallel_loop3A_791, %parallel_loop3A_793 : i32
          %parallel_loop3A_795 = arith.index_cast %parallel_loop3A_794 : i32 to index
          %parallel_loop3A_796 = tpu.vector_load %arg4[%parallel_loop3A_795] {strides = array<i32>} : memref<16640xf32, #tpu.memory_space<vmem>>, vector<16xf32>,
          %parallel_loop3A_797 = vector.shape_cast %parallel_loop3A_796 : vector<16xf32> to vector<16xf32>
          %parallel_loop3A_798 = arith.constant 16 : i32
          %parallel_loop3A_799 = arith.muli %parallel_loop3A_789, %parallel_loop3A_798 : i32
          %parallel_loop3A_800 = vector.broadcast %parallel_loop3A_799 : i32 to vector<16xi32>
          %parallel_loop3A_801 = arith.addi %add3A_239, %parallel_loop3A_800 : vector<16xi32>
          %parallel_loop3A_802 = vector.broadcast %add3A_177 : i32 to vector<16xi32>
          %parallel_loop3A_803 = arith.cmpi sle, %parallel_loop3A_801, %parallel_loop3A_802 : vector<16xi32>
          %parallel_loop3A_804 = arith.constant 0.000000e+00 : f32
          %parallel_loop3A_805 = vector.broadcast %parallel_loop3A_804 : f32 to vector<16xf32>
          %parallel_loop3A_806 = arith.select %parallel_loop3A_803, %parallel_loop3A_805, %parallel_loop3A_797 : vector<16xi1>, vector<16xf32>
          %parallel_loop3A_807 = arith.constant 16 : i32
          %parallel_loop3A_808 = arith.muli %parallel_loop3A_789, %parallel_loop3A_807 : i32
          %parallel_loop3A_809 = arith.constant 0 : i32
          %parallel_loop3A_810 = arith.index_cast %parallel_loop3A_809 : i32 to index
          %parallel_loop3A_811 = arith.index_cast %parallel_loop3A_808 : i32 to index
          %parallel_loop3A_812 = tpu.vector_load %arg6[%parallel_loop3A_810, %parallel_loop3A_811] {strides = array<i32>} : memref<8x2048xf32, #tpu.memory_space<vmem>>, vector<1x16xf32>,
          %parallel_loop3A_813 = vector.shape_cast %parallel_loop3A_812 : vector<1x16xf32> to vector<16xf32>
          %parallel_loop3A_814 = vector.shape_cast %parallel_loop3A_806 : vector<16xf32> to vector<1x16xf32>
          tpu.vector_store %arg6[%parallel_loop3A_810, %parallel_loop3A_811], %parallel_loop3A_814 {strides = array<i32>} : memref<8x2048xf32, #tpu.memory_space<vmem>>, vector<1x16xf32>,
        } {sc.loop_unroll_factor = 8 : i64, sc.parallel_access}
        %mul3A_243 = arith.constant 8 : i32
        %mul3A_244 = arith.muli %mul3A_243, %and3A_86 : i32
        %add3A_245 = arith.constant 1 : i32
        %add3A_246 = arith.addi %mul3A_244, %add3A_245 : i32
        %mul3A_247 = arith.constant 8191 : i32
        %mul3A_248 = arith.muli %add3A_246, %mul3A_247 : i32
        %sub3A_249 = arith.constant 1 : i32
        %sub3A_250 = arith.subi %add3A_246, %sub3A_249 : i32
        %mul3A_251 = arith.muli %add3A_246, %sub3A_250 : i32
        %jit3A_252 = arith.constant 2 : i32
        %div3A_253 = arith.divsi %mul3A_251, %jit3A_252 : i32
        %sign3A_254 = arith.constant 0 : i32
        %sign3A_255 = arith.cmpi sgt, %mul3A_251, %sign3A_254 : i32
        %sign3A_256 = arith.extui %sign3A_255 : i1 to i32
        %sign3A_257 = arith.constant 0 : i32
        %sign3A_258 = arith.cmpi slt, %mul3A_251, %sign3A_257 : i32
        %sign3A_259 = arith.extui %sign3A_258 : i1 to i32
        %sign3A_260 = arith.subi %sign3A_256, %sign3A_259 : i32
        %sign3A_261 = arith.constant 0 : i32
        %sign3A_262 = arith.cmpi sgt, %jit3A_252, %sign3A_261 : i32
        %sign3A_263 = arith.extui %sign3A_262 : i1 to i32
        %sign3A_264 = arith.constant 0 : i32
        %sign3A_265 = arith.cmpi slt, %jit3A_252, %sign3A_264 : i32
        %sign3A_266 = arith.extui %sign3A_265 : i1 to i32
        %sign3A_267 = arith.subi %sign3A_263, %sign3A_266 : i32
        %ne3A_268 = arith.cmpi ne, %sign3A_260, %sign3A_267 : i32
        %rem3A_269 = arith.remsi %mul3A_251, %jit3A_252 : i32
        %ne3A_270 = arith.constant 0 : i32
        %ne3A_271 = arith.cmpi ne, %rem3A_269, %ne3A_270 : i32
        %and3A_272 = arith.andi %ne3A_268, %ne3A_271 : i1
        %sub3A_273 = arith.constant 1 : i32
        %sub3A_274 = arith.subi %div3A_253, %sub3A_273 : i32
        %select_n3A_275 = arith.select %and3A_272, %sub3A_274, %div3A_253 : i32
        %sub3A_276 = arith.subi %mul3A_248, %select_n3A_275 : i32
        %sub3A_277 = arith.subi %sub3A_276, %add3A_246 : i32
        %sub3A_278 = arith.constant 1 : i32
        %sub3A_279 = arith.subi %sub3A_277, %sub3A_278 : i32
        %mul3A_280 = arith.constant 2048 : i32
        %mul3A_281 = arith.muli %shift_right_arithmetic3A_88, %mul3A_280 : i32
        %add3A_282 = arith.addi %sub3A_279, %mul3A_281 : i32
        %jit3A_283 = arith.constant 8 : i32
        %div3A_284 = arith.divsi %add3A_282, %jit3A_283 : i32
        %sign3A_285 = arith.constant 0 : i32
        %sign3A_286 = arith.cmpi sgt, %add3A_282, %sign3A_285 : i32
        %sign3A_287 = arith.extui %sign3A_286 : i1 to i32
        %sign3A_288 = arith.constant 0 : i32
        %sign3A_289 = arith.cmpi slt, %add3A_282, %sign3A_288 : i32
        %sign3A_290 = arith.extui %sign3A_289 : i1 to i32
        %sign3A_291 = arith.subi %sign3A_287, %sign3A_290 : i32
        %sign3A_292 = arith.constant 0 : i32
        %sign3A_293 = arith.cmpi sgt, %jit3A_283, %sign3A_292 : i32
        %sign3A_294 = arith.extui %sign3A_293 : i1 to i32
        %sign3A_295 = arith.constant 0 : i32
        %sign3A_296 = arith.cmpi slt, %jit3A_283, %sign3A_295 : i32
        %sign3A_297 = arith.extui %sign3A_296 : i1 to i32
        %sign3A_298 = arith.subi %sign3A_294, %sign3A_297 : i32
        %ne3A_299 = arith.cmpi ne, %sign3A_291, %sign3A_298 : i32
        %rem3A_300 = arith.remsi %add3A_282, %jit3A_283 : i32
        %ne3A_301 = arith.constant 0 : i32
        %ne3A_302 = arith.cmpi ne, %rem3A_300, %ne3A_301 : i32
        %and3A_303 = arith.andi %ne3A_299, %ne3A_302 : i1
        %sub3A_304 = arith.constant 1 : i32
        %sub3A_305 = arith.subi %div3A_284, %sub3A_304 : i32
        %select_n3A_306 = arith.select %and3A_303, %sub3A_305, %div3A_284 : i32
        %mul3A_307 = arith.constant 8 : i32
        %mul3A_308 = arith.muli %select_n3A_306, %mul3A_307 : i32
        %jit3A_309 = arith.constant 0 : i32
        %jit3A_310 = arith.constant 33548272 : i32
        %max3A_311 = arith.maxsi %jit3A_309, %mul3A_308 : i32
        %min3A_312 = arith.minsi %jit3A_310, %max3A_311 : i32
        %sub3A_313 = arith.subi %add3A_282, %min3A_312 : i32
        %mul3A_314 = arith.constant 2048 : i32
        %mul3A_315 = arith.muli %shift_right_arithmetic3A_88, %mul3A_314 : i32
        %add3A_316 = vector.broadcast %mul3A_315 : i32 to vector<16xi32>
        %add3A_317 = arith.addi %add3A_316, %iota3A : vector<16xi32>
        %parallel_loop3A_318 = arith.constant 0 : i32
        %parallel_loop3A_319 = arith.constant 128 : i32
        %parallel_loop3A_320 = arith.constant 1 : i32
        scf.for %parallel_loop3A_789 = %parallel_loop3A_318 to %parallel_loop3A_319 step %parallel_loop3A_320  : i32 {
          %parallel_loop3A_790 = arith.constant 2088 : i32
          %parallel_loop3A_791 = arith.addi %parallel_loop3A_790, %sub3A_313 : i32
          %parallel_loop3A_792 = arith.constant 16 : i32
          %parallel_loop3A_793 = arith.muli %parallel_loop3A_789, %parallel_loop3A_792 : i32
          %parallel_loop3A_794 = arith.addi %parallel_loop3A_791, %parallel_loop3A_793 : i32
          %parallel_loop3A_795 = arith.index_cast %parallel_loop3A_794 : i32 to index
          %parallel_loop3A_796 = tpu.vector_load %arg4[%parallel_loop3A_795] {strides = array<i32>} : memref<16640xf32, #tpu.memory_space<vmem>>, vector<16xf32>,
          %parallel_loop3A_797 = vector.shape_cast %parallel_loop3A_796 : vector<16xf32> to vector<16xf32>
          %parallel_loop3A_798 = arith.constant 16 : i32
          %parallel_loop3A_799 = arith.muli %parallel_loop3A_789, %parallel_loop3A_798 : i32
          %parallel_loop3A_800 = vector.broadcast %parallel_loop3A_799 : i32 to vector<16xi32>
          %parallel_loop3A_801 = arith.addi %add3A_317, %parallel_loop3A_800 : vector<16xi32>
          %parallel_loop3A_802 = vector.broadcast %add3A_246 : i32 to vector<16xi32>
          %parallel_loop3A_803 = arith.cmpi sle, %parallel_loop3A_801, %parallel_loop3A_802 : vector<16xi32>
          %parallel_loop3A_804 = arith.constant 0.000000e+00 : f32
          %parallel_loop3A_805 = vector.broadcast %parallel_loop3A_804 : f32 to vector<16xf32>
          %parallel_loop3A_806 = arith.select %parallel_loop3A_803, %parallel_loop3A_805, %parallel_loop3A_797 : vector<16xi1>, vector<16xf32>
          %parallel_loop3A_807 = arith.constant 16 : i32
          %parallel_loop3A_808 = arith.muli %parallel_loop3A_789, %parallel_loop3A_807 : i32
          %parallel_loop3A_809 = arith.constant 1 : i32
          %parallel_loop3A_810 = arith.index_cast %parallel_loop3A_809 : i32 to index
          %parallel_loop3A_811 = arith.index_cast %parallel_loop3A_808 : i32 to index
          %parallel_loop3A_812 = tpu.vector_load %arg6[%parallel_loop3A_810, %parallel_loop3A_811] {strides = array<i32>} : memref<8x2048xf32, #tpu.memory_space<vmem>>, vector<1x16xf32>,
          %parallel_loop3A_813 = vector.shape_cast %parallel_loop3A_812 : vector<1x16xf32> to vector<16xf32>
          %parallel_loop3A_814 = vector.shape_cast %parallel_loop3A_806 : vector<16xf32> to vector<1x16xf32>
          tpu.vector_store %arg6[%parallel_loop3A_810, %parallel_loop3A_811], %parallel_loop3A_814 {strides = array<i32>} : memref<8x2048xf32, #tpu.memory_space<vmem>>, vector<1x16xf32>,
        } {sc.loop_unroll_factor = 8 : i64, sc.parallel_access}
        %mul3A_321 = arith.constant 8 : i32
        %mul3A_322 = arith.muli %mul3A_321, %and3A_86 : i32
        %add3A_323 = arith.constant 2 : i32
        %add3A_324 = arith.addi %mul3A_322, %add3A_323 : i32
        %mul3A_325 = arith.constant 8191 : i32
        %mul3A_326 = arith.muli %add3A_324, %mul3A_325 : i32
        %sub3A_327 = arith.constant 1 : i32
        %sub3A_328 = arith.subi %add3A_324, %sub3A_327 : i32
        %mul3A_329 = arith.muli %add3A_324, %sub3A_328 : i32
        %jit3A_330 = arith.constant 2 : i32
        %div3A_331 = arith.divsi %mul3A_329, %jit3A_330 : i32
        %sign3A_332 = arith.constant 0 : i32
        %sign3A_333 = arith.cmpi sgt, %mul3A_329, %sign3A_332 : i32
        %sign3A_334 = arith.extui %sign3A_333 : i1 to i32
        %sign3A_335 = arith.constant 0 : i32
        %sign3A_336 = arith.cmpi slt, %mul3A_329, %sign3A_335 : i32
        %sign3A_337 = arith.extui %sign3A_336 : i1 to i32
        %sign3A_338 = arith.subi %sign3A_334, %sign3A_337 : i32
        %sign3A_339 = arith.constant 0 : i32
        %sign3A_340 = arith.cmpi sgt, %jit3A_330, %sign3A_339 : i32
        %sign3A_341 = arith.extui %sign3A_340 : i1 to i32
        %sign3A_342 = arith.constant 0 : i32
        %sign3A_343 = arith.cmpi slt, %jit3A_330, %sign3A_342 : i32
        %sign3A_344 = arith.extui %sign3A_343 : i1 to i32
        %sign3A_345 = arith.subi %sign3A_341, %sign3A_344 : i32
        %ne3A_346 = arith.cmpi ne, %sign3A_338, %sign3A_345 : i32
        %rem3A_347 = arith.remsi %mul3A_329, %jit3A_330 : i32
        %ne3A_348 = arith.constant 0 : i32
        %ne3A_349 = arith.cmpi ne, %rem3A_347, %ne3A_348 : i32
        %and3A_350 = arith.andi %ne3A_346, %ne3A_349 : i1
        %sub3A_351 = arith.constant 1 : i32
        %sub3A_352 = arith.subi %div3A_331, %sub3A_351 : i32
        %select_n3A_353 = arith.select %and3A_350, %sub3A_352, %div3A_331 : i32
        %sub3A_354 = arith.subi %mul3A_326, %select_n3A_353 : i32
        %sub3A_355 = arith.subi %sub3A_354, %add3A_324 : i32
        %sub3A_356 = arith.constant 1 : i32
        %sub3A_357 = arith.subi %sub3A_355, %sub3A_356 : i32
        %mul3A_358 = arith.constant 2048 : i32
        %mul3A_359 = arith.muli %shift_right_arithmetic3A_88, %mul3A_358 : i32
        %add3A_360 = arith.addi %sub3A_357, %mul3A_359 : i32
        %jit3A_361 = arith.constant 8 : i32
        %div3A_362 = arith.divsi %add3A_360, %jit3A_361 : i32
        %sign3A_363 = arith.constant 0 : i32
        %sign3A_364 = arith.cmpi sgt, %add3A_360, %sign3A_363 : i32
        %sign3A_365 = arith.extui %sign3A_364 : i1 to i32
        %sign3A_366 = arith.constant 0 : i32
        %sign3A_367 = arith.cmpi slt, %add3A_360, %sign3A_366 : i32
        %sign3A_368 = arith.extui %sign3A_367 : i1 to i32
        %sign3A_369 = arith.subi %sign3A_365, %sign3A_368 : i32
        %sign3A_370 = arith.constant 0 : i32
        %sign3A_371 = arith.cmpi sgt, %jit3A_361, %sign3A_370 : i32
        %sign3A_372 = arith.extui %sign3A_371 : i1 to i32
        %sign3A_373 = arith.constant 0 : i32
        %sign3A_374 = arith.cmpi slt, %jit3A_361, %sign3A_373 : i32
        %sign3A_375 = arith.extui %sign3A_374 : i1 to i32
        %sign3A_376 = arith.subi %sign3A_372, %sign3A_375 : i32
        %ne3A_377 = arith.cmpi ne, %sign3A_369, %sign3A_376 : i32
        %rem3A_378 = arith.remsi %add3A_360, %jit3A_361 : i32
        %ne3A_379 = arith.constant 0 : i32
        %ne3A_380 = arith.cmpi ne, %rem3A_378, %ne3A_379 : i32
        %and3A_381 = arith.andi %ne3A_377, %ne3A_380 : i1
        %sub3A_382 = arith.constant 1 : i32
        %sub3A_383 = arith.subi %div3A_362, %sub3A_382 : i32
        %select_n3A_384 = arith.select %and3A_381, %sub3A_383, %div3A_362 : i32
        %mul3A_385 = arith.constant 8 : i32
        %mul3A_386 = arith.muli %select_n3A_384, %mul3A_385 : i32
        %jit3A_387 = arith.constant 0 : i32
        %jit3A_388 = arith.constant 33548272 : i32
        %max3A_389 = arith.maxsi %jit3A_387, %mul3A_386 : i32
        %min3A_390 = arith.minsi %jit3A_388, %max3A_389 : i32
        %sub3A_391 = arith.subi %add3A_360, %min3A_390 : i32
        %mul3A_392 = arith.constant 2048 : i32
        %mul3A_393 = arith.muli %shift_right_arithmetic3A_88, %mul3A_392 : i32
        %add3A_394 = vector.broadcast %mul3A_393 : i32 to vector<16xi32>
        %add3A_395 = arith.addi %add3A_394, %iota3A : vector<16xi32>
        %parallel_loop3A_396 = arith.constant 0 : i32
        %parallel_loop3A_397 = arith.constant 128 : i32
        %parallel_loop3A_398 = arith.constant 1 : i32
        scf.for %parallel_loop3A_789 = %parallel_loop3A_396 to %parallel_loop3A_397 step %parallel_loop3A_398  : i32 {
          %parallel_loop3A_790 = arith.constant 4168 : i32
          %parallel_loop3A_791 = arith.addi %parallel_loop3A_790, %sub3A_391 : i32
          %parallel_loop3A_792 = arith.constant 16 : i32
          %parallel_loop3A_793 = arith.muli %parallel_loop3A_789, %parallel_loop3A_792 : i32
          %parallel_loop3A_794 = arith.addi %parallel_loop3A_791, %parallel_loop3A_793 : i32
          %parallel_loop3A_795 = arith.index_cast %parallel_loop3A_794 : i32 to index
          %parallel_loop3A_796 = tpu.vector_load %arg4[%parallel_loop3A_795] {strides = array<i32>} : memref<16640xf32, #tpu.memory_space<vmem>>, vector<16xf32>,
          %parallel_loop3A_797 = vector.shape_cast %parallel_loop3A_796 : vector<16xf32> to vector<16xf32>
          %parallel_loop3A_798 = arith.constant 16 : i32
          %parallel_loop3A_799 = arith.muli %parallel_loop3A_789, %parallel_loop3A_798 : i32
          %parallel_loop3A_800 = vector.broadcast %parallel_loop3A_799 : i32 to vector<16xi32>
          %parallel_loop3A_801 = arith.addi %add3A_395, %parallel_loop3A_800 : vector<16xi32>
          %parallel_loop3A_802 = vector.broadcast %add3A_324 : i32 to vector<16xi32>
          %parallel_loop3A_803 = arith.cmpi sle, %parallel_loop3A_801, %parallel_loop3A_802 : vector<16xi32>
          %parallel_loop3A_804 = arith.constant 0.000000e+00 : f32
          %parallel_loop3A_805 = vector.broadcast %parallel_loop3A_804 : f32 to vector<16xf32>
          %parallel_loop3A_806 = arith.select %parallel_loop3A_803, %parallel_loop3A_805, %parallel_loop3A_797 : vector<16xi1>, vector<16xf32>
          %parallel_loop3A_807 = arith.constant 16 : i32
          %parallel_loop3A_808 = arith.muli %parallel_loop3A_789, %parallel_loop3A_807 : i32
          %parallel_loop3A_809 = arith.constant 2 : i32
          %parallel_loop3A_810 = arith.index_cast %parallel_loop3A_809 : i32 to index
          %parallel_loop3A_811 = arith.index_cast %parallel_loop3A_808 : i32 to index
          %parallel_loop3A_812 = tpu.vector_load %arg6[%parallel_loop3A_810, %parallel_loop3A_811] {strides = array<i32>} : memref<8x2048xf32, #tpu.memory_space<vmem>>, vector<1x16xf32>,
          %parallel_loop3A_813 = vector.shape_cast %parallel_loop3A_812 : vector<1x16xf32> to vector<16xf32>
          %parallel_loop3A_814 = vector.shape_cast %parallel_loop3A_806 : vector<16xf32> to vector<1x16xf32>
          tpu.vector_store %arg6[%parallel_loop3A_810, %parallel_loop3A_811], %parallel_loop3A_814 {strides = array<i32>} : memref<8x2048xf32, #tpu.memory_space<vmem>>, vector<1x16xf32>,
        } {sc.loop_unroll_factor = 8 : i64, sc.parallel_access}
        %mul3A_399 = arith.constant 8 : i32
        %mul3A_400 = arith.muli %mul3A_399, %and3A_86 : i32
        %add3A_401 = arith.constant 3 : i32
        %add3A_402 = arith.addi %mul3A_400, %add3A_401 : i32
        %mul3A_403 = arith.constant 8191 : i32
        %mul3A_404 = arith.muli %add3A_402, %mul3A_403 : i32
        %sub3A_405 = arith.constant 1 : i32
        %sub3A_406 = arith.subi %add3A_402, %sub3A_405 : i32
        %mul3A_407 = arith.muli %add3A_402, %sub3A_406 : i32
        %jit3A_408 = arith.constant 2 : i32
        %div3A_409 = arith.divsi %mul3A_407, %jit3A_408 : i32
        %sign3A_410 = arith.constant 0 : i32
        %sign3A_411 = arith.cmpi sgt, %mul3A_407, %sign3A_410 : i32
        %sign3A_412 = arith.extui %sign3A_411 : i1 to i32
        %sign3A_413 = arith.constant 0 : i32
        %sign3A_414 = arith.cmpi slt, %mul3A_407, %sign3A_413 : i32
        %sign3A_415 = arith.extui %sign3A_414 : i1 to i32
        %sign3A_416 = arith.subi %sign3A_412, %sign3A_415 : i32
        %sign3A_417 = arith.constant 0 : i32
        %sign3A_418 = arith.cmpi sgt, %jit3A_408, %sign3A_417 : i32
        %sign3A_419 = arith.extui %sign3A_418 : i1 to i32
        %sign3A_420 = arith.constant 0 : i32
        %sign3A_421 = arith.cmpi slt, %jit3A_408, %sign3A_420 : i32
        %sign3A_422 = arith.extui %sign3A_421 : i1 to i32
        %sign3A_423 = arith.subi %sign3A_419, %sign3A_422 : i32
        %ne3A_424 = arith.cmpi ne, %sign3A_416, %sign3A_423 : i32
        %rem3A_425 = arith.remsi %mul3A_407, %jit3A_408 : i32
        %ne3A_426 = arith.constant 0 : i32
        %ne3A_427 = arith.cmpi ne, %rem3A_425, %ne3A_426 : i32
        %and3A_428 = arith.andi %ne3A_424, %ne3A_427 : i1
        %sub3A_429 = arith.constant 1 : i32
        %sub3A_430 = arith.subi %div3A_409, %sub3A_429 : i32
        %select_n3A_431 = arith.select %and3A_428, %sub3A_430, %div3A_409 : i32
        %sub3A_432 = arith.subi %mul3A_404, %select_n3A_431 : i32
        %sub3A_433 = arith.subi %sub3A_432, %add3A_402 : i32
        %sub3A_434 = arith.constant 1 : i32
        %sub3A_435 = arith.subi %sub3A_433, %sub3A_434 : i32
        %mul3A_436 = arith.constant 2048 : i32
        %mul3A_437 = arith.muli %shift_right_arithmetic3A_88, %mul3A_436 : i32
        %add3A_438 = arith.addi %sub3A_435, %mul3A_437 : i32
        %jit3A_439 = arith.constant 8 : i32
        %div3A_440 = arith.divsi %add3A_438, %jit3A_439 : i32
        %sign3A_441 = arith.constant 0 : i32
        %sign3A_442 = arith.cmpi sgt, %add3A_438, %sign3A_441 : i32
        %sign3A_443 = arith.extui %sign3A_442 : i1 to i32
        %sign3A_444 = arith.constant 0 : i32
        %sign3A_445 = arith.cmpi slt, %add3A_438, %sign3A_444 : i32
        %sign3A_446 = arith.extui %sign3A_445 : i1 to i32
        %sign3A_447 = arith.subi %sign3A_443, %sign3A_446 : i32
        %sign3A_448 = arith.constant 0 : i32
        %sign3A_449 = arith.cmpi sgt, %jit3A_439, %sign3A_448 : i32
        %sign3A_450 = arith.extui %sign3A_449 : i1 to i32
        %sign3A_451 = arith.constant 0 : i32
        %sign3A_452 = arith.cmpi slt, %jit3A_439, %sign3A_451 : i32
        %sign3A_453 = arith.extui %sign3A_452 : i1 to i32
        %sign3A_454 = arith.subi %sign3A_450, %sign3A_453 : i32
        %ne3A_455 = arith.cmpi ne, %sign3A_447, %sign3A_454 : i32
        %rem3A_456 = arith.remsi %add3A_438, %jit3A_439 : i32
        %ne3A_457 = arith.constant 0 : i32
        %ne3A_458 = arith.cmpi ne, %rem3A_456, %ne3A_457 : i32
        %and3A_459 = arith.andi %ne3A_455, %ne3A_458 : i1
        %sub3A_460 = arith.constant 1 : i32
        %sub3A_461 = arith.subi %div3A_440, %sub3A_460 : i32
        %select_n3A_462 = arith.select %and3A_459, %sub3A_461, %div3A_440 : i32
        %mul3A_463 = arith.constant 8 : i32
        %mul3A_464 = arith.muli %select_n3A_462, %mul3A_463 : i32
        %jit3A_465 = arith.constant 0 : i32
        %jit3A_466 = arith.constant 33548272 : i32
        %max3A_467 = arith.maxsi %jit3A_465, %mul3A_464 : i32
        %min3A_468 = arith.minsi %jit3A_466, %max3A_467 : i32
        %sub3A_469 = arith.subi %add3A_438, %min3A_468 : i32
        %mul3A_470 = arith.constant 2048 : i32
        %mul3A_471 = arith.muli %shift_right_arithmetic3A_88, %mul3A_470 : i32
        %add3A_472 = vector.broadcast %mul3A_471 : i32 to vector<16xi32>
        %add3A_473 = arith.addi %add3A_472, %iota3A : vector<16xi32>
        %parallel_loop3A_474 = arith.constant 0 : i32
        %parallel_loop3A_475 = arith.constant 128 : i32
        %parallel_loop3A_476 = arith.constant 1 : i32
        scf.for %parallel_loop3A_789 = %parallel_loop3A_474 to %parallel_loop3A_475 step %parallel_loop3A_476  : i32 {
          %parallel_loop3A_790 = arith.constant 6248 : i32
          %parallel_loop3A_791 = arith.addi %parallel_loop3A_790, %sub3A_469 : i32
          %parallel_loop3A_792 = arith.constant 16 : i32
          %parallel_loop3A_793 = arith.muli %parallel_loop3A_789, %parallel_loop3A_792 : i32
          %parallel_loop3A_794 = arith.addi %parallel_loop3A_791, %parallel_loop3A_793 : i32
          %parallel_loop3A_795 = arith.index_cast %parallel_loop3A_794 : i32 to index
          %parallel_loop3A_796 = tpu.vector_load %arg4[%parallel_loop3A_795] {strides = array<i32>} : memref<16640xf32, #tpu.memory_space<vmem>>, vector<16xf32>,
          %parallel_loop3A_797 = vector.shape_cast %parallel_loop3A_796 : vector<16xf32> to vector<16xf32>
          %parallel_loop3A_798 = arith.constant 16 : i32
          %parallel_loop3A_799 = arith.muli %parallel_loop3A_789, %parallel_loop3A_798 : i32
          %parallel_loop3A_800 = vector.broadcast %parallel_loop3A_799 : i32 to vector<16xi32>
          %parallel_loop3A_801 = arith.addi %add3A_473, %parallel_loop3A_800 : vector<16xi32>
          %parallel_loop3A_802 = vector.broadcast %add3A_402 : i32 to vector<16xi32>
          %parallel_loop3A_803 = arith.cmpi sle, %parallel_loop3A_801, %parallel_loop3A_802 : vector<16xi32>
          %parallel_loop3A_804 = arith.constant 0.000000e+00 : f32
          %parallel_loop3A_805 = vector.broadcast %parallel_loop3A_804 : f32 to vector<16xf32>
          %parallel_loop3A_806 = arith.select %parallel_loop3A_803, %parallel_loop3A_805, %parallel_loop3A_797 : vector<16xi1>, vector<16xf32>
          %parallel_loop3A_807 = arith.constant 16 : i32
          %parallel_loop3A_808 = arith.muli %parallel_loop3A_789, %parallel_loop3A_807 : i32
          %parallel_loop3A_809 = arith.constant 3 : i32
          %parallel_loop3A_810 = arith.index_cast %parallel_loop3A_809 : i32 to index
          %parallel_loop3A_811 = arith.index_cast %parallel_loop3A_808 : i32 to index
          %parallel_loop3A_812 = tpu.vector_load %arg6[%parallel_loop3A_810, %parallel_loop3A_811] {strides = array<i32>} : memref<8x2048xf32, #tpu.memory_space<vmem>>, vector<1x16xf32>,
          %parallel_loop3A_813 = vector.shape_cast %parallel_loop3A_812 : vector<1x16xf32> to vector<16xf32>
          %parallel_loop3A_814 = vector.shape_cast %parallel_loop3A_806 : vector<16xf32> to vector<1x16xf32>
          tpu.vector_store %arg6[%parallel_loop3A_810, %parallel_loop3A_811], %parallel_loop3A_814 {strides = array<i32>} : memref<8x2048xf32, #tpu.memory_space<vmem>>, vector<1x16xf32>,
        } {sc.loop_unroll_factor = 8 : i64, sc.parallel_access}
        %mul3A_477 = arith.constant 8 : i32
        %mul3A_478 = arith.muli %mul3A_477, %and3A_86 : i32
        %add3A_479 = arith.constant 4 : i32
        %add3A_480 = arith.addi %mul3A_478, %add3A_479 : i32
        %mul3A_481 = arith.constant 8191 : i32
        %mul3A_482 = arith.muli %add3A_480, %mul3A_481 : i32
        %sub3A_483 = arith.constant 1 : i32
        %sub3A_484 = arith.subi %add3A_480, %sub3A_483 : i32
        %mul3A_485 = arith.muli %add3A_480, %sub3A_484 : i32
        %jit3A_486 = arith.constant 2 : i32
        %div3A_487 = arith.divsi %mul3A_485, %jit3A_486 : i32
        %sign3A_488 = arith.constant 0 : i32
        %sign3A_489 = arith.cmpi sgt, %mul3A_485, %sign3A_488 : i32
        %sign3A_490 = arith.extui %sign3A_489 : i1 to i32
        %sign3A_491 = arith.constant 0 : i32
        %sign3A_492 = arith.cmpi slt, %mul3A_485, %sign3A_491 : i32
        %sign3A_493 = arith.extui %sign3A_492 : i1 to i32
        %sign3A_494 = arith.subi %sign3A_490, %sign3A_493 : i32
        %sign3A_495 = arith.constant 0 : i32
        %sign3A_496 = arith.cmpi sgt, %jit3A_486, %sign3A_495 : i32
        %sign3A_497 = arith.extui %sign3A_496 : i1 to i32
        %sign3A_498 = arith.constant 0 : i32
        %sign3A_499 = arith.cmpi slt, %jit3A_486, %sign3A_498 : i32
        %sign3A_500 = arith.extui %sign3A_499 : i1 to i32
        %sign3A_501 = arith.subi %sign3A_497, %sign3A_500 : i32
        %ne3A_502 = arith.cmpi ne, %sign3A_494, %sign3A_501 : i32
        %rem3A_503 = arith.remsi %mul3A_485, %jit3A_486 : i32
        %ne3A_504 = arith.constant 0 : i32
        %ne3A_505 = arith.cmpi ne, %rem3A_503, %ne3A_504 : i32
        %and3A_506 = arith.andi %ne3A_502, %ne3A_505 : i1
        %sub3A_507 = arith.constant 1 : i32
        %sub3A_508 = arith.subi %div3A_487, %sub3A_507 : i32
        %select_n3A_509 = arith.select %and3A_506, %sub3A_508, %div3A_487 : i32
        %sub3A_510 = arith.subi %mul3A_482, %select_n3A_509 : i32
        %sub3A_511 = arith.subi %sub3A_510, %add3A_480 : i32
        %sub3A_512 = arith.constant 1 : i32
        %sub3A_513 = arith.subi %sub3A_511, %sub3A_512 : i32
        %mul3A_514 = arith.constant 2048 : i32
        %mul3A_515 = arith.muli %shift_right_arithmetic3A_88, %mul3A_514 : i32
        %add3A_516 = arith.addi %sub3A_513, %mul3A_515 : i32
        %jit3A_517 = arith.constant 8 : i32
        %div3A_518 = arith.divsi %add3A_516, %jit3A_517 : i32
        %sign3A_519 = arith.constant 0 : i32
        %sign3A_520 = arith.cmpi sgt, %add3A_516, %sign3A_519 : i32
        %sign3A_521 = arith.extui %sign3A_520 : i1 to i32
        %sign3A_522 = arith.constant 0 : i32
        %sign3A_523 = arith.cmpi slt, %add3A_516, %sign3A_522 : i32
        %sign3A_524 = arith.extui %sign3A_523 : i1 to i32
        %sign3A_525 = arith.subi %sign3A_521, %sign3A_524 : i32
        %sign3A_526 = arith.constant 0 : i32
        %sign3A_527 = arith.cmpi sgt, %jit3A_517, %sign3A_526 : i32
        %sign3A_528 = arith.extui %sign3A_527 : i1 to i32
        %sign3A_529 = arith.constant 0 : i32
        %sign3A_530 = arith.cmpi slt, %jit3A_517, %sign3A_529 : i32
        %sign3A_531 = arith.extui %sign3A_530 : i1 to i32
        %sign3A_532 = arith.subi %sign3A_528, %sign3A_531 : i32
        %ne3A_533 = arith.cmpi ne, %sign3A_525, %sign3A_532 : i32
        %rem3A_534 = arith.remsi %add3A_516, %jit3A_517 : i32
        %ne3A_535 = arith.constant 0 : i32
        %ne3A_536 = arith.cmpi ne, %rem3A_534, %ne3A_535 : i32
        %and3A_537 = arith.andi %ne3A_533, %ne3A_536 : i1
        %sub3A_538 = arith.constant 1 : i32
        %sub3A_539 = arith.subi %div3A_518, %sub3A_538 : i32
        %select_n3A_540 = arith.select %and3A_537, %sub3A_539, %div3A_518 : i32
        %mul3A_541 = arith.constant 8 : i32
        %mul3A_542 = arith.muli %select_n3A_540, %mul3A_541 : i32
        %jit3A_543 = arith.constant 0 : i32
        %jit3A_544 = arith.constant 33548272 : i32
        %max3A_545 = arith.maxsi %jit3A_543, %mul3A_542 : i32
        %min3A_546 = arith.minsi %jit3A_544, %max3A_545 : i32
        %sub3A_547 = arith.subi %add3A_516, %min3A_546 : i32
        %mul3A_548 = arith.constant 2048 : i32
        %mul3A_549 = arith.muli %shift_right_arithmetic3A_88, %mul3A_548 : i32
        %add3A_550 = vector.broadcast %mul3A_549 : i32 to vector<16xi32>
        %add3A_551 = arith.addi %add3A_550, %iota3A : vector<16xi32>
        %parallel_loop3A_552 = arith.constant 0 : i32
        %parallel_loop3A_553 = arith.constant 128 : i32
        %parallel_loop3A_554 = arith.constant 1 : i32
        scf.for %parallel_loop3A_789 = %parallel_loop3A_552 to %parallel_loop3A_553 step %parallel_loop3A_554  : i32 {
          %parallel_loop3A_790 = arith.constant 8328 : i32
          %parallel_loop3A_791 = arith.addi %parallel_loop3A_790, %sub3A_547 : i32
          %parallel_loop3A_792 = arith.constant 16 : i32
          %parallel_loop3A_793 = arith.muli %parallel_loop3A_789, %parallel_loop3A_792 : i32
          %parallel_loop3A_794 = arith.addi %parallel_loop3A_791, %parallel_loop3A_793 : i32
          %parallel_loop3A_795 = arith.index_cast %parallel_loop3A_794 : i32 to index
          %parallel_loop3A_796 = tpu.vector_load %arg4[%parallel_loop3A_795] {strides = array<i32>} : memref<16640xf32, #tpu.memory_space<vmem>>, vector<16xf32>,
          %parallel_loop3A_797 = vector.shape_cast %parallel_loop3A_796 : vector<16xf32> to vector<16xf32>
          %parallel_loop3A_798 = arith.constant 16 : i32
          %parallel_loop3A_799 = arith.muli %parallel_loop3A_789, %parallel_loop3A_798 : i32
          %parallel_loop3A_800 = vector.broadcast %parallel_loop3A_799 : i32 to vector<16xi32>
          %parallel_loop3A_801 = arith.addi %add3A_551, %parallel_loop3A_800 : vector<16xi32>
          %parallel_loop3A_802 = vector.broadcast %add3A_480 : i32 to vector<16xi32>
          %parallel_loop3A_803 = arith.cmpi sle, %parallel_loop3A_801, %parallel_loop3A_802 : vector<16xi32>
          %parallel_loop3A_804 = arith.constant 0.000000e+00 : f32
          %parallel_loop3A_805 = vector.broadcast %parallel_loop3A_804 : f32 to vector<16xf32>
          %parallel_loop3A_806 = arith.select %parallel_loop3A_803, %parallel_loop3A_805, %parallel_loop3A_797 : vector<16xi1>, vector<16xf32>
          %parallel_loop3A_807 = arith.constant 16 : i32
          %parallel_loop3A_808 = arith.muli %parallel_loop3A_789, %parallel_loop3A_807 : i32
          %parallel_loop3A_809 = arith.constant 4 : i32
          %parallel_loop3A_810 = arith.index_cast %parallel_loop3A_809 : i32 to index
          %parallel_loop3A_811 = arith.index_cast %parallel_loop3A_808 : i32 to index
          %parallel_loop3A_812 = tpu.vector_load %arg6[%parallel_loop3A_810, %parallel_loop3A_811] {strides = array<i32>} : memref<8x2048xf32, #tpu.memory_space<vmem>>, vector<1x16xf32>,
          %parallel_loop3A_813 = vector.shape_cast %parallel_loop3A_812 : vector<1x16xf32> to vector<16xf32>
          %parallel_loop3A_814 = vector.shape_cast %parallel_loop3A_806 : vector<16xf32> to vector<1x16xf32>
          tpu.vector_store %arg6[%parallel_loop3A_810, %parallel_loop3A_811], %parallel_loop3A_814 {strides = array<i32>} : memref<8x2048xf32, #tpu.memory_space<vmem>>, vector<1x16xf32>,
        } {sc.loop_unroll_factor = 8 : i64, sc.parallel_access}
        %mul3A_555 = arith.constant 8 : i32
        %mul3A_556 = arith.muli %mul3A_555, %and3A_86 : i32
        %add3A_557 = arith.constant 5 : i32
        %add3A_558 = arith.addi %mul3A_556, %add3A_557 : i32
        %mul3A_559 = arith.constant 8191 : i32
        %mul3A_560 = arith.muli %add3A_558, %mul3A_559 : i32
        %sub3A_561 = arith.constant 1 : i32
        %sub3A_562 = arith.subi %add3A_558, %sub3A_561 : i32
        %mul3A_563 = arith.muli %add3A_558, %sub3A_562 : i32
        %jit3A_564 = arith.constant 2 : i32
        %div3A_565 = arith.divsi %mul3A_563, %jit3A_564 : i32
        %sign3A_566 = arith.constant 0 : i32
        %sign3A_567 = arith.cmpi sgt, %mul3A_563, %sign3A_566 : i32
        %sign3A_568 = arith.extui %sign3A_567 : i1 to i32
        %sign3A_569 = arith.constant 0 : i32
        %sign3A_570 = arith.cmpi slt, %mul3A_563, %sign3A_569 : i32
        %sign3A_571 = arith.extui %sign3A_570 : i1 to i32
        %sign3A_572 = arith.subi %sign3A_568, %sign3A_571 : i32
        %sign3A_573 = arith.constant 0 : i32
        %sign3A_574 = arith.cmpi sgt, %jit3A_564, %sign3A_573 : i32
        %sign3A_575 = arith.extui %sign3A_574 : i1 to i32
        %sign3A_576 = arith.constant 0 : i32
        %sign3A_577 = arith.cmpi slt, %jit3A_564, %sign3A_576 : i32
        %sign3A_578 = arith.extui %sign3A_577 : i1 to i32
        %sign3A_579 = arith.subi %sign3A_575, %sign3A_578 : i32
        %ne3A_580 = arith.cmpi ne, %sign3A_572, %sign3A_579 : i32
        %rem3A_581 = arith.remsi %mul3A_563, %jit3A_564 : i32
        %ne3A_582 = arith.constant 0 : i32
        %ne3A_583 = arith.cmpi ne, %rem3A_581, %ne3A_582 : i32
        %and3A_584 = arith.andi %ne3A_580, %ne3A_583 : i1
        %sub3A_585 = arith.constant 1 : i32
        %sub3A_586 = arith.subi %div3A_565, %sub3A_585 : i32
        %select_n3A_587 = arith.select %and3A_584, %sub3A_586, %div3A_565 : i32
        %sub3A_588 = arith.subi %mul3A_560, %select_n3A_587 : i32
        %sub3A_589 = arith.subi %sub3A_588, %add3A_558 : i32
        %sub3A_590 = arith.constant 1 : i32
        %sub3A_591 = arith.subi %sub3A_589, %sub3A_590 : i32
        %mul3A_592 = arith.constant 2048 : i32
        %mul3A_593 = arith.muli %shift_right_arithmetic3A_88, %mul3A_592 : i32
        %add3A_594 = arith.addi %sub3A_591, %mul3A_593 : i32
        %jit3A_595 = arith.constant 8 : i32
        %div3A_596 = arith.divsi %add3A_594, %jit3A_595 : i32
        %sign3A_597 = arith.constant 0 : i32
        %sign3A_598 = arith.cmpi sgt, %add3A_594, %sign3A_597 : i32
        %sign3A_599 = arith.extui %sign3A_598 : i1 to i32
        %sign3A_600 = arith.constant 0 : i32
        %sign3A_601 = arith.cmpi slt, %add3A_594, %sign3A_600 : i32
        %sign3A_602 = arith.extui %sign3A_601 : i1 to i32
        %sign3A_603 = arith.subi %sign3A_599, %sign3A_602 : i32
        %sign3A_604 = arith.constant 0 : i32
        %sign3A_605 = arith.cmpi sgt, %jit3A_595, %sign3A_604 : i32
        %sign3A_606 = arith.extui %sign3A_605 : i1 to i32
        %sign3A_607 = arith.constant 0 : i32
        %sign3A_608 = arith.cmpi slt, %jit3A_595, %sign3A_607 : i32
        %sign3A_609 = arith.extui %sign3A_608 : i1 to i32
        %sign3A_610 = arith.subi %sign3A_606, %sign3A_609 : i32
        %ne3A_611 = arith.cmpi ne, %sign3A_603, %sign3A_610 : i32
        %rem3A_612 = arith.remsi %add3A_594, %jit3A_595 : i32
        %ne3A_613 = arith.constant 0 : i32
        %ne3A_614 = arith.cmpi ne, %rem3A_612, %ne3A_613 : i32
        %and3A_615 = arith.andi %ne3A_611, %ne3A_614 : i1
        %sub3A_616 = arith.constant 1 : i32
        %sub3A_617 = arith.subi %div3A_596, %sub3A_616 : i32
        %select_n3A_618 = arith.select %and3A_615, %sub3A_617, %div3A_596 : i32
        %mul3A_619 = arith.constant 8 : i32
        %mul3A_620 = arith.muli %select_n3A_618, %mul3A_619 : i32
        %jit3A_621 = arith.constant 0 : i32
        %jit3A_622 = arith.constant 33548272 : i32
        %max3A_623 = arith.maxsi %jit3A_621, %mul3A_620 : i32
        %min3A_624 = arith.minsi %jit3A_622, %max3A_623 : i32
        %sub3A_625 = arith.subi %add3A_594, %min3A_624 : i32
        %mul3A_626 = arith.constant 2048 : i32
        %mul3A_627 = arith.muli %shift_right_arithmetic3A_88, %mul3A_626 : i32
        %add3A_628 = vector.broadcast %mul3A_627 : i32 to vector<16xi32>
        %add3A_629 = arith.addi %add3A_628, %iota3A : vector<16xi32>
        %parallel_loop3A_630 = arith.constant 0 : i32
        %parallel_loop3A_631 = arith.constant 128 : i32
        %parallel_loop3A_632 = arith.constant 1 : i32
        scf.for %parallel_loop3A_789 = %parallel_loop3A_630 to %parallel_loop3A_631 step %parallel_loop3A_632  : i32 {
          %parallel_loop3A_790 = arith.constant 10408 : i32
          %parallel_loop3A_791 = arith.addi %parallel_loop3A_790, %sub3A_625 : i32
          %parallel_loop3A_792 = arith.constant 16 : i32
          %parallel_loop3A_793 = arith.muli %parallel_loop3A_789, %parallel_loop3A_792 : i32
          %parallel_loop3A_794 = arith.addi %parallel_loop3A_791, %parallel_loop3A_793 : i32
          %parallel_loop3A_795 = arith.index_cast %parallel_loop3A_794 : i32 to index
          %parallel_loop3A_796 = tpu.vector_load %arg4[%parallel_loop3A_795] {strides = array<i32>} : memref<16640xf32, #tpu.memory_space<vmem>>, vector<16xf32>,
          %parallel_loop3A_797 = vector.shape_cast %parallel_loop3A_796 : vector<16xf32> to vector<16xf32>
          %parallel_loop3A_798 = arith.constant 16 : i32
          %parallel_loop3A_799 = arith.muli %parallel_loop3A_789, %parallel_loop3A_798 : i32
          %parallel_loop3A_800 = vector.broadcast %parallel_loop3A_799 : i32 to vector<16xi32>
          %parallel_loop3A_801 = arith.addi %add3A_629, %parallel_loop3A_800 : vector<16xi32>
          %parallel_loop3A_802 = vector.broadcast %add3A_558 : i32 to vector<16xi32>
          %parallel_loop3A_803 = arith.cmpi sle, %parallel_loop3A_801, %parallel_loop3A_802 : vector<16xi32>
          %parallel_loop3A_804 = arith.constant 0.000000e+00 : f32
          %parallel_loop3A_805 = vector.broadcast %parallel_loop3A_804 : f32 to vector<16xf32>
          %parallel_loop3A_806 = arith.select %parallel_loop3A_803, %parallel_loop3A_805, %parallel_loop3A_797 : vector<16xi1>, vector<16xf32>
          %parallel_loop3A_807 = arith.constant 16 : i32
          %parallel_loop3A_808 = arith.muli %parallel_loop3A_789, %parallel_loop3A_807 : i32
          %parallel_loop3A_809 = arith.constant 5 : i32
          %parallel_loop3A_810 = arith.index_cast %parallel_loop3A_809 : i32 to index
          %parallel_loop3A_811 = arith.index_cast %parallel_loop3A_808 : i32 to index
          %parallel_loop3A_812 = tpu.vector_load %arg6[%parallel_loop3A_810, %parallel_loop3A_811] {strides = array<i32>} : memref<8x2048xf32, #tpu.memory_space<vmem>>, vector<1x16xf32>,
          %parallel_loop3A_813 = vector.shape_cast %parallel_loop3A_812 : vector<1x16xf32> to vector<16xf32>
          %parallel_loop3A_814 = vector.shape_cast %parallel_loop3A_806 : vector<16xf32> to vector<1x16xf32>
          tpu.vector_store %arg6[%parallel_loop3A_810, %parallel_loop3A_811], %parallel_loop3A_814 {strides = array<i32>} : memref<8x2048xf32, #tpu.memory_space<vmem>>, vector<1x16xf32>,
        } {sc.loop_unroll_factor = 8 : i64, sc.parallel_access}
        %mul3A_633 = arith.constant 8 : i32
        %mul3A_634 = arith.muli %mul3A_633, %and3A_86 : i32
        %add3A_635 = arith.constant 6 : i32
        %add3A_636 = arith.addi %mul3A_634, %add3A_635 : i32
        %mul3A_637 = arith.constant 8191 : i32
        %mul3A_638 = arith.muli %add3A_636, %mul3A_637 : i32
        %sub3A_639 = arith.constant 1 : i32
        %sub3A_640 = arith.subi %add3A_636, %sub3A_639 : i32
        %mul3A_641 = arith.muli %add3A_636, %sub3A_640 : i32
        %jit3A_642 = arith.constant 2 : i32
        %div3A_643 = arith.divsi %mul3A_641, %jit3A_642 : i32
        %sign3A_644 = arith.constant 0 : i32
        %sign3A_645 = arith.cmpi sgt, %mul3A_641, %sign3A_644 : i32
        %sign3A_646 = arith.extui %sign3A_645 : i1 to i32
        %sign3A_647 = arith.constant 0 : i32
        %sign3A_648 = arith.cmpi slt, %mul3A_641, %sign3A_647 : i32
        %sign3A_649 = arith.extui %sign3A_648 : i1 to i32
        %sign3A_650 = arith.subi %sign3A_646, %sign3A_649 : i32
        %sign3A_651 = arith.constant 0 : i32
        %sign3A_652 = arith.cmpi sgt, %jit3A_642, %sign3A_651 : i32
        %sign3A_653 = arith.extui %sign3A_652 : i1 to i32
        %sign3A_654 = arith.constant 0 : i32
        %sign3A_655 = arith.cmpi slt, %jit3A_642, %sign3A_654 : i32
        %sign3A_656 = arith.extui %sign3A_655 : i1 to i32
        %sign3A_657 = arith.subi %sign3A_653, %sign3A_656 : i32
        %ne3A_658 = arith.cmpi ne, %sign3A_650, %sign3A_657 : i32
        %rem3A_659 = arith.remsi %mul3A_641, %jit3A_642 : i32
        %ne3A_660 = arith.constant 0 : i32
        %ne3A_661 = arith.cmpi ne, %rem3A_659, %ne3A_660 : i32
        %and3A_662 = arith.andi %ne3A_658, %ne3A_661 : i1
        %sub3A_663 = arith.constant 1 : i32
        %sub3A_664 = arith.subi %div3A_643, %sub3A_663 : i32
        %select_n3A_665 = arith.select %and3A_662, %sub3A_664, %div3A_643 : i32
        %sub3A_666 = arith.subi %mul3A_638, %select_n3A_665 : i32
        %sub3A_667 = arith.subi %sub3A_666, %add3A_636 : i32
        %sub3A_668 = arith.constant 1 : i32
        %sub3A_669 = arith.subi %sub3A_667, %sub3A_668 : i32
        %mul3A_670 = arith.constant 2048 : i32
        %mul3A_671 = arith.muli %shift_right_arithmetic3A_88, %mul3A_670 : i32
        %add3A_672 = arith.addi %sub3A_669, %mul3A_671 : i32
        %jit3A_673 = arith.constant 8 : i32
        %div3A_674 = arith.divsi %add3A_672, %jit3A_673 : i32
        %sign3A_675 = arith.constant 0 : i32
        %sign3A_676 = arith.cmpi sgt, %add3A_672, %sign3A_675 : i32
        %sign3A_677 = arith.extui %sign3A_676 : i1 to i32
        %sign3A_678 = arith.constant 0 : i32
        %sign3A_679 = arith.cmpi slt, %add3A_672, %sign3A_678 : i32
        %sign3A_680 = arith.extui %sign3A_679 : i1 to i32
        %sign3A_681 = arith.subi %sign3A_677, %sign3A_680 : i32
        %sign3A_682 = arith.constant 0 : i32
        %sign3A_683 = arith.cmpi sgt, %jit3A_673, %sign3A_682 : i32
        %sign3A_684 = arith.extui %sign3A_683 : i1 to i32
        %sign3A_685 = arith.constant 0 : i32
        %sign3A_686 = arith.cmpi slt, %jit3A_673, %sign3A_685 : i32
        %sign3A_687 = arith.extui %sign3A_686 : i1 to i32
        %sign3A_688 = arith.subi %sign3A_684, %sign3A_687 : i32
        %ne3A_689 = arith.cmpi ne, %sign3A_681, %sign3A_688 : i32
        %rem3A_690 = arith.remsi %add3A_672, %jit3A_673 : i32
        %ne3A_691 = arith.constant 0 : i32
        %ne3A_692 = arith.cmpi ne, %rem3A_690, %ne3A_691 : i32
        %and3A_693 = arith.andi %ne3A_689, %ne3A_692 : i1
        %sub3A_694 = arith.constant 1 : i32
        %sub3A_695 = arith.subi %div3A_674, %sub3A_694 : i32
        %select_n3A_696 = arith.select %and3A_693, %sub3A_695, %div3A_674 : i32
        %mul3A_697 = arith.constant 8 : i32
        %mul3A_698 = arith.muli %select_n3A_696, %mul3A_697 : i32
        %jit3A_699 = arith.constant 0 : i32
        %jit3A_700 = arith.constant 33548272 : i32
        %max3A_701 = arith.maxsi %jit3A_699, %mul3A_698 : i32
        %min3A_702 = arith.minsi %jit3A_700, %max3A_701 : i32
        %sub3A_703 = arith.subi %add3A_672, %min3A_702 : i32
        %mul3A_704 = arith.constant 2048 : i32
        %mul3A_705 = arith.muli %shift_right_arithmetic3A_88, %mul3A_704 : i32
        %add3A_706 = vector.broadcast %mul3A_705 : i32 to vector<16xi32>
        %add3A_707 = arith.addi %add3A_706, %iota3A : vector<16xi32>
        %parallel_loop3A_708 = arith.constant 0 : i32
        %parallel_loop3A_709 = arith.constant 128 : i32
        %parallel_loop3A_710 = arith.constant 1 : i32
        scf.for %parallel_loop3A_789 = %parallel_loop3A_708 to %parallel_loop3A_709 step %parallel_loop3A_710  : i32 {
          %parallel_loop3A_790 = arith.constant 12488 : i32
          %parallel_loop3A_791 = arith.addi %parallel_loop3A_790, %sub3A_703 : i32
          %parallel_loop3A_792 = arith.constant 16 : i32
          %parallel_loop3A_793 = arith.muli %parallel_loop3A_789, %parallel_loop3A_792 : i32
          %parallel_loop3A_794 = arith.addi %parallel_loop3A_791, %parallel_loop3A_793 : i32
          %parallel_loop3A_795 = arith.index_cast %parallel_loop3A_794 : i32 to index
          %parallel_loop3A_796 = tpu.vector_load %arg4[%parallel_loop3A_795] {strides = array<i32>} : memref<16640xf32, #tpu.memory_space<vmem>>, vector<16xf32>,
          %parallel_loop3A_797 = vector.shape_cast %parallel_loop3A_796 : vector<16xf32> to vector<16xf32>
          %parallel_loop3A_798 = arith.constant 16 : i32
          %parallel_loop3A_799 = arith.muli %parallel_loop3A_789, %parallel_loop3A_798 : i32
          %parallel_loop3A_800 = vector.broadcast %parallel_loop3A_799 : i32 to vector<16xi32>
          %parallel_loop3A_801 = arith.addi %add3A_707, %parallel_loop3A_800 : vector<16xi32>
          %parallel_loop3A_802 = vector.broadcast %add3A_636 : i32 to vector<16xi32>
          %parallel_loop3A_803 = arith.cmpi sle, %parallel_loop3A_801, %parallel_loop3A_802 : vector<16xi32>
          %parallel_loop3A_804 = arith.constant 0.000000e+00 : f32
          %parallel_loop3A_805 = vector.broadcast %parallel_loop3A_804 : f32 to vector<16xf32>
          %parallel_loop3A_806 = arith.select %parallel_loop3A_803, %parallel_loop3A_805, %parallel_loop3A_797 : vector<16xi1>, vector<16xf32>
          %parallel_loop3A_807 = arith.constant 16 : i32
          %parallel_loop3A_808 = arith.muli %parallel_loop3A_789, %parallel_loop3A_807 : i32
          %parallel_loop3A_809 = arith.constant 6 : i32
          %parallel_loop3A_810 = arith.index_cast %parallel_loop3A_809 : i32 to index
          %parallel_loop3A_811 = arith.index_cast %parallel_loop3A_808 : i32 to index
          %parallel_loop3A_812 = tpu.vector_load %arg6[%parallel_loop3A_810, %parallel_loop3A_811] {strides = array<i32>} : memref<8x2048xf32, #tpu.memory_space<vmem>>, vector<1x16xf32>,
          %parallel_loop3A_813 = vector.shape_cast %parallel_loop3A_812 : vector<1x16xf32> to vector<16xf32>
          %parallel_loop3A_814 = vector.shape_cast %parallel_loop3A_806 : vector<16xf32> to vector<1x16xf32>
          tpu.vector_store %arg6[%parallel_loop3A_810, %parallel_loop3A_811], %parallel_loop3A_814 {strides = array<i32>} : memref<8x2048xf32, #tpu.memory_space<vmem>>, vector<1x16xf32>,
        } {sc.loop_unroll_factor = 8 : i64, sc.parallel_access}
        %mul3A_711 = arith.constant 8 : i32
        %mul3A_712 = arith.muli %mul3A_711, %and3A_86 : i32
        %add3A_713 = arith.constant 7 : i32
        %add3A_714 = arith.addi %mul3A_712, %add3A_713 : i32
        %mul3A_715 = arith.constant 8191 : i32
        %mul3A_716 = arith.muli %add3A_714, %mul3A_715 : i32
        %sub3A_717 = arith.constant 1 : i32
        %sub3A_718 = arith.subi %add3A_714, %sub3A_717 : i32
        %mul3A_719 = arith.muli %add3A_714, %sub3A_718 : i32
        %jit3A_720 = arith.constant 2 : i32
        %div3A_721 = arith.divsi %mul3A_719, %jit3A_720 : i32
        %sign3A_722 = arith.constant 0 : i32
        %sign3A_723 = arith.cmpi sgt, %mul3A_719, %sign3A_722 : i32
        %sign3A_724 = arith.extui %sign3A_723 : i1 to i32
        %sign3A_725 = arith.constant 0 : i32
        %sign3A_726 = arith.cmpi slt, %mul3A_719, %sign3A_725 : i32
        %sign3A_727 = arith.extui %sign3A_726 : i1 to i32
        %sign3A_728 = arith.subi %sign3A_724, %sign3A_727 : i32
        %sign3A_729 = arith.constant 0 : i32
        %sign3A_730 = arith.cmpi sgt, %jit3A_720, %sign3A_729 : i32
        %sign3A_731 = arith.extui %sign3A_730 : i1 to i32
        %sign3A_732 = arith.constant 0 : i32
        %sign3A_733 = arith.cmpi slt, %jit3A_720, %sign3A_732 : i32
        %sign3A_734 = arith.extui %sign3A_733 : i1 to i32
        %sign3A_735 = arith.subi %sign3A_731, %sign3A_734 : i32
        %ne3A_736 = arith.cmpi ne, %sign3A_728, %sign3A_735 : i32
        %rem3A_737 = arith.remsi %mul3A_719, %jit3A_720 : i32
        %ne3A_738 = arith.constant 0 : i32
        %ne3A_739 = arith.cmpi ne, %rem3A_737, %ne3A_738 : i32
        %and3A_740 = arith.andi %ne3A_736, %ne3A_739 : i1
        %sub3A_741 = arith.constant 1 : i32
        %sub3A_742 = arith.subi %div3A_721, %sub3A_741 : i32
        %select_n3A_743 = arith.select %and3A_740, %sub3A_742, %div3A_721 : i32
        %sub3A_744 = arith.subi %mul3A_716, %select_n3A_743 : i32
        %sub3A_745 = arith.subi %sub3A_744, %add3A_714 : i32
        %sub3A_746 = arith.constant 1 : i32
        %sub3A_747 = arith.subi %sub3A_745, %sub3A_746 : i32
        %mul3A_748 = arith.constant 2048 : i32
        %mul3A_749 = arith.muli %shift_right_arithmetic3A_88, %mul3A_748 : i32
        %add3A_750 = arith.addi %sub3A_747, %mul3A_749 : i32
        %jit3A_751 = arith.constant 8 : i32
        %div3A_752 = arith.divsi %add3A_750, %jit3A_751 : i32
        %sign3A_753 = arith.constant 0 : i32
        %sign3A_754 = arith.cmpi sgt, %add3A_750, %sign3A_753 : i32
        %sign3A_755 = arith.extui %sign3A_754 : i1 to i32
        %sign3A_756 = arith.constant 0 : i32
        %sign3A_757 = arith.cmpi slt, %add3A_750, %sign3A_756 : i32
        %sign3A_758 = arith.extui %sign3A_757 : i1 to i32
        %sign3A_759 = arith.subi %sign3A_755, %sign3A_758 : i32
        %sign3A_760 = arith.constant 0 : i32
        %sign3A_761 = arith.cmpi sgt, %jit3A_751, %sign3A_760 : i32
        %sign3A_762 = arith.extui %sign3A_761 : i1 to i32
        %sign3A_763 = arith.constant 0 : i32
        %sign3A_764 = arith.cmpi slt, %jit3A_751, %sign3A_763 : i32
        %sign3A_765 = arith.extui %sign3A_764 : i1 to i32
        %sign3A_766 = arith.subi %sign3A_762, %sign3A_765 : i32
        %ne3A_767 = arith.cmpi ne, %sign3A_759, %sign3A_766 : i32
        %rem3A_768 = arith.remsi %add3A_750, %jit3A_751 : i32
        %ne3A_769 = arith.constant 0 : i32
        %ne3A_770 = arith.cmpi ne, %rem3A_768, %ne3A_769 : i32
        %and3A_771 = arith.andi %ne3A_767, %ne3A_770 : i1
        %sub3A_772 = arith.constant 1 : i32
        %sub3A_773 = arith.subi %div3A_752, %sub3A_772 : i32
        %select_n3A_774 = arith.select %and3A_771, %sub3A_773, %div3A_752 : i32
        %mul3A_775 = arith.constant 8 : i32
        %mul3A_776 = arith.muli %select_n3A_774, %mul3A_775 : i32
        %jit3A_777 = arith.constant 0 : i32
        %jit3A_778 = arith.constant 33548272 : i32
        %max3A_779 = arith.maxsi %jit3A_777, %mul3A_776 : i32
        %min3A_780 = arith.minsi %jit3A_778, %max3A_779 : i32
        %sub3A_781 = arith.subi %add3A_750, %min3A_780 : i32
        %mul3A_782 = arith.constant 2048 : i32
        %mul3A_783 = arith.muli %shift_right_arithmetic3A_88, %mul3A_782 : i32
        %add3A_784 = vector.broadcast %mul3A_783 : i32 to vector<16xi32>
        %add3A_785 = arith.addi %add3A_784, %iota3A : vector<16xi32>
        %parallel_loop3A_786 = arith.constant 0 : i32
        %parallel_loop3A_787 = arith.constant 128 : i32
        %parallel_loop3A_788 = arith.constant 1 : i32
        scf.for %parallel_loop3A_789 = %parallel_loop3A_786 to %parallel_loop3A_787 step %parallel_loop3A_788  : i32 {
          %parallel_loop3A_790 = arith.constant 14568 : i32
          %parallel_loop3A_791 = arith.addi %parallel_loop3A_790, %sub3A_781 : i32
          %parallel_loop3A_792 = arith.constant 16 : i32
          %parallel_loop3A_793 = arith.muli %parallel_loop3A_789, %parallel_loop3A_792 : i32
          %parallel_loop3A_794 = arith.addi %parallel_loop3A_791, %parallel_loop3A_793 : i32
          %parallel_loop3A_795 = arith.index_cast %parallel_loop3A_794 : i32 to index
          %parallel_loop3A_796 = tpu.vector_load %arg4[%parallel_loop3A_795] {strides = array<i32>} : memref<16640xf32, #tpu.memory_space<vmem>>, vector<16xf32>,
          %parallel_loop3A_797 = vector.shape_cast %parallel_loop3A_796 : vector<16xf32> to vector<16xf32>
          %parallel_loop3A_798 = arith.constant 16 : i32
          %parallel_loop3A_799 = arith.muli %parallel_loop3A_789, %parallel_loop3A_798 : i32
          %parallel_loop3A_800 = vector.broadcast %parallel_loop3A_799 : i32 to vector<16xi32>
          %parallel_loop3A_801 = arith.addi %add3A_785, %parallel_loop3A_800 : vector<16xi32>
          %parallel_loop3A_802 = vector.broadcast %add3A_714 : i32 to vector<16xi32>
          %parallel_loop3A_803 = arith.cmpi sle, %parallel_loop3A_801, %parallel_loop3A_802 : vector<16xi32>
          %parallel_loop3A_804 = arith.constant 0.000000e+00 : f32
          %parallel_loop3A_805 = vector.broadcast %parallel_loop3A_804 : f32 to vector<16xf32>
          %parallel_loop3A_806 = arith.select %parallel_loop3A_803, %parallel_loop3A_805, %parallel_loop3A_797 : vector<16xi1>, vector<16xf32>
          %parallel_loop3A_807 = arith.constant 16 : i32
          %parallel_loop3A_808 = arith.muli %parallel_loop3A_789, %parallel_loop3A_807 : i32
          %parallel_loop3A_809 = arith.constant 7 : i32
          %parallel_loop3A_810 = arith.index_cast %parallel_loop3A_809 : i32 to index
          %parallel_loop3A_811 = arith.index_cast %parallel_loop3A_808 : i32 to index
          %parallel_loop3A_812 = tpu.vector_load %arg6[%parallel_loop3A_810, %parallel_loop3A_811] {strides = array<i32>} : memref<8x2048xf32, #tpu.memory_space<vmem>>, vector<1x16xf32>,
          %parallel_loop3A_813 = vector.shape_cast %parallel_loop3A_812 : vector<1x16xf32> to vector<16xf32>
          %parallel_loop3A_814 = vector.shape_cast %parallel_loop3A_806 : vector<16xf32> to vector<1x16xf32>
          tpu.vector_store %arg6[%parallel_loop3A_810, %parallel_loop3A_811], %parallel_loop3A_814 {strides = array<i32>} : memref<8x2048xf32, #tpu.memory_space<vmem>>, vector<1x16xf32>,
        } {sc.loop_unroll_factor = 8 : i64, sc.parallel_access}
      } else {
      }
      %mul3A_113 = arith.constant 2048 : i32
      %mul3A_114 = arith.muli %shift_right_arithmetic3A_88, %mul3A_113 : i32
      %multiple_of3A = tpu.assume_multiple %mul3A_114, 128 : i32
      %convert_element_type3A_115 = arith.extui %not3A_97 : i1 to i32
      %cond3A_116 = arith.constant 0 : i32
      %cond3A_117 = arith.cmpi ne, %convert_element_type3A_115, %cond3A_116 : i32
      scf.if %cond3A_117 {
        %dma_start3A = arith.constant 0 : i32
        %dma_start3A_174 = tpu.memref_slice %arg3[%and3A_86, %dma_start3A, %multiple_of3A] : memref<1024x8x8192xf32, #tpu.memory_space<hbm>> -> memref<1x8x2048xf32, #tpu.memory_space<hbm>>
        %dma_start3A_175 = tpu.memref_squeeze %dma_start3A_174 : memref<1x8x2048xf32, #tpu.memory_space<hbm>> -> memref<8x2048xf32, #tpu.memory_space<hbm>>
        %dma_start3A_176 = arith.constant 0 : i32
        %dma_start3A_177 = tpu.memref_slice %arg3[%and3A_86, %dma_start3A_176, %multiple_of3A] : memref<1024x8x8192xf32, #tpu.memory_space<hbm>> -> memref<1x8x2048xf32, #tpu.memory_space<hbm>>
        %dma_start3A_178 = tpu.memref_squeeze %dma_start3A_177 : memref<1x8x2048xf32, #tpu.memory_space<hbm>> -> memref<8x2048xf32, #tpu.memory_space<hbm>>
        tpu.enqueue_dma source(%arg6 : memref<8x2048xf32, #tpu.memory_space<vmem>>) target(%dma_start3A_178 : memref<8x2048xf32, #tpu.memory_space<hbm>>) target_semaphore(%arg11 : memref<!tpu.dma_semaphore, #tpu.memory_space<semaphore_mem>>)
      } else {
      }
      %convert_element_type3A_118 = arith.extui %le3A_95 : i1 to i32
      %cond3A_119 = arith.constant 0 : i32
      %cond3A_120 = arith.cmpi ne, %convert_element_type3A_118, %cond3A_119 : i32
      scf.if %cond3A_120 {
        %dma_start3A = arith.constant 0 : i32
        %dma_start3A_174 = tpu.memref_slice %arg3[%and3A_86, %dma_start3A, %multiple_of3A] : memref<1024x8x8192xf32, #tpu.memory_space<hbm>> -> memref<1x8x2048xf32, #tpu.memory_space<hbm>>
        %dma_start3A_175 = tpu.memref_squeeze %dma_start3A_174 : memref<1x8x2048xf32, #tpu.memory_space<hbm>> -> memref<8x2048xf32, #tpu.memory_space<hbm>>
        %dma_start3A_176 = arith.constant 0 : i32
        %dma_start3A_177 = tpu.memref_slice %arg3[%and3A_86, %dma_start3A_176, %multiple_of3A] : memref<1024x8x8192xf32, #tpu.memory_space<hbm>> -> memref<1x8x2048xf32, #tpu.memory_space<hbm>>
        %dma_start3A_178 = tpu.memref_squeeze %dma_start3A_177 : memref<1x8x2048xf32, #tpu.memory_space<hbm>> -> memref<8x2048xf32, #tpu.memory_space<hbm>>
        tpu.enqueue_dma source(%arg8 : memref<8x2048xf32, #tpu.memory_space<vmem>>) target(%dma_start3A_178 : memref<8x2048xf32, #tpu.memory_space<hbm>>) target_semaphore(%arg11 : memref<!tpu.dma_semaphore, #tpu.memory_space<semaphore_mem>>)
      } else {
      }
      %convert_element_type3A_121 = arith.extui %lt3A_81 : i1 to i32
      %cond3A_122 = arith.constant 0 : i32
      %cond3A_123 = arith.cmpi ne, %convert_element_type3A_121, %cond3A_122 : i32
      scf.if %cond3A_123 {
        %add3A_174 = arith.constant 2 : i32
        %add3A_175 = arith.addi %mul3A_79, %add3A_174 : i32
        %mul3A_176 = arith.constant 32 : i32
        %mul3A_177 = arith.muli %add3A_175, %mul3A_176 : i32
        %add3A_178 = arith.addi %mul3A_177, %add3A : i32
        %and3A_179 = arith.constant 1023 : i32
        %and3A_180 = arith.andi %add3A_178, %and3A_179 : i32
        %shift_right_arithmetic3A_181 = arith.constant 10 : i32
        %shift_right_arithmetic3A_182 = arith.shrsi %add3A_178, %shift_right_arithmetic3A_181 : i32
        %add3A_183 = arith.constant 1 : i32
        %add3A_184 = arith.addi %shift_right_arithmetic3A_182, %add3A_183 : i32
        %mul3A_185 = arith.constant 2048 : i32
        %mul3A_186 = arith.muli %add3A_184, %mul3A_185 : i32
        %mul3A_187 = arith.constant 8 : i32
        %mul3A_188 = arith.muli %mul3A_187, %and3A_180 : i32
        %le3A_189 = arith.cmpi sle, %mul3A_186, %mul3A_188 : i32
        %not3A_190 = arith.constant true
        %not3A_191 = arith.xori %le3A_189, %not3A_190 : i1
        %convert_element_type3A_192 = arith.extui %not3A_191 : i1 to i32
        %cond3A_193 = arith.constant 0 : i32
        %cond3A_194 = arith.cmpi ne, %convert_element_type3A_192, %cond3A_193 : i32
        scf.if %cond3A_194 {
          %mul3A_195 = arith.constant 8 : i32
          %mul3A_196 = arith.muli %mul3A_195, %and3A_180 : i32
          %add3A_197 = arith.constant 0 : i32
          %add3A_198 = arith.addi %mul3A_196, %add3A_197 : i32
          %mul3A_199 = arith.constant 8191 : i32
          %mul3A_200 = arith.muli %add3A_198, %mul3A_199 : i32
          %sub3A = arith.constant 1 : i32
          %sub3A_201 = arith.subi %add3A_198, %sub3A : i32
          %mul3A_202 = arith.muli %add3A_198, %sub3A_201 : i32
          %jit3A = arith.constant 2 : i32
          %div3A = arith.divsi %mul3A_202, %jit3A : i32
          %sign3A = arith.constant 0 : i32
          %sign3A_203 = arith.cmpi sgt, %mul3A_202, %sign3A : i32
          %sign3A_204 = arith.extui %sign3A_203 : i1 to i32
          %sign3A_205 = arith.constant 0 : i32
          %sign3A_206 = arith.cmpi slt, %mul3A_202, %sign3A_205 : i32
          %sign3A_207 = arith.extui %sign3A_206 : i1 to i32
          %sign3A_208 = arith.subi %sign3A_204, %sign3A_207 : i32
          %sign3A_209 = arith.constant 0 : i32
          %sign3A_210 = arith.cmpi sgt, %jit3A, %sign3A_209 : i32
          %sign3A_211 = arith.extui %sign3A_210 : i1 to i32
          %sign3A_212 = arith.constant 0 : i32
          %sign3A_213 = arith.cmpi slt, %jit3A, %sign3A_212 : i32
          %sign3A_214 = arith.extui %sign3A_213 : i1 to i32
          %sign3A_215 = arith.subi %sign3A_211, %sign3A_214 : i32
          %ne3A = arith.cmpi ne, %sign3A_208, %sign3A_215 : i32
          %rem3A = arith.remsi %mul3A_202, %jit3A : i32
          %ne3A_216 = arith.constant 0 : i32
          %ne3A_217 = arith.cmpi ne, %rem3A, %ne3A_216 : i32
          %and3A_218 = arith.andi %ne3A, %ne3A_217 : i1
          %sub3A_219 = arith.constant 1 : i32
          %sub3A_220 = arith.subi %div3A, %sub3A_219 : i32
          %select_n3A = arith.select %and3A_218, %sub3A_220, %div3A : i32
          %sub3A_221 = arith.subi %mul3A_200, %select_n3A : i32
          %sub3A_222 = arith.subi %sub3A_221, %add3A_198 : i32
          %sub3A_223 = arith.constant 1 : i32
          %sub3A_224 = arith.subi %sub3A_222, %sub3A_223 : i32
          %mul3A_225 = arith.constant 2048 : i32
          %mul3A_226 = arith.muli %shift_right_arithmetic3A_182, %mul3A_225 : i32
          %add3A_227 = arith.addi %sub3A_224, %mul3A_226 : i32
          %jit3A_228 = arith.constant 8 : i32
          %div3A_229 = arith.divsi %add3A_227, %jit3A_228 : i32
          %sign3A_230 = arith.constant 0 : i32
          %sign3A_231 = arith.cmpi sgt, %add3A_227, %sign3A_230 : i32
          %sign3A_232 = arith.extui %sign3A_231 : i1 to i32
          %sign3A_233 = arith.constant 0 : i32
          %sign3A_234 = arith.cmpi slt, %add3A_227, %sign3A_233 : i32
          %sign3A_235 = arith.extui %sign3A_234 : i1 to i32
          %sign3A_236 = arith.subi %sign3A_232, %sign3A_235 : i32
          %sign3A_237 = arith.constant 0 : i32
          %sign3A_238 = arith.cmpi sgt, %jit3A_228, %sign3A_237 : i32
          %sign3A_239 = arith.extui %sign3A_238 : i1 to i32
          %sign3A_240 = arith.constant 0 : i32
          %sign3A_241 = arith.cmpi slt, %jit3A_228, %sign3A_240 : i32
          %sign3A_242 = arith.extui %sign3A_241 : i1 to i32
          %sign3A_243 = arith.subi %sign3A_239, %sign3A_242 : i32
          %ne3A_244 = arith.cmpi ne, %sign3A_236, %sign3A_243 : i32
          %rem3A_245 = arith.remsi %add3A_227, %jit3A_228 : i32
          %ne3A_246 = arith.constant 0 : i32
          %ne3A_247 = arith.cmpi ne, %rem3A_245, %ne3A_246 : i32
          %and3A_248 = arith.andi %ne3A_244, %ne3A_247 : i1
          %sub3A_249 = arith.constant 1 : i32
          %sub3A_250 = arith.subi %div3A_229, %sub3A_249 : i32
          %select_n3A_251 = arith.select %and3A_248, %sub3A_250, %div3A_229 : i32
          %mul3A_252 = arith.constant 8 : i32
          %mul3A_253 = arith.muli %select_n3A_251, %mul3A_252 : i32
          %jit3A_254 = arith.constant 0 : i32
          %jit3A_255 = arith.constant 33548272 : i32
          %max3A = arith.maxsi %jit3A_254, %mul3A_253 : i32
          %min3A = arith.minsi %jit3A_255, %max3A : i32
          %sub3A_256 = arith.subi %add3A_227, %min3A : i32
          %multiple_of3A_257 = tpu.assume_multiple %min3A, 8 : i32
          %dma_start3A = arith.constant 8 : i32
          %dma_start3A_258 = tpu.memref_slice %arg4[%dma_start3A] : memref<16640xf32, #tpu.memory_space<vmem>> -> memref<2064xf32, #tpu.memory_space<vmem>>
          %dma_start3A_259 = tpu.memref_slice %arg2[%multiple_of3A_257] : memref<33550336xf32, #tpu.memory_space<hbm>> -> memref<2064xf32, #tpu.memory_space<hbm>>
          %dma_start3A_260 = arith.constant 8 : i32
          %dma_start3A_261 = tpu.memref_slice %arg4[%dma_start3A_260] : memref<16640xf32, #tpu.memory_space<vmem>> -> memref<2064xf32, #tpu.memory_space<vmem>>
          %dma_start3A_262 = tpu.memref_slice %arg2[%multiple_of3A_257] : memref<33550336xf32, #tpu.memory_space<hbm>> -> memref<2064xf32, #tpu.memory_space<hbm>>
          tpu.enqueue_dma source(%dma_start3A_262 : memref<2064xf32, #tpu.memory_space<hbm>>) target(%dma_start3A_261 : memref<2064xf32, #tpu.memory_space<vmem>>) target_semaphore(%arg9 : memref<!tpu.dma_semaphore, #tpu.memory_space<semaphore_mem>>)
          %mul3A_263 = arith.constant 8 : i32
          %mul3A_264 = arith.muli %mul3A_263, %and3A_180 : i32
          %add3A_265 = arith.constant 1 : i32
          %add3A_266 = arith.addi %mul3A_264, %add3A_265 : i32
          %mul3A_267 = arith.constant 8191 : i32
          %mul3A_268 = arith.muli %add3A_266, %mul3A_267 : i32
          %sub3A_269 = arith.constant 1 : i32
          %sub3A_270 = arith.subi %add3A_266, %sub3A_269 : i32
          %mul3A_271 = arith.muli %add3A_266, %sub3A_270 : i32
          %jit3A_272 = arith.constant 2 : i32
          %div3A_273 = arith.divsi %mul3A_271, %jit3A_272 : i32
          %sign3A_274 = arith.constant 0 : i32
          %sign3A_275 = arith.cmpi sgt, %mul3A_271, %sign3A_274 : i32
          %sign3A_276 = arith.extui %sign3A_275 : i1 to i32
          %sign3A_277 = arith.constant 0 : i32
          %sign3A_278 = arith.cmpi slt, %mul3A_271, %sign3A_277 : i32
          %sign3A_279 = arith.extui %sign3A_278 : i1 to i32
          %sign3A_280 = arith.subi %sign3A_276, %sign3A_279 : i32
          %sign3A_281 = arith.constant 0 : i32
          %sign3A_282 = arith.cmpi sgt, %jit3A_272, %sign3A_281 : i32
          %sign3A_283 = arith.extui %sign3A_282 : i1 to i32
          %sign3A_284 = arith.constant 0 : i32
          %sign3A_285 = arith.cmpi slt, %jit3A_272, %sign3A_284 : i32
          %sign3A_286 = arith.extui %sign3A_285 : i1 to i32
          %sign3A_287 = arith.subi %sign3A_283, %sign3A_286 : i32
          %ne3A_288 = arith.cmpi ne, %sign3A_280, %sign3A_287 : i32
          %rem3A_289 = arith.remsi %mul3A_271, %jit3A_272 : i32
          %ne3A_290 = arith.constant 0 : i32
          %ne3A_291 = arith.cmpi ne, %rem3A_289, %ne3A_290 : i32
          %and3A_292 = arith.andi %ne3A_288, %ne3A_291 : i1
          %sub3A_293 = arith.constant 1 : i32
          %sub3A_294 = arith.subi %div3A_273, %sub3A_293 : i32
          %select_n3A_295 = arith.select %and3A_292, %sub3A_294, %div3A_273 : i32
          %sub3A_296 = arith.subi %mul3A_268, %select_n3A_295 : i32
          %sub3A_297 = arith.subi %sub3A_296, %add3A_266 : i32
          %sub3A_298 = arith.constant 1 : i32
          %sub3A_299 = arith.subi %sub3A_297, %sub3A_298 : i32
          %mul3A_300 = arith.constant 2048 : i32
          %mul3A_301 = arith.muli %shift_right_arithmetic3A_182, %mul3A_300 : i32
          %add3A_302 = arith.addi %sub3A_299, %mul3A_301 : i32
          %jit3A_303 = arith.constant 8 : i32
          %div3A_304 = arith.divsi %add3A_302, %jit3A_303 : i32
          %sign3A_305 = arith.constant 0 : i32
          %sign3A_306 = arith.cmpi sgt, %add3A_302, %sign3A_305 : i32
          %sign3A_307 = arith.extui %sign3A_306 : i1 to i32
          %sign3A_308 = arith.constant 0 : i32
          %sign3A_309 = arith.cmpi slt, %add3A_302, %sign3A_308 : i32
          %sign3A_310 = arith.extui %sign3A_309 : i1 to i32
          %sign3A_311 = arith.subi %sign3A_307, %sign3A_310 : i32
          %sign3A_312 = arith.constant 0 : i32
          %sign3A_313 = arith.cmpi sgt, %jit3A_303, %sign3A_312 : i32
          %sign3A_314 = arith.extui %sign3A_313 : i1 to i32
          %sign3A_315 = arith.constant 0 : i32
          %sign3A_316 = arith.cmpi slt, %jit3A_303, %sign3A_315 : i32
          %sign3A_317 = arith.extui %sign3A_316 : i1 to i32
          %sign3A_318 = arith.subi %sign3A_314, %sign3A_317 : i32
          %ne3A_319 = arith.cmpi ne, %sign3A_311, %sign3A_318 : i32
          %rem3A_320 = arith.remsi %add3A_302, %jit3A_303 : i32
          %ne3A_321 = arith.constant 0 : i32
          %ne3A_322 = arith.cmpi ne, %rem3A_320, %ne3A_321 : i32
          %and3A_323 = arith.andi %ne3A_319, %ne3A_322 : i1
          %sub3A_324 = arith.constant 1 : i32
          %sub3A_325 = arith.subi %div3A_304, %sub3A_324 : i32
          %select_n3A_326 = arith.select %and3A_323, %sub3A_325, %div3A_304 : i32
          %mul3A_327 = arith.constant 8 : i32
          %mul3A_328 = arith.muli %select_n3A_326, %mul3A_327 : i32
          %jit3A_329 = arith.constant 0 : i32
          %jit3A_330 = arith.constant 33548272 : i32
          %max3A_331 = arith.maxsi %jit3A_329, %mul3A_328 : i32
          %min3A_332 = arith.minsi %jit3A_330, %max3A_331 : i32
          %sub3A_333 = arith.subi %add3A_302, %min3A_332 : i32
          %multiple_of3A_334 = tpu.assume_multiple %min3A_332, 8 : i32
          %dma_start3A_335 = arith.constant 2088 : i32
          %dma_start3A_336 = tpu.memref_slice %arg4[%dma_start3A_335] : memref<16640xf32, #tpu.memory_space<vmem>> -> memref<2064xf32, #tpu.memory_space<vmem>>
          %dma_start3A_337 = tpu.memref_slice %arg2[%multiple_of3A_334] : memref<33550336xf32, #tpu.memory_space<hbm>> -> memref<2064xf32, #tpu.memory_space<hbm>>
          %dma_start3A_338 = arith.constant 2088 : i32
          %dma_start3A_339 = tpu.memref_slice %arg4[%dma_start3A_338] : memref<16640xf32, #tpu.memory_space<vmem>> -> memref<2064xf32, #tpu.memory_space<vmem>>
          %dma_start3A_340 = tpu.memref_slice %arg2[%multiple_of3A_334] : memref<33550336xf32, #tpu.memory_space<hbm>> -> memref<2064xf32, #tpu.memory_space<hbm>>
          tpu.enqueue_dma source(%dma_start3A_340 : memref<2064xf32, #tpu.memory_space<hbm>>) target(%dma_start3A_339 : memref<2064xf32, #tpu.memory_space<vmem>>) target_semaphore(%arg9 : memref<!tpu.dma_semaphore, #tpu.memory_space<semaphore_mem>>)
          %mul3A_341 = arith.constant 8 : i32
          %mul3A_342 = arith.muli %mul3A_341, %and3A_180 : i32
          %add3A_343 = arith.constant 2 : i32
          %add3A_344 = arith.addi %mul3A_342, %add3A_343 : i32
          %mul3A_345 = arith.constant 8191 : i32
          %mul3A_346 = arith.muli %add3A_344, %mul3A_345 : i32
          %sub3A_347 = arith.constant 1 : i32
          %sub3A_348 = arith.subi %add3A_344, %sub3A_347 : i32
          %mul3A_349 = arith.muli %add3A_344, %sub3A_348 : i32
          %jit3A_350 = arith.constant 2 : i32
          %div3A_351 = arith.divsi %mul3A_349, %jit3A_350 : i32
          %sign3A_352 = arith.constant 0 : i32
          %sign3A_353 = arith.cmpi sgt, %mul3A_349, %sign3A_352 : i32
          %sign3A_354 = arith.extui %sign3A_353 : i1 to i32
          %sign3A_355 = arith.constant 0 : i32
          %sign3A_356 = arith.cmpi slt, %mul3A_349, %sign3A_355 : i32
          %sign3A_357 = arith.extui %sign3A_356 : i1 to i32
          %sign3A_358 = arith.subi %sign3A_354, %sign3A_357 : i32
          %sign3A_359 = arith.constant 0 : i32
          %sign3A_360 = arith.cmpi sgt, %jit3A_350, %sign3A_359 : i32
          %sign3A_361 = arith.extui %sign3A_360 : i1 to i32
          %sign3A_362 = arith.constant 0 : i32
          %sign3A_363 = arith.cmpi slt, %jit3A_350, %sign3A_362 : i32
          %sign3A_364 = arith.extui %sign3A_363 : i1 to i32
          %sign3A_365 = arith.subi %sign3A_361, %sign3A_364 : i32
          %ne3A_366 = arith.cmpi ne, %sign3A_358, %sign3A_365 : i32
          %rem3A_367 = arith.remsi %mul3A_349, %jit3A_350 : i32
          %ne3A_368 = arith.constant 0 : i32
          %ne3A_369 = arith.cmpi ne, %rem3A_367, %ne3A_368 : i32
          %and3A_370 = arith.andi %ne3A_366, %ne3A_369 : i1
          %sub3A_371 = arith.constant 1 : i32
          %sub3A_372 = arith.subi %div3A_351, %sub3A_371 : i32
          %select_n3A_373 = arith.select %and3A_370, %sub3A_372, %div3A_351 : i32
          %sub3A_374 = arith.subi %mul3A_346, %select_n3A_373 : i32
          %sub3A_375 = arith.subi %sub3A_374, %add3A_344 : i32
          %sub3A_376 = arith.constant 1 : i32
          %sub3A_377 = arith.subi %sub3A_375, %sub3A_376 : i32
          %mul3A_378 = arith.constant 2048 : i32
          %mul3A_379 = arith.muli %shift_right_arithmetic3A_182, %mul3A_378 : i32
          %add3A_380 = arith.addi %sub3A_377, %mul3A_379 : i32
          %jit3A_381 = arith.constant 8 : i32
          %div3A_382 = arith.divsi %add3A_380, %jit3A_381 : i32
          %sign3A_383 = arith.constant 0 : i32
          %sign3A_384 = arith.cmpi sgt, %add3A_380, %sign3A_383 : i32
          %sign3A_385 = arith.extui %sign3A_384 : i1 to i32
          %sign3A_386 = arith.constant 0 : i32
          %sign3A_387 = arith.cmpi slt, %add3A_380, %sign3A_386 : i32
          %sign3A_388 = arith.extui %sign3A_387 : i1 to i32
          %sign3A_389 = arith.subi %sign3A_385, %sign3A_388 : i32
          %sign3A_390 = arith.constant 0 : i32
          %sign3A_391 = arith.cmpi sgt, %jit3A_381, %sign3A_390 : i32
          %sign3A_392 = arith.extui %sign3A_391 : i1 to i32
          %sign3A_393 = arith.constant 0 : i32
          %sign3A_394 = arith.cmpi slt, %jit3A_381, %sign3A_393 : i32
          %sign3A_395 = arith.extui %sign3A_394 : i1 to i32
          %sign3A_396 = arith.subi %sign3A_392, %sign3A_395 : i32
          %ne3A_397 = arith.cmpi ne, %sign3A_389, %sign3A_396 : i32
          %rem3A_398 = arith.remsi %add3A_380, %jit3A_381 : i32
          %ne3A_399 = arith.constant 0 : i32
          %ne3A_400 = arith.cmpi ne, %rem3A_398, %ne3A_399 : i32
          %and3A_401 = arith.andi %ne3A_397, %ne3A_400 : i1
          %sub3A_402 = arith.constant 1 : i32
          %sub3A_403 = arith.subi %div3A_382, %sub3A_402 : i32
          %select_n3A_404 = arith.select %and3A_401, %sub3A_403, %div3A_382 : i32
          %mul3A_405 = arith.constant 8 : i32
          %mul3A_406 = arith.muli %select_n3A_404, %mul3A_405 : i32
          %jit3A_407 = arith.constant 0 : i32
          %jit3A_408 = arith.constant 33548272 : i32
          %max3A_409 = arith.maxsi %jit3A_407, %mul3A_406 : i32
          %min3A_410 = arith.minsi %jit3A_408, %max3A_409 : i32
          %sub3A_411 = arith.subi %add3A_380, %min3A_410 : i32
          %multiple_of3A_412 = tpu.assume_multiple %min3A_410, 8 : i32
          %dma_start3A_413 = arith.constant 4168 : i32
          %dma_start3A_414 = tpu.memref_slice %arg4[%dma_start3A_413] : memref<16640xf32, #tpu.memory_space<vmem>> -> memref<2064xf32, #tpu.memory_space<vmem>>
          %dma_start3A_415 = tpu.memref_slice %arg2[%multiple_of3A_412] : memref<33550336xf32, #tpu.memory_space<hbm>> -> memref<2064xf32, #tpu.memory_space<hbm>>
          %dma_start3A_416 = arith.constant 4168 : i32
          %dma_start3A_417 = tpu.memref_slice %arg4[%dma_start3A_416] : memref<16640xf32, #tpu.memory_space<vmem>> -> memref<2064xf32, #tpu.memory_space<vmem>>
          %dma_start3A_418 = tpu.memref_slice %arg2[%multiple_of3A_412] : memref<33550336xf32, #tpu.memory_space<hbm>> -> memref<2064xf32, #tpu.memory_space<hbm>>
          tpu.enqueue_dma source(%dma_start3A_418 : memref<2064xf32, #tpu.memory_space<hbm>>) target(%dma_start3A_417 : memref<2064xf32, #tpu.memory_space<vmem>>) target_semaphore(%arg9 : memref<!tpu.dma_semaphore, #tpu.memory_space<semaphore_mem>>)
          %mul3A_419 = arith.constant 8 : i32
          %mul3A_420 = arith.muli %mul3A_419, %and3A_180 : i32
          %add3A_421 = arith.constant 3 : i32
          %add3A_422 = arith.addi %mul3A_420, %add3A_421 : i32
          %mul3A_423 = arith.constant 8191 : i32
          %mul3A_424 = arith.muli %add3A_422, %mul3A_423 : i32
          %sub3A_425 = arith.constant 1 : i32
          %sub3A_426 = arith.subi %add3A_422, %sub3A_425 : i32
          %mul3A_427 = arith.muli %add3A_422, %sub3A_426 : i32
          %jit3A_428 = arith.constant 2 : i32
          %div3A_429 = arith.divsi %mul3A_427, %jit3A_428 : i32
          %sign3A_430 = arith.constant 0 : i32
          %sign3A_431 = arith.cmpi sgt, %mul3A_427, %sign3A_430 : i32
          %sign3A_432 = arith.extui %sign3A_431 : i1 to i32
          %sign3A_433 = arith.constant 0 : i32
          %sign3A_434 = arith.cmpi slt, %mul3A_427, %sign3A_433 : i32
          %sign3A_435 = arith.extui %sign3A_434 : i1 to i32
          %sign3A_436 = arith.subi %sign3A_432, %sign3A_435 : i32
          %sign3A_437 = arith.constant 0 : i32
          %sign3A_438 = arith.cmpi sgt, %jit3A_428, %sign3A_437 : i32
          %sign3A_439 = arith.extui %sign3A_438 : i1 to i32
          %sign3A_440 = arith.constant 0 : i32
          %sign3A_441 = arith.cmpi slt, %jit3A_428, %sign3A_440 : i32
          %sign3A_442 = arith.extui %sign3A_441 : i1 to i32
          %sign3A_443 = arith.subi %sign3A_439, %sign3A_442 : i32
          %ne3A_444 = arith.cmpi ne, %sign3A_436, %sign3A_443 : i32
          %rem3A_445 = arith.remsi %mul3A_427, %jit3A_428 : i32
          %ne3A_446 = arith.constant 0 : i32
          %ne3A_447 = arith.cmpi ne, %rem3A_445, %ne3A_446 : i32
          %and3A_448 = arith.andi %ne3A_444, %ne3A_447 : i1
          %sub3A_449 = arith.constant 1 : i32
          %sub3A_450 = arith.subi %div3A_429, %sub3A_449 : i32
          %select_n3A_451 = arith.select %and3A_448, %sub3A_450, %div3A_429 : i32
          %sub3A_452 = arith.subi %mul3A_424, %select_n3A_451 : i32
          %sub3A_453 = arith.subi %sub3A_452, %add3A_422 : i32
          %sub3A_454 = arith.constant 1 : i32
          %sub3A_455 = arith.subi %sub3A_453, %sub3A_454 : i32
          %mul3A_456 = arith.constant 2048 : i32
          %mul3A_457 = arith.muli %shift_right_arithmetic3A_182, %mul3A_456 : i32
          %add3A_458 = arith.addi %sub3A_455, %mul3A_457 : i32
          %jit3A_459 = arith.constant 8 : i32
          %div3A_460 = arith.divsi %add3A_458, %jit3A_459 : i32
          %sign3A_461 = arith.constant 0 : i32
          %sign3A_462 = arith.cmpi sgt, %add3A_458, %sign3A_461 : i32
          %sign3A_463 = arith.extui %sign3A_462 : i1 to i32
          %sign3A_464 = arith.constant 0 : i32
          %sign3A_465 = arith.cmpi slt, %add3A_458, %sign3A_464 : i32
          %sign3A_466 = arith.extui %sign3A_465 : i1 to i32
          %sign3A_467 = arith.subi %sign3A_463, %sign3A_466 : i32
          %sign3A_468 = arith.constant 0 : i32
          %sign3A_469 = arith.cmpi sgt, %jit3A_459, %sign3A_468 : i32
          %sign3A_470 = arith.extui %sign3A_469 : i1 to i32
          %sign3A_471 = arith.constant 0 : i32
          %sign3A_472 = arith.cmpi slt, %jit3A_459, %sign3A_471 : i32
          %sign3A_473 = arith.extui %sign3A_472 : i1 to i32
          %sign3A_474 = arith.subi %sign3A_470, %sign3A_473 : i32
          %ne3A_475 = arith.cmpi ne, %sign3A_467, %sign3A_474 : i32
          %rem3A_476 = arith.remsi %add3A_458, %jit3A_459 : i32
          %ne3A_477 = arith.constant 0 : i32
          %ne3A_478 = arith.cmpi ne, %rem3A_476, %ne3A_477 : i32
          %and3A_479 = arith.andi %ne3A_475, %ne3A_478 : i1
          %sub3A_480 = arith.constant 1 : i32
          %sub3A_481 = arith.subi %div3A_460, %sub3A_480 : i32
          %select_n3A_482 = arith.select %and3A_479, %sub3A_481, %div3A_460 : i32
          %mul3A_483 = arith.constant 8 : i32
          %mul3A_484 = arith.muli %select_n3A_482, %mul3A_483 : i32
          %jit3A_485 = arith.constant 0 : i32
          %jit3A_486 = arith.constant 33548272 : i32
          %max3A_487 = arith.maxsi %jit3A_485, %mul3A_484 : i32
          %min3A_488 = arith.minsi %jit3A_486, %max3A_487 : i32
          %sub3A_489 = arith.subi %add3A_458, %min3A_488 : i32
          %multiple_of3A_490 = tpu.assume_multiple %min3A_488, 8 : i32
          %dma_start3A_491 = arith.constant 6248 : i32
          %dma_start3A_492 = tpu.memref_slice %arg4[%dma_start3A_491] : memref<16640xf32, #tpu.memory_space<vmem>> -> memref<2064xf32, #tpu.memory_space<vmem>>
          %dma_start3A_493 = tpu.memref_slice %arg2[%multiple_of3A_490] : memref<33550336xf32, #tpu.memory_space<hbm>> -> memref<2064xf32, #tpu.memory_space<hbm>>
          %dma_start3A_494 = arith.constant 6248 : i32
          %dma_start3A_495 = tpu.memref_slice %arg4[%dma_start3A_494] : memref<16640xf32, #tpu.memory_space<vmem>> -> memref<2064xf32, #tpu.memory_space<vmem>>
          %dma_start3A_496 = tpu.memref_slice %arg2[%multiple_of3A_490] : memref<33550336xf32, #tpu.memory_space<hbm>> -> memref<2064xf32, #tpu.memory_space<hbm>>
          tpu.enqueue_dma source(%dma_start3A_496 : memref<2064xf32, #tpu.memory_space<hbm>>) target(%dma_start3A_495 : memref<2064xf32, #tpu.memory_space<vmem>>) target_semaphore(%arg9 : memref<!tpu.dma_semaphore, #tpu.memory_space<semaphore_mem>>)
          %mul3A_497 = arith.constant 8 : i32
          %mul3A_498 = arith.muli %mul3A_497, %and3A_180 : i32
          %add3A_499 = arith.constant 4 : i32
          %add3A_500 = arith.addi %mul3A_498, %add3A_499 : i32
          %mul3A_501 = arith.constant 8191 : i32
          %mul3A_502 = arith.muli %add3A_500, %mul3A_501 : i32
          %sub3A_503 = arith.constant 1 : i32
          %sub3A_504 = arith.subi %add3A_500, %sub3A_503 : i32
          %mul3A_505 = arith.muli %add3A_500, %sub3A_504 : i32
          %jit3A_506 = arith.constant 2 : i32
          %div3A_507 = arith.divsi %mul3A_505, %jit3A_506 : i32
          %sign3A_508 = arith.constant 0 : i32
          %sign3A_509 = arith.cmpi sgt, %mul3A_505, %sign3A_508 : i32
          %sign3A_510 = arith.extui %sign3A_509 : i1 to i32
          %sign3A_511 = arith.constant 0 : i32
          %sign3A_512 = arith.cmpi slt, %mul3A_505, %sign3A_511 : i32
          %sign3A_513 = arith.extui %sign3A_512 : i1 to i32
          %sign3A_514 = arith.subi %sign3A_510, %sign3A_513 : i32
          %sign3A_515 = arith.constant 0 : i32
          %sign3A_516 = arith.cmpi sgt, %jit3A_506, %sign3A_515 : i32
          %sign3A_517 = arith.extui %sign3A_516 : i1 to i32
          %sign3A_518 = arith.constant 0 : i32
          %sign3A_519 = arith.cmpi slt, %jit3A_506, %sign3A_518 : i32
          %sign3A_520 = arith.extui %sign3A_519 : i1 to i32
          %sign3A_521 = arith.subi %sign3A_517, %sign3A_520 : i32
          %ne3A_522 = arith.cmpi ne, %sign3A_514, %sign3A_521 : i32
          %rem3A_523 = arith.remsi %mul3A_505, %jit3A_506 : i32
          %ne3A_524 = arith.constant 0 : i32
          %ne3A_525 = arith.cmpi ne, %rem3A_523, %ne3A_524 : i32
          %and3A_526 = arith.andi %ne3A_522, %ne3A_525 : i1
          %sub3A_527 = arith.constant 1 : i32
          %sub3A_528 = arith.subi %div3A_507, %sub3A_527 : i32
          %select_n3A_529 = arith.select %and3A_526, %sub3A_528, %div3A_507 : i32
          %sub3A_530 = arith.subi %mul3A_502, %select_n3A_529 : i32
          %sub3A_531 = arith.subi %sub3A_530, %add3A_500 : i32
          %sub3A_532 = arith.constant 1 : i32
          %sub3A_533 = arith.subi %sub3A_531, %sub3A_532 : i32
          %mul3A_534 = arith.constant 2048 : i32
          %mul3A_535 = arith.muli %shift_right_arithmetic3A_182, %mul3A_534 : i32
          %add3A_536 = arith.addi %sub3A_533, %mul3A_535 : i32
          %jit3A_537 = arith.constant 8 : i32
          %div3A_538 = arith.divsi %add3A_536, %jit3A_537 : i32
          %sign3A_539 = arith.constant 0 : i32
          %sign3A_540 = arith.cmpi sgt, %add3A_536, %sign3A_539 : i32
          %sign3A_541 = arith.extui %sign3A_540 : i1 to i32
          %sign3A_542 = arith.constant 0 : i32
          %sign3A_543 = arith.cmpi slt, %add3A_536, %sign3A_542 : i32
          %sign3A_544 = arith.extui %sign3A_543 : i1 to i32
          %sign3A_545 = arith.subi %sign3A_541, %sign3A_544 : i32
          %sign3A_546 = arith.constant 0 : i32
          %sign3A_547 = arith.cmpi sgt, %jit3A_537, %sign3A_546 : i32
          %sign3A_548 = arith.extui %sign3A_547 : i1 to i32
          %sign3A_549 = arith.constant 0 : i32
          %sign3A_550 = arith.cmpi slt, %jit3A_537, %sign3A_549 : i32
          %sign3A_551 = arith.extui %sign3A_550 : i1 to i32
          %sign3A_552 = arith.subi %sign3A_548, %sign3A_551 : i32
          %ne3A_553 = arith.cmpi ne, %sign3A_545, %sign3A_552 : i32
          %rem3A_554 = arith.remsi %add3A_536, %jit3A_537 : i32
          %ne3A_555 = arith.constant 0 : i32
          %ne3A_556 = arith.cmpi ne, %rem3A_554, %ne3A_555 : i32
          %and3A_557 = arith.andi %ne3A_553, %ne3A_556 : i1
          %sub3A_558 = arith.constant 1 : i32
          %sub3A_559 = arith.subi %div3A_538, %sub3A_558 : i32
          %select_n3A_560 = arith.select %and3A_557, %sub3A_559, %div3A_538 : i32
          %mul3A_561 = arith.constant 8 : i32
          %mul3A_562 = arith.muli %select_n3A_560, %mul3A_561 : i32
          %jit3A_563 = arith.constant 0 : i32
          %jit3A_564 = arith.constant 33548272 : i32
          %max3A_565 = arith.maxsi %jit3A_563, %mul3A_562 : i32
          %min3A_566 = arith.minsi %jit3A_564, %max3A_565 : i32
          %sub3A_567 = arith.subi %add3A_536, %min3A_566 : i32
          %multiple_of3A_568 = tpu.assume_multiple %min3A_566, 8 : i32
          %dma_start3A_569 = arith.constant 8328 : i32
          %dma_start3A_570 = tpu.memref_slice %arg4[%dma_start3A_569] : memref<16640xf32, #tpu.memory_space<vmem>> -> memref<2064xf32, #tpu.memory_space<vmem>>
          %dma_start3A_571 = tpu.memref_slice %arg2[%multiple_of3A_568] : memref<33550336xf32, #tpu.memory_space<hbm>> -> memref<2064xf32, #tpu.memory_space<hbm>>
          %dma_start3A_572 = arith.constant 8328 : i32
          %dma_start3A_573 = tpu.memref_slice %arg4[%dma_start3A_572] : memref<16640xf32, #tpu.memory_space<vmem>> -> memref<2064xf32, #tpu.memory_space<vmem>>
          %dma_start3A_574 = tpu.memref_slice %arg2[%multiple_of3A_568] : memref<33550336xf32, #tpu.memory_space<hbm>> -> memref<2064xf32, #tpu.memory_space<hbm>>
          tpu.enqueue_dma source(%dma_start3A_574 : memref<2064xf32, #tpu.memory_space<hbm>>) target(%dma_start3A_573 : memref<2064xf32, #tpu.memory_space<vmem>>) target_semaphore(%arg9 : memref<!tpu.dma_semaphore, #tpu.memory_space<semaphore_mem>>)
          %mul3A_575 = arith.constant 8 : i32
          %mul3A_576 = arith.muli %mul3A_575, %and3A_180 : i32
          %add3A_577 = arith.constant 5 : i32
          %add3A_578 = arith.addi %mul3A_576, %add3A_577 : i32
          %mul3A_579 = arith.constant 8191 : i32
          %mul3A_580 = arith.muli %add3A_578, %mul3A_579 : i32
          %sub3A_581 = arith.constant 1 : i32
          %sub3A_582 = arith.subi %add3A_578, %sub3A_581 : i32
          %mul3A_583 = arith.muli %add3A_578, %sub3A_582 : i32
          %jit3A_584 = arith.constant 2 : i32
          %div3A_585 = arith.divsi %mul3A_583, %jit3A_584 : i32
          %sign3A_586 = arith.constant 0 : i32
          %sign3A_587 = arith.cmpi sgt, %mul3A_583, %sign3A_586 : i32
          %sign3A_588 = arith.extui %sign3A_587 : i1 to i32
          %sign3A_589 = arith.constant 0 : i32
          %sign3A_590 = arith.cmpi slt, %mul3A_583, %sign3A_589 : i32
          %sign3A_591 = arith.extui %sign3A_590 : i1 to i32
          %sign3A_592 = arith.subi %sign3A_588, %sign3A_591 : i32
          %sign3A_593 = arith.constant 0 : i32
          %sign3A_594 = arith.cmpi sgt, %jit3A_584, %sign3A_593 : i32
          %sign3A_595 = arith.extui %sign3A_594 : i1 to i32
          %sign3A_596 = arith.constant 0 : i32
          %sign3A_597 = arith.cmpi slt, %jit3A_584, %sign3A_596 : i32
          %sign3A_598 = arith.extui %sign3A_597 : i1 to i32
          %sign3A_599 = arith.subi %sign3A_595, %sign3A_598 : i32
          %ne3A_600 = arith.cmpi ne, %sign3A_592, %sign3A_599 : i32
          %rem3A_601 = arith.remsi %mul3A_583, %jit3A_584 : i32
          %ne3A_602 = arith.constant 0 : i32
          %ne3A_603 = arith.cmpi ne, %rem3A_601, %ne3A_602 : i32
          %and3A_604 = arith.andi %ne3A_600, %ne3A_603 : i1
          %sub3A_605 = arith.constant 1 : i32
          %sub3A_606 = arith.subi %div3A_585, %sub3A_605 : i32
          %select_n3A_607 = arith.select %and3A_604, %sub3A_606, %div3A_585 : i32
          %sub3A_608 = arith.subi %mul3A_580, %select_n3A_607 : i32
          %sub3A_609 = arith.subi %sub3A_608, %add3A_578 : i32
          %sub3A_610 = arith.constant 1 : i32
          %sub3A_611 = arith.subi %sub3A_609, %sub3A_610 : i32
          %mul3A_612 = arith.constant 2048 : i32
          %mul3A_613 = arith.muli %shift_right_arithmetic3A_182, %mul3A_612 : i32
          %add3A_614 = arith.addi %sub3A_611, %mul3A_613 : i32
          %jit3A_615 = arith.constant 8 : i32
          %div3A_616 = arith.divsi %add3A_614, %jit3A_615 : i32
          %sign3A_617 = arith.constant 0 : i32
          %sign3A_618 = arith.cmpi sgt, %add3A_614, %sign3A_617 : i32
          %sign3A_619 = arith.extui %sign3A_618 : i1 to i32
          %sign3A_620 = arith.constant 0 : i32
          %sign3A_621 = arith.cmpi slt, %add3A_614, %sign3A_620 : i32
          %sign3A_622 = arith.extui %sign3A_621 : i1 to i32
          %sign3A_623 = arith.subi %sign3A_619, %sign3A_622 : i32
          %sign3A_624 = arith.constant 0 : i32
          %sign3A_625 = arith.cmpi sgt, %jit3A_615, %sign3A_624 : i32
          %sign3A_626 = arith.extui %sign3A_625 : i1 to i32
          %sign3A_627 = arith.constant 0 : i32
          %sign3A_628 = arith.cmpi slt, %jit3A_615, %sign3A_627 : i32
          %sign3A_629 = arith.extui %sign3A_628 : i1 to i32
          %sign3A_630 = arith.subi %sign3A_626, %sign3A_629 : i32
          %ne3A_631 = arith.cmpi ne, %sign3A_623, %sign3A_630 : i32
          %rem3A_632 = arith.remsi %add3A_614, %jit3A_615 : i32
          %ne3A_633 = arith.constant 0 : i32
          %ne3A_634 = arith.cmpi ne, %rem3A_632, %ne3A_633 : i32
          %and3A_635 = arith.andi %ne3A_631, %ne3A_634 : i1
          %sub3A_636 = arith.constant 1 : i32
          %sub3A_637 = arith.subi %div3A_616, %sub3A_636 : i32
          %select_n3A_638 = arith.select %and3A_635, %sub3A_637, %div3A_616 : i32
          %mul3A_639 = arith.constant 8 : i32
          %mul3A_640 = arith.muli %select_n3A_638, %mul3A_639 : i32
          %jit3A_641 = arith.constant 0 : i32
          %jit3A_642 = arith.constant 33548272 : i32
          %max3A_643 = arith.maxsi %jit3A_641, %mul3A_640 : i32
          %min3A_644 = arith.minsi %jit3A_642, %max3A_643 : i32
          %sub3A_645 = arith.subi %add3A_614, %min3A_644 : i32
          %multiple_of3A_646 = tpu.assume_multiple %min3A_644, 8 : i32
          %dma_start3A_647 = arith.constant 10408 : i32
          %dma_start3A_648 = tpu.memref_slice %arg4[%dma_start3A_647] : memref<16640xf32, #tpu.memory_space<vmem>> -> memref<2064xf32, #tpu.memory_space<vmem>>
          %dma_start3A_649 = tpu.memref_slice %arg2[%multiple_of3A_646] : memref<33550336xf32, #tpu.memory_space<hbm>> -> memref<2064xf32, #tpu.memory_space<hbm>>
          %dma_start3A_650 = arith.constant 10408 : i32
          %dma_start3A_651 = tpu.memref_slice %arg4[%dma_start3A_650] : memref<16640xf32, #tpu.memory_space<vmem>> -> memref<2064xf32, #tpu.memory_space<vmem>>
          %dma_start3A_652 = tpu.memref_slice %arg2[%multiple_of3A_646] : memref<33550336xf32, #tpu.memory_space<hbm>> -> memref<2064xf32, #tpu.memory_space<hbm>>
          tpu.enqueue_dma source(%dma_start3A_652 : memref<2064xf32, #tpu.memory_space<hbm>>) target(%dma_start3A_651 : memref<2064xf32, #tpu.memory_space<vmem>>) target_semaphore(%arg9 : memref<!tpu.dma_semaphore, #tpu.memory_space<semaphore_mem>>)
          %mul3A_653 = arith.constant 8 : i32
          %mul3A_654 = arith.muli %mul3A_653, %and3A_180 : i32
          %add3A_655 = arith.constant 6 : i32
          %add3A_656 = arith.addi %mul3A_654, %add3A_655 : i32
          %mul3A_657 = arith.constant 8191 : i32
          %mul3A_658 = arith.muli %add3A_656, %mul3A_657 : i32
          %sub3A_659 = arith.constant 1 : i32
          %sub3A_660 = arith.subi %add3A_656, %sub3A_659 : i32
          %mul3A_661 = arith.muli %add3A_656, %sub3A_660 : i32
          %jit3A_662 = arith.constant 2 : i32
          %div3A_663 = arith.divsi %mul3A_661, %jit3A_662 : i32
          %sign3A_664 = arith.constant 0 : i32
          %sign3A_665 = arith.cmpi sgt, %mul3A_661, %sign3A_664 : i32
          %sign3A_666 = arith.extui %sign3A_665 : i1 to i32
          %sign3A_667 = arith.constant 0 : i32
          %sign3A_668 = arith.cmpi slt, %mul3A_661, %sign3A_667 : i32
          %sign3A_669 = arith.extui %sign3A_668 : i1 to i32
          %sign3A_670 = arith.subi %sign3A_666, %sign3A_669 : i32
          %sign3A_671 = arith.constant 0 : i32
          %sign3A_672 = arith.cmpi sgt, %jit3A_662, %sign3A_671 : i32
          %sign3A_673 = arith.extui %sign3A_672 : i1 to i32
          %sign3A_674 = arith.constant 0 : i32
          %sign3A_675 = arith.cmpi slt, %jit3A_662, %sign3A_674 : i32
          %sign3A_676 = arith.extui %sign3A_675 : i1 to i32
          %sign3A_677 = arith.subi %sign3A_673, %sign3A_676 : i32
          %ne3A_678 = arith.cmpi ne, %sign3A_670, %sign3A_677 : i32
          %rem3A_679 = arith.remsi %mul3A_661, %jit3A_662 : i32
          %ne3A_680 = arith.constant 0 : i32
          %ne3A_681 = arith.cmpi ne, %rem3A_679, %ne3A_680 : i32
          %and3A_682 = arith.andi %ne3A_678, %ne3A_681 : i1
          %sub3A_683 = arith.constant 1 : i32
          %sub3A_684 = arith.subi %div3A_663, %sub3A_683 : i32
          %select_n3A_685 = arith.select %and3A_682, %sub3A_684, %div3A_663 : i32
          %sub3A_686 = arith.subi %mul3A_658, %select_n3A_685 : i32
          %sub3A_687 = arith.subi %sub3A_686, %add3A_656 : i32
          %sub3A_688 = arith.constant 1 : i32
          %sub3A_689 = arith.subi %sub3A_687, %sub3A_688 : i32
          %mul3A_690 = arith.constant 2048 : i32
          %mul3A_691 = arith.muli %shift_right_arithmetic3A_182, %mul3A_690 : i32
          %add3A_692 = arith.addi %sub3A_689, %mul3A_691 : i32
          %jit3A_693 = arith.constant 8 : i32
          %div3A_694 = arith.divsi %add3A_692, %jit3A_693 : i32
          %sign3A_695 = arith.constant 0 : i32
          %sign3A_696 = arith.cmpi sgt, %add3A_692, %sign3A_695 : i32
          %sign3A_697 = arith.extui %sign3A_696 : i1 to i32
          %sign3A_698 = arith.constant 0 : i32
          %sign3A_699 = arith.cmpi slt, %add3A_692, %sign3A_698 : i32
          %sign3A_700 = arith.extui %sign3A_699 : i1 to i32
          %sign3A_701 = arith.subi %sign3A_697, %sign3A_700 : i32
          %sign3A_702 = arith.constant 0 : i32
          %sign3A_703 = arith.cmpi sgt, %jit3A_693, %sign3A_702 : i32
          %sign3A_704 = arith.extui %sign3A_703 : i1 to i32
          %sign3A_705 = arith.constant 0 : i32
          %sign3A_706 = arith.cmpi slt, %jit3A_693, %sign3A_705 : i32
          %sign3A_707 = arith.extui %sign3A_706 : i1 to i32
          %sign3A_708 = arith.subi %sign3A_704, %sign3A_707 : i32
          %ne3A_709 = arith.cmpi ne, %sign3A_701, %sign3A_708 : i32
          %rem3A_710 = arith.remsi %add3A_692, %jit3A_693 : i32
          %ne3A_711 = arith.constant 0 : i32
          %ne3A_712 = arith.cmpi ne, %rem3A_710, %ne3A_711 : i32
          %and3A_713 = arith.andi %ne3A_709, %ne3A_712 : i1
          %sub3A_714 = arith.constant 1 : i32
          %sub3A_715 = arith.subi %div3A_694, %sub3A_714 : i32
          %select_n3A_716 = arith.select %and3A_713, %sub3A_715, %div3A_694 : i32
          %mul3A_717 = arith.constant 8 : i32
          %mul3A_718 = arith.muli %select_n3A_716, %mul3A_717 : i32
          %jit3A_719 = arith.constant 0 : i32
          %jit3A_720 = arith.constant 33548272 : i32
          %max3A_721 = arith.maxsi %jit3A_719, %mul3A_718 : i32
          %min3A_722 = arith.minsi %jit3A_720, %max3A_721 : i32
          %sub3A_723 = arith.subi %add3A_692, %min3A_722 : i32
          %multiple_of3A_724 = tpu.assume_multiple %min3A_722, 8 : i32
          %dma_start3A_725 = arith.constant 12488 : i32
          %dma_start3A_726 = tpu.memref_slice %arg4[%dma_start3A_725] : memref<16640xf32, #tpu.memory_space<vmem>> -> memref<2064xf32, #tpu.memory_space<vmem>>
          %dma_start3A_727 = tpu.memref_slice %arg2[%multiple_of3A_724] : memref<33550336xf32, #tpu.memory_space<hbm>> -> memref<2064xf32, #tpu.memory_space<hbm>>
          %dma_start3A_728 = arith.constant 12488 : i32
          %dma_start3A_729 = tpu.memref_slice %arg4[%dma_start3A_728] : memref<16640xf32, #tpu.memory_space<vmem>> -> memref<2064xf32, #tpu.memory_space<vmem>>
          %dma_start3A_730 = tpu.memref_slice %arg2[%multiple_of3A_724] : memref<33550336xf32, #tpu.memory_space<hbm>> -> memref<2064xf32, #tpu.memory_space<hbm>>
          tpu.enqueue_dma source(%dma_start3A_730 : memref<2064xf32, #tpu.memory_space<hbm>>) target(%dma_start3A_729 : memref<2064xf32, #tpu.memory_space<vmem>>) target_semaphore(%arg9 : memref<!tpu.dma_semaphore, #tpu.memory_space<semaphore_mem>>)
          %mul3A_731 = arith.constant 8 : i32
          %mul3A_732 = arith.muli %mul3A_731, %and3A_180 : i32
          %add3A_733 = arith.constant 7 : i32
          %add3A_734 = arith.addi %mul3A_732, %add3A_733 : i32
          %mul3A_735 = arith.constant 8191 : i32
          %mul3A_736 = arith.muli %add3A_734, %mul3A_735 : i32
          %sub3A_737 = arith.constant 1 : i32
          %sub3A_738 = arith.subi %add3A_734, %sub3A_737 : i32
          %mul3A_739 = arith.muli %add3A_734, %sub3A_738 : i32
          %jit3A_740 = arith.constant 2 : i32
          %div3A_741 = arith.divsi %mul3A_739, %jit3A_740 : i32
          %sign3A_742 = arith.constant 0 : i32
          %sign3A_743 = arith.cmpi sgt, %mul3A_739, %sign3A_742 : i32
          %sign3A_744 = arith.extui %sign3A_743 : i1 to i32
          %sign3A_745 = arith.constant 0 : i32
          %sign3A_746 = arith.cmpi slt, %mul3A_739, %sign3A_745 : i32
          %sign3A_747 = arith.extui %sign3A_746 : i1 to i32
          %sign3A_748 = arith.subi %sign3A_744, %sign3A_747 : i32
          %sign3A_749 = arith.constant 0 : i32
          %sign3A_750 = arith.cmpi sgt, %jit3A_740, %sign3A_749 : i32
          %sign3A_751 = arith.extui %sign3A_750 : i1 to i32
          %sign3A_752 = arith.constant 0 : i32
          %sign3A_753 = arith.cmpi slt, %jit3A_740, %sign3A_752 : i32
          %sign3A_754 = arith.extui %sign3A_753 : i1 to i32
          %sign3A_755 = arith.subi %sign3A_751, %sign3A_754 : i32
          %ne3A_756 = arith.cmpi ne, %sign3A_748, %sign3A_755 : i32
          %rem3A_757 = arith.remsi %mul3A_739, %jit3A_740 : i32
          %ne3A_758 = arith.constant 0 : i32
          %ne3A_759 = arith.cmpi ne, %rem3A_757, %ne3A_758 : i32
          %and3A_760 = arith.andi %ne3A_756, %ne3A_759 : i1
          %sub3A_761 = arith.constant 1 : i32
          %sub3A_762 = arith.subi %div3A_741, %sub3A_761 : i32
          %select_n3A_763 = arith.select %and3A_760, %sub3A_762, %div3A_741 : i32
          %sub3A_764 = arith.subi %mul3A_736, %select_n3A_763 : i32
          %sub3A_765 = arith.subi %sub3A_764, %add3A_734 : i32
          %sub3A_766 = arith.constant 1 : i32
          %sub3A_767 = arith.subi %sub3A_765, %sub3A_766 : i32
          %mul3A_768 = arith.constant 2048 : i32
          %mul3A_769 = arith.muli %shift_right_arithmetic3A_182, %mul3A_768 : i32
          %add3A_770 = arith.addi %sub3A_767, %mul3A_769 : i32
          %jit3A_771 = arith.constant 8 : i32
          %div3A_772 = arith.divsi %add3A_770, %jit3A_771 : i32
          %sign3A_773 = arith.constant 0 : i32
          %sign3A_774 = arith.cmpi sgt, %add3A_770, %sign3A_773 : i32
          %sign3A_775 = arith.extui %sign3A_774 : i1 to i32
          %sign3A_776 = arith.constant 0 : i32
          %sign3A_777 = arith.cmpi slt, %add3A_770, %sign3A_776 : i32
          %sign3A_778 = arith.extui %sign3A_777 : i1 to i32
          %sign3A_779 = arith.subi %sign3A_775, %sign3A_778 : i32
          %sign3A_780 = arith.constant 0 : i32
          %sign3A_781 = arith.cmpi sgt, %jit3A_771, %sign3A_780 : i32
          %sign3A_782 = arith.extui %sign3A_781 : i1 to i32
          %sign3A_783 = arith.constant 0 : i32
          %sign3A_784 = arith.cmpi slt, %jit3A_771, %sign3A_783 : i32
          %sign3A_785 = arith.extui %sign3A_784 : i1 to i32
          %sign3A_786 = arith.subi %sign3A_782, %sign3A_785 : i32
          %ne3A_787 = arith.cmpi ne, %sign3A_779, %sign3A_786 : i32
          %rem3A_788 = arith.remsi %add3A_770, %jit3A_771 : i32
          %ne3A_789 = arith.constant 0 : i32
          %ne3A_790 = arith.cmpi ne, %rem3A_788, %ne3A_789 : i32
          %and3A_791 = arith.andi %ne3A_787, %ne3A_790 : i1
          %sub3A_792 = arith.constant 1 : i32
          %sub3A_793 = arith.subi %div3A_772, %sub3A_792 : i32
          %select_n3A_794 = arith.select %and3A_791, %sub3A_793, %div3A_772 : i32
          %mul3A_795 = arith.constant 8 : i32
          %mul3A_796 = arith.muli %select_n3A_794, %mul3A_795 : i32
          %jit3A_797 = arith.constant 0 : i32
          %jit3A_798 = arith.constant 33548272 : i32
          %max3A_799 = arith.maxsi %jit3A_797, %mul3A_796 : i32
          %min3A_800 = arith.minsi %jit3A_798, %max3A_799 : i32
          %sub3A_801 = arith.subi %add3A_770, %min3A_800 : i32
          %multiple_of3A_802 = tpu.assume_multiple %min3A_800, 8 : i32
          %dma_start3A_803 = arith.constant 14568 : i32
          %dma_start3A_804 = tpu.memref_slice %arg4[%dma_start3A_803] : memref<16640xf32, #tpu.memory_space<vmem>> -> memref<2064xf32, #tpu.memory_space<vmem>>
          %dma_start3A_805 = tpu.memref_slice %arg2[%multiple_of3A_802] : memref<33550336xf32, #tpu.memory_space<hbm>> -> memref<2064xf32, #tpu.memory_space<hbm>>
          %dma_start3A_806 = arith.constant 14568 : i32
          %dma_start3A_807 = tpu.memref_slice %arg4[%dma_start3A_806] : memref<16640xf32, #tpu.memory_space<vmem>> -> memref<2064xf32, #tpu.memory_space<vmem>>
          %dma_start3A_808 = tpu.memref_slice %arg2[%multiple_of3A_802] : memref<33550336xf32, #tpu.memory_space<hbm>> -> memref<2064xf32, #tpu.memory_space<hbm>>
          tpu.enqueue_dma source(%dma_start3A_808 : memref<2064xf32, #tpu.memory_space<hbm>>) target(%dma_start3A_807 : memref<2064xf32, #tpu.memory_space<vmem>>) target_semaphore(%arg9 : memref<!tpu.dma_semaphore, #tpu.memory_space<semaphore_mem>>)
        } else {
        }
      } else {
      }
      %add3A_124 = arith.constant 1 : i32
      %add3A_125 = arith.addi %mul3A_79, %add3A_124 : i32
      %gt3A_126 = arith.constant 0 : i32
      %gt3A_127 = arith.cmpi sgt, %scan3A_77, %gt3A_126 : i32
      %lt3A_128 = arith.constant 63 : i32
      %lt3A_129 = arith.cmpi slt, %scan3A_77, %lt3A_128 : i32
      %mul3A_130 = arith.constant 32 : i32
      %mul3A_131 = arith.muli %add3A_125, %mul3A_130 : i32
      %add3A_132 = arith.addi %mul3A_131, %add3A : i32
      %and3A_133 = arith.constant 1023 : i32
      %and3A_134 = arith.andi %add3A_132, %and3A_133 : i32
      %shift_right_arithmetic3A_135 = arith.constant 10 : i32
      %shift_right_arithmetic3A_136 = arith.shrsi %add3A_132, %shift_right_arithmetic3A_135 : i32
      %add3A_137 = arith.constant 1 : i32
      %add3A_138 = arith.addi %shift_right_arithmetic3A_136, %add3A_137 : i32
      %mul3A_139 = arith.constant 2048 : i32
      %mul3A_140 = arith.muli %add3A_138, %mul3A_139 : i32
      %mul3A_141 = arith.constant 8 : i32
      %mul3A_142 = arith.muli %mul3A_141, %and3A_134 : i32
      %le3A_143 = arith.cmpi sle, %mul3A_140, %mul3A_142 : i32
      %not3A_144 = arith.constant true
      %not3A_145 = arith.xori %le3A_143, %not3A_144 : i1
      %mul3A_146 = arith.constant 2048 : i32
      %mul3A_147 = arith.muli %shift_right_arithmetic3A_136, %mul3A_146 : i32
      %mul3A_148 = arith.constant 8 : i32
      %mul3A_149 = arith.muli %mul3A_148, %and3A_134 : i32
      %add3A_150 = arith.constant 8 : i32
      %add3A_151 = arith.addi %mul3A_149, %add3A_150 : i32
      %ge3A_152 = arith.cmpi sge, %mul3A_147, %add3A_151 : i32
      %convert_element_type3A_153 = arith.extui %not3A_145 : i1 to i32
      %cond3A_154 = arith.constant 0 : i32
      %cond3A_155 = arith.cmpi ne, %convert_element_type3A_153, %cond3A_154 : i32
      scf.if %cond3A_155 {
        %dma_wait3A_174 = arith.constant 0 : i32
        %dma_wait3A_175 = tpu.memref_slice %arg5[%dma_wait3A_174] : memref<16640xf32, #tpu.memory_space<vmem>> -> memref<16512xf32, #tpu.memory_space<vmem>>
        %dma_wait3A_176 = arith.constant 0 : i32
        %dma_wait3A_177 = tpu.memref_slice %arg2[%dma_wait3A_176] : memref<33550336xf32, #tpu.memory_space<hbm>> -> memref<16512xf32, #tpu.memory_space<hbm>>
        %dma_wait3A_178 = arith.constant 0 : i32
        %dma_wait3A_179 = tpu.memref_slice %arg5[%dma_wait3A_178] : memref<16640xf32, #tpu.memory_space<vmem>> -> memref<16512xf32, #tpu.memory_space<vmem>>
        %dma_wait3A_180 = arith.constant 0 : i32
        %dma_wait3A_181 = tpu.memref_slice %arg2[%dma_wait3A_180] : memref<33550336xf32, #tpu.memory_space<hbm>> -> memref<16512xf32, #tpu.memory_space<hbm>>
        tpu.wait_dma2 semaphore(%arg10 : memref<!tpu.dma_semaphore, #tpu.memory_space<semaphore_mem>>) src(%dma_wait3A_181 : memref<16512xf32, #tpu.memory_space<hbm>>) dst(%dma_wait3A_179 : memref<16512xf32, #tpu.memory_space<vmem>>)
      } else {
      }
      %convert_element_type3A_156 = arith.extui %gt3A_127 : i1 to i32
      %cond3A_157 = arith.constant 0 : i32
      %cond3A_158 = arith.cmpi ne, %convert_element_type3A_156, %cond3A_157 : i32
      scf.if %cond3A_158 {
        %dma_wait3A_174 = arith.constant 0 : i32
        %dma_wait3A_175 = arith.constant 0 : i32
        %dma_wait3A_176 = arith.constant 0 : i32
        %dma_wait3A_177 = tpu.memref_slice %arg3[%dma_wait3A_174, %dma_wait3A_175, %dma_wait3A_176] : memref<1024x8x8192xf32, #tpu.memory_space<hbm>> -> memref<1x8x2048xf32, #tpu.memory_space<hbm>>
        %dma_wait3A_178 = tpu.memref_squeeze %dma_wait3A_177 : memref<1x8x2048xf32, #tpu.memory_space<hbm>> -> memref<8x2048xf32, #tpu.memory_space<hbm>>
        %dma_wait3A_179 = arith.constant 0 : i32
        %dma_wait3A_180 = arith.constant 0 : i32
        %dma_wait3A_181 = tpu.memref_slice %arg3[%dma_wait3A_174, %dma_wait3A_179, %dma_wait3A_180] : memref<1024x8x8192xf32, #tpu.memory_space<hbm>> -> memref<1x8x2048xf32, #tpu.memory_space<hbm>>
        %dma_wait3A_182 = tpu.memref_squeeze %dma_wait3A_181 : memref<1x8x2048xf32, #tpu.memory_space<hbm>> -> memref<8x2048xf32, #tpu.memory_space<hbm>>
        tpu.wait_dma2 semaphore(%arg12 : memref<!tpu.dma_semaphore, #tpu.memory_space<semaphore_mem>>) src(%arg7 : memref<8x2048xf32, #tpu.memory_space<vmem>>) dst(%dma_wait3A_182 : memref<8x2048xf32, #tpu.memory_space<hbm>>)
      } else {
      }
      %convert_element_type3A_159 = arith.extui %not3A_145 : i1 to i32
      %cond3A_160 = arith.constant 0 : i32
      %cond3A_161 = arith.cmpi ne, %convert_element_type3A_159, %cond3A_160 : i32
      scf.if %cond3A_161 {
        %mul3A_174 = arith.constant 8 : i32
        %mul3A_175 = arith.muli %mul3A_174, %and3A_134 : i32
        %add3A_176 = arith.constant 0 : i32
        %add3A_177 = arith.addi %mul3A_175, %add3A_176 : i32
        %mul3A_178 = arith.constant 8191 : i32
        %mul3A_179 = arith.muli %add3A_177, %mul3A_178 : i32
        %sub3A = arith.constant 1 : i32
        %sub3A_180 = arith.subi %add3A_177, %sub3A : i32
        %mul3A_181 = arith.muli %add3A_177, %sub3A_180 : i32
        %jit3A = arith.constant 2 : i32
        %div3A = arith.divsi %mul3A_181, %jit3A : i32
        %sign3A = arith.constant 0 : i32
        %sign3A_182 = arith.cmpi sgt, %mul3A_181, %sign3A : i32
        %sign3A_183 = arith.extui %sign3A_182 : i1 to i32
        %sign3A_184 = arith.constant 0 : i32
        %sign3A_185 = arith.cmpi slt, %mul3A_181, %sign3A_184 : i32
        %sign3A_186 = arith.extui %sign3A_185 : i1 to i32
        %sign3A_187 = arith.subi %sign3A_183, %sign3A_186 : i32
        %sign3A_188 = arith.constant 0 : i32
        %sign3A_189 = arith.cmpi sgt, %jit3A, %sign3A_188 : i32
        %sign3A_190 = arith.extui %sign3A_189 : i1 to i32
        %sign3A_191 = arith.constant 0 : i32
        %sign3A_192 = arith.cmpi slt, %jit3A, %sign3A_191 : i32
        %sign3A_193 = arith.extui %sign3A_192 : i1 to i32
        %sign3A_194 = arith.subi %sign3A_190, %sign3A_193 : i32
        %ne3A = arith.cmpi ne, %sign3A_187, %sign3A_194 : i32
        %rem3A = arith.remsi %mul3A_181, %jit3A : i32
        %ne3A_195 = arith.constant 0 : i32
        %ne3A_196 = arith.cmpi ne, %rem3A, %ne3A_195 : i32
        %and3A_197 = arith.andi %ne3A, %ne3A_196 : i1
        %sub3A_198 = arith.constant 1 : i32
        %sub3A_199 = arith.subi %div3A, %sub3A_198 : i32
        %select_n3A = arith.select %and3A_197, %sub3A_199, %div3A : i32
        %sub3A_200 = arith.subi %mul3A_179, %select_n3A : i32
        %sub3A_201 = arith.subi %sub3A_200, %add3A_177 : i32
        %sub3A_202 = arith.constant 1 : i32
        %sub3A_203 = arith.subi %sub3A_201, %sub3A_202 : i32
        %mul3A_204 = arith.constant 2048 : i32
        %mul3A_205 = arith.muli %shift_right_arithmetic3A_136, %mul3A_204 : i32
        %add3A_206 = arith.addi %sub3A_203, %mul3A_205 : i32
        %jit3A_207 = arith.constant 8 : i32
        %div3A_208 = arith.divsi %add3A_206, %jit3A_207 : i32
        %sign3A_209 = arith.constant 0 : i32
        %sign3A_210 = arith.cmpi sgt, %add3A_206, %sign3A_209 : i32
        %sign3A_211 = arith.extui %sign3A_210 : i1 to i32
        %sign3A_212 = arith.constant 0 : i32
        %sign3A_213 = arith.cmpi slt, %add3A_206, %sign3A_212 : i32
        %sign3A_214 = arith.extui %sign3A_213 : i1 to i32
        %sign3A_215 = arith.subi %sign3A_211, %sign3A_214 : i32
        %sign3A_216 = arith.constant 0 : i32
        %sign3A_217 = arith.cmpi sgt, %jit3A_207, %sign3A_216 : i32
        %sign3A_218 = arith.extui %sign3A_217 : i1 to i32
        %sign3A_219 = arith.constant 0 : i32
        %sign3A_220 = arith.cmpi slt, %jit3A_207, %sign3A_219 : i32
        %sign3A_221 = arith.extui %sign3A_220 : i1 to i32
        %sign3A_222 = arith.subi %sign3A_218, %sign3A_221 : i32
        %ne3A_223 = arith.cmpi ne, %sign3A_215, %sign3A_222 : i32
        %rem3A_224 = arith.remsi %add3A_206, %jit3A_207 : i32
        %ne3A_225 = arith.constant 0 : i32
        %ne3A_226 = arith.cmpi ne, %rem3A_224, %ne3A_225 : i32
        %and3A_227 = arith.andi %ne3A_223, %ne3A_226 : i1
        %sub3A_228 = arith.constant 1 : i32
        %sub3A_229 = arith.subi %div3A_208, %sub3A_228 : i32
        %select_n3A_230 = arith.select %and3A_227, %sub3A_229, %div3A_208 : i32
        %mul3A_231 = arith.constant 8 : i32
        %mul3A_232 = arith.muli %select_n3A_230, %mul3A_231 : i32
        %jit3A_233 = arith.constant 0 : i32
        %jit3A_234 = arith.constant 33548272 : i32
        %max3A = arith.maxsi %jit3A_233, %mul3A_232 : i32
        %min3A = arith.minsi %jit3A_234, %max3A : i32
        %sub3A_235 = arith.subi %add3A_206, %min3A : i32
        %mul3A_236 = arith.constant 2048 : i32
        %mul3A_237 = arith.muli %shift_right_arithmetic3A_136, %mul3A_236 : i32
        %add3A_238 = vector.broadcast %mul3A_237 : i32 to vector<16xi32>
        %add3A_239 = arith.addi %add3A_238, %iota3A : vector<16xi32>
        %parallel_loop3A_240 = arith.constant 0 : i32
        %parallel_loop3A_241 = arith.constant 128 : i32
        %parallel_loop3A_242 = arith.constant 1 : i32
        scf.for %parallel_loop3A_789 = %parallel_loop3A_240 to %parallel_loop3A_241 step %parallel_loop3A_242  : i32 {
          %parallel_loop3A_790 = arith.constant 8 : i32
          %parallel_loop3A_791 = arith.addi %parallel_loop3A_790, %sub3A_235 : i32
          %parallel_loop3A_792 = arith.constant 16 : i32
          %parallel_loop3A_793 = arith.muli %parallel_loop3A_789, %parallel_loop3A_792 : i32
          %parallel_loop3A_794 = arith.addi %parallel_loop3A_791, %parallel_loop3A_793 : i32
          %parallel_loop3A_795 = arith.index_cast %parallel_loop3A_794 : i32 to index
          %parallel_loop3A_796 = tpu.vector_load %arg5[%parallel_loop3A_795] {strides = array<i32>} : memref<16640xf32, #tpu.memory_space<vmem>>, vector<16xf32>,
          %parallel_loop3A_797 = vector.shape_cast %parallel_loop3A_796 : vector<16xf32> to vector<16xf32>
          %parallel_loop3A_798 = arith.constant 16 : i32
          %parallel_loop3A_799 = arith.muli %parallel_loop3A_789, %parallel_loop3A_798 : i32
          %parallel_loop3A_800 = vector.broadcast %parallel_loop3A_799 : i32 to vector<16xi32>
          %parallel_loop3A_801 = arith.addi %add3A_239, %parallel_loop3A_800 : vector<16xi32>
          %parallel_loop3A_802 = vector.broadcast %add3A_177 : i32 to vector<16xi32>
          %parallel_loop3A_803 = arith.cmpi sle, %parallel_loop3A_801, %parallel_loop3A_802 : vector<16xi32>
          %parallel_loop3A_804 = arith.constant 0.000000e+00 : f32
          %parallel_loop3A_805 = vector.broadcast %parallel_loop3A_804 : f32 to vector<16xf32>
          %parallel_loop3A_806 = arith.select %parallel_loop3A_803, %parallel_loop3A_805, %parallel_loop3A_797 : vector<16xi1>, vector<16xf32>
          %parallel_loop3A_807 = arith.constant 16 : i32
          %parallel_loop3A_808 = arith.muli %parallel_loop3A_789, %parallel_loop3A_807 : i32
          %parallel_loop3A_809 = arith.constant 0 : i32
          %parallel_loop3A_810 = arith.index_cast %parallel_loop3A_809 : i32 to index
          %parallel_loop3A_811 = arith.index_cast %parallel_loop3A_808 : i32 to index
          %parallel_loop3A_812 = tpu.vector_load %arg7[%parallel_loop3A_810, %parallel_loop3A_811] {strides = array<i32>} : memref<8x2048xf32, #tpu.memory_space<vmem>>, vector<1x16xf32>,
          %parallel_loop3A_813 = vector.shape_cast %parallel_loop3A_812 : vector<1x16xf32> to vector<16xf32>
          %parallel_loop3A_814 = vector.shape_cast %parallel_loop3A_806 : vector<16xf32> to vector<1x16xf32>
          tpu.vector_store %arg7[%parallel_loop3A_810, %parallel_loop3A_811], %parallel_loop3A_814 {strides = array<i32>} : memref<8x2048xf32, #tpu.memory_space<vmem>>, vector<1x16xf32>,
        } {sc.loop_unroll_factor = 8 : i64, sc.parallel_access}
        %mul3A_243 = arith.constant 8 : i32
        %mul3A_244 = arith.muli %mul3A_243, %and3A_134 : i32
        %add3A_245 = arith.constant 1 : i32
        %add3A_246 = arith.addi %mul3A_244, %add3A_245 : i32
        %mul3A_247 = arith.constant 8191 : i32
        %mul3A_248 = arith.muli %add3A_246, %mul3A_247 : i32
        %sub3A_249 = arith.constant 1 : i32
        %sub3A_250 = arith.subi %add3A_246, %sub3A_249 : i32
        %mul3A_251 = arith.muli %add3A_246, %sub3A_250 : i32
        %jit3A_252 = arith.constant 2 : i32
        %div3A_253 = arith.divsi %mul3A_251, %jit3A_252 : i32
        %sign3A_254 = arith.constant 0 : i32
        %sign3A_255 = arith.cmpi sgt, %mul3A_251, %sign3A_254 : i32
        %sign3A_256 = arith.extui %sign3A_255 : i1 to i32
        %sign3A_257 = arith.constant 0 : i32
        %sign3A_258 = arith.cmpi slt, %mul3A_251, %sign3A_257 : i32
        %sign3A_259 = arith.extui %sign3A_258 : i1 to i32
        %sign3A_260 = arith.subi %sign3A_256, %sign3A_259 : i32
        %sign3A_261 = arith.constant 0 : i32
        %sign3A_262 = arith.cmpi sgt, %jit3A_252, %sign3A_261 : i32
        %sign3A_263 = arith.extui %sign3A_262 : i1 to i32
        %sign3A_264 = arith.constant 0 : i32
        %sign3A_265 = arith.cmpi slt, %jit3A_252, %sign3A_264 : i32
        %sign3A_266 = arith.extui %sign3A_265 : i1 to i32
        %sign3A_267 = arith.subi %sign3A_263, %sign3A_266 : i32
        %ne3A_268 = arith.cmpi ne, %sign3A_260, %sign3A_267 : i32
        %rem3A_269 = arith.remsi %mul3A_251, %jit3A_252 : i32
        %ne3A_270 = arith.constant 0 : i32
        %ne3A_271 = arith.cmpi ne, %rem3A_269, %ne3A_270 : i32
        %and3A_272 = arith.andi %ne3A_268, %ne3A_271 : i1
        %sub3A_273 = arith.constant 1 : i32
        %sub3A_274 = arith.subi %div3A_253, %sub3A_273 : i32
        %select_n3A_275 = arith.select %and3A_272, %sub3A_274, %div3A_253 : i32
        %sub3A_276 = arith.subi %mul3A_248, %select_n3A_275 : i32
        %sub3A_277 = arith.subi %sub3A_276, %add3A_246 : i32
        %sub3A_278 = arith.constant 1 : i32
        %sub3A_279 = arith.subi %sub3A_277, %sub3A_278 : i32
        %mul3A_280 = arith.constant 2048 : i32
        %mul3A_281 = arith.muli %shift_right_arithmetic3A_136, %mul3A_280 : i32
        %add3A_282 = arith.addi %sub3A_279, %mul3A_281 : i32
        %jit3A_283 = arith.constant 8 : i32
        %div3A_284 = arith.divsi %add3A_282, %jit3A_283 : i32
        %sign3A_285 = arith.constant 0 : i32
        %sign3A_286 = arith.cmpi sgt, %add3A_282, %sign3A_285 : i32
        %sign3A_287 = arith.extui %sign3A_286 : i1 to i32
        %sign3A_288 = arith.constant 0 : i32
        %sign3A_289 = arith.cmpi slt, %add3A_282, %sign3A_288 : i32
        %sign3A_290 = arith.extui %sign3A_289 : i1 to i32
        %sign3A_291 = arith.subi %sign3A_287, %sign3A_290 : i32
        %sign3A_292 = arith.constant 0 : i32
        %sign3A_293 = arith.cmpi sgt, %jit3A_283, %sign3A_292 : i32
        %sign3A_294 = arith.extui %sign3A_293 : i1 to i32
        %sign3A_295 = arith.constant 0 : i32
        %sign3A_296 = arith.cmpi slt, %jit3A_283, %sign3A_295 : i32
        %sign3A_297 = arith.extui %sign3A_296 : i1 to i32
        %sign3A_298 = arith.subi %sign3A_294, %sign3A_297 : i32
        %ne3A_299 = arith.cmpi ne, %sign3A_291, %sign3A_298 : i32
        %rem3A_300 = arith.remsi %add3A_282, %jit3A_283 : i32
        %ne3A_301 = arith.constant 0 : i32
        %ne3A_302 = arith.cmpi ne, %rem3A_300, %ne3A_301 : i32
        %and3A_303 = arith.andi %ne3A_299, %ne3A_302 : i1
        %sub3A_304 = arith.constant 1 : i32
        %sub3A_305 = arith.subi %div3A_284, %sub3A_304 : i32
        %select_n3A_306 = arith.select %and3A_303, %sub3A_305, %div3A_284 : i32
        %mul3A_307 = arith.constant 8 : i32
        %mul3A_308 = arith.muli %select_n3A_306, %mul3A_307 : i32
        %jit3A_309 = arith.constant 0 : i32
        %jit3A_310 = arith.constant 33548272 : i32
        %max3A_311 = arith.maxsi %jit3A_309, %mul3A_308 : i32
        %min3A_312 = arith.minsi %jit3A_310, %max3A_311 : i32
        %sub3A_313 = arith.subi %add3A_282, %min3A_312 : i32
        %mul3A_314 = arith.constant 2048 : i32
        %mul3A_315 = arith.muli %shift_right_arithmetic3A_136, %mul3A_314 : i32
        %add3A_316 = vector.broadcast %mul3A_315 : i32 to vector<16xi32>
        %add3A_317 = arith.addi %add3A_316, %iota3A : vector<16xi32>
        %parallel_loop3A_318 = arith.constant 0 : i32
        %parallel_loop3A_319 = arith.constant 128 : i32
        %parallel_loop3A_320 = arith.constant 1 : i32
        scf.for %parallel_loop3A_789 = %parallel_loop3A_318 to %parallel_loop3A_319 step %parallel_loop3A_320  : i32 {
          %parallel_loop3A_790 = arith.constant 2088 : i32
          %parallel_loop3A_791 = arith.addi %parallel_loop3A_790, %sub3A_313 : i32
          %parallel_loop3A_792 = arith.constant 16 : i32
          %parallel_loop3A_793 = arith.muli %parallel_loop3A_789, %parallel_loop3A_792 : i32
          %parallel_loop3A_794 = arith.addi %parallel_loop3A_791, %parallel_loop3A_793 : i32
          %parallel_loop3A_795 = arith.index_cast %parallel_loop3A_794 : i32 to index
          %parallel_loop3A_796 = tpu.vector_load %arg5[%parallel_loop3A_795] {strides = array<i32>} : memref<16640xf32, #tpu.memory_space<vmem>>, vector<16xf32>,
          %parallel_loop3A_797 = vector.shape_cast %parallel_loop3A_796 : vector<16xf32> to vector<16xf32>
          %parallel_loop3A_798 = arith.constant 16 : i32
          %parallel_loop3A_799 = arith.muli %parallel_loop3A_789, %parallel_loop3A_798 : i32
          %parallel_loop3A_800 = vector.broadcast %parallel_loop3A_799 : i32 to vector<16xi32>
          %parallel_loop3A_801 = arith.addi %add3A_317, %parallel_loop3A_800 : vector<16xi32>
          %parallel_loop3A_802 = vector.broadcast %add3A_246 : i32 to vector<16xi32>
          %parallel_loop3A_803 = arith.cmpi sle, %parallel_loop3A_801, %parallel_loop3A_802 : vector<16xi32>
          %parallel_loop3A_804 = arith.constant 0.000000e+00 : f32
          %parallel_loop3A_805 = vector.broadcast %parallel_loop3A_804 : f32 to vector<16xf32>
          %parallel_loop3A_806 = arith.select %parallel_loop3A_803, %parallel_loop3A_805, %parallel_loop3A_797 : vector<16xi1>, vector<16xf32>
          %parallel_loop3A_807 = arith.constant 16 : i32
          %parallel_loop3A_808 = arith.muli %parallel_loop3A_789, %parallel_loop3A_807 : i32
          %parallel_loop3A_809 = arith.constant 1 : i32
          %parallel_loop3A_810 = arith.index_cast %parallel_loop3A_809 : i32 to index
          %parallel_loop3A_811 = arith.index_cast %parallel_loop3A_808 : i32 to index
          %parallel_loop3A_812 = tpu.vector_load %arg7[%parallel_loop3A_810, %parallel_loop3A_811] {strides = array<i32>} : memref<8x2048xf32, #tpu.memory_space<vmem>>, vector<1x16xf32>,
          %parallel_loop3A_813 = vector.shape_cast %parallel_loop3A_812 : vector<1x16xf32> to vector<16xf32>
          %parallel_loop3A_814 = vector.shape_cast %parallel_loop3A_806 : vector<16xf32> to vector<1x16xf32>
          tpu.vector_store %arg7[%parallel_loop3A_810, %parallel_loop3A_811], %parallel_loop3A_814 {strides = array<i32>} : memref<8x2048xf32, #tpu.memory_space<vmem>>, vector<1x16xf32>,
        } {sc.loop_unroll_factor = 8 : i64, sc.parallel_access}
        %mul3A_321 = arith.constant 8 : i32
        %mul3A_322 = arith.muli %mul3A_321, %and3A_134 : i32
        %add3A_323 = arith.constant 2 : i32
        %add3A_324 = arith.addi %mul3A_322, %add3A_323 : i32
        %mul3A_325 = arith.constant 8191 : i32
        %mul3A_326 = arith.muli %add3A_324, %mul3A_325 : i32
        %sub3A_327 = arith.constant 1 : i32
        %sub3A_328 = arith.subi %add3A_324, %sub3A_327 : i32
        %mul3A_329 = arith.muli %add3A_324, %sub3A_328 : i32
        %jit3A_330 = arith.constant 2 : i32
        %div3A_331 = arith.divsi %mul3A_329, %jit3A_330 : i32
        %sign3A_332 = arith.constant 0 : i32
        %sign3A_333 = arith.cmpi sgt, %mul3A_329, %sign3A_332 : i32
        %sign3A_334 = arith.extui %sign3A_333 : i1 to i32
        %sign3A_335 = arith.constant 0 : i32
        %sign3A_336 = arith.cmpi slt, %mul3A_329, %sign3A_335 : i32
        %sign3A_337 = arith.extui %sign3A_336 : i1 to i32
        %sign3A_338 = arith.subi %sign3A_334, %sign3A_337 : i32
        %sign3A_339 = arith.constant 0 : i32
        %sign3A_340 = arith.cmpi sgt, %jit3A_330, %sign3A_339 : i32
        %sign3A_341 = arith.extui %sign3A_340 : i1 to i32
        %sign3A_342 = arith.constant 0 : i32
        %sign3A_343 = arith.cmpi slt, %jit3A_330, %sign3A_342 : i32
        %sign3A_344 = arith.extui %sign3A_343 : i1 to i32
        %sign3A_345 = arith.subi %sign3A_341, %sign3A_344 : i32
        %ne3A_346 = arith.cmpi ne, %sign3A_338, %sign3A_345 : i32
        %rem3A_347 = arith.remsi %mul3A_329, %jit3A_330 : i32
        %ne3A_348 = arith.constant 0 : i32
        %ne3A_349 = arith.cmpi ne, %rem3A_347, %ne3A_348 : i32
        %and3A_350 = arith.andi %ne3A_346, %ne3A_349 : i1
        %sub3A_351 = arith.constant 1 : i32
        %sub3A_352 = arith.subi %div3A_331, %sub3A_351 : i32
        %select_n3A_353 = arith.select %and3A_350, %sub3A_352, %div3A_331 : i32
        %sub3A_354 = arith.subi %mul3A_326, %select_n3A_353 : i32
        %sub3A_355 = arith.subi %sub3A_354, %add3A_324 : i32
        %sub3A_356 = arith.constant 1 : i32
        %sub3A_357 = arith.subi %sub3A_355, %sub3A_356 : i32
        %mul3A_358 = arith.constant 2048 : i32
        %mul3A_359 = arith.muli %shift_right_arithmetic3A_136, %mul3A_358 : i32
        %add3A_360 = arith.addi %sub3A_357, %mul3A_359 : i32
        %jit3A_361 = arith.constant 8 : i32
        %div3A_362 = arith.divsi %add3A_360, %jit3A_361 : i32
        %sign3A_363 = arith.constant 0 : i32
        %sign3A_364 = arith.cmpi sgt, %add3A_360, %sign3A_363 : i32
        %sign3A_365 = arith.extui %sign3A_364 : i1 to i32
        %sign3A_366 = arith.constant 0 : i32
        %sign3A_367 = arith.cmpi slt, %add3A_360, %sign3A_366 : i32
        %sign3A_368 = arith.extui %sign3A_367 : i1 to i32
        %sign3A_369 = arith.subi %sign3A_365, %sign3A_368 : i32
        %sign3A_370 = arith.constant 0 : i32
        %sign3A_371 = arith.cmpi sgt, %jit3A_361, %sign3A_370 : i32
        %sign3A_372 = arith.extui %sign3A_371 : i1 to i32
        %sign3A_373 = arith.constant 0 : i32
        %sign3A_374 = arith.cmpi slt, %jit3A_361, %sign3A_373 : i32
        %sign3A_375 = arith.extui %sign3A_374 : i1 to i32
        %sign3A_376 = arith.subi %sign3A_372, %sign3A_375 : i32
        %ne3A_377 = arith.cmpi ne, %sign3A_369, %sign3A_376 : i32
        %rem3A_378 = arith.remsi %add3A_360, %jit3A_361 : i32
        %ne3A_379 = arith.constant 0 : i32
        %ne3A_380 = arith.cmpi ne, %rem3A_378, %ne3A_379 : i32
        %and3A_381 = arith.andi %ne3A_377, %ne3A_380 : i1
        %sub3A_382 = arith.constant 1 : i32
        %sub3A_383 = arith.subi %div3A_362, %sub3A_382 : i32
        %select_n3A_384 = arith.select %and3A_381, %sub3A_383, %div3A_362 : i32
        %mul3A_385 = arith.constant 8 : i32
        %mul3A_386 = arith.muli %select_n3A_384, %mul3A_385 : i32
        %jit3A_387 = arith.constant 0 : i32
        %jit3A_388 = arith.constant 33548272 : i32
        %max3A_389 = arith.maxsi %jit3A_387, %mul3A_386 : i32
        %min3A_390 = arith.minsi %jit3A_388, %max3A_389 : i32
        %sub3A_391 = arith.subi %add3A_360, %min3A_390 : i32
        %mul3A_392 = arith.constant 2048 : i32
        %mul3A_393 = arith.muli %shift_right_arithmetic3A_136, %mul3A_392 : i32
        %add3A_394 = vector.broadcast %mul3A_393 : i32 to vector<16xi32>
        %add3A_395 = arith.addi %add3A_394, %iota3A : vector<16xi32>
        %parallel_loop3A_396 = arith.constant 0 : i32
        %parallel_loop3A_397 = arith.constant 128 : i32
        %parallel_loop3A_398 = arith.constant 1 : i32
        scf.for %parallel_loop3A_789 = %parallel_loop3A_396 to %parallel_loop3A_397 step %parallel_loop3A_398  : i32 {
          %parallel_loop3A_790 = arith.constant 4168 : i32
          %parallel_loop3A_791 = arith.addi %parallel_loop3A_790, %sub3A_391 : i32
          %parallel_loop3A_792 = arith.constant 16 : i32
          %parallel_loop3A_793 = arith.muli %parallel_loop3A_789, %parallel_loop3A_792 : i32
          %parallel_loop3A_794 = arith.addi %parallel_loop3A_791, %parallel_loop3A_793 : i32
          %parallel_loop3A_795 = arith.index_cast %parallel_loop3A_794 : i32 to index
          %parallel_loop3A_796 = tpu.vector_load %arg5[%parallel_loop3A_795] {strides = array<i32>} : memref<16640xf32, #tpu.memory_space<vmem>>, vector<16xf32>,
          %parallel_loop3A_797 = vector.shape_cast %parallel_loop3A_796 : vector<16xf32> to vector<16xf32>
          %parallel_loop3A_798 = arith.constant 16 : i32
          %parallel_loop3A_799 = arith.muli %parallel_loop3A_789, %parallel_loop3A_798 : i32
          %parallel_loop3A_800 = vector.broadcast %parallel_loop3A_799 : i32 to vector<16xi32>
          %parallel_loop3A_801 = arith.addi %add3A_395, %parallel_loop3A_800 : vector<16xi32>
          %parallel_loop3A_802 = vector.broadcast %add3A_324 : i32 to vector<16xi32>
          %parallel_loop3A_803 = arith.cmpi sle, %parallel_loop3A_801, %parallel_loop3A_802 : vector<16xi32>
          %parallel_loop3A_804 = arith.constant 0.000000e+00 : f32
          %parallel_loop3A_805 = vector.broadcast %parallel_loop3A_804 : f32 to vector<16xf32>
          %parallel_loop3A_806 = arith.select %parallel_loop3A_803, %parallel_loop3A_805, %parallel_loop3A_797 : vector<16xi1>, vector<16xf32>
          %parallel_loop3A_807 = arith.constant 16 : i32
          %parallel_loop3A_808 = arith.muli %parallel_loop3A_789, %parallel_loop3A_807 : i32
          %parallel_loop3A_809 = arith.constant 2 : i32
          %parallel_loop3A_810 = arith.index_cast %parallel_loop3A_809 : i32 to index
          %parallel_loop3A_811 = arith.index_cast %parallel_loop3A_808 : i32 to index
          %parallel_loop3A_812 = tpu.vector_load %arg7[%parallel_loop3A_810, %parallel_loop3A_811] {strides = array<i32>} : memref<8x2048xf32, #tpu.memory_space<vmem>>, vector<1x16xf32>,
          %parallel_loop3A_813 = vector.shape_cast %parallel_loop3A_812 : vector<1x16xf32> to vector<16xf32>
          %parallel_loop3A_814 = vector.shape_cast %parallel_loop3A_806 : vector<16xf32> to vector<1x16xf32>
          tpu.vector_store %arg7[%parallel_loop3A_810, %parallel_loop3A_811], %parallel_loop3A_814 {strides = array<i32>} : memref<8x2048xf32, #tpu.memory_space<vmem>>, vector<1x16xf32>,
        } {sc.loop_unroll_factor = 8 : i64, sc.parallel_access}
        %mul3A_399 = arith.constant 8 : i32
        %mul3A_400 = arith.muli %mul3A_399, %and3A_134 : i32
        %add3A_401 = arith.constant 3 : i32
        %add3A_402 = arith.addi %mul3A_400, %add3A_401 : i32
        %mul3A_403 = arith.constant 8191 : i32
        %mul3A_404 = arith.muli %add3A_402, %mul3A_403 : i32
        %sub3A_405 = arith.constant 1 : i32
        %sub3A_406 = arith.subi %add3A_402, %sub3A_405 : i32
        %mul3A_407 = arith.muli %add3A_402, %sub3A_406 : i32
        %jit3A_408 = arith.constant 2 : i32
        %div3A_409 = arith.divsi %mul3A_407, %jit3A_408 : i32
        %sign3A_410 = arith.constant 0 : i32
        %sign3A_411 = arith.cmpi sgt, %mul3A_407, %sign3A_410 : i32
        %sign3A_412 = arith.extui %sign3A_411 : i1 to i32
        %sign3A_413 = arith.constant 0 : i32
        %sign3A_414 = arith.cmpi slt, %mul3A_407, %sign3A_413 : i32
        %sign3A_415 = arith.extui %sign3A_414 : i1 to i32
        %sign3A_416 = arith.subi %sign3A_412, %sign3A_415 : i32
        %sign3A_417 = arith.constant 0 : i32
        %sign3A_418 = arith.cmpi sgt, %jit3A_408, %sign3A_417 : i32
        %sign3A_419 = arith.extui %sign3A_418 : i1 to i32
        %sign3A_420 = arith.constant 0 : i32
        %sign3A_421 = arith.cmpi slt, %jit3A_408, %sign3A_420 : i32
        %sign3A_422 = arith.extui %sign3A_421 : i1 to i32
        %sign3A_423 = arith.subi %sign3A_419, %sign3A_422 : i32
        %ne3A_424 = arith.cmpi ne, %sign3A_416, %sign3A_423 : i32
        %rem3A_425 = arith.remsi %mul3A_407, %jit3A_408 : i32
        %ne3A_426 = arith.constant 0 : i32
        %ne3A_427 = arith.cmpi ne, %rem3A_425, %ne3A_426 : i32
        %and3A_428 = arith.andi %ne3A_424, %ne3A_427 : i1
        %sub3A_429 = arith.constant 1 : i32
        %sub3A_430 = arith.subi %div3A_409, %sub3A_429 : i32
        %select_n3A_431 = arith.select %and3A_428, %sub3A_430, %div3A_409 : i32
        %sub3A_432 = arith.subi %mul3A_404, %select_n3A_431 : i32
        %sub3A_433 = arith.subi %sub3A_432, %add3A_402 : i32
        %sub3A_434 = arith.constant 1 : i32
        %sub3A_435 = arith.subi %sub3A_433, %sub3A_434 : i32
        %mul3A_436 = arith.constant 2048 : i32
        %mul3A_437 = arith.muli %shift_right_arithmetic3A_136, %mul3A_436 : i32
        %add3A_438 = arith.addi %sub3A_435, %mul3A_437 : i32
        %jit3A_439 = arith.constant 8 : i32
        %div3A_440 = arith.divsi %add3A_438, %jit3A_439 : i32
        %sign3A_441 = arith.constant 0 : i32
        %sign3A_442 = arith.cmpi sgt, %add3A_438, %sign3A_441 : i32
        %sign3A_443 = arith.extui %sign3A_442 : i1 to i32
        %sign3A_444 = arith.constant 0 : i32
        %sign3A_445 = arith.cmpi slt, %add3A_438, %sign3A_444 : i32
        %sign3A_446 = arith.extui %sign3A_445 : i1 to i32
        %sign3A_447 = arith.subi %sign3A_443, %sign3A_446 : i32
        %sign3A_448 = arith.constant 0 : i32
        %sign3A_449 = arith.cmpi sgt, %jit3A_439, %sign3A_448 : i32
        %sign3A_450 = arith.extui %sign3A_449 : i1 to i32
        %sign3A_451 = arith.constant 0 : i32
        %sign3A_452 = arith.cmpi slt, %jit3A_439, %sign3A_451 : i32
        %sign3A_453 = arith.extui %sign3A_452 : i1 to i32
        %sign3A_454 = arith.subi %sign3A_450, %sign3A_453 : i32
        %ne3A_455 = arith.cmpi ne, %sign3A_447, %sign3A_454 : i32
        %rem3A_456 = arith.remsi %add3A_438, %jit3A_439 : i32
        %ne3A_457 = arith.constant 0 : i32
        %ne3A_458 = arith.cmpi ne, %rem3A_456, %ne3A_457 : i32
        %and3A_459 = arith.andi %ne3A_455, %ne3A_458 : i1
        %sub3A_460 = arith.constant 1 : i32
        %sub3A_461 = arith.subi %div3A_440, %sub3A_460 : i32
        %select_n3A_462 = arith.select %and3A_459, %sub3A_461, %div3A_440 : i32
        %mul3A_463 = arith.constant 8 : i32
        %mul3A_464 = arith.muli %select_n3A_462, %mul3A_463 : i32
        %jit3A_465 = arith.constant 0 : i32
        %jit3A_466 = arith.constant 33548272 : i32
        %max3A_467 = arith.maxsi %jit3A_465, %mul3A_464 : i32
        %min3A_468 = arith.minsi %jit3A_466, %max3A_467 : i32
        %sub3A_469 = arith.subi %add3A_438, %min3A_468 : i32
        %mul3A_470 = arith.constant 2048 : i32
        %mul3A_471 = arith.muli %shift_right_arithmetic3A_136, %mul3A_470 : i32
        %add3A_472 = vector.broadcast %mul3A_471 : i32 to vector<16xi32>
        %add3A_473 = arith.addi %add3A_472, %iota3A : vector<16xi32>
        %parallel_loop3A_474 = arith.constant 0 : i32
        %parallel_loop3A_475 = arith.constant 128 : i32
        %parallel_loop3A_476 = arith.constant 1 : i32
        scf.for %parallel_loop3A_789 = %parallel_loop3A_474 to %parallel_loop3A_475 step %parallel_loop3A_476  : i32 {
          %parallel_loop3A_790 = arith.constant 6248 : i32
          %parallel_loop3A_791 = arith.addi %parallel_loop3A_790, %sub3A_469 : i32
          %parallel_loop3A_792 = arith.constant 16 : i32
          %parallel_loop3A_793 = arith.muli %parallel_loop3A_789, %parallel_loop3A_792 : i32
          %parallel_loop3A_794 = arith.addi %parallel_loop3A_791, %parallel_loop3A_793 : i32
          %parallel_loop3A_795 = arith.index_cast %parallel_loop3A_794 : i32 to index
          %parallel_loop3A_796 = tpu.vector_load %arg5[%parallel_loop3A_795] {strides = array<i32>} : memref<16640xf32, #tpu.memory_space<vmem>>, vector<16xf32>,
          %parallel_loop3A_797 = vector.shape_cast %parallel_loop3A_796 : vector<16xf32> to vector<16xf32>
          %parallel_loop3A_798 = arith.constant 16 : i32
          %parallel_loop3A_799 = arith.muli %parallel_loop3A_789, %parallel_loop3A_798 : i32
          %parallel_loop3A_800 = vector.broadcast %parallel_loop3A_799 : i32 to vector<16xi32>
          %parallel_loop3A_801 = arith.addi %add3A_473, %parallel_loop3A_800 : vector<16xi32>
          %parallel_loop3A_802 = vector.broadcast %add3A_402 : i32 to vector<16xi32>
          %parallel_loop3A_803 = arith.cmpi sle, %parallel_loop3A_801, %parallel_loop3A_802 : vector<16xi32>
          %parallel_loop3A_804 = arith.constant 0.000000e+00 : f32
          %parallel_loop3A_805 = vector.broadcast %parallel_loop3A_804 : f32 to vector<16xf32>
          %parallel_loop3A_806 = arith.select %parallel_loop3A_803, %parallel_loop3A_805, %parallel_loop3A_797 : vector<16xi1>, vector<16xf32>
          %parallel_loop3A_807 = arith.constant 16 : i32
          %parallel_loop3A_808 = arith.muli %parallel_loop3A_789, %parallel_loop3A_807 : i32
          %parallel_loop3A_809 = arith.constant 3 : i32
          %parallel_loop3A_810 = arith.index_cast %parallel_loop3A_809 : i32 to index
          %parallel_loop3A_811 = arith.index_cast %parallel_loop3A_808 : i32 to index
          %parallel_loop3A_812 = tpu.vector_load %arg7[%parallel_loop3A_810, %parallel_loop3A_811] {strides = array<i32>} : memref<8x2048xf32, #tpu.memory_space<vmem>>, vector<1x16xf32>,
          %parallel_loop3A_813 = vector.shape_cast %parallel_loop3A_812 : vector<1x16xf32> to vector<16xf32>
          %parallel_loop3A_814 = vector.shape_cast %parallel_loop3A_806 : vector<16xf32> to vector<1x16xf32>
          tpu.vector_store %arg7[%parallel_loop3A_810, %parallel_loop3A_811], %parallel_loop3A_814 {strides = array<i32>} : memref<8x2048xf32, #tpu.memory_space<vmem>>, vector<1x16xf32>,
        } {sc.loop_unroll_factor = 8 : i64, sc.parallel_access}
        %mul3A_477 = arith.constant 8 : i32
        %mul3A_478 = arith.muli %mul3A_477, %and3A_134 : i32
        %add3A_479 = arith.constant 4 : i32
        %add3A_480 = arith.addi %mul3A_478, %add3A_479 : i32
        %mul3A_481 = arith.constant 8191 : i32
        %mul3A_482 = arith.muli %add3A_480, %mul3A_481 : i32
        %sub3A_483 = arith.constant 1 : i32
        %sub3A_484 = arith.subi %add3A_480, %sub3A_483 : i32
        %mul3A_485 = arith.muli %add3A_480, %sub3A_484 : i32
        %jit3A_486 = arith.constant 2 : i32
        %div3A_487 = arith.divsi %mul3A_485, %jit3A_486 : i32
        %sign3A_488 = arith.constant 0 : i32
        %sign3A_489 = arith.cmpi sgt, %mul3A_485, %sign3A_488 : i32
        %sign3A_490 = arith.extui %sign3A_489 : i1 to i32
        %sign3A_491 = arith.constant 0 : i32
        %sign3A_492 = arith.cmpi slt, %mul3A_485, %sign3A_491 : i32
        %sign3A_493 = arith.extui %sign3A_492 : i1 to i32
        %sign3A_494 = arith.subi %sign3A_490, %sign3A_493 : i32
        %sign3A_495 = arith.constant 0 : i32
        %sign3A_496 = arith.cmpi sgt, %jit3A_486, %sign3A_495 : i32
        %sign3A_497 = arith.extui %sign3A_496 : i1 to i32
        %sign3A_498 = arith.constant 0 : i32
        %sign3A_499 = arith.cmpi slt, %jit3A_486, %sign3A_498 : i32
        %sign3A_500 = arith.extui %sign3A_499 : i1 to i32
        %sign3A_501 = arith.subi %sign3A_497, %sign3A_500 : i32
        %ne3A_502 = arith.cmpi ne, %sign3A_494, %sign3A_501 : i32
        %rem3A_503 = arith.remsi %mul3A_485, %jit3A_486 : i32
        %ne3A_504 = arith.constant 0 : i32
        %ne3A_505 = arith.cmpi ne, %rem3A_503, %ne3A_504 : i32
        %and3A_506 = arith.andi %ne3A_502, %ne3A_505 : i1
        %sub3A_507 = arith.constant 1 : i32
        %sub3A_508 = arith.subi %div3A_487, %sub3A_507 : i32
        %select_n3A_509 = arith.select %and3A_506, %sub3A_508, %div3A_487 : i32
        %sub3A_510 = arith.subi %mul3A_482, %select_n3A_509 : i32
        %sub3A_511 = arith.subi %sub3A_510, %add3A_480 : i32
        %sub3A_512 = arith.constant 1 : i32
        %sub3A_513 = arith.subi %sub3A_511, %sub3A_512 : i32
        %mul3A_514 = arith.constant 2048 : i32
        %mul3A_515 = arith.muli %shift_right_arithmetic3A_136, %mul3A_514 : i32
        %add3A_516 = arith.addi %sub3A_513, %mul3A_515 : i32
        %jit3A_517 = arith.constant 8 : i32
        %div3A_518 = arith.divsi %add3A_516, %jit3A_517 : i32
        %sign3A_519 = arith.constant 0 : i32
        %sign3A_520 = arith.cmpi sgt, %add3A_516, %sign3A_519 : i32
        %sign3A_521 = arith.extui %sign3A_520 : i1 to i32
        %sign3A_522 = arith.constant 0 : i32
        %sign3A_523 = arith.cmpi slt, %add3A_516, %sign3A_522 : i32
        %sign3A_524 = arith.extui %sign3A_523 : i1 to i32
        %sign3A_525 = arith.subi %sign3A_521, %sign3A_524 : i32
        %sign3A_526 = arith.constant 0 : i32
        %sign3A_527 = arith.cmpi sgt, %jit3A_517, %sign3A_526 : i32
        %sign3A_528 = arith.extui %sign3A_527 : i1 to i32
        %sign3A_529 = arith.constant 0 : i32
        %sign3A_530 = arith.cmpi slt, %jit3A_517, %sign3A_529 : i32
        %sign3A_531 = arith.extui %sign3A_530 : i1 to i32
        %sign3A_532 = arith.subi %sign3A_528, %sign3A_531 : i32
        %ne3A_533 = arith.cmpi ne, %sign3A_525, %sign3A_532 : i32
        %rem3A_534 = arith.remsi %add3A_516, %jit3A_517 : i32
        %ne3A_535 = arith.constant 0 : i32
        %ne3A_536 = arith.cmpi ne, %rem3A_534, %ne3A_535 : i32
        %and3A_537 = arith.andi %ne3A_533, %ne3A_536 : i1
        %sub3A_538 = arith.constant 1 : i32
        %sub3A_539 = arith.subi %div3A_518, %sub3A_538 : i32
        %select_n3A_540 = arith.select %and3A_537, %sub3A_539, %div3A_518 : i32
        %mul3A_541 = arith.constant 8 : i32
        %mul3A_542 = arith.muli %select_n3A_540, %mul3A_541 : i32
        %jit3A_543 = arith.constant 0 : i32
        %jit3A_544 = arith.constant 33548272 : i32
        %max3A_545 = arith.maxsi %jit3A_543, %mul3A_542 : i32
        %min3A_546 = arith.minsi %jit3A_544, %max3A_545 : i32
        %sub3A_547 = arith.subi %add3A_516, %min3A_546 : i32
        %mul3A_548 = arith.constant 2048 : i32
        %mul3A_549 = arith.muli %shift_right_arithmetic3A_136, %mul3A_548 : i32
        %add3A_550 = vector.broadcast %mul3A_549 : i32 to vector<16xi32>
        %add3A_551 = arith.addi %add3A_550, %iota3A : vector<16xi32>
        %parallel_loop3A_552 = arith.constant 0 : i32
        %parallel_loop3A_553 = arith.constant 128 : i32
        %parallel_loop3A_554 = arith.constant 1 : i32
        scf.for %parallel_loop3A_789 = %parallel_loop3A_552 to %parallel_loop3A_553 step %parallel_loop3A_554  : i32 {
          %parallel_loop3A_790 = arith.constant 8328 : i32
          %parallel_loop3A_791 = arith.addi %parallel_loop3A_790, %sub3A_547 : i32
          %parallel_loop3A_792 = arith.constant 16 : i32
          %parallel_loop3A_793 = arith.muli %parallel_loop3A_789, %parallel_loop3A_792 : i32
          %parallel_loop3A_794 = arith.addi %parallel_loop3A_791, %parallel_loop3A_793 : i32
          %parallel_loop3A_795 = arith.index_cast %parallel_loop3A_794 : i32 to index
          %parallel_loop3A_796 = tpu.vector_load %arg5[%parallel_loop3A_795] {strides = array<i32>} : memref<16640xf32, #tpu.memory_space<vmem>>, vector<16xf32>,
          %parallel_loop3A_797 = vector.shape_cast %parallel_loop3A_796 : vector<16xf32> to vector<16xf32>
          %parallel_loop3A_798 = arith.constant 16 : i32
          %parallel_loop3A_799 = arith.muli %parallel_loop3A_789, %parallel_loop3A_798 : i32
          %parallel_loop3A_800 = vector.broadcast %parallel_loop3A_799 : i32 to vector<16xi32>
          %parallel_loop3A_801 = arith.addi %add3A_551, %parallel_loop3A_800 : vector<16xi32>
          %parallel_loop3A_802 = vector.broadcast %add3A_480 : i32 to vector<16xi32>
          %parallel_loop3A_803 = arith.cmpi sle, %parallel_loop3A_801, %parallel_loop3A_802 : vector<16xi32>
          %parallel_loop3A_804 = arith.constant 0.000000e+00 : f32
          %parallel_loop3A_805 = vector.broadcast %parallel_loop3A_804 : f32 to vector<16xf32>
          %parallel_loop3A_806 = arith.select %parallel_loop3A_803, %parallel_loop3A_805, %parallel_loop3A_797 : vector<16xi1>, vector<16xf32>
          %parallel_loop3A_807 = arith.constant 16 : i32
          %parallel_loop3A_808 = arith.muli %parallel_loop3A_789, %parallel_loop3A_807 : i32
          %parallel_loop3A_809 = arith.constant 4 : i32
          %parallel_loop3A_810 = arith.index_cast %parallel_loop3A_809 : i32 to index
          %parallel_loop3A_811 = arith.index_cast %parallel_loop3A_808 : i32 to index
          %parallel_loop3A_812 = tpu.vector_load %arg7[%parallel_loop3A_810, %parallel_loop3A_811] {strides = array<i32>} : memref<8x2048xf32, #tpu.memory_space<vmem>>, vector<1x16xf32>,
          %parallel_loop3A_813 = vector.shape_cast %parallel_loop3A_812 : vector<1x16xf32> to vector<16xf32>
          %parallel_loop3A_814 = vector.shape_cast %parallel_loop3A_806 : vector<16xf32> to vector<1x16xf32>
          tpu.vector_store %arg7[%parallel_loop3A_810, %parallel_loop3A_811], %parallel_loop3A_814 {strides = array<i32>} : memref<8x2048xf32, #tpu.memory_space<vmem>>, vector<1x16xf32>,
        } {sc.loop_unroll_factor = 8 : i64, sc.parallel_access}
        %mul3A_555 = arith.constant 8 : i32
        %mul3A_556 = arith.muli %mul3A_555, %and3A_134 : i32
        %add3A_557 = arith.constant 5 : i32
        %add3A_558 = arith.addi %mul3A_556, %add3A_557 : i32
        %mul3A_559 = arith.constant 8191 : i32
        %mul3A_560 = arith.muli %add3A_558, %mul3A_559 : i32
        %sub3A_561 = arith.constant 1 : i32
        %sub3A_562 = arith.subi %add3A_558, %sub3A_561 : i32
        %mul3A_563 = arith.muli %add3A_558, %sub3A_562 : i32
        %jit3A_564 = arith.constant 2 : i32
        %div3A_565 = arith.divsi %mul3A_563, %jit3A_564 : i32
        %sign3A_566 = arith.constant 0 : i32
        %sign3A_567 = arith.cmpi sgt, %mul3A_563, %sign3A_566 : i32
        %sign3A_568 = arith.extui %sign3A_567 : i1 to i32
        %sign3A_569 = arith.constant 0 : i32
        %sign3A_570 = arith.cmpi slt, %mul3A_563, %sign3A_569 : i32
        %sign3A_571 = arith.extui %sign3A_570 : i1 to i32
        %sign3A_572 = arith.subi %sign3A_568, %sign3A_571 : i32
        %sign3A_573 = arith.constant 0 : i32
        %sign3A_574 = arith.cmpi sgt, %jit3A_564, %sign3A_573 : i32
        %sign3A_575 = arith.extui %sign3A_574 : i1 to i32
        %sign3A_576 = arith.constant 0 : i32
        %sign3A_577 = arith.cmpi slt, %jit3A_564, %sign3A_576 : i32
        %sign3A_578 = arith.extui %sign3A_577 : i1 to i32
        %sign3A_579 = arith.subi %sign3A_575, %sign3A_578 : i32
        %ne3A_580 = arith.cmpi ne, %sign3A_572, %sign3A_579 : i32
        %rem3A_581 = arith.remsi %mul3A_563, %jit3A_564 : i32
        %ne3A_582 = arith.constant 0 : i32
        %ne3A_583 = arith.cmpi ne, %rem3A_581, %ne3A_582 : i32
        %and3A_584 = arith.andi %ne3A_580, %ne3A_583 : i1
        %sub3A_585 = arith.constant 1 : i32
        %sub3A_586 = arith.subi %div3A_565, %sub3A_585 : i32
        %select_n3A_587 = arith.select %and3A_584, %sub3A_586, %div3A_565 : i32
        %sub3A_588 = arith.subi %mul3A_560, %select_n3A_587 : i32
        %sub3A_589 = arith.subi %sub3A_588, %add3A_558 : i32
        %sub3A_590 = arith.constant 1 : i32
        %sub3A_591 = arith.subi %sub3A_589, %sub3A_590 : i32
        %mul3A_592 = arith.constant 2048 : i32
        %mul3A_593 = arith.muli %shift_right_arithmetic3A_136, %mul3A_592 : i32
        %add3A_594 = arith.addi %sub3A_591, %mul3A_593 : i32
        %jit3A_595 = arith.constant 8 : i32
        %div3A_596 = arith.divsi %add3A_594, %jit3A_595 : i32
        %sign3A_597 = arith.constant 0 : i32
        %sign3A_598 = arith.cmpi sgt, %add3A_594, %sign3A_597 : i32
        %sign3A_599 = arith.extui %sign3A_598 : i1 to i32
        %sign3A_600 = arith.constant 0 : i32
        %sign3A_601 = arith.cmpi slt, %add3A_594, %sign3A_600 : i32
        %sign3A_602 = arith.extui %sign3A_601 : i1 to i32
        %sign3A_603 = arith.subi %sign3A_599, %sign3A_602 : i32
        %sign3A_604 = arith.constant 0 : i32
        %sign3A_605 = arith.cmpi sgt, %jit3A_595, %sign3A_604 : i32
        %sign3A_606 = arith.extui %sign3A_605 : i1 to i32
        %sign3A_607 = arith.constant 0 : i32
        %sign3A_608 = arith.cmpi slt, %jit3A_595, %sign3A_607 : i32
        %sign3A_609 = arith.extui %sign3A_608 : i1 to i32
        %sign3A_610 = arith.subi %sign3A_606, %sign3A_609 : i32
        %ne3A_611 = arith.cmpi ne, %sign3A_603, %sign3A_610 : i32
        %rem3A_612 = arith.remsi %add3A_594, %jit3A_595 : i32
        %ne3A_613 = arith.constant 0 : i32
        %ne3A_614 = arith.cmpi ne, %rem3A_612, %ne3A_613 : i32
        %and3A_615 = arith.andi %ne3A_611, %ne3A_614 : i1
        %sub3A_616 = arith.constant 1 : i32
        %sub3A_617 = arith.subi %div3A_596, %sub3A_616 : i32
        %select_n3A_618 = arith.select %and3A_615, %sub3A_617, %div3A_596 : i32
        %mul3A_619 = arith.constant 8 : i32
        %mul3A_620 = arith.muli %select_n3A_618, %mul3A_619 : i32
        %jit3A_621 = arith.constant 0 : i32
        %jit3A_622 = arith.constant 33548272 : i32
        %max3A_623 = arith.maxsi %jit3A_621, %mul3A_620 : i32
        %min3A_624 = arith.minsi %jit3A_622, %max3A_623 : i32
        %sub3A_625 = arith.subi %add3A_594, %min3A_624 : i32
        %mul3A_626 = arith.constant 2048 : i32
        %mul3A_627 = arith.muli %shift_right_arithmetic3A_136, %mul3A_626 : i32
        %add3A_628 = vector.broadcast %mul3A_627 : i32 to vector<16xi32>
        %add3A_629 = arith.addi %add3A_628, %iota3A : vector<16xi32>
        %parallel_loop3A_630 = arith.constant 0 : i32
        %parallel_loop3A_631 = arith.constant 128 : i32
        %parallel_loop3A_632 = arith.constant 1 : i32
        scf.for %parallel_loop3A_789 = %parallel_loop3A_630 to %parallel_loop3A_631 step %parallel_loop3A_632  : i32 {
          %parallel_loop3A_790 = arith.constant 10408 : i32
          %parallel_loop3A_791 = arith.addi %parallel_loop3A_790, %sub3A_625 : i32
          %parallel_loop3A_792 = arith.constant 16 : i32
          %parallel_loop3A_793 = arith.muli %parallel_loop3A_789, %parallel_loop3A_792 : i32
          %parallel_loop3A_794 = arith.addi %parallel_loop3A_791, %parallel_loop3A_793 : i32
          %parallel_loop3A_795 = arith.index_cast %parallel_loop3A_794 : i32 to index
          %parallel_loop3A_796 = tpu.vector_load %arg5[%parallel_loop3A_795] {strides = array<i32>} : memref<16640xf32, #tpu.memory_space<vmem>>, vector<16xf32>,
          %parallel_loop3A_797 = vector.shape_cast %parallel_loop3A_796 : vector<16xf32> to vector<16xf32>
          %parallel_loop3A_798 = arith.constant 16 : i32
          %parallel_loop3A_799 = arith.muli %parallel_loop3A_789, %parallel_loop3A_798 : i32
          %parallel_loop3A_800 = vector.broadcast %parallel_loop3A_799 : i32 to vector<16xi32>
          %parallel_loop3A_801 = arith.addi %add3A_629, %parallel_loop3A_800 : vector<16xi32>
          %parallel_loop3A_802 = vector.broadcast %add3A_558 : i32 to vector<16xi32>
          %parallel_loop3A_803 = arith.cmpi sle, %parallel_loop3A_801, %parallel_loop3A_802 : vector<16xi32>
          %parallel_loop3A_804 = arith.constant 0.000000e+00 : f32
          %parallel_loop3A_805 = vector.broadcast %parallel_loop3A_804 : f32 to vector<16xf32>
          %parallel_loop3A_806 = arith.select %parallel_loop3A_803, %parallel_loop3A_805, %parallel_loop3A_797 : vector<16xi1>, vector<16xf32>
          %parallel_loop3A_807 = arith.constant 16 : i32
          %parallel_loop3A_808 = arith.muli %parallel_loop3A_789, %parallel_loop3A_807 : i32
          %parallel_loop3A_809 = arith.constant 5 : i32
          %parallel_loop3A_810 = arith.index_cast %parallel_loop3A_809 : i32 to index
          %parallel_loop3A_811 = arith.index_cast %parallel_loop3A_808 : i32 to index
          %parallel_loop3A_812 = tpu.vector_load %arg7[%parallel_loop3A_810, %parallel_loop3A_811] {strides = array<i32>} : memref<8x2048xf32, #tpu.memory_space<vmem>>, vector<1x16xf32>,
          %parallel_loop3A_813 = vector.shape_cast %parallel_loop3A_812 : vector<1x16xf32> to vector<16xf32>
          %parallel_loop3A_814 = vector.shape_cast %parallel_loop3A_806 : vector<16xf32> to vector<1x16xf32>
          tpu.vector_store %arg7[%parallel_loop3A_810, %parallel_loop3A_811], %parallel_loop3A_814 {strides = array<i32>} : memref<8x2048xf32, #tpu.memory_space<vmem>>, vector<1x16xf32>,
        } {sc.loop_unroll_factor = 8 : i64, sc.parallel_access}
        %mul3A_633 = arith.constant 8 : i32
        %mul3A_634 = arith.muli %mul3A_633, %and3A_134 : i32
        %add3A_635 = arith.constant 6 : i32
        %add3A_636 = arith.addi %mul3A_634, %add3A_635 : i32
        %mul3A_637 = arith.constant 8191 : i32
        %mul3A_638 = arith.muli %add3A_636, %mul3A_637 : i32
        %sub3A_639 = arith.constant 1 : i32
        %sub3A_640 = arith.subi %add3A_636, %sub3A_639 : i32
        %mul3A_641 = arith.muli %add3A_636, %sub3A_640 : i32
        %jit3A_642 = arith.constant 2 : i32
        %div3A_643 = arith.divsi %mul3A_641, %jit3A_642 : i32
        %sign3A_644 = arith.constant 0 : i32
        %sign3A_645 = arith.cmpi sgt, %mul3A_641, %sign3A_644 : i32
        %sign3A_646 = arith.extui %sign3A_645 : i1 to i32
        %sign3A_647 = arith.constant 0 : i32
        %sign3A_648 = arith.cmpi slt, %mul3A_641, %sign3A_647 : i32
        %sign3A_649 = arith.extui %sign3A_648 : i1 to i32
        %sign3A_650 = arith.subi %sign3A_646, %sign3A_649 : i32
        %sign3A_651 = arith.constant 0 : i32
        %sign3A_652 = arith.cmpi sgt, %jit3A_642, %sign3A_651 : i32
        %sign3A_653 = arith.extui %sign3A_652 : i1 to i32
        %sign3A_654 = arith.constant 0 : i32
        %sign3A_655 = arith.cmpi slt, %jit3A_642, %sign3A_654 : i32
        %sign3A_656 = arith.extui %sign3A_655 : i1 to i32
        %sign3A_657 = arith.subi %sign3A_653, %sign3A_656 : i32
        %ne3A_658 = arith.cmpi ne, %sign3A_650, %sign3A_657 : i32
        %rem3A_659 = arith.remsi %mul3A_641, %jit3A_642 : i32
        %ne3A_660 = arith.constant 0 : i32
        %ne3A_661 = arith.cmpi ne, %rem3A_659, %ne3A_660 : i32
        %and3A_662 = arith.andi %ne3A_658, %ne3A_661 : i1
        %sub3A_663 = arith.constant 1 : i32
        %sub3A_664 = arith.subi %div3A_643, %sub3A_663 : i32
        %select_n3A_665 = arith.select %and3A_662, %sub3A_664, %div3A_643 : i32
        %sub3A_666 = arith.subi %mul3A_638, %select_n3A_665 : i32
        %sub3A_667 = arith.subi %sub3A_666, %add3A_636 : i32
        %sub3A_668 = arith.constant 1 : i32
        %sub3A_669 = arith.subi %sub3A_667, %sub3A_668 : i32
        %mul3A_670 = arith.constant 2048 : i32
        %mul3A_671 = arith.muli %shift_right_arithmetic3A_136, %mul3A_670 : i32
        %add3A_672 = arith.addi %sub3A_669, %mul3A_671 : i32
        %jit3A_673 = arith.constant 8 : i32
        %div3A_674 = arith.divsi %add3A_672, %jit3A_673 : i32
        %sign3A_675 = arith.constant 0 : i32
        %sign3A_676 = arith.cmpi sgt, %add3A_672, %sign3A_675 : i32
        %sign3A_677 = arith.extui %sign3A_676 : i1 to i32
        %sign3A_678 = arith.constant 0 : i32
        %sign3A_679 = arith.cmpi slt, %add3A_672, %sign3A_678 : i32
        %sign3A_680 = arith.extui %sign3A_679 : i1 to i32
        %sign3A_681 = arith.subi %sign3A_677, %sign3A_680 : i32
        %sign3A_682 = arith.constant 0 : i32
        %sign3A_683 = arith.cmpi sgt, %jit3A_673, %sign3A_682 : i32
        %sign3A_684 = arith.extui %sign3A_683 : i1 to i32
        %sign3A_685 = arith.constant 0 : i32
        %sign3A_686 = arith.cmpi slt, %jit3A_673, %sign3A_685 : i32
        %sign3A_687 = arith.extui %sign3A_686 : i1 to i32
        %sign3A_688 = arith.subi %sign3A_684, %sign3A_687 : i32
        %ne3A_689 = arith.cmpi ne, %sign3A_681, %sign3A_688 : i32
        %rem3A_690 = arith.remsi %add3A_672, %jit3A_673 : i32
        %ne3A_691 = arith.constant 0 : i32
        %ne3A_692 = arith.cmpi ne, %rem3A_690, %ne3A_691 : i32
        %and3A_693 = arith.andi %ne3A_689, %ne3A_692 : i1
        %sub3A_694 = arith.constant 1 : i32
        %sub3A_695 = arith.subi %div3A_674, %sub3A_694 : i32
        %select_n3A_696 = arith.select %and3A_693, %sub3A_695, %div3A_674 : i32
        %mul3A_697 = arith.constant 8 : i32
        %mul3A_698 = arith.muli %select_n3A_696, %mul3A_697 : i32
        %jit3A_699 = arith.constant 0 : i32
        %jit3A_700 = arith.constant 33548272 : i32
        %max3A_701 = arith.maxsi %jit3A_699, %mul3A_698 : i32
        %min3A_702 = arith.minsi %jit3A_700, %max3A_701 : i32
        %sub3A_703 = arith.subi %add3A_672, %min3A_702 : i32
        %mul3A_704 = arith.constant 2048 : i32
        %mul3A_705 = arith.muli %shift_right_arithmetic3A_136, %mul3A_704 : i32
        %add3A_706 = vector.broadcast %mul3A_705 : i32 to vector<16xi32>
        %add3A_707 = arith.addi %add3A_706, %iota3A : vector<16xi32>
        %parallel_loop3A_708 = arith.constant 0 : i32
        %parallel_loop3A_709 = arith.constant 128 : i32
        %parallel_loop3A_710 = arith.constant 1 : i32
        scf.for %parallel_loop3A_789 = %parallel_loop3A_708 to %parallel_loop3A_709 step %parallel_loop3A_710  : i32 {
          %parallel_loop3A_790 = arith.constant 12488 : i32
          %parallel_loop3A_791 = arith.addi %parallel_loop3A_790, %sub3A_703 : i32
          %parallel_loop3A_792 = arith.constant 16 : i32
          %parallel_loop3A_793 = arith.muli %parallel_loop3A_789, %parallel_loop3A_792 : i32
          %parallel_loop3A_794 = arith.addi %parallel_loop3A_791, %parallel_loop3A_793 : i32
          %parallel_loop3A_795 = arith.index_cast %parallel_loop3A_794 : i32 to index
          %parallel_loop3A_796 = tpu.vector_load %arg5[%parallel_loop3A_795] {strides = array<i32>} : memref<16640xf32, #tpu.memory_space<vmem>>, vector<16xf32>,
          %parallel_loop3A_797 = vector.shape_cast %parallel_loop3A_796 : vector<16xf32> to vector<16xf32>
          %parallel_loop3A_798 = arith.constant 16 : i32
          %parallel_loop3A_799 = arith.muli %parallel_loop3A_789, %parallel_loop3A_798 : i32
          %parallel_loop3A_800 = vector.broadcast %parallel_loop3A_799 : i32 to vector<16xi32>
          %parallel_loop3A_801 = arith.addi %add3A_707, %parallel_loop3A_800 : vector<16xi32>
          %parallel_loop3A_802 = vector.broadcast %add3A_636 : i32 to vector<16xi32>
          %parallel_loop3A_803 = arith.cmpi sle, %parallel_loop3A_801, %parallel_loop3A_802 : vector<16xi32>
          %parallel_loop3A_804 = arith.constant 0.000000e+00 : f32
          %parallel_loop3A_805 = vector.broadcast %parallel_loop3A_804 : f32 to vector<16xf32>
          %parallel_loop3A_806 = arith.select %parallel_loop3A_803, %parallel_loop3A_805, %parallel_loop3A_797 : vector<16xi1>, vector<16xf32>
          %parallel_loop3A_807 = arith.constant 16 : i32
          %parallel_loop3A_808 = arith.muli %parallel_loop3A_789, %parallel_loop3A_807 : i32
          %parallel_loop3A_809 = arith.constant 6 : i32
          %parallel_loop3A_810 = arith.index_cast %parallel_loop3A_809 : i32 to index
          %parallel_loop3A_811 = arith.index_cast %parallel_loop3A_808 : i32 to index
          %parallel_loop3A_812 = tpu.vector_load %arg7[%parallel_loop3A_810, %parallel_loop3A_811] {strides = array<i32>} : memref<8x2048xf32, #tpu.memory_space<vmem>>, vector<1x16xf32>,
          %parallel_loop3A_813 = vector.shape_cast %parallel_loop3A_812 : vector<1x16xf32> to vector<16xf32>
          %parallel_loop3A_814 = vector.shape_cast %parallel_loop3A_806 : vector<16xf32> to vector<1x16xf32>
          tpu.vector_store %arg7[%parallel_loop3A_810, %parallel_loop3A_811], %parallel_loop3A_814 {strides = array<i32>} : memref<8x2048xf32, #tpu.memory_space<vmem>>, vector<1x16xf32>,
        } {sc.loop_unroll_factor = 8 : i64, sc.parallel_access}
        %mul3A_711 = arith.constant 8 : i32
        %mul3A_712 = arith.muli %mul3A_711, %and3A_134 : i32
        %add3A_713 = arith.constant 7 : i32
        %add3A_714 = arith.addi %mul3A_712, %add3A_713 : i32
        %mul3A_715 = arith.constant 8191 : i32
        %mul3A_716 = arith.muli %add3A_714, %mul3A_715 : i32
        %sub3A_717 = arith.constant 1 : i32
        %sub3A_718 = arith.subi %add3A_714, %sub3A_717 : i32
        %mul3A_719 = arith.muli %add3A_714, %sub3A_718 : i32
        %jit3A_720 = arith.constant 2 : i32
        %div3A_721 = arith.divsi %mul3A_719, %jit3A_720 : i32
        %sign3A_722 = arith.constant 0 : i32
        %sign3A_723 = arith.cmpi sgt, %mul3A_719, %sign3A_722 : i32
        %sign3A_724 = arith.extui %sign3A_723 : i1 to i32
        %sign3A_725 = arith.constant 0 : i32
        %sign3A_726 = arith.cmpi slt, %mul3A_719, %sign3A_725 : i32
        %sign3A_727 = arith.extui %sign3A_726 : i1 to i32
        %sign3A_728 = arith.subi %sign3A_724, %sign3A_727 : i32
        %sign3A_729 = arith.constant 0 : i32
        %sign3A_730 = arith.cmpi sgt, %jit3A_720, %sign3A_729 : i32
        %sign3A_731 = arith.extui %sign3A_730 : i1 to i32
        %sign3A_732 = arith.constant 0 : i32
        %sign3A_733 = arith.cmpi slt, %jit3A_720, %sign3A_732 : i32
        %sign3A_734 = arith.extui %sign3A_733 : i1 to i32
        %sign3A_735 = arith.subi %sign3A_731, %sign3A_734 : i32
        %ne3A_736 = arith.cmpi ne, %sign3A_728, %sign3A_735 : i32
        %rem3A_737 = arith.remsi %mul3A_719, %jit3A_720 : i32
        %ne3A_738 = arith.constant 0 : i32
        %ne3A_739 = arith.cmpi ne, %rem3A_737, %ne3A_738 : i32
        %and3A_740 = arith.andi %ne3A_736, %ne3A_739 : i1
        %sub3A_741 = arith.constant 1 : i32
        %sub3A_742 = arith.subi %div3A_721, %sub3A_741 : i32
        %select_n3A_743 = arith.select %and3A_740, %sub3A_742, %div3A_721 : i32
        %sub3A_744 = arith.subi %mul3A_716, %select_n3A_743 : i32
        %sub3A_745 = arith.subi %sub3A_744, %add3A_714 : i32
        %sub3A_746 = arith.constant 1 : i32
        %sub3A_747 = arith.subi %sub3A_745, %sub3A_746 : i32
        %mul3A_748 = arith.constant 2048 : i32
        %mul3A_749 = arith.muli %shift_right_arithmetic3A_136, %mul3A_748 : i32
        %add3A_750 = arith.addi %sub3A_747, %mul3A_749 : i32
        %jit3A_751 = arith.constant 8 : i32
        %div3A_752 = arith.divsi %add3A_750, %jit3A_751 : i32
        %sign3A_753 = arith.constant 0 : i32
        %sign3A_754 = arith.cmpi sgt, %add3A_750, %sign3A_753 : i32
        %sign3A_755 = arith.extui %sign3A_754 : i1 to i32
        %sign3A_756 = arith.constant 0 : i32
        %sign3A_757 = arith.cmpi slt, %add3A_750, %sign3A_756 : i32
        %sign3A_758 = arith.extui %sign3A_757 : i1 to i32
        %sign3A_759 = arith.subi %sign3A_755, %sign3A_758 : i32
        %sign3A_760 = arith.constant 0 : i32
        %sign3A_761 = arith.cmpi sgt, %jit3A_751, %sign3A_760 : i32
        %sign3A_762 = arith.extui %sign3A_761 : i1 to i32
        %sign3A_763 = arith.constant 0 : i32
        %sign3A_764 = arith.cmpi slt, %jit3A_751, %sign3A_763 : i32
        %sign3A_765 = arith.extui %sign3A_764 : i1 to i32
        %sign3A_766 = arith.subi %sign3A_762, %sign3A_765 : i32
        %ne3A_767 = arith.cmpi ne, %sign3A_759, %sign3A_766 : i32
        %rem3A_768 = arith.remsi %add3A_750, %jit3A_751 : i32
        %ne3A_769 = arith.constant 0 : i32
        %ne3A_770 = arith.cmpi ne, %rem3A_768, %ne3A_769 : i32
        %and3A_771 = arith.andi %ne3A_767, %ne3A_770 : i1
        %sub3A_772 = arith.constant 1 : i32
        %sub3A_773 = arith.subi %div3A_752, %sub3A_772 : i32
        %select_n3A_774 = arith.select %and3A_771, %sub3A_773, %div3A_752 : i32
        %mul3A_775 = arith.constant 8 : i32
        %mul3A_776 = arith.muli %select_n3A_774, %mul3A_775 : i32
        %jit3A_777 = arith.constant 0 : i32
        %jit3A_778 = arith.constant 33548272 : i32
        %max3A_779 = arith.maxsi %jit3A_777, %mul3A_776 : i32
        %min3A_780 = arith.minsi %jit3A_778, %max3A_779 : i32
        %sub3A_781 = arith.subi %add3A_750, %min3A_780 : i32
        %mul3A_782 = arith.constant 2048 : i32
        %mul3A_783 = arith.muli %shift_right_arithmetic3A_136, %mul3A_782 : i32
        %add3A_784 = vector.broadcast %mul3A_783 : i32 to vector<16xi32>
        %add3A_785 = arith.addi %add3A_784, %iota3A : vector<16xi32>
        %parallel_loop3A_786 = arith.constant 0 : i32
        %parallel_loop3A_787 = arith.constant 128 : i32
        %parallel_loop3A_788 = arith.constant 1 : i32
        scf.for %parallel_loop3A_789 = %parallel_loop3A_786 to %parallel_loop3A_787 step %parallel_loop3A_788  : i32 {
          %parallel_loop3A_790 = arith.constant 14568 : i32
          %parallel_loop3A_791 = arith.addi %parallel_loop3A_790, %sub3A_781 : i32
          %parallel_loop3A_792 = arith.constant 16 : i32
          %parallel_loop3A_793 = arith.muli %parallel_loop3A_789, %parallel_loop3A_792 : i32
          %parallel_loop3A_794 = arith.addi %parallel_loop3A_791, %parallel_loop3A_793 : i32
          %parallel_loop3A_795 = arith.index_cast %parallel_loop3A_794 : i32 to index
          %parallel_loop3A_796 = tpu.vector_load %arg5[%parallel_loop3A_795] {strides = array<i32>} : memref<16640xf32, #tpu.memory_space<vmem>>, vector<16xf32>,
          %parallel_loop3A_797 = vector.shape_cast %parallel_loop3A_796 : vector<16xf32> to vector<16xf32>
          %parallel_loop3A_798 = arith.constant 16 : i32
          %parallel_loop3A_799 = arith.muli %parallel_loop3A_789, %parallel_loop3A_798 : i32
          %parallel_loop3A_800 = vector.broadcast %parallel_loop3A_799 : i32 to vector<16xi32>
          %parallel_loop3A_801 = arith.addi %add3A_785, %parallel_loop3A_800 : vector<16xi32>
          %parallel_loop3A_802 = vector.broadcast %add3A_714 : i32 to vector<16xi32>
          %parallel_loop3A_803 = arith.cmpi sle, %parallel_loop3A_801, %parallel_loop3A_802 : vector<16xi32>
          %parallel_loop3A_804 = arith.constant 0.000000e+00 : f32
          %parallel_loop3A_805 = vector.broadcast %parallel_loop3A_804 : f32 to vector<16xf32>
          %parallel_loop3A_806 = arith.select %parallel_loop3A_803, %parallel_loop3A_805, %parallel_loop3A_797 : vector<16xi1>, vector<16xf32>
          %parallel_loop3A_807 = arith.constant 16 : i32
          %parallel_loop3A_808 = arith.muli %parallel_loop3A_789, %parallel_loop3A_807 : i32
          %parallel_loop3A_809 = arith.constant 7 : i32
          %parallel_loop3A_810 = arith.index_cast %parallel_loop3A_809 : i32 to index
          %parallel_loop3A_811 = arith.index_cast %parallel_loop3A_808 : i32 to index
          %parallel_loop3A_812 = tpu.vector_load %arg7[%parallel_loop3A_810, %parallel_loop3A_811] {strides = array<i32>} : memref<8x2048xf32, #tpu.memory_space<vmem>>, vector<1x16xf32>,
          %parallel_loop3A_813 = vector.shape_cast %parallel_loop3A_812 : vector<1x16xf32> to vector<16xf32>
          %parallel_loop3A_814 = vector.shape_cast %parallel_loop3A_806 : vector<16xf32> to vector<1x16xf32>
          tpu.vector_store %arg7[%parallel_loop3A_810, %parallel_loop3A_811], %parallel_loop3A_814 {strides = array<i32>} : memref<8x2048xf32, #tpu.memory_space<vmem>>, vector<1x16xf32>,
        } {sc.loop_unroll_factor = 8 : i64, sc.parallel_access}
      } else {
      }
      %mul3A_162 = arith.constant 2048 : i32
      %mul3A_163 = arith.muli %shift_right_arithmetic3A_136, %mul3A_162 : i32
      %multiple_of3A_164 = tpu.assume_multiple %mul3A_163, 128 : i32
      %convert_element_type3A_165 = arith.extui %not3A_145 : i1 to i32
      %cond3A_166 = arith.constant 0 : i32
      %cond3A_167 = arith.cmpi ne, %convert_element_type3A_165, %cond3A_166 : i32
      scf.if %cond3A_167 {
        %dma_start3A = arith.constant 0 : i32
        %dma_start3A_174 = tpu.memref_slice %arg3[%and3A_134, %dma_start3A, %multiple_of3A_164] : memref<1024x8x8192xf32, #tpu.memory_space<hbm>> -> memref<1x8x2048xf32, #tpu.memory_space<hbm>>
        %dma_start3A_175 = tpu.memref_squeeze %dma_start3A_174 : memref<1x8x2048xf32, #tpu.memory_space<hbm>> -> memref<8x2048xf32, #tpu.memory_space<hbm>>
        %dma_start3A_176 = arith.constant 0 : i32
        %dma_start3A_177 = tpu.memref_slice %arg3[%and3A_134, %dma_start3A_176, %multiple_of3A_164] : memref<1024x8x8192xf32, #tpu.memory_space<hbm>> -> memref<1x8x2048xf32, #tpu.memory_space<hbm>>
        %dma_start3A_178 = tpu.memref_squeeze %dma_start3A_177 : memref<1x8x2048xf32, #tpu.memory_space<hbm>> -> memref<8x2048xf32, #tpu.memory_space<hbm>>
        tpu.enqueue_dma source(%arg7 : memref<8x2048xf32, #tpu.memory_space<vmem>>) target(%dma_start3A_178 : memref<8x2048xf32, #tpu.memory_space<hbm>>) target_semaphore(%arg12 : memref<!tpu.dma_semaphore, #tpu.memory_space<semaphore_mem>>)
      } else {
      }
      %convert_element_type3A_168 = arith.extui %le3A_143 : i1 to i32
      %cond3A_169 = arith.constant 0 : i32
      %cond3A_170 = arith.cmpi ne, %convert_element_type3A_168, %cond3A_169 : i32
      scf.if %cond3A_170 {
        %dma_start3A = arith.constant 0 : i32
        %dma_start3A_174 = tpu.memref_slice %arg3[%and3A_134, %dma_start3A, %multiple_of3A_164] : memref<1024x8x8192xf32, #tpu.memory_space<hbm>> -> memref<1x8x2048xf32, #tpu.memory_space<hbm>>
        %dma_start3A_175 = tpu.memref_squeeze %dma_start3A_174 : memref<1x8x2048xf32, #tpu.memory_space<hbm>> -> memref<8x2048xf32, #tpu.memory_space<hbm>>
        %dma_start3A_176 = arith.constant 0 : i32
        %dma_start3A_177 = tpu.memref_slice %arg3[%and3A_134, %dma_start3A_176, %multiple_of3A_164] : memref<1024x8x8192xf32, #tpu.memory_space<hbm>> -> memref<1x8x2048xf32, #tpu.memory_space<hbm>>
        %dma_start3A_178 = tpu.memref_squeeze %dma_start3A_177 : memref<1x8x2048xf32, #tpu.memory_space<hbm>> -> memref<8x2048xf32, #tpu.memory_space<hbm>>
        tpu.enqueue_dma source(%arg8 : memref<8x2048xf32, #tpu.memory_space<vmem>>) target(%dma_start3A_178 : memref<8x2048xf32, #tpu.memory_space<hbm>>) target_semaphore(%arg12 : memref<!tpu.dma_semaphore, #tpu.memory_space<semaphore_mem>>)
      } else {
      }
      %convert_element_type3A_171 = arith.extui %lt3A_129 : i1 to i32
      %cond3A_172 = arith.constant 0 : i32
      %cond3A_173 = arith.cmpi ne, %convert_element_type3A_171, %cond3A_172 : i32
      scf.if %cond3A_173 {
        %add3A_174 = arith.constant 2 : i32
        %add3A_175 = arith.addi %add3A_125, %add3A_174 : i32
        %mul3A_176 = arith.constant 32 : i32
        %mul3A_177 = arith.muli %add3A_175, %mul3A_176 : i32
        %add3A_178 = arith.addi %mul3A_177, %add3A : i32
        %and3A_179 = arith.constant 1023 : i32
        %and3A_180 = arith.andi %add3A_178, %and3A_179 : i32
        %shift_right_arithmetic3A_181 = arith.constant 10 : i32
        %shift_right_arithmetic3A_182 = arith.shrsi %add3A_178, %shift_right_arithmetic3A_181 : i32
        %add3A_183 = arith.constant 1 : i32
        %add3A_184 = arith.addi %shift_right_arithmetic3A_182, %add3A_183 : i32
        %mul3A_185 = arith.constant 2048 : i32
        %mul3A_186 = arith.muli %add3A_184, %mul3A_185 : i32
        %mul3A_187 = arith.constant 8 : i32
        %mul3A_188 = arith.muli %mul3A_187, %and3A_180 : i32
        %le3A_189 = arith.cmpi sle, %mul3A_186, %mul3A_188 : i32
        %not3A_190 = arith.constant true
        %not3A_191 = arith.xori %le3A_189, %not3A_190 : i1
        %convert_element_type3A_192 = arith.extui %not3A_191 : i1 to i32
        %cond3A_193 = arith.constant 0 : i32
        %cond3A_194 = arith.cmpi ne, %convert_element_type3A_192, %cond3A_193 : i32
        scf.if %cond3A_194 {
          %mul3A_195 = arith.constant 8 : i32
          %mul3A_196 = arith.muli %mul3A_195, %and3A_180 : i32
          %add3A_197 = arith.constant 0 : i32
          %add3A_198 = arith.addi %mul3A_196, %add3A_197 : i32
          %mul3A_199 = arith.constant 8191 : i32
          %mul3A_200 = arith.muli %add3A_198, %mul3A_199 : i32
          %sub3A = arith.constant 1 : i32
          %sub3A_201 = arith.subi %add3A_198, %sub3A : i32
          %mul3A_202 = arith.muli %add3A_198, %sub3A_201 : i32
          %jit3A = arith.constant 2 : i32
          %div3A = arith.divsi %mul3A_202, %jit3A : i32
          %sign3A = arith.constant 0 : i32
          %sign3A_203 = arith.cmpi sgt, %mul3A_202, %sign3A : i32
          %sign3A_204 = arith.extui %sign3A_203 : i1 to i32
          %sign3A_205 = arith.constant 0 : i32
          %sign3A_206 = arith.cmpi slt, %mul3A_202, %sign3A_205 : i32
          %sign3A_207 = arith.extui %sign3A_206 : i1 to i32
          %sign3A_208 = arith.subi %sign3A_204, %sign3A_207 : i32
          %sign3A_209 = arith.constant 0 : i32
          %sign3A_210 = arith.cmpi sgt, %jit3A, %sign3A_209 : i32
          %sign3A_211 = arith.extui %sign3A_210 : i1 to i32
          %sign3A_212 = arith.constant 0 : i32
          %sign3A_213 = arith.cmpi slt, %jit3A, %sign3A_212 : i32
          %sign3A_214 = arith.extui %sign3A_213 : i1 to i32
          %sign3A_215 = arith.subi %sign3A_211, %sign3A_214 : i32
          %ne3A = arith.cmpi ne, %sign3A_208, %sign3A_215 : i32
          %rem3A = arith.remsi %mul3A_202, %jit3A : i32
          %ne3A_216 = arith.constant 0 : i32
          %ne3A_217 = arith.cmpi ne, %rem3A, %ne3A_216 : i32
          %and3A_218 = arith.andi %ne3A, %ne3A_217 : i1
          %sub3A_219 = arith.constant 1 : i32
          %sub3A_220 = arith.subi %div3A, %sub3A_219 : i32
          %select_n3A = arith.select %and3A_218, %sub3A_220, %div3A : i32
          %sub3A_221 = arith.subi %mul3A_200, %select_n3A : i32
          %sub3A_222 = arith.subi %sub3A_221, %add3A_198 : i32
          %sub3A_223 = arith.constant 1 : i32
          %sub3A_224 = arith.subi %sub3A_222, %sub3A_223 : i32
          %mul3A_225 = arith.constant 2048 : i32
          %mul3A_226 = arith.muli %shift_right_arithmetic3A_182, %mul3A_225 : i32
          %add3A_227 = arith.addi %sub3A_224, %mul3A_226 : i32
          %jit3A_228 = arith.constant 8 : i32
          %div3A_229 = arith.divsi %add3A_227, %jit3A_228 : i32
          %sign3A_230 = arith.constant 0 : i32
          %sign3A_231 = arith.cmpi sgt, %add3A_227, %sign3A_230 : i32
          %sign3A_232 = arith.extui %sign3A_231 : i1 to i32
          %sign3A_233 = arith.constant 0 : i32
          %sign3A_234 = arith.cmpi slt, %add3A_227, %sign3A_233 : i32
          %sign3A_235 = arith.extui %sign3A_234 : i1 to i32
          %sign3A_236 = arith.subi %sign3A_232, %sign3A_235 : i32
          %sign3A_237 = arith.constant 0 : i32
          %sign3A_238 = arith.cmpi sgt, %jit3A_228, %sign3A_237 : i32
          %sign3A_239 = arith.extui %sign3A_238 : i1 to i32
          %sign3A_240 = arith.constant 0 : i32
          %sign3A_241 = arith.cmpi slt, %jit3A_228, %sign3A_240 : i32
          %sign3A_242 = arith.extui %sign3A_241 : i1 to i32
          %sign3A_243 = arith.subi %sign3A_239, %sign3A_242 : i32
          %ne3A_244 = arith.cmpi ne, %sign3A_236, %sign3A_243 : i32
          %rem3A_245 = arith.remsi %add3A_227, %jit3A_228 : i32
          %ne3A_246 = arith.constant 0 : i32
          %ne3A_247 = arith.cmpi ne, %rem3A_245, %ne3A_246 : i32
          %and3A_248 = arith.andi %ne3A_244, %ne3A_247 : i1
          %sub3A_249 = arith.constant 1 : i32
          %sub3A_250 = arith.subi %div3A_229, %sub3A_249 : i32
          %select_n3A_251 = arith.select %and3A_248, %sub3A_250, %div3A_229 : i32
          %mul3A_252 = arith.constant 8 : i32
          %mul3A_253 = arith.muli %select_n3A_251, %mul3A_252 : i32
          %jit3A_254 = arith.constant 0 : i32
          %jit3A_255 = arith.constant 33548272 : i32
          %max3A = arith.maxsi %jit3A_254, %mul3A_253 : i32
          %min3A = arith.minsi %jit3A_255, %max3A : i32
          %sub3A_256 = arith.subi %add3A_227, %min3A : i32
          %multiple_of3A_257 = tpu.assume_multiple %min3A, 8 : i32
          %dma_start3A = arith.constant 8 : i32
          %dma_start3A_258 = tpu.memref_slice %arg5[%dma_start3A] : memref<16640xf32, #tpu.memory_space<vmem>> -> memref<2064xf32, #tpu.memory_space<vmem>>
          %dma_start3A_259 = tpu.memref_slice %arg2[%multiple_of3A_257] : memref<33550336xf32, #tpu.memory_space<hbm>> -> memref<2064xf32, #tpu.memory_space<hbm>>
          %dma_start3A_260 = arith.constant 8 : i32
          %dma_start3A_261 = tpu.memref_slice %arg5[%dma_start3A_260] : memref<16640xf32, #tpu.memory_space<vmem>> -> memref<2064xf32, #tpu.memory_space<vmem>>
          %dma_start3A_262 = tpu.memref_slice %arg2[%multiple_of3A_257] : memref<33550336xf32, #tpu.memory_space<hbm>> -> memref<2064xf32, #tpu.memory_space<hbm>>
          tpu.enqueue_dma source(%dma_start3A_262 : memref<2064xf32, #tpu.memory_space<hbm>>) target(%dma_start3A_261 : memref<2064xf32, #tpu.memory_space<vmem>>) target_semaphore(%arg10 : memref<!tpu.dma_semaphore, #tpu.memory_space<semaphore_mem>>)
          %mul3A_263 = arith.constant 8 : i32
          %mul3A_264 = arith.muli %mul3A_263, %and3A_180 : i32
          %add3A_265 = arith.constant 1 : i32
          %add3A_266 = arith.addi %mul3A_264, %add3A_265 : i32
          %mul3A_267 = arith.constant 8191 : i32
          %mul3A_268 = arith.muli %add3A_266, %mul3A_267 : i32
          %sub3A_269 = arith.constant 1 : i32
          %sub3A_270 = arith.subi %add3A_266, %sub3A_269 : i32
          %mul3A_271 = arith.muli %add3A_266, %sub3A_270 : i32
          %jit3A_272 = arith.constant 2 : i32
          %div3A_273 = arith.divsi %mul3A_271, %jit3A_272 : i32
          %sign3A_274 = arith.constant 0 : i32
          %sign3A_275 = arith.cmpi sgt, %mul3A_271, %sign3A_274 : i32
          %sign3A_276 = arith.extui %sign3A_275 : i1 to i32
          %sign3A_277 = arith.constant 0 : i32
          %sign3A_278 = arith.cmpi slt, %mul3A_271, %sign3A_277 : i32
          %sign3A_279 = arith.extui %sign3A_278 : i1 to i32
          %sign3A_280 = arith.subi %sign3A_276, %sign3A_279 : i32
          %sign3A_281 = arith.constant 0 : i32
          %sign3A_282 = arith.cmpi sgt, %jit3A_272, %sign3A_281 : i32
          %sign3A_283 = arith.extui %sign3A_282 : i1 to i32
          %sign3A_284 = arith.constant 0 : i32
          %sign3A_285 = arith.cmpi slt, %jit3A_272, %sign3A_284 : i32
          %sign3A_286 = arith.extui %sign3A_285 : i1 to i32
          %sign3A_287 = arith.subi %sign3A_283, %sign3A_286 : i32
          %ne3A_288 = arith.cmpi ne, %sign3A_280, %sign3A_287 : i32
          %rem3A_289 = arith.remsi %mul3A_271, %jit3A_272 : i32
          %ne3A_290 = arith.constant 0 : i32
          %ne3A_291 = arith.cmpi ne, %rem3A_289, %ne3A_290 : i32
          %and3A_292 = arith.andi %ne3A_288, %ne3A_291 : i1
          %sub3A_293 = arith.constant 1 : i32
          %sub3A_294 = arith.subi %div3A_273, %sub3A_293 : i32
          %select_n3A_295 = arith.select %and3A_292, %sub3A_294, %div3A_273 : i32
          %sub3A_296 = arith.subi %mul3A_268, %select_n3A_295 : i32
          %sub3A_297 = arith.subi %sub3A_296, %add3A_266 : i32
          %sub3A_298 = arith.constant 1 : i32
          %sub3A_299 = arith.subi %sub3A_297, %sub3A_298 : i32
          %mul3A_300 = arith.constant 2048 : i32
          %mul3A_301 = arith.muli %shift_right_arithmetic3A_182, %mul3A_300 : i32
          %add3A_302 = arith.addi %sub3A_299, %mul3A_301 : i32
          %jit3A_303 = arith.constant 8 : i32
          %div3A_304 = arith.divsi %add3A_302, %jit3A_303 : i32
          %sign3A_305 = arith.constant 0 : i32
          %sign3A_306 = arith.cmpi sgt, %add3A_302, %sign3A_305 : i32
          %sign3A_307 = arith.extui %sign3A_306 : i1 to i32
          %sign3A_308 = arith.constant 0 : i32
          %sign3A_309 = arith.cmpi slt, %add3A_302, %sign3A_308 : i32
          %sign3A_310 = arith.extui %sign3A_309 : i1 to i32
          %sign3A_311 = arith.subi %sign3A_307, %sign3A_310 : i32
          %sign3A_312 = arith.constant 0 : i32
          %sign3A_313 = arith.cmpi sgt, %jit3A_303, %sign3A_312 : i32
          %sign3A_314 = arith.extui %sign3A_313 : i1 to i32
          %sign3A_315 = arith.constant 0 : i32
          %sign3A_316 = arith.cmpi slt, %jit3A_303, %sign3A_315 : i32
          %sign3A_317 = arith.extui %sign3A_316 : i1 to i32
          %sign3A_318 = arith.subi %sign3A_314, %sign3A_317 : i32
          %ne3A_319 = arith.cmpi ne, %sign3A_311, %sign3A_318 : i32
          %rem3A_320 = arith.remsi %add3A_302, %jit3A_303 : i32
          %ne3A_321 = arith.constant 0 : i32
          %ne3A_322 = arith.cmpi ne, %rem3A_320, %ne3A_321 : i32
          %and3A_323 = arith.andi %ne3A_319, %ne3A_322 : i1
          %sub3A_324 = arith.constant 1 : i32
          %sub3A_325 = arith.subi %div3A_304, %sub3A_324 : i32
          %select_n3A_326 = arith.select %and3A_323, %sub3A_325, %div3A_304 : i32
          %mul3A_327 = arith.constant 8 : i32
          %mul3A_328 = arith.muli %select_n3A_326, %mul3A_327 : i32
          %jit3A_329 = arith.constant 0 : i32
          %jit3A_330 = arith.constant 33548272 : i32
          %max3A_331 = arith.maxsi %jit3A_329, %mul3A_328 : i32
          %min3A_332 = arith.minsi %jit3A_330, %max3A_331 : i32
          %sub3A_333 = arith.subi %add3A_302, %min3A_332 : i32
          %multiple_of3A_334 = tpu.assume_multiple %min3A_332, 8 : i32
          %dma_start3A_335 = arith.constant 2088 : i32
          %dma_start3A_336 = tpu.memref_slice %arg5[%dma_start3A_335] : memref<16640xf32, #tpu.memory_space<vmem>> -> memref<2064xf32, #tpu.memory_space<vmem>>
          %dma_start3A_337 = tpu.memref_slice %arg2[%multiple_of3A_334] : memref<33550336xf32, #tpu.memory_space<hbm>> -> memref<2064xf32, #tpu.memory_space<hbm>>
          %dma_start3A_338 = arith.constant 2088 : i32
          %dma_start3A_339 = tpu.memref_slice %arg5[%dma_start3A_338] : memref<16640xf32, #tpu.memory_space<vmem>> -> memref<2064xf32, #tpu.memory_space<vmem>>
          %dma_start3A_340 = tpu.memref_slice %arg2[%multiple_of3A_334] : memref<33550336xf32, #tpu.memory_space<hbm>> -> memref<2064xf32, #tpu.memory_space<hbm>>
          tpu.enqueue_dma source(%dma_start3A_340 : memref<2064xf32, #tpu.memory_space<hbm>>) target(%dma_start3A_339 : memref<2064xf32, #tpu.memory_space<vmem>>) target_semaphore(%arg10 : memref<!tpu.dma_semaphore, #tpu.memory_space<semaphore_mem>>)
          %mul3A_341 = arith.constant 8 : i32
          %mul3A_342 = arith.muli %mul3A_341, %and3A_180 : i32
          %add3A_343 = arith.constant 2 : i32
          %add3A_344 = arith.addi %mul3A_342, %add3A_343 : i32
          %mul3A_345 = arith.constant 8191 : i32
          %mul3A_346 = arith.muli %add3A_344, %mul3A_345 : i32
          %sub3A_347 = arith.constant 1 : i32
          %sub3A_348 = arith.subi %add3A_344, %sub3A_347 : i32
          %mul3A_349 = arith.muli %add3A_344, %sub3A_348 : i32
          %jit3A_350 = arith.constant 2 : i32
          %div3A_351 = arith.divsi %mul3A_349, %jit3A_350 : i32
          %sign3A_352 = arith.constant 0 : i32
          %sign3A_353 = arith.cmpi sgt, %mul3A_349, %sign3A_352 : i32
          %sign3A_354 = arith.extui %sign3A_353 : i1 to i32
          %sign3A_355 = arith.constant 0 : i32
          %sign3A_356 = arith.cmpi slt, %mul3A_349, %sign3A_355 : i32
          %sign3A_357 = arith.extui %sign3A_356 : i1 to i32
          %sign3A_358 = arith.subi %sign3A_354, %sign3A_357 : i32
          %sign3A_359 = arith.constant 0 : i32
          %sign3A_360 = arith.cmpi sgt, %jit3A_350, %sign3A_359 : i32
          %sign3A_361 = arith.extui %sign3A_360 : i1 to i32
          %sign3A_362 = arith.constant 0 : i32
          %sign3A_363 = arith.cmpi slt, %jit3A_350, %sign3A_362 : i32
          %sign3A_364 = arith.extui %sign3A_363 : i1 to i32
          %sign3A_365 = arith.subi %sign3A_361, %sign3A_364 : i32
          %ne3A_366 = arith.cmpi ne, %sign3A_358, %sign3A_365 : i32
          %rem3A_367 = arith.remsi %mul3A_349, %jit3A_350 : i32
          %ne3A_368 = arith.constant 0 : i32
          %ne3A_369 = arith.cmpi ne, %rem3A_367, %ne3A_368 : i32
          %and3A_370 = arith.andi %ne3A_366, %ne3A_369 : i1
          %sub3A_371 = arith.constant 1 : i32
          %sub3A_372 = arith.subi %div3A_351, %sub3A_371 : i32
          %select_n3A_373 = arith.select %and3A_370, %sub3A_372, %div3A_351 : i32
          %sub3A_374 = arith.subi %mul3A_346, %select_n3A_373 : i32
          %sub3A_375 = arith.subi %sub3A_374, %add3A_344 : i32
          %sub3A_376 = arith.constant 1 : i32
          %sub3A_377 = arith.subi %sub3A_375, %sub3A_376 : i32
          %mul3A_378 = arith.constant 2048 : i32
          %mul3A_379 = arith.muli %shift_right_arithmetic3A_182, %mul3A_378 : i32
          %add3A_380 = arith.addi %sub3A_377, %mul3A_379 : i32
          %jit3A_381 = arith.constant 8 : i32
          %div3A_382 = arith.divsi %add3A_380, %jit3A_381 : i32
          %sign3A_383 = arith.constant 0 : i32
          %sign3A_384 = arith.cmpi sgt, %add3A_380, %sign3A_383 : i32
          %sign3A_385 = arith.extui %sign3A_384 : i1 to i32
          %sign3A_386 = arith.constant 0 : i32
          %sign3A_387 = arith.cmpi slt, %add3A_380, %sign3A_386 : i32
          %sign3A_388 = arith.extui %sign3A_387 : i1 to i32
          %sign3A_389 = arith.subi %sign3A_385, %sign3A_388 : i32
          %sign3A_390 = arith.constant 0 : i32
          %sign3A_391 = arith.cmpi sgt, %jit3A_381, %sign3A_390 : i32
          %sign3A_392 = arith.extui %sign3A_391 : i1 to i32
          %sign3A_393 = arith.constant 0 : i32
          %sign3A_394 = arith.cmpi slt, %jit3A_381, %sign3A_393 : i32
          %sign3A_395 = arith.extui %sign3A_394 : i1 to i32
          %sign3A_396 = arith.subi %sign3A_392, %sign3A_395 : i32
          %ne3A_397 = arith.cmpi ne, %sign3A_389, %sign3A_396 : i32
          %rem3A_398 = arith.remsi %add3A_380, %jit3A_381 : i32
          %ne3A_399 = arith.constant 0 : i32
          %ne3A_400 = arith.cmpi ne, %rem3A_398, %ne3A_399 : i32
          %and3A_401 = arith.andi %ne3A_397, %ne3A_400 : i1
          %sub3A_402 = arith.constant 1 : i32
          %sub3A_403 = arith.subi %div3A_382, %sub3A_402 : i32
          %select_n3A_404 = arith.select %and3A_401, %sub3A_403, %div3A_382 : i32
          %mul3A_405 = arith.constant 8 : i32
          %mul3A_406 = arith.muli %select_n3A_404, %mul3A_405 : i32
          %jit3A_407 = arith.constant 0 : i32
          %jit3A_408 = arith.constant 33548272 : i32
          %max3A_409 = arith.maxsi %jit3A_407, %mul3A_406 : i32
          %min3A_410 = arith.minsi %jit3A_408, %max3A_409 : i32
          %sub3A_411 = arith.subi %add3A_380, %min3A_410 : i32
          %multiple_of3A_412 = tpu.assume_multiple %min3A_410, 8 : i32
          %dma_start3A_413 = arith.constant 4168 : i32
          %dma_start3A_414 = tpu.memref_slice %arg5[%dma_start3A_413] : memref<16640xf32, #tpu.memory_space<vmem>> -> memref<2064xf32, #tpu.memory_space<vmem>>
          %dma_start3A_415 = tpu.memref_slice %arg2[%multiple_of3A_412] : memref<33550336xf32, #tpu.memory_space<hbm>> -> memref<2064xf32, #tpu.memory_space<hbm>>
          %dma_start3A_416 = arith.constant 4168 : i32
          %dma_start3A_417 = tpu.memref_slice %arg5[%dma_start3A_416] : memref<16640xf32, #tpu.memory_space<vmem>> -> memref<2064xf32, #tpu.memory_space<vmem>>
          %dma_start3A_418 = tpu.memref_slice %arg2[%multiple_of3A_412] : memref<33550336xf32, #tpu.memory_space<hbm>> -> memref<2064xf32, #tpu.memory_space<hbm>>
          tpu.enqueue_dma source(%dma_start3A_418 : memref<2064xf32, #tpu.memory_space<hbm>>) target(%dma_start3A_417 : memref<2064xf32, #tpu.memory_space<vmem>>) target_semaphore(%arg10 : memref<!tpu.dma_semaphore, #tpu.memory_space<semaphore_mem>>)
          %mul3A_419 = arith.constant 8 : i32
          %mul3A_420 = arith.muli %mul3A_419, %and3A_180 : i32
          %add3A_421 = arith.constant 3 : i32
          %add3A_422 = arith.addi %mul3A_420, %add3A_421 : i32
          %mul3A_423 = arith.constant 8191 : i32
          %mul3A_424 = arith.muli %add3A_422, %mul3A_423 : i32
          %sub3A_425 = arith.constant 1 : i32
          %sub3A_426 = arith.subi %add3A_422, %sub3A_425 : i32
          %mul3A_427 = arith.muli %add3A_422, %sub3A_426 : i32
          %jit3A_428 = arith.constant 2 : i32
          %div3A_429 = arith.divsi %mul3A_427, %jit3A_428 : i32
          %sign3A_430 = arith.constant 0 : i32
          %sign3A_431 = arith.cmpi sgt, %mul3A_427, %sign3A_430 : i32
          %sign3A_432 = arith.extui %sign3A_431 : i1 to i32
          %sign3A_433 = arith.constant 0 : i32
          %sign3A_434 = arith.cmpi slt, %mul3A_427, %sign3A_433 : i32
          %sign3A_435 = arith.extui %sign3A_434 : i1 to i32
          %sign3A_436 = arith.subi %sign3A_432, %sign3A_435 : i32
          %sign3A_437 = arith.constant 0 : i32
          %sign3A_438 = arith.cmpi sgt, %jit3A_428, %sign3A_437 : i32
          %sign3A_439 = arith.extui %sign3A_438 : i1 to i32
          %sign3A_440 = arith.constant 0 : i32
          %sign3A_441 = arith.cmpi slt, %jit3A_428, %sign3A_440 : i32
          %sign3A_442 = arith.extui %sign3A_441 : i1 to i32
          %sign3A_443 = arith.subi %sign3A_439, %sign3A_442 : i32
          %ne3A_444 = arith.cmpi ne, %sign3A_436, %sign3A_443 : i32
          %rem3A_445 = arith.remsi %mul3A_427, %jit3A_428 : i32
          %ne3A_446 = arith.constant 0 : i32
          %ne3A_447 = arith.cmpi ne, %rem3A_445, %ne3A_446 : i32
          %and3A_448 = arith.andi %ne3A_444, %ne3A_447 : i1
          %sub3A_449 = arith.constant 1 : i32
          %sub3A_450 = arith.subi %div3A_429, %sub3A_449 : i32
          %select_n3A_451 = arith.select %and3A_448, %sub3A_450, %div3A_429 : i32
          %sub3A_452 = arith.subi %mul3A_424, %select_n3A_451 : i32
          %sub3A_453 = arith.subi %sub3A_452, %add3A_422 : i32
          %sub3A_454 = arith.constant 1 : i32
          %sub3A_455 = arith.subi %sub3A_453, %sub3A_454 : i32
          %mul3A_456 = arith.constant 2048 : i32
          %mul3A_457 = arith.muli %shift_right_arithmetic3A_182, %mul3A_456 : i32
          %add3A_458 = arith.addi %sub3A_455, %mul3A_457 : i32
          %jit3A_459 = arith.constant 8 : i32
          %div3A_460 = arith.divsi %add3A_458, %jit3A_459 : i32
          %sign3A_461 = arith.constant 0 : i32
          %sign3A_462 = arith.cmpi sgt, %add3A_458, %sign3A_461 : i32
          %sign3A_463 = arith.extui %sign3A_462 : i1 to i32
          %sign3A_464 = arith.constant 0 : i32
          %sign3A_465 = arith.cmpi slt, %add3A_458, %sign3A_464 : i32
          %sign3A_466 = arith.extui %sign3A_465 : i1 to i32
          %sign3A_467 = arith.subi %sign3A_463, %sign3A_466 : i32
          %sign3A_468 = arith.constant 0 : i32
          %sign3A_469 = arith.cmpi sgt, %jit3A_459, %sign3A_468 : i32
          %sign3A_470 = arith.extui %sign3A_469 : i1 to i32
          %sign3A_471 = arith.constant 0 : i32
          %sign3A_472 = arith.cmpi slt, %jit3A_459, %sign3A_471 : i32
          %sign3A_473 = arith.extui %sign3A_472 : i1 to i32
          %sign3A_474 = arith.subi %sign3A_470, %sign3A_473 : i32
          %ne3A_475 = arith.cmpi ne, %sign3A_467, %sign3A_474 : i32
          %rem3A_476 = arith.remsi %add3A_458, %jit3A_459 : i32
          %ne3A_477 = arith.constant 0 : i32
          %ne3A_478 = arith.cmpi ne, %rem3A_476, %ne3A_477 : i32
          %and3A_479 = arith.andi %ne3A_475, %ne3A_478 : i1
          %sub3A_480 = arith.constant 1 : i32
          %sub3A_481 = arith.subi %div3A_460, %sub3A_480 : i32
          %select_n3A_482 = arith.select %and3A_479, %sub3A_481, %div3A_460 : i32
          %mul3A_483 = arith.constant 8 : i32
          %mul3A_484 = arith.muli %select_n3A_482, %mul3A_483 : i32
          %jit3A_485 = arith.constant 0 : i32
          %jit3A_486 = arith.constant 33548272 : i32
          %max3A_487 = arith.maxsi %jit3A_485, %mul3A_484 : i32
          %min3A_488 = arith.minsi %jit3A_486, %max3A_487 : i32
          %sub3A_489 = arith.subi %add3A_458, %min3A_488 : i32
          %multiple_of3A_490 = tpu.assume_multiple %min3A_488, 8 : i32
          %dma_start3A_491 = arith.constant 6248 : i32
          %dma_start3A_492 = tpu.memref_slice %arg5[%dma_start3A_491] : memref<16640xf32, #tpu.memory_space<vmem>> -> memref<2064xf32, #tpu.memory_space<vmem>>
          %dma_start3A_493 = tpu.memref_slice %arg2[%multiple_of3A_490] : memref<33550336xf32, #tpu.memory_space<hbm>> -> memref<2064xf32, #tpu.memory_space<hbm>>
          %dma_start3A_494 = arith.constant 6248 : i32
          %dma_start3A_495 = tpu.memref_slice %arg5[%dma_start3A_494] : memref<16640xf32, #tpu.memory_space<vmem>> -> memref<2064xf32, #tpu.memory_space<vmem>>
          %dma_start3A_496 = tpu.memref_slice %arg2[%multiple_of3A_490] : memref<33550336xf32, #tpu.memory_space<hbm>> -> memref<2064xf32, #tpu.memory_space<hbm>>
          tpu.enqueue_dma source(%dma_start3A_496 : memref<2064xf32, #tpu.memory_space<hbm>>) target(%dma_start3A_495 : memref<2064xf32, #tpu.memory_space<vmem>>) target_semaphore(%arg10 : memref<!tpu.dma_semaphore, #tpu.memory_space<semaphore_mem>>)
          %mul3A_497 = arith.constant 8 : i32
          %mul3A_498 = arith.muli %mul3A_497, %and3A_180 : i32
          %add3A_499 = arith.constant 4 : i32
          %add3A_500 = arith.addi %mul3A_498, %add3A_499 : i32
          %mul3A_501 = arith.constant 8191 : i32
          %mul3A_502 = arith.muli %add3A_500, %mul3A_501 : i32
          %sub3A_503 = arith.constant 1 : i32
          %sub3A_504 = arith.subi %add3A_500, %sub3A_503 : i32
          %mul3A_505 = arith.muli %add3A_500, %sub3A_504 : i32
          %jit3A_506 = arith.constant 2 : i32
          %div3A_507 = arith.divsi %mul3A_505, %jit3A_506 : i32
          %sign3A_508 = arith.constant 0 : i32
          %sign3A_509 = arith.cmpi sgt, %mul3A_505, %sign3A_508 : i32
          %sign3A_510 = arith.extui %sign3A_509 : i1 to i32
          %sign3A_511 = arith.constant 0 : i32
          %sign3A_512 = arith.cmpi slt, %mul3A_505, %sign3A_511 : i32
          %sign3A_513 = arith.extui %sign3A_512 : i1 to i32
          %sign3A_514 = arith.subi %sign3A_510, %sign3A_513 : i32
          %sign3A_515 = arith.constant 0 : i32
          %sign3A_516 = arith.cmpi sgt, %jit3A_506, %sign3A_515 : i32
          %sign3A_517 = arith.extui %sign3A_516 : i1 to i32
          %sign3A_518 = arith.constant 0 : i32
          %sign3A_519 = arith.cmpi slt, %jit3A_506, %sign3A_518 : i32
          %sign3A_520 = arith.extui %sign3A_519 : i1 to i32
          %sign3A_521 = arith.subi %sign3A_517, %sign3A_520 : i32
          %ne3A_522 = arith.cmpi ne, %sign3A_514, %sign3A_521 : i32
          %rem3A_523 = arith.remsi %mul3A_505, %jit3A_506 : i32
          %ne3A_524 = arith.constant 0 : i32
          %ne3A_525 = arith.cmpi ne, %rem3A_523, %ne3A_524 : i32
          %and3A_526 = arith.andi %ne3A_522, %ne3A_525 : i1
          %sub3A_527 = arith.constant 1 : i32
          %sub3A_528 = arith.subi %div3A_507, %sub3A_527 : i32
          %select_n3A_529 = arith.select %and3A_526, %sub3A_528, %div3A_507 : i32
          %sub3A_530 = arith.subi %mul3A_502, %select_n3A_529 : i32
          %sub3A_531 = arith.subi %sub3A_530, %add3A_500 : i32
          %sub3A_532 = arith.constant 1 : i32
          %sub3A_533 = arith.subi %sub3A_531, %sub3A_532 : i32
          %mul3A_534 = arith.constant 2048 : i32
          %mul3A_535 = arith.muli %shift_right_arithmetic3A_182, %mul3A_534 : i32
          %add3A_536 = arith.addi %sub3A_533, %mul3A_535 : i32
          %jit3A_537 = arith.constant 8 : i32
          %div3A_538 = arith.divsi %add3A_536, %jit3A_537 : i32
          %sign3A_539 = arith.constant 0 : i32
          %sign3A_540 = arith.cmpi sgt, %add3A_536, %sign3A_539 : i32
          %sign3A_541 = arith.extui %sign3A_540 : i1 to i32
          %sign3A_542 = arith.constant 0 : i32
          %sign3A_543 = arith.cmpi slt, %add3A_536, %sign3A_542 : i32
          %sign3A_544 = arith.extui %sign3A_543 : i1 to i32
          %sign3A_545 = arith.subi %sign3A_541, %sign3A_544 : i32
          %sign3A_546 = arith.constant 0 : i32
          %sign3A_547 = arith.cmpi sgt, %jit3A_537, %sign3A_546 : i32
          %sign3A_548 = arith.extui %sign3A_547 : i1 to i32
          %sign3A_549 = arith.constant 0 : i32
          %sign3A_550 = arith.cmpi slt, %jit3A_537, %sign3A_549 : i32
          %sign3A_551 = arith.extui %sign3A_550 : i1 to i32
          %sign3A_552 = arith.subi %sign3A_548, %sign3A_551 : i32
          %ne3A_553 = arith.cmpi ne, %sign3A_545, %sign3A_552 : i32
          %rem3A_554 = arith.remsi %add3A_536, %jit3A_537 : i32
          %ne3A_555 = arith.constant 0 : i32
          %ne3A_556 = arith.cmpi ne, %rem3A_554, %ne3A_555 : i32
          %and3A_557 = arith.andi %ne3A_553, %ne3A_556 : i1
          %sub3A_558 = arith.constant 1 : i32
          %sub3A_559 = arith.subi %div3A_538, %sub3A_558 : i32
          %select_n3A_560 = arith.select %and3A_557, %sub3A_559, %div3A_538 : i32
          %mul3A_561 = arith.constant 8 : i32
          %mul3A_562 = arith.muli %select_n3A_560, %mul3A_561 : i32
          %jit3A_563 = arith.constant 0 : i32
          %jit3A_564 = arith.constant 33548272 : i32
          %max3A_565 = arith.maxsi %jit3A_563, %mul3A_562 : i32
          %min3A_566 = arith.minsi %jit3A_564, %max3A_565 : i32
          %sub3A_567 = arith.subi %add3A_536, %min3A_566 : i32
          %multiple_of3A_568 = tpu.assume_multiple %min3A_566, 8 : i32
          %dma_start3A_569 = arith.constant 8328 : i32
          %dma_start3A_570 = tpu.memref_slice %arg5[%dma_start3A_569] : memref<16640xf32, #tpu.memory_space<vmem>> -> memref<2064xf32, #tpu.memory_space<vmem>>
          %dma_start3A_571 = tpu.memref_slice %arg2[%multiple_of3A_568] : memref<33550336xf32, #tpu.memory_space<hbm>> -> memref<2064xf32, #tpu.memory_space<hbm>>
          %dma_start3A_572 = arith.constant 8328 : i32
          %dma_start3A_573 = tpu.memref_slice %arg5[%dma_start3A_572] : memref<16640xf32, #tpu.memory_space<vmem>> -> memref<2064xf32, #tpu.memory_space<vmem>>
          %dma_start3A_574 = tpu.memref_slice %arg2[%multiple_of3A_568] : memref<33550336xf32, #tpu.memory_space<hbm>> -> memref<2064xf32, #tpu.memory_space<hbm>>
          tpu.enqueue_dma source(%dma_start3A_574 : memref<2064xf32, #tpu.memory_space<hbm>>) target(%dma_start3A_573 : memref<2064xf32, #tpu.memory_space<vmem>>) target_semaphore(%arg10 : memref<!tpu.dma_semaphore, #tpu.memory_space<semaphore_mem>>)
          %mul3A_575 = arith.constant 8 : i32
          %mul3A_576 = arith.muli %mul3A_575, %and3A_180 : i32
          %add3A_577 = arith.constant 5 : i32
          %add3A_578 = arith.addi %mul3A_576, %add3A_577 : i32
          %mul3A_579 = arith.constant 8191 : i32
          %mul3A_580 = arith.muli %add3A_578, %mul3A_579 : i32
          %sub3A_581 = arith.constant 1 : i32
          %sub3A_582 = arith.subi %add3A_578, %sub3A_581 : i32
          %mul3A_583 = arith.muli %add3A_578, %sub3A_582 : i32
          %jit3A_584 = arith.constant 2 : i32
          %div3A_585 = arith.divsi %mul3A_583, %jit3A_584 : i32
          %sign3A_586 = arith.constant 0 : i32
          %sign3A_587 = arith.cmpi sgt, %mul3A_583, %sign3A_586 : i32
          %sign3A_588 = arith.extui %sign3A_587 : i1 to i32
          %sign3A_589 = arith.constant 0 : i32
          %sign3A_590 = arith.cmpi slt, %mul3A_583, %sign3A_589 : i32
          %sign3A_591 = arith.extui %sign3A_590 : i1 to i32
          %sign3A_592 = arith.subi %sign3A_588, %sign3A_591 : i32
          %sign3A_593 = arith.constant 0 : i32
          %sign3A_594 = arith.cmpi sgt, %jit3A_584, %sign3A_593 : i32
          %sign3A_595 = arith.extui %sign3A_594 : i1 to i32
          %sign3A_596 = arith.constant 0 : i32
          %sign3A_597 = arith.cmpi slt, %jit3A_584, %sign3A_596 : i32
          %sign3A_598 = arith.extui %sign3A_597 : i1 to i32
          %sign3A_599 = arith.subi %sign3A_595, %sign3A_598 : i32
          %ne3A_600 = arith.cmpi ne, %sign3A_592, %sign3A_599 : i32
          %rem3A_601 = arith.remsi %mul3A_583, %jit3A_584 : i32
          %ne3A_602 = arith.constant 0 : i32
          %ne3A_603 = arith.cmpi ne, %rem3A_601, %ne3A_602 : i32
          %and3A_604 = arith.andi %ne3A_600, %ne3A_603 : i1
          %sub3A_605 = arith.constant 1 : i32
          %sub3A_606 = arith.subi %div3A_585, %sub3A_605 : i32
          %select_n3A_607 = arith.select %and3A_604, %sub3A_606, %div3A_585 : i32
          %sub3A_608 = arith.subi %mul3A_580, %select_n3A_607 : i32
          %sub3A_609 = arith.subi %sub3A_608, %add3A_578 : i32
          %sub3A_610 = arith.constant 1 : i32
          %sub3A_611 = arith.subi %sub3A_609, %sub3A_610 : i32
          %mul3A_612 = arith.constant 2048 : i32
          %mul3A_613 = arith.muli %shift_right_arithmetic3A_182, %mul3A_612 : i32
          %add3A_614 = arith.addi %sub3A_611, %mul3A_613 : i32
          %jit3A_615 = arith.constant 8 : i32
          %div3A_616 = arith.divsi %add3A_614, %jit3A_615 : i32
          %sign3A_617 = arith.constant 0 : i32
          %sign3A_618 = arith.cmpi sgt, %add3A_614, %sign3A_617 : i32
          %sign3A_619 = arith.extui %sign3A_618 : i1 to i32
          %sign3A_620 = arith.constant 0 : i32
          %sign3A_621 = arith.cmpi slt, %add3A_614, %sign3A_620 : i32
          %sign3A_622 = arith.extui %sign3A_621 : i1 to i32
          %sign3A_623 = arith.subi %sign3A_619, %sign3A_622 : i32
          %sign3A_624 = arith.constant 0 : i32
          %sign3A_625 = arith.cmpi sgt, %jit3A_615, %sign3A_624 : i32
          %sign3A_626 = arith.extui %sign3A_625 : i1 to i32
          %sign3A_627 = arith.constant 0 : i32
          %sign3A_628 = arith.cmpi slt, %jit3A_615, %sign3A_627 : i32
          %sign3A_629 = arith.extui %sign3A_628 : i1 to i32
          %sign3A_630 = arith.subi %sign3A_626, %sign3A_629 : i32
          %ne3A_631 = arith.cmpi ne, %sign3A_623, %sign3A_630 : i32
          %rem3A_632 = arith.remsi %add3A_614, %jit3A_615 : i32
          %ne3A_633 = arith.constant 0 : i32
          %ne3A_634 = arith.cmpi ne, %rem3A_632, %ne3A_633 : i32
          %and3A_635 = arith.andi %ne3A_631, %ne3A_634 : i1
          %sub3A_636 = arith.constant 1 : i32
          %sub3A_637 = arith.subi %div3A_616, %sub3A_636 : i32
          %select_n3A_638 = arith.select %and3A_635, %sub3A_637, %div3A_616 : i32
          %mul3A_639 = arith.constant 8 : i32
          %mul3A_640 = arith.muli %select_n3A_638, %mul3A_639 : i32
          %jit3A_641 = arith.constant 0 : i32
          %jit3A_642 = arith.constant 33548272 : i32
          %max3A_643 = arith.maxsi %jit3A_641, %mul3A_640 : i32
          %min3A_644 = arith.minsi %jit3A_642, %max3A_643 : i32
          %sub3A_645 = arith.subi %add3A_614, %min3A_644 : i32
          %multiple_of3A_646 = tpu.assume_multiple %min3A_644, 8 : i32
          %dma_start3A_647 = arith.constant 10408 : i32
          %dma_start3A_648 = tpu.memref_slice %arg5[%dma_start3A_647] : memref<16640xf32, #tpu.memory_space<vmem>> -> memref<2064xf32, #tpu.memory_space<vmem>>
          %dma_start3A_649 = tpu.memref_slice %arg2[%multiple_of3A_646] : memref<33550336xf32, #tpu.memory_space<hbm>> -> memref<2064xf32, #tpu.memory_space<hbm>>
          %dma_start3A_650 = arith.constant 10408 : i32
          %dma_start3A_651 = tpu.memref_slice %arg5[%dma_start3A_650] : memref<16640xf32, #tpu.memory_space<vmem>> -> memref<2064xf32, #tpu.memory_space<vmem>>
          %dma_start3A_652 = tpu.memref_slice %arg2[%multiple_of3A_646] : memref<33550336xf32, #tpu.memory_space<hbm>> -> memref<2064xf32, #tpu.memory_space<hbm>>
          tpu.enqueue_dma source(%dma_start3A_652 : memref<2064xf32, #tpu.memory_space<hbm>>) target(%dma_start3A_651 : memref<2064xf32, #tpu.memory_space<vmem>>) target_semaphore(%arg10 : memref<!tpu.dma_semaphore, #tpu.memory_space<semaphore_mem>>)
          %mul3A_653 = arith.constant 8 : i32
          %mul3A_654 = arith.muli %mul3A_653, %and3A_180 : i32
          %add3A_655 = arith.constant 6 : i32
          %add3A_656 = arith.addi %mul3A_654, %add3A_655 : i32
          %mul3A_657 = arith.constant 8191 : i32
          %mul3A_658 = arith.muli %add3A_656, %mul3A_657 : i32
          %sub3A_659 = arith.constant 1 : i32
          %sub3A_660 = arith.subi %add3A_656, %sub3A_659 : i32
          %mul3A_661 = arith.muli %add3A_656, %sub3A_660 : i32
          %jit3A_662 = arith.constant 2 : i32
          %div3A_663 = arith.divsi %mul3A_661, %jit3A_662 : i32
          %sign3A_664 = arith.constant 0 : i32
          %sign3A_665 = arith.cmpi sgt, %mul3A_661, %sign3A_664 : i32
          %sign3A_666 = arith.extui %sign3A_665 : i1 to i32
          %sign3A_667 = arith.constant 0 : i32
          %sign3A_668 = arith.cmpi slt, %mul3A_661, %sign3A_667 : i32
          %sign3A_669 = arith.extui %sign3A_668 : i1 to i32
          %sign3A_670 = arith.subi %sign3A_666, %sign3A_669 : i32
          %sign3A_671 = arith.constant 0 : i32
          %sign3A_672 = arith.cmpi sgt, %jit3A_662, %sign3A_671 : i32
          %sign3A_673 = arith.extui %sign3A_672 : i1 to i32
          %sign3A_674 = arith.constant 0 : i32
          %sign3A_675 = arith.cmpi slt, %jit3A_662, %sign3A_674 : i32
          %sign3A_676 = arith.extui %sign3A_675 : i1 to i32
          %sign3A_677 = arith.subi %sign3A_673, %sign3A_676 : i32
          %ne3A_678 = arith.cmpi ne, %sign3A_670, %sign3A_677 : i32
          %rem3A_679 = arith.remsi %mul3A_661, %jit3A_662 : i32
          %ne3A_680 = arith.constant 0 : i32
          %ne3A_681 = arith.cmpi ne, %rem3A_679, %ne3A_680 : i32
          %and3A_682 = arith.andi %ne3A_678, %ne3A_681 : i1
          %sub3A_683 = arith.constant 1 : i32
          %sub3A_684 = arith.subi %div3A_663, %sub3A_683 : i32
          %select_n3A_685 = arith.select %and3A_682, %sub3A_684, %div3A_663 : i32
          %sub3A_686 = arith.subi %mul3A_658, %select_n3A_685 : i32
          %sub3A_687 = arith.subi %sub3A_686, %add3A_656 : i32
          %sub3A_688 = arith.constant 1 : i32
          %sub3A_689 = arith.subi %sub3A_687, %sub3A_688 : i32
          %mul3A_690 = arith.constant 2048 : i32
          %mul3A_691 = arith.muli %shift_right_arithmetic3A_182, %mul3A_690 : i32
          %add3A_692 = arith.addi %sub3A_689, %mul3A_691 : i32
          %jit3A_693 = arith.constant 8 : i32
          %div3A_694 = arith.divsi %add3A_692, %jit3A_693 : i32
          %sign3A_695 = arith.constant 0 : i32
          %sign3A_696 = arith.cmpi sgt, %add3A_692, %sign3A_695 : i32
          %sign3A_697 = arith.extui %sign3A_696 : i1 to i32
          %sign3A_698 = arith.constant 0 : i32
          %sign3A_699 = arith.cmpi slt, %add3A_692, %sign3A_698 : i32
          %sign3A_700 = arith.extui %sign3A_699 : i1 to i32
          %sign3A_701 = arith.subi %sign3A_697, %sign3A_700 : i32
          %sign3A_702 = arith.constant 0 : i32
          %sign3A_703 = arith.cmpi sgt, %jit3A_693, %sign3A_702 : i32
          %sign3A_704 = arith.extui %sign3A_703 : i1 to i32
          %sign3A_705 = arith.constant 0 : i32
          %sign3A_706 = arith.cmpi slt, %jit3A_693, %sign3A_705 : i32
          %sign3A_707 = arith.extui %sign3A_706 : i1 to i32
          %sign3A_708 = arith.subi %sign3A_704, %sign3A_707 : i32
          %ne3A_709 = arith.cmpi ne, %sign3A_701, %sign3A_708 : i32
          %rem3A_710 = arith.remsi %add3A_692, %jit3A_693 : i32
          %ne3A_711 = arith.constant 0 : i32
          %ne3A_712 = arith.cmpi ne, %rem3A_710, %ne3A_711 : i32
          %and3A_713 = arith.andi %ne3A_709, %ne3A_712 : i1
          %sub3A_714 = arith.constant 1 : i32
          %sub3A_715 = arith.subi %div3A_694, %sub3A_714 : i32
          %select_n3A_716 = arith.select %and3A_713, %sub3A_715, %div3A_694 : i32
          %mul3A_717 = arith.constant 8 : i32
          %mul3A_718 = arith.muli %select_n3A_716, %mul3A_717 : i32
          %jit3A_719 = arith.constant 0 : i32
          %jit3A_720 = arith.constant 33548272 : i32
          %max3A_721 = arith.maxsi %jit3A_719, %mul3A_718 : i32
          %min3A_722 = arith.minsi %jit3A_720, %max3A_721 : i32
          %sub3A_723 = arith.subi %add3A_692, %min3A_722 : i32
          %multiple_of3A_724 = tpu.assume_multiple %min3A_722, 8 : i32
          %dma_start3A_725 = arith.constant 12488 : i32
          %dma_start3A_726 = tpu.memref_slice %arg5[%dma_start3A_725] : memref<16640xf32, #tpu.memory_space<vmem>> -> memref<2064xf32, #tpu.memory_space<vmem>>
          %dma_start3A_727 = tpu.memref_slice %arg2[%multiple_of3A_724] : memref<33550336xf32, #tpu.memory_space<hbm>> -> memref<2064xf32, #tpu.memory_space<hbm>>
          %dma_start3A_728 = arith.constant 12488 : i32
          %dma_start3A_729 = tpu.memref_slice %arg5[%dma_start3A_728] : memref<16640xf32, #tpu.memory_space<vmem>> -> memref<2064xf32, #tpu.memory_space<vmem>>
          %dma_start3A_730 = tpu.memref_slice %arg2[%multiple_of3A_724] : memref<33550336xf32, #tpu.memory_space<hbm>> -> memref<2064xf32, #tpu.memory_space<hbm>>
          tpu.enqueue_dma source(%dma_start3A_730 : memref<2064xf32, #tpu.memory_space<hbm>>) target(%dma_start3A_729 : memref<2064xf32, #tpu.memory_space<vmem>>) target_semaphore(%arg10 : memref<!tpu.dma_semaphore, #tpu.memory_space<semaphore_mem>>)
          %mul3A_731 = arith.constant 8 : i32
          %mul3A_732 = arith.muli %mul3A_731, %and3A_180 : i32
          %add3A_733 = arith.constant 7 : i32
          %add3A_734 = arith.addi %mul3A_732, %add3A_733 : i32
          %mul3A_735 = arith.constant 8191 : i32
          %mul3A_736 = arith.muli %add3A_734, %mul3A_735 : i32
          %sub3A_737 = arith.constant 1 : i32
          %sub3A_738 = arith.subi %add3A_734, %sub3A_737 : i32
          %mul3A_739 = arith.muli %add3A_734, %sub3A_738 : i32
          %jit3A_740 = arith.constant 2 : i32
          %div3A_741 = arith.divsi %mul3A_739, %jit3A_740 : i32
          %sign3A_742 = arith.constant 0 : i32
          %sign3A_743 = arith.cmpi sgt, %mul3A_739, %sign3A_742 : i32
          %sign3A_744 = arith.extui %sign3A_743 : i1 to i32
          %sign3A_745 = arith.constant 0 : i32
          %sign3A_746 = arith.cmpi slt, %mul3A_739, %sign3A_745 : i32
          %sign3A_747 = arith.extui %sign3A_746 : i1 to i32
          %sign3A_748 = arith.subi %sign3A_744, %sign3A_747 : i32
          %sign3A_749 = arith.constant 0 : i32
          %sign3A_750 = arith.cmpi sgt, %jit3A_740, %sign3A_749 : i32
          %sign3A_751 = arith.extui %sign3A_750 : i1 to i32
          %sign3A_752 = arith.constant 0 : i32
          %sign3A_753 = arith.cmpi slt, %jit3A_740, %sign3A_752 : i32
          %sign3A_754 = arith.extui %sign3A_753 : i1 to i32
          %sign3A_755 = arith.subi %sign3A_751, %sign3A_754 : i32
          %ne3A_756 = arith.cmpi ne, %sign3A_748, %sign3A_755 : i32
          %rem3A_757 = arith.remsi %mul3A_739, %jit3A_740 : i32
          %ne3A_758 = arith.constant 0 : i32
          %ne3A_759 = arith.cmpi ne, %rem3A_757, %ne3A_758 : i32
          %and3A_760 = arith.andi %ne3A_756, %ne3A_759 : i1
          %sub3A_761 = arith.constant 1 : i32
          %sub3A_762 = arith.subi %div3A_741, %sub3A_761 : i32
          %select_n3A_763 = arith.select %and3A_760, %sub3A_762, %div3A_741 : i32
          %sub3A_764 = arith.subi %mul3A_736, %select_n3A_763 : i32
          %sub3A_765 = arith.subi %sub3A_764, %add3A_734 : i32
          %sub3A_766 = arith.constant 1 : i32
          %sub3A_767 = arith.subi %sub3A_765, %sub3A_766 : i32
          %mul3A_768 = arith.constant 2048 : i32
          %mul3A_769 = arith.muli %shift_right_arithmetic3A_182, %mul3A_768 : i32
          %add3A_770 = arith.addi %sub3A_767, %mul3A_769 : i32
          %jit3A_771 = arith.constant 8 : i32
          %div3A_772 = arith.divsi %add3A_770, %jit3A_771 : i32
          %sign3A_773 = arith.constant 0 : i32
          %sign3A_774 = arith.cmpi sgt, %add3A_770, %sign3A_773 : i32
          %sign3A_775 = arith.extui %sign3A_774 : i1 to i32
          %sign3A_776 = arith.constant 0 : i32
          %sign3A_777 = arith.cmpi slt, %add3A_770, %sign3A_776 : i32
          %sign3A_778 = arith.extui %sign3A_777 : i1 to i32
          %sign3A_779 = arith.subi %sign3A_775, %sign3A_778 : i32
          %sign3A_780 = arith.constant 0 : i32
          %sign3A_781 = arith.cmpi sgt, %jit3A_771, %sign3A_780 : i32
          %sign3A_782 = arith.extui %sign3A_781 : i1 to i32
          %sign3A_783 = arith.constant 0 : i32
          %sign3A_784 = arith.cmpi slt, %jit3A_771, %sign3A_783 : i32
          %sign3A_785 = arith.extui %sign3A_784 : i1 to i32
          %sign3A_786 = arith.subi %sign3A_782, %sign3A_785 : i32
          %ne3A_787 = arith.cmpi ne, %sign3A_779, %sign3A_786 : i32
          %rem3A_788 = arith.remsi %add3A_770, %jit3A_771 : i32
          %ne3A_789 = arith.constant 0 : i32
          %ne3A_790 = arith.cmpi ne, %rem3A_788, %ne3A_789 : i32
          %and3A_791 = arith.andi %ne3A_787, %ne3A_790 : i1
          %sub3A_792 = arith.constant 1 : i32
          %sub3A_793 = arith.subi %div3A_772, %sub3A_792 : i32
          %select_n3A_794 = arith.select %and3A_791, %sub3A_793, %div3A_772 : i32
          %mul3A_795 = arith.constant 8 : i32
          %mul3A_796 = arith.muli %select_n3A_794, %mul3A_795 : i32
          %jit3A_797 = arith.constant 0 : i32
          %jit3A_798 = arith.constant 33548272 : i32
          %max3A_799 = arith.maxsi %jit3A_797, %mul3A_796 : i32
          %min3A_800 = arith.minsi %jit3A_798, %max3A_799 : i32
          %sub3A_801 = arith.subi %add3A_770, %min3A_800 : i32
          %multiple_of3A_802 = tpu.assume_multiple %min3A_800, 8 : i32
          %dma_start3A_803 = arith.constant 14568 : i32
          %dma_start3A_804 = tpu.memref_slice %arg5[%dma_start3A_803] : memref<16640xf32, #tpu.memory_space<vmem>> -> memref<2064xf32, #tpu.memory_space<vmem>>
          %dma_start3A_805 = tpu.memref_slice %arg2[%multiple_of3A_802] : memref<33550336xf32, #tpu.memory_space<hbm>> -> memref<2064xf32, #tpu.memory_space<hbm>>
          %dma_start3A_806 = arith.constant 14568 : i32
          %dma_start3A_807 = tpu.memref_slice %arg5[%dma_start3A_806] : memref<16640xf32, #tpu.memory_space<vmem>> -> memref<2064xf32, #tpu.memory_space<vmem>>
          %dma_start3A_808 = tpu.memref_slice %arg2[%multiple_of3A_802] : memref<33550336xf32, #tpu.memory_space<hbm>> -> memref<2064xf32, #tpu.memory_space<hbm>>
          tpu.enqueue_dma source(%dma_start3A_808 : memref<2064xf32, #tpu.memory_space<hbm>>) target(%dma_start3A_807 : memref<2064xf32, #tpu.memory_space<vmem>>) target_semaphore(%arg10 : memref<!tpu.dma_semaphore, #tpu.memory_space<semaphore_mem>>)
        } else {
        }
      } else {
      }
    }
    %scan3A_59 = arith.constant 64 : i32
    %dma_wait3A = arith.constant 0 : i32
    %dma_wait3A_60 = arith.constant 0 : i32
    %dma_wait3A_61 = arith.constant 0 : i32
    %dma_wait3A_62 = tpu.memref_slice %arg3[%dma_wait3A, %dma_wait3A_60, %dma_wait3A_61] : memref<1024x8x8192xf32, #tpu.memory_space<hbm>> -> memref<1x8x2048xf32, #tpu.memory_space<hbm>>
    %dma_wait3A_63 = tpu.memref_squeeze %dma_wait3A_62 : memref<1x8x2048xf32, #tpu.memory_space<hbm>> -> memref<8x2048xf32, #tpu.memory_space<hbm>>
    %dma_wait3A_64 = arith.constant 0 : i32
    %dma_wait3A_65 = arith.constant 0 : i32
    %dma_wait3A_66 = tpu.memref_slice %arg3[%dma_wait3A, %dma_wait3A_64, %dma_wait3A_65] : memref<1024x8x8192xf32, #tpu.memory_space<hbm>> -> memref<1x8x2048xf32, #tpu.memory_space<hbm>>
    %dma_wait3A_67 = tpu.memref_squeeze %dma_wait3A_66 : memref<1x8x2048xf32, #tpu.memory_space<hbm>> -> memref<8x2048xf32, #tpu.memory_space<hbm>>
    tpu.wait_dma2 semaphore(%arg11 : memref<!tpu.dma_semaphore, #tpu.memory_space<semaphore_mem>>) src(%arg6 : memref<8x2048xf32, #tpu.memory_space<vmem>>) dst(%dma_wait3A_67 : memref<8x2048xf32, #tpu.memory_space<hbm>>)
    %dma_wait3A_68 = arith.constant 0 : i32
    %dma_wait3A_69 = arith.constant 0 : i32
    %dma_wait3A_70 = arith.constant 0 : i32
    %dma_wait3A_71 = tpu.memref_slice %arg3[%dma_wait3A_68, %dma_wait3A_69, %dma_wait3A_70] : memref<1024x8x8192xf32, #tpu.memory_space<hbm>> -> memref<1x8x2048xf32, #tpu.memory_space<hbm>>
    %dma_wait3A_72 = tpu.memref_squeeze %dma_wait3A_71 : memref<1x8x2048xf32, #tpu.memory_space<hbm>> -> memref<8x2048xf32, #tpu.memory_space<hbm>>
    %dma_wait3A_73 = arith.constant 0 : i32
    %dma_wait3A_74 = arith.constant 0 : i32
    %dma_wait3A_75 = tpu.memref_slice %arg3[%dma_wait3A_68, %dma_wait3A_73, %dma_wait3A_74] : memref<1024x8x8192xf32, #tpu.memory_space<hbm>> -> memref<1x8x2048xf32, #tpu.memory_space<hbm>>
    %dma_wait3A_76 = tpu.memref_squeeze %dma_wait3A_75 : memref<1x8x2048xf32, #tpu.memory_space<hbm>> -> memref<8x2048xf32, #tpu.memory_space<hbm>>
    tpu.wait_dma2 semaphore(%arg12 : memref<!tpu.dma_semaphore, #tpu.memory_space<semaphore_mem>>) src(%arg7 : memref<8x2048xf32, #tpu.memory_space<vmem>>) dst(%dma_wait3A_76 : memref<8x2048xf32, #tpu.memory_space<hbm>>)
    return
  }
}

</mosaic_0001>

<sc_bundles>
// kernel: kernel.3.cloned.1.call-start
scs
__scs_entry_jumppad:
0x0: {  	(pc) =	sbr.rel $0x88, $3  }
0x1: {  	(tag) =	ssettag $0x0;
	lr =	simm.s32 $0x1  }
0x2: {  	[smem:$0x3FA0] =	sst lr;
	_ =	strace $0xD0000000  }
0x3: {  	_ = 	snop  }
0x4: {  	_ = 	snop  }
0x5: {  	_ = 	snop  }
0x6: {  	_ = 	snop  }
0x7: {  	_ = 	snop  }
__scs_overlays_trampoline_lowered:
0x8: {  	[smem:$0x3FAF] =	sst s0  }
0x9: {  	[smem:$0x3FB0] =	sst s1  }
0xa: {  	[smem:$0x3FB1] =	sst s2  }
0xb: {  	[smem:$0x3FB2] =	sst s3  }
0xc: {  	[smem:$0x3FB3] =	sst s4  }
0xd: {  	[smem:$0x3FB4] =	sst s5  }
0xe: {  	[smem:$0x3FB5] =	sst s6  }
0xf: {  	[smem:$0x3FB6] =	sst s7  }
0x10: {  	[smem:$0x3FB7] =	sst s8  }
0x11: {  	[smem:$0x3FB8] =	sst s9;
	s0 =	simm.s32 @!p0 $0x0  }
0x12: {  	s1 =	sld [smem:$0x3F9E];
	s0 =	simm.s32 @p0 $0x1  }
0x13: {  	[smem:$0x3FB9] =	sst s0;
	s0 =	simm.s32 @!p1 $0x0  }
0x14: {  	s2 =	sld [smem:$0x3F9D];
	s0 =	simm.s32 @p1 $0x1  }
0x15: {  	[smem:$0x3FBA] =	sst s0;
	s0 =	simm.s32 @!p2 $0x0  }
0x16: {  	s3 =	sld [smem:$0x3FDB];
	s0 =	simm.s32 @p2 $0x1  }
0x17: {  	s4 =	simm.s32 $0x1BF5;
	[smem:$0x3FBC] =	sst s0  }
0x18: {  	s0 =	sld [smem:$0x3F9F];
	_ =	swait.ge [sflag:s4], $0x0  }
0x19: {  	s7 =	sld [smem:$0x3FA0]  }
0x1a: {  	s8 =	sadd.s32 $0xFFFFE003, lr  }
0x1b: {  	s9 =	sadd.s32 $0xFFFFFEF7, lr;
	s5 =	simm.s32 $0xFFFFFFFF;
	p2 =	slt.u32 s8, $0xFFFFF086  }
0x1c: {  	p1 =	slt.u32 s9, $0xF7A;
	s5 =	simm.s32 @!p2 $0x0  }
0x1d: {  	s5 =	simm.s32 @p1 $0x1;
	p0 =	seq.s32 s7, s2  }
0x1e: {  	s7 =	smul.u32 @!p0 $0xF7A, s2;
	p2 =	seq.s32 @!p0 s5, $0x0  }
0x1f: {  	s9 =	smul.u32 $0xF7A, s1;
	s8 =	simm.s32 @!p0 $0x1BF5;
	p2 =	por !p2, p0  }
0x20: {  	[sflag:s8] =	ssyncset.s32 @!p0 $0xFFFFF086;
	s6 =	sadd.s32 @!p0 s3, s7;
	s7 =	simm.s32 @!p0 $0x108  }
0x21: {  	s3 =	sadd.s32 s3, s9;
	s6 =	sadd.s32 @!p0 $0x88, s6;
	s7 =	simm.s32 @p2 $0x1082  }
0x22: {  	[simem:s7], [sflag:s8] =	dma.local @!p0 [hbm:s6], $0xF7A  }
0x23: {  	s9 =	sor.u32 $0xD0000000, s2;
	s6 =	simm.s32 $0x108;
	_ =	swait.ge @!p0 [sflag:s8], $0x0  }
0x24: {  	s3 =	sadd.s32 $0x88, s3;
	s6 =	simm.s32 @!p1 $0x1082;
	[sflag:s4] =	ssyncset.s32 $0xFFFFF086  }
0x25: {  	[simem:s6], [sflag:s4] =	dma.local [hbm:s3], $0xF7A  }
0x26: {  	[smem:$0x3FA0] =	sst s1;
	(tag) =	ssettag s2;
	_ =	strace s9  }
0x27: {  	s1 =	sld [smem:$0x3FB0]  }
0x28: {  	s2 =	sld [smem:$0x3FB1]  }
0x29: {  	s4 =	sld [smem:$0x3FB3]  }
0x2a: {  	p0 =	seq.s32 s5, $0x0;
	s5 =	sld [smem:$0x3FB4]  }
0x2b: {  	s6 =	sld [smem:$0x3FB5]  }
0x2c: {  	s7 =	sld [smem:$0x3FB6]  }
0x2d: {  	s3 =	simm.s32 $0x108;
	s8 =	sld [smem:$0x3FB7]  }
0x2e: {  	s3 =	simm.s32 @!p0 $0x1082;
	s9 =	sld [smem:$0x3FB8]  }
0x2f: {  	lr =	sadd.s32 s0, s3;
	s0 =	sld [smem:$0x3FAF]  }
0x30: {  	s3 =	sld [smem:$0x3FB2]  }
0x31: {  	[smem:$0x3FBB] =	sst s10  }
0x32: {  	s10 =	sld [smem:$0x3FB9];
	_ =	sdelay $0x3  }
0x33: {  	p0 =	seq.s32 s10, $0x1;
	s10 =	sld [smem:$0x3FBB];
	_ =	sdelay $0x3  }
0x34: {  	[smem:$0x3FBB] =	sst s10  }
0x35: {  	s10 =	sld [smem:$0x3FBA];
	_ =	sdelay $0x3  }
0x36: {  	p1 =	seq.s32 s10, $0x1;
	s10 =	sld [smem:$0x3FBB];
	_ =	sdelay $0x3  }
0x37: {  	[smem:$0x3FBB] =	sst s10  }
0x38: {  	s10 =	sld [smem:$0x3FBC]  }
0x39: {  	_ = 	snop;
	(pc) =	sbr.ind lr, $3  }
0x3a: {  	_ = 	snop  }
0x3b: {  	_ = 	snop  }
0x3c: {  	p2 =	seq.s32 s10, $0x1;
	s10 =	sld [smem:$0x3FBB]  }
0x3d: {  	_ =	shalt  }
0x3e: {  	_ =	shalt  }
0x3f: {  	_ =	shalt  }
0x40: {  	_ =	shalt  }
0x41: {  	_ =	shalt  }
0x42: {  	_ =	shalt  }
0x43: {  	_ =	shalt  }
0x44: {  	_ =	shalt  }
0x45: {  	_ =	shalt  }
0x46: {  	_ =	shalt  }
0x47: {  	_ =	shalt  }
0x48: {  	_ =	shalt  }
0x49: {  	_ =	shalt  }
0x4a: {  	_ =	shalt  }
0x4b: {  	_ =	shalt  }
0x4c: {  	_ =	shalt  }
0x4d: {  	_ =	shalt  }
0x4e: {  	_ =	shalt  }
0x4f: {  	_ =	shalt  }
0x50: {  	_ =	shalt  }
0x51: {  	_ =	shalt  }
0x52: {  	_ =	shalt  }
0x53: {  	_ =	shalt  }
0x54: {  	_ =	shalt  }
0x55: {  	_ =	shalt  }
0x56: {  	_ =	shalt  }
0x57: {  	_ =	shalt  }
0x58: {  	_ =	shalt  }
0x59: {  	_ =	shalt  }
0x5a: {  	_ =	shalt  }
0x5b: {  	_ =	shalt  }
0x5c: {  	_ =	shalt  }
0x5d: {  	_ =	shalt  }
0x5e: {  	_ =	shalt  }
0x5f: {  	_ =	shalt  }
0x60: {  	_ =	shalt  }
0x61: {  	_ =	shalt  }
0x62: {  	_ =	shalt  }
0x63: {  	_ =	shalt  }
0x64: {  	_ =	shalt  }
0x65: {  	_ =	shalt  }
0x66: {  	_ =	shalt  }
0x67: {  	_ =	shalt  }
0x68: {  	_ =	shalt  }
0x69: {  	_ =	shalt  }
0x6a: {  	_ =	shalt  }
0x6b: {  	_ =	shalt  }
0x6c: {  	_ =	shalt  }
0x6d: {  	_ =	shalt  }
0x6e: {  	_ =	shalt  }
0x6f: {  	_ =	shalt  }
0x70: {  	_ =	shalt  }
0x71: {  	_ =	shalt  }
0x72: {  	_ =	shalt  }
0x73: {  	_ =	shalt  }
0x74: {  	_ =	shalt  }
0x75: {  	_ =	shalt  }
0x76: {  	_ =	shalt  }
0x77: {  	_ =	shalt  }
0x78: {  	_ =	shalt  }
0x79: {  	_ =	shalt  }
0x7a: {  	_ =	shalt  }
0x7b: {  	_ =	shalt  }
0x7c: {  	_ =	shalt  }
0x7d: {  	_ =	shalt  }
0x7e: {  	_ =	shalt  }
0x7f: {  	_ =	shalt  }
0x80: {  	_ =	shalt  }
0x81: {  	_ =	shalt  }
0x82: {  	_ =	shalt  }
0x83: {  	_ =	shalt  }
0x84: {  	_ =	shalt  }
0x85: {  	_ =	shalt  }
0x86: {  	_ =	shalt  }
0x87: {  	_ =	shalt  }
.Lfunc_end0:
.L_simem_size_0:
called_computation_lowered:
.L_overlay_start_0:
0x88: {  	s2 =	sld [smem:$0x3FD9]  }
0x89: {  	s3 =	sld [smem:$0x3FFE];
	_ =	sdelay $0x1  }
0x8a: {  	s1 =	srdreg.scid  }
0x8b: {  	s0 =	sand.u32 $0x1, s1  }
0x8c: {  	s18 =	sshll.u32 s0, $0xA;
	s2 =	sadd.s32 s3, s2  }
0x8d: {  	s2 =	sadd.s32 s2, s18  }
0x8e: {  	[smem:$0x3FC7] =	sst s2  }
0x8f: {  	_ = 	snop  }
0x90: {  	s2 =	sld [smem:$0x3FC9]  }
0x91: {  	s19 =	sld [smem:$0x3FD0];
	(tm) =	ssettm $0x1  }
0x92: {  	s4 =	sld [smem:$0x3FFB];
	_ =	sdelay $0x3  }
0x93: {  	_ =	strace s4  }
0x94: {  	s4 =	sld [smem:$0x3FFC];
	_ =	sdelay $0x3  }
0x95: {  	_ =	strace s4  }
0x96: {  	s4 =	sld [smem:$0x3FFD];
	_ =	sdelay $0x3  }
0x97: {  	_ =	strace s4  }
0x98: {  	_ =	strace $0x8FFFFFFF  }
0x99: {  	s20 =	sld [smem:$0x3FDB];
	_ =	sdelay $0x1  }
0x9a: {  	s5 =	simm.s32 $_scs_section_size  }
0x9b: {  	s6 =	simm.s32 $_size__tile_overlayer_lowered;
	s7 =	simm.s32 $_tile_overlayer_lowered  }
0x9c: {  	s23 =	simm.s32 $0x1BFF;
	s22 =	sshll.u32 s7, $0x1;
	s4 =	sadd.s32 s5, s20  }
0x9d: {  	s8 =	simm.s32 $0x0;
	s21 =	sshll.u32 s6, $0x1;
	s6 =	sadd.s32 s22, s4  }
0x9e: {  	[timem:s8], [sflag:s23] =	dma.local [hbm:s6], s21  }
0x9f: {  	_ =	swait.ge [sflag:s23], s21  }
0xa0: {  	s5 =	ssub.s32 $0x0, s21;
	[sflag:s23] =	ssyncset.done $0x0  }
0xa1: {  	[sflag:s23] =	ssyncadd.s32 s5;
	_ =	sdelay $0x1  }
0xa2: {  	s24 =	simm.s32 $0x1B8B  }
0xa3: {  	_ =	swait.ge [sflag:s24], $0x1  }
0xa4: {  	[sflag:s24] =	ssyncset.done $0x0  }
0xa5: {  	s25 =	simm.s32 $0x1B8E;
	[sflag:s24] =	ssyncadd.s32 $0xFFFFFFFF  }
0xa6: {  	s26 =	simm.s32 $execute0_lowered;
	[smem:$0x3FD2] =	sst s25  }
0xa7: {  	s5 =	sshll.u32 s26, $0x1;
	_ =	strace $0x80000046;
	[dreg:$0x1] =	wrdreg $0xFFFFFFFF  }
0xa8: {  	s28 =	simm.s32 $_size_execute0_lowered;
	s4 =	sadd.s32 s4, s5;
	[dreg:$0x0] =	wrdreg $0x0  }
0xa9: {  	s5 =	sshll.u32 s28, $0x1;
	[dreg:$0x2] =	wrdreg s4  }
0xaa: {  	[dreg:$0x3] =	wrdreg s5  }
0xab: {  	[dreg:$0x4] =	wrdreg $0xC0  }
0xac: {  	_ =	task [dreg:s8], $0x5FFFF  }
0xad: {  	[dreg:$0x1] =	wrdreg $0xFFFFFFFF  }
0xae: {  	[dreg:$0x0] =	wrdreg $0x60  }
0xaf: {  	[dreg:$0x2] =	wrdreg s2  }
0xb0: {  	[dreg:$0x3] =	wrdreg s19  }
0xb1: {  	[dreg:$0x4] =	wrdreg $0x9  }
0xb2: {  	_ =	task.clear_ibuf [dreg:s8], $0x5FFFF;
	_ =	strace $0x90000046  }
0xb3: {  	s29 =	simm.s32 $0x9;
	_ =	strace $0x80000048  }
0xb4: {  	_ =	swait.ge [sflag:s29], $0x1  }
0xb5: {  	[sflag:s29] =	ssyncadd.s32 $0xFFFFFFFF  }
0xb6: {  	_ =	strace $0x90000048  }
0xb7: {  	_ =	sfence  }
0xb8: {  	s30 =	sld [smem:$0x0];
	_ =	sdelay $0x2  }
0xb9: {  	s31 =	sshll.u32 s1, $0xD;
	s1 =	sshrl.u32 s1, $0x2  }
0xba: {  	s3 =	sand.u32 $0x4000, s31;
	s1 =	sadd.s32 s1, s30  }
0xbb: {  	s0 =	sor.u32 s3, s0;
	s1 =	sshll.u32 s1, $0x11  }
0xbc: {  	s0 =	sor.u32 s1, s0  }
0xbd: {  	s0 =	sadd.s32 $0x8F2B, s0  }
0xbe: {  	[sflag:s0] =	ssyncadd.remote.s32 $0x1  }
0xbf: {  	_ =	sfence.sel $0xFFFF  }
0xc0: {  	[dreg:$0x0] =	wrdreg $0xFFFFFFFF;
	(pc) =	sbr.abs _section_cstart, $3  }
0xc1: {  	[dreg:$0x1] =	wrdreg $0xFFFFFFFF  }
0xc2: {  	_ =	task.clear_ibuf [dreg:s8], $0x2FFFF;
	_ =	strace $0x9FFFFFFF  }
0xc3: {  	(tm) =	ssettm $0x7FFFFFFF  }
tec
execute0_lowered:
.L_overlay_start_1:
0x0: {  	(tag) =	ssettag $0x1  }
0x1: {  	s0 =	srdreg.scid;
	s24 =	stileid.u32  }
0x2: {  	s3 =	sand.u32 $0x1, s0;
	s13 =	sshll.u32 s24, $0x1  }
0x3: {  	s1 =	sor.u32 s3, s13  }
0x4: {  	s6 =	sshll.u32 s1, $0x3  }
0x5: {  	s2 =	smul.u32 $0xFFF8, s1;
	s14 =	sadd.s32 $0xFFFFFFFF, s6  }
0x6: {  	s4 =	sor.u32 $0x1, s6;
	s0 =	smul.u32 s6, s14  }
0x7: {  	s15 =	smul.u32 s6, s4  }
0x8: {  	s7 =	ssub.s32 $0x2, s3;
	s19 =	sor.u32 $0x2, s6;
	s10 =	smul.u32 $0x1FFF, s4  }
0x9: {  	s9 =	sshrl.u32 s7, $0x1;
	s13 =	sor.u32 $0x3, s6;
	s20 =	smul.u32 $0x1FFF, s19  }
0xa: {  	s28 =	sor.u32 $0x4, s6;
	s25 =	smul.u32 $0x1FFF, s13;
	s0 =	sshra.s32 s0, $0x1  }
0xb: {  	s30 =	sor.u32 $0x5, s6;
	s29 =	smul.u32 s13, s28;
	s0 =	sadd.s32 s6, s0  }
0xc: {  	s31 =	smul.u32 s28, s30;
	s6 =	sor.u32 $0x6, s6;
	s0 =	sxor.u32 $0xFFFFFFFF, s0  }
0xd: {  	s5 =	sadd.s32 s0, s2;
	s2 =	rddreg [dreg:$0x0];
	s0 =	sshrl.u32 s15, $0x1  }
0xe: {  	s15 =	sshrl.u32 s29, $0x1;
	s8 =	sshra.s32 s5, $0x1F;
	s11 =	sadd.s32 s4, s0  }
0xf: {  	s0 =	ssub.s32 s7, s9;
	p0 =	slt.s32 s5, $0x1;
	s9 =	simm.s32 $0x1  }
0x10: {  	s4 =	smul.u32 s4, s19;
	s8 =	sshrl.u32 s8, $0x1D;
	s17 =	sxor.u32 $0xFFFFFFFF, s11  }
0x11: {  	s11 =	simm.s32 $0x1;
	s9 =	simm.s32 @!p0 $0x0;
	s0 =	smax.u32 s0, $0x1  }
0x12: {  	s8 =	sadd.s32 s8, s5;
	s18 =	sadd.s32 s17, s10;
	s4 =	sshrl.u32 s4, $0x1  }
0x13: {  	s17 =	sshrl.u32 s31, $0x1;
	s16 =	sshrl.u32 s8, $0x3;
	s10 =	sshra.s32 s18, $0x1F  }
0x14: {  	p2 =	slt.s32 s18, $0x1;
	s12 =	sand.u32 $0x5, s18;
	s4 =	sadd.s32 s19, s4  }
0x15: {  	s8 =	smul.u32 s19, s13;
	s19 =	sshllo.u32 s1, $0x3;
	s10 =	sshrl.u32 s10, $0x1D  }
0x16: {  	p1 =	sne.s32 s12, $0x0;
	s4 =	sxor.u32 $0xFFFFFFFF, s4;
	s5 =	sadd.s32 s10, s18  }
0x17: {  	p0 =	por !p2, !p1;
	s12 =	sadd.s32 s4, s20;
	s4 =	simm.s32 $0x1  }
0x18: {  	s8 =	sshrl.u32 s8, $0x1;
	s18 =	smul.u32 $0x1FFF, s30;
	s10 =	sshrl.u32 s5, $0x3  }
0x19: {  	p0 =	por !p0, !p0;
	s21 =	sshra.s32 s12, $0x1F;
	s5 =	ssub.s32 s16, s9  }
0x1a: {  	p3 =	slt.s32 s12, $0x1;
	s23 =	sand.u32 $0x7, s12;
	s16 =	smul.u32 $0x1FFF, s28  }
0x1b: {  	s8 =	sadd.s32 s13, s8;
	s13 =	smul.u32 s30, s6;
	s4 =	simm.s32 @!p0 $0x0  }
0x1c: {  	s14 =	sshrl.u32 s21, $0x1D;
	p4 =	sne.s32 s23, $0x0;
	s8 =	sxor.u32 $0xFFFFFFFF, s8  }
0x1d: {  	s21 =	smul.u32 s6, s19;
	s23 =	sor.u32 $0x20, s1;
	s4 =	ssub.s32 s10, s4  }
0x1e: {  	s22 =	sadd.s32 s14, s12;
	p0 =	por !p3, !p4;
	s10 =	simm.s32 $0x1  }
0x1f: {  	s8 =	sadd.s32 s8, s25;
	s20 =	sshrl.u32 s13, $0x1;
	s25 =	smul.u32 $0x1FFF, s19  }
0x20: {  	s31 =	smul.u32 $0xFFF8, s23;
	[dreg:$0x3] =	wrdreg s23;
	s7 =	sshrl.u32 s22, $0x3  }
0x21: {  	p0 =	por !p0, !p0;
	s9 =	sshra.s32 s8, $0x1F;
	s26 =	sand.u32 $0x7, s8  }
0x22: {  	p5 =	slt.s32 s8, $0x1;
	s22 =	smul.u32 $0x1FFF, s6;
	s6 =	sadd.s32 s6, s20  }
0x23: {  	s13 =	sshrl.u32 s21, $0x1;
	s4 =	sshll.u32 s4, $0x3;
	s10 =	simm.s32 @!p0 $0x0  }
0x24: {  	s9 =	sshrl.u32 s9, $0x1D;
	p6 =	sne.s32 s26, $0x0;
	s6 =	sxor.u32 $0xFFFFFFFF, s6  }
0x25: {  	s13 =	sadd.s32 s19, s13;
	s8 =	sadd.s32 s9, s8;
	p0 =	por !p5, !p6  }
0x26: {  	s10 =	ssub.s32 s7, s10;
	s9 =	sadd.s32 s30, s17;
	s17 =	sshll.u32 s23, $0x3  }
0x27: {  	s26 =	sxor.u32 $0xFFFFFFFF, s13;
	p0 =	por !p0, !p0;
	s8 =	sshrl.u32 s8, $0x3  }
0x28: {  	s9 =	sxor.u32 $0xFFFFFFFF, s9;
	s12 =	sadd.s32 s26, s25;
	s25 =	sor.u32 $0x3, s17  }
0x29: {  	s10 =	sshll.u32 s10, $0x3;
	s11 =	simm.s32 @!p0 $0x0;
	s9 =	sadd.s32 s9, s18  }
0x2a: {  	s7 =	ssub.s32 s8, s11;
	s8 =	sadd.s32 s28, s15;
	s15 =	sadd.s32 $0xFFFFFFFF, s17  }
0x2b: {  	p1 =	sgt.s32 s10, $0x0;
	s28 =	sor.u32 $0x1, s17;
	s15 =	smul.u32 s17, s15  }
0x2c: {  	s11 =	sadd.s32 s6, s22;
	s8 =	sxor.u32 $0xFFFFFFFF, s8;
	s30 =	smul.u32 s17, s28  }
0x2d: {  	s20 =	smul.u32 $0x1FFF, s28;
	s8 =	sadd.s32 s8, s16;
	s16 =	sor.u32 $0x2, s17  }
0x2e: {  	s10 =	simm.s32 @!p1 $0x0;
	s29 =	sshrl.u32 s15, $0x1;
	s19 =	smul.u32 s28, s16  }
0x2f: {  	s18 =	sshrl.u32 s30, $0x1;
	s21 =	smul.u32 $0x1FFF, s16;
	s6 =	sadd.s32 s17, s29  }
0x30: {  	s14 =	sadd.s32 s28, s18;
	s28 =	sor.u32 $0x4, s17;
	s6 =	sxor.u32 $0xFFFFFFFF, s6  }
0x31: {  	s22 =	sshrl.u32 s19, $0x1;
	s14 =	sxor.u32 $0xFFFFFFFF, s14;
	s30 =	smul.u32 s25, s28  }
0x32: {  	s13 =	sadd.s32 s6, s31;
	s18 =	sadd.s32 s16, s22;
	s16 =	smul.u32 s16, s25  }
0x33: {  	s14 =	sadd.s32 s14, s20;
	s20 =	smul.u32 $0x1FFF, s25;
	s31 =	sor.u32 $0x5, s17  }
0x34: {  	s7 =	sshll.u32 s7, $0x3;
	s17 =	sor.u32 $0x6, s17;
	s22 =	smul.u32 s28, s31  }
0x35: {  	s10 =	sshrl.u32 s10, $0x3;
	s26 =	sxor.u32 $0xFFFFFFFF, s18;
	s19 =	smul.u32 s31, s17  }
0x36: {  	s14 =	sshrl.u32 s14, $0x3;
	s15 =	sadd.s32 s26, s21;
	s26 =	smul.u32 $0x1FFF, s31  }
0x37: {  	s29 =	sshrl.u32 s16, $0x1;
	s21 =	sshrl.u32 s30, $0x1;
	s30 =	smul.u32 $0x1FFF, s17  }
0x38: {  	s6 =	sadd.s32 s25, s29;
	s25 =	smul.u32 $0x1FFF, s28;
	s18 =	sadd.s32 s28, s21  }
0x39: {  	s28 =	sshrl.u32 s22, $0x1;
	s29 =	sshllo.u32 s23, $0x3;
	s19 =	sshrl.u32 s19, $0x1  }
0x3a: {  	s15 =	sshrl.u32 s15, $0x3;
	s6 =	sxor.u32 $0xFFFFFFFF, s6;
	s21 =	sadd.s32 s31, s28  }
0x3b: {  	s18 =	sxor.u32 $0xFFFFFFFF, s18;
	s23 =	smul.u32 s17, s29;
	s17 =	sadd.s32 s17, s19  }
0x3c: {  	s28 =	sshll.u32 s24, $0x4;
	s16 =	sadd.s32 s6, s20;
	s21 =	sxor.u32 $0xFFFFFFFF, s21  }
0x3d: {  	s18 =	sadd.s32 s18, s25;
	s17 =	sxor.u32 $0xFFFFFFFF, s17;
	s25 =	smul.u32 $0x7FF80, s24  }
0x3e: {  	s6 =	simm.s32 $0x0;
	s31 =	sshrl.u32 s23, $0x1;
	s23 =	smul.u32 $0x1FFF, s29  }
0x3f: {  	s20 =	sadd.s32 s21, s26;
	s17 =	sadd.s32 s17, s30;
	s26 =	smul.u32 $0x3FFC0, s3  }
0x40: {  	[smem:$0x7FF] =	sst s6;
	s3 =	sshll.u32 s3, $0x3;
	s30 =	sadd.s32 s2, s10  }
0x41: {  	s10 =	sshrl.u32 s11, $0x3;
	s11 =	sshrl.u32 s12, $0x3;
	s12 =	sshrl.u32 s13, $0x3  }
0x42: {  	s16 =	sshrl.u32 s16, $0x3;
	s22 =	sshrl.u32 s18, $0x3;
	s21 =	sadd.s32 s29, s31  }
0x43: {  	s3 =	sor.u32 s3, s28;
	_ =	strace $0x80000047;
	[dreg:$0x6] =	wrdreg s30  }
0x44: {  	s13 =	sadd.s32 s2, s12;
	[dreg:$0x14] =	wrdreg s0;
	s21 =	sxor.u32 $0xFFFFFFFF, s21  }
0x45: {  	s24 =	sshrl.u32 s17, $0x3;
	[dreg:$0xc] =	wrdreg s13;
	s19 =	sadd.s32 s21, s23  }
0x46: {  	s23 =	sshll.u32 s5, $0x3;
	s5 =	sadd.s32 s26, s25;
	s25 =	sadd.s32 s2, s24  }
0x47: {  	s24 =	sor.u32 $0x101, s3;
	p0 =	sgt.s32 s23, $0x0;
	[dreg:$0x12] =	wrdreg s25  }
0x48: {  	s28 =	sadd.s32 $0x11C, s5;
	[smem:$0x7F7] =	sst s24;
	s25 =	sor.u32 $0x102, s3  }
0x49: {  	s23 =	simm.s32 @!p0 $0x0;
	p0 =	sgt.s32 s4, $0x0;
	s0 =	sshrl.u32 s28, $0x2  }
0x4a: {  	[smem:$0x7F8] =	sst s25;
	s28 =	sor.u32 $0x104, s3;
	s29 =	sshrl.u32 s23, $0x3  }
0x4b: {  	s4 =	simm.s32 @!p0 $0x0;
	p0 =	sgt.s32 s7, $0x0;
	[dreg:$0x15] =	wrdreg s0  }
0x4c: {  	[smem:$0x7FA] =	sst s28;
	s21 =	sadd.s32 s2, s29;
	s4 =	sshrl.u32 s4, $0x3  }
0x4d: {  	s7 =	simm.s32 @!p0 $0x0;
	[dreg:$0x4] =	wrdreg s21;
	s4 =	sadd.s32 s2, s4  }
0x4e: {  	s29 =	sadd.s32 $0xA254, s5;
	s21 =	sadd.s32 s2, s16;
	[dreg:$0x5] =	wrdreg s4  }
0x4f: {  	s31 =	sshrl.u32 s7, $0x3;
	s0 =	sshrl.u32 s29, $0x2;
	[dreg:$0xf] =	wrdreg s21  }
0x50: {  	s7 =	sshrl.u32 s8, $0x3;
	s29 =	sor.u32 $0x105, s3;
	[dreg:$0x16] =	wrdreg s0  }
0x51: {  	s8 =	sshrl.u32 s9, $0x3;
	s4 =	sadd.s32 s2, s31;
	[smem:$0x7FB] =	sst s29  }
0x52: {  	s30 =	sadd.s32 $0x1420C, s5;
	s9 =	sadd.s32 s2, s8;
	[dreg:$0x7] =	wrdreg s4  }
0x53: {  	s26 =	sshrl.u32 s19, $0x3;
	s31 =	sshrl.u32 s30, $0x2;
	[dreg:$0x9] =	wrdreg s9  }
0x54: {  	s13 =	sadd.s32 $0x3C3EC, s5;
	s30 =	sor.u32 $0x106, s3;
	[dreg:$0x17] =	wrdreg s31  }
0x55: {  	s19 =	sadd.s32 $0x46464, s5;
	s4 =	sadd.s32 s2, s7;
	[smem:$0x7FC] =	sst s30  }
0x56: {  	s23 =	sshrl.u32 s20, $0x3;
	s31 =	sor.u32 $0x107, s3;
	[dreg:$0x8] =	wrdreg s4  }
0x57: {  	s20 =	sadd.s32 $0x831B74, s5;
	s4 =	sadd.s32 s2, s10;
	[smem:$0x7FD] =	sst s31  }
0x58: {  	s10 =	sadd.s32 $0x809994, s5;
	[dreg:$0xa] =	wrdreg s4;
	s4 =	sadd.s32 s2, s11  }
0x59: {  	s11 =	sshrl.u32 s10, $0x2;
	[dreg:$0xb] =	wrdreg s4;
	s4 =	sadd.s32 s2, s14  }
0x5a: {  	s16 =	sadd.s32 $0x827AFC, s5;
	s12 =	sadd.s32 $0x4100, s11;
	[dreg:$0xd] =	wrdreg s4  }
0x5b: {  	s8 =	sadd.s32 $0x32374, s5;
	s4 =	sadd.s32 s2, s15;
	[dreg:$0x1c] =	wrdreg s12  }
0x5c: {  	s21 =	sadd.s32 $0x83BBEC, s5;
	[dreg:$0xe] =	wrdreg s4;
	s4 =	sadd.s32 s2, s22  }
0x5d: {  	s7 =	sadd.s32 $0x282FC, s5;
	[dreg:$0x10] =	wrdreg s4;
	s4 =	sadd.s32 s2, s23  }
0x5e: {  	s9 =	sadd.s32 $0x7FF91C, s5;
	s23 =	sadd.s32 $0xFF, s3;
	[dreg:$0x11] =	wrdreg s4  }
0x5f: {  	s14 =	sadd.s32 $0x813A0C, s5;
	s4 =	sadd.s32 s2, s26;
	[smem:$0x7F6] =	sst s23  }
0x60: {  	s26 =	sor.u32 $0x103, s3;
	[dreg:$0x13] =	wrdreg s4;
	s4 =	sadd.s32 $0x1E284, s5  }
0x61: {  	s15 =	sadd.s32 $0x81DA84, s5;
	[smem:$0x7F9] =	sst s26;
	s0 =	sshrl.u32 s4, $0x2  }
0x62: {  	s5 =	sadd.s32 $0x845C64, s5;
	s4 =	sshrl.u32 s8, $0x2;
	[dreg:$0x18] =	wrdreg s0  }
0x63: {  	s5 =	sshrl.u32 s5, $0x2;
	s0 =	sshrl.u32 s7, $0x2;
	[dreg:$0x1a] =	wrdreg s4  }
0x64: {  	s22 =	sadd.s32 $0x4100, s5;
	[dreg:$0x19] =	wrdreg s0;
	s0 =	sshrl.u32 s9, $0x2  }
0x65: {  	[smem:$0x7F5] =	sst s22;
	s0 =	sadd.s32 $0x4100, s0  }
0x66: {  	s4 =	sshrl.u32 s15, $0x2;
	[dreg:$0x1b] =	wrdreg s0;
	s0 =	sshrl.u32 s13, $0x2  }
0x67: {  	s17 =	sadd.s32 $0x4100, s4;
	[dreg:$0x1d] =	wrdreg s0;
	s0 =	sshrl.u32 s14, $0x2  }
0x68: {  	s18 =	sshrl.u32 s16, $0x2;
	[dreg:$0x1f] =	wrdreg s17;
	s0 =	sadd.s32 $0x4100, s0  }
.Ltmp0:
0x69: {  	[dreg:$0x1e] =	wrdreg s0;
	s0 =	sadd.s32 $0x4100, s18;
	(pc) =	sbr.rel .LBB2_1-.Ltmp0, $4  }
0x6a: {  	s4 =	sshrl.u32 s20, $0x2;
	[smem:$0x7F1] =	sst s0;
	s0 =	sshrl.u32 s19, $0x2  }
0x6b: {  	s4 =	sadd.s32 $0x4100, s4;
	[smem:$0x7F2] =	sst s0;
	s0 =	sshrl.u32 s21, $0x2  }
0x6c: {  	[smem:$0x7F3] =	sst s4;
	s0 =	sadd.s32 $0x4100, s0  }
0x6d: {  	v0 =	vimm.f32 $0.0e+00;
	v1 =	vlaneseq.u32;
	s4 =	simm.s32 $0x0;
	[smem:$0x7F4] =	sst s0  }
.LBB2_60:
0x6e: {  	s0 =	simm.s32 $0x3  }
0x6f: {  	_ =	swait.ge [sflag:s0], $0x4000  }
0x70: {  	[sflag:s0] =	ssyncset.done $0x0  }
0x71: {  	s3 =	simm.s32 $0x4;
	[sflag:s0] =	ssyncadd.s32 $0xFFFFC000  }
0x72: {  	_ =	swait.ge [sflag:s3], $0x4000  }
0x73: {  	s4 =	sld [smem:$0x7F0];
	_ =	sdelay $0x2  }
0x74: {  	s31 =	rddreg [dreg:$0x14];
	s4 =	sadd.s32 $0x1, s4  }
0x75: {  	p0 =	sne.s32 s4, s31  }
.Ltmp1:
0x76: {  	_ = 	snop;
	(pc) =	sbr.rel @!p0 .LBB2_61-.Ltmp1, $3  }
0x77: {  	_ =	sdelay $0x1  }
0x78: {  	[sflag:s3] =	ssyncset.done $0x0  }
0x79: {  	[sflag:s3] =	ssyncadd.s32 $0xFFFFC000  }
.LBB2_1:
0x7a: {  	[smem:$0x7F0] =	sst s4;
	s0 =	simm.s32 $0x10240  }
0x7b: {  	[tilespmem:s0+$0xFFFFFFC0] =	vst v0  }
0x7c: {  	[tilespmem:s0+$0x30] =	vst v0  }
0x7d: {  	[tilespmem:s0+$0x20] =	vst v0  }
0x7e: {  	[tilespmem:s0+$0x10] =	vst v0  }
0x7f: {  	[tilespmem:s0+$0x0] =	vst v0  }
0x80: {  	[tilespmem:s0+$0xFFFFFFF0] =	vst v0  }
0x81: {  	s4 =	simm.s32 $0x0;
	[tilespmem:s0+$0xFFFFFFE0] =	vst v0  }
.LBB2_2:
0x82: {  	s4 =	sadd.s32 $0x8, s4;
	[tilespmem:s0+$0xFFFFFFD0] =	vst v0;
	s0 =	sadd.s32 $0x400, s0;
	s3 =	simm.s32 $0x102F0  }
0x83: {  	[tilespmem:s0+$0xFFFFFFC0] =	vst v0;
	p0 =	slt.u32 s4, $0x78  }
0x84: {  	[tilespmem:s0+$0x30] =	vst v0  }
.Ltmp2:
0x85: {  	[tilespmem:s0+$0x20] =	vst v0;
	(pc) =	sbr.rel @p0 .LBB2_2-.Ltmp2, $4  }
0x86: {  	[tilespmem:s0+$0x10] =	vst v0  }
0x87: {  	[tilespmem:s0+$0x0] =	vst v0  }
0x88: {  	[tilespmem:s0+$0xFFFFFFF0] =	vst v0  }
0x89: {  	[tilespmem:s0+$0xFFFFFFE0] =	vst v0  }
0x8a: {  	[tilespmem:s0+$0xFFFFFFD0] =	vst v0  }
0x8b: {  	[tilespmem:s3+$0xFFFFFF90] =	vst v0  }
0x8c: {  	[tilespmem:s3+$0x0] =	vst v0  }
0x8d: {  	[tilespmem:s3+$0xFFFFFFF0] =	vst v0  }
0x8e: {  	[tilespmem:s3+$0xFFFFFFE0] =	vst v0  }
0x8f: {  	[tilespmem:s3+$0xFFFFFFD0] =	vst v0  }
0x90: {  	[tilespmem:s3+$0xFFFFFFC0] =	vst v0  }
0x91: {  	s4 =	simm.s32 $0x0;
	s0 =	simm.s32 $0x10370;
	[tilespmem:s3+$0xFFFFFFB0] =	vst v0  }
.LBB2_4:
0x92: {  	s4 =	sadd.s32 $0x8, s4;
	[tilespmem:s3+$0xFFFFFFA0] =	vst v0;
	s3 =	sadd.s32 $0x400, s3  }
0x93: {  	[tilespmem:s3+$0xFFFFFF90] =	vst v0;
	p0 =	slt.u32 s4, $0x78  }
0x94: {  	[tilespmem:s3+$0x0] =	vst v0  }
.Ltmp3:
0x95: {  	[tilespmem:s3+$0xFFFFFFF0] =	vst v0;
	(pc) =	sbr.rel @p0 .LBB2_4-.Ltmp3, $4  }
0x96: {  	[tilespmem:s3+$0xFFFFFFE0] =	vst v0  }
0x97: {  	[tilespmem:s3+$0xFFFFFFD0] =	vst v0  }
0x98: {  	[tilespmem:s3+$0xFFFFFFC0] =	vst v0  }
0x99: {  	[tilespmem:s3+$0xFFFFFFB0] =	vst v0  }
0x9a: {  	[tilespmem:s3+$0xFFFFFFA0] =	vst v0  }
0x9b: {  	[tilespmem:s0+$0xFFFFFF90] =	vst v0  }
0x9c: {  	[tilespmem:s0+$0x0] =	vst v0  }
0x9d: {  	[tilespmem:s0+$0xFFFFFFF0] =	vst v0  }
0x9e: {  	[tilespmem:s0+$0xFFFFFFE0] =	vst v0  }
0x9f: {  	[tilespmem:s0+$0xFFFFFFD0] =	vst v0  }
0xa0: {  	[tilespmem:s0+$0xFFFFFFC0] =	vst v0  }
0xa1: {  	s4 =	simm.s32 $0x0;
	[tilespmem:s0+$0xFFFFFFB0] =	vst v0  }
.LBB2_6:
0xa2: {  	s4 =	sadd.s32 $0x8, s4;
	[tilespmem:s0+$0xFFFFFFA0] =	vst v0;
	s0 =	sadd.s32 $0x400, s0;
	s3 =	simm.s32 $0x103F0  }
0xa3: {  	[tilespmem:s0+$0xFFFFFF90] =	vst v0;
	p0 =	slt.u32 s4, $0x78  }
0xa4: {  	[tilespmem:s0+$0x0] =	vst v0  }
.Ltmp4:
0xa5: {  	[tilespmem:s0+$0xFFFFFFF0] =	vst v0;
	(pc) =	sbr.rel @p0 .LBB2_6-.Ltmp4, $4  }
0xa6: {  	[tilespmem:s0+$0xFFFFFFE0] =	vst v0  }
0xa7: {  	[tilespmem:s0+$0xFFFFFFD0] =	vst v0  }
0xa8: {  	[tilespmem:s0+$0xFFFFFFC0] =	vst v0  }
0xa9: {  	[tilespmem:s0+$0xFFFFFFB0] =	vst v0  }
0xaa: {  	[tilespmem:s0+$0xFFFFFFA0] =	vst v0  }
0xab: {  	[tilespmem:s3+$0xFFFFFF90] =	vst v0  }
0xac: {  	[tilespmem:s3+$0x0] =	vst v0  }
0xad: {  	[tilespmem:s3+$0xFFFFFFF0] =	vst v0  }
0xae: {  	[tilespmem:s3+$0xFFFFFFE0] =	vst v0  }
0xaf: {  	[tilespmem:s3+$0xFFFFFFD0] =	vst v0  }
0xb0: {  	[tilespmem:s3+$0xFFFFFFC0] =	vst v0  }
0xb1: {  	s4 =	simm.s32 $0x0;
	s0 =	simm.s32 $0x10470;
	[tilespmem:s3+$0xFFFFFFB0] =	vst v0  }
.LBB2_8:
0xb2: {  	s4 =	sadd.s32 $0x8, s4;
	[tilespmem:s3+$0xFFFFFFA0] =	vst v0;
	s3 =	sadd.s32 $0x400, s3  }
0xb3: {  	[tilespmem:s3+$0xFFFFFF90] =	vst v0;
	p0 =	slt.u32 s4, $0x78  }
0xb4: {  	[tilespmem:s3+$0x0] =	vst v0  }
.Ltmp5:
0xb5: {  	[tilespmem:s3+$0xFFFFFFF0] =	vst v0;
	(pc) =	sbr.rel @p0 .LBB2_8-.Ltmp5, $4  }
0xb6: {  	[tilespmem:s3+$0xFFFFFFE0] =	vst v0  }
0xb7: {  	[tilespmem:s3+$0xFFFFFFD0] =	vst v0  }
0xb8: {  	[tilespmem:s3+$0xFFFFFFC0] =	vst v0  }
0xb9: {  	[tilespmem:s3+$0xFFFFFFB0] =	vst v0  }
0xba: {  	[tilespmem:s3+$0xFFFFFFA0] =	vst v0  }
0xbb: {  	[tilespmem:s0+$0xFFFFFF90] =	vst v0  }
0xbc: {  	[tilespmem:s0+$0x0] =	vst v0  }
0xbd: {  	[tilespmem:s0+$0xFFFFFFF0] =	vst v0  }
0xbe: {  	[tilespmem:s0+$0xFFFFFFE0] =	vst v0  }
0xbf: {  	[tilespmem:s0+$0xFFFFFFD0] =	vst v0  }
0xc0: {  	[tilespmem:s0+$0xFFFFFFC0] =	vst v0  }
0xc1: {  	s4 =	simm.s32 $0x0;
	[tilespmem:s0+$0xFFFFFFB0] =	vst v0  }
.LBB2_10:
0xc2: {  	s4 =	sadd.s32 $0x8, s4;
	[tilespmem:s0+$0xFFFFFFA0] =	vst v0;
	s0 =	sadd.s32 $0x400, s0;
	s3 =	simm.s32 $0x104F0  }
0xc3: {  	[tilespmem:s0+$0xFFFFFF90] =	vst v0;
	p0 =	slt.u32 s4, $0x78  }
0xc4: {  	[tilespmem:s0+$0x0] =	vst v0  }
.Ltmp6:
0xc5: {  	[tilespmem:s0+$0xFFFFFFF0] =	vst v0;
	(pc) =	sbr.rel @p0 .LBB2_10-.Ltmp6, $4  }
0xc6: {  	[tilespmem:s0+$0xFFFFFFE0] =	vst v0  }
0xc7: {  	[tilespmem:s0+$0xFFFFFFD0] =	vst v0  }
0xc8: {  	[tilespmem:s0+$0xFFFFFFC0] =	vst v0  }
0xc9: {  	[tilespmem:s0+$0xFFFFFFB0] =	vst v0  }
0xca: {  	[tilespmem:s0+$0xFFFFFFA0] =	vst v0  }
0xcb: {  	[tilespmem:s3+$0xFFFFFF90] =	vst v0  }
0xcc: {  	[tilespmem:s3+$0x0] =	vst v0  }
0xcd: {  	[tilespmem:s3+$0xFFFFFFF0] =	vst v0  }
0xce: {  	[tilespmem:s3+$0xFFFFFFE0] =	vst v0  }
0xcf: {  	[tilespmem:s3+$0xFFFFFFD0] =	vst v0  }
0xd0: {  	[tilespmem:s3+$0xFFFFFFC0] =	vst v0  }
0xd1: {  	s4 =	simm.s32 $0x0;
	s0 =	simm.s32 $0x10570;
	[tilespmem:s3+$0xFFFFFFB0] =	vst v0  }
.LBB2_12:
0xd2: {  	s4 =	sadd.s32 $0x8, s4;
	[tilespmem:s3+$0xFFFFFFA0] =	vst v0;
	s3 =	sadd.s32 $0x400, s3  }
0xd3: {  	[tilespmem:s3+$0xFFFFFF90] =	vst v0;
	p0 =	slt.u32 s4, $0x78  }
0xd4: {  	[tilespmem:s3+$0x0] =	vst v0  }
.Ltmp7:
0xd5: {  	[tilespmem:s3+$0xFFFFFFF0] =	vst v0;
	(pc) =	sbr.rel @p0 .LBB2_12-.Ltmp7, $4  }
0xd6: {  	[tilespmem:s3+$0xFFFFFFE0] =	vst v0  }
0xd7: {  	[tilespmem:s3+$0xFFFFFFD0] =	vst v0  }
0xd8: {  	[tilespmem:s3+$0xFFFFFFC0] =	vst v0  }
0xd9: {  	[tilespmem:s3+$0xFFFFFFB0] =	vst v0  }
0xda: {  	[tilespmem:s3+$0xFFFFFFA0] =	vst v0  }
0xdb: {  	[tilespmem:s0+$0xFFFFFF90] =	vst v0  }
0xdc: {  	[tilespmem:s0+$0x0] =	vst v0  }
0xdd: {  	[tilespmem:s0+$0xFFFFFFF0] =	vst v0  }
0xde: {  	[tilespmem:s0+$0xFFFFFFE0] =	vst v0  }
0xdf: {  	[tilespmem:s0+$0xFFFFFFD0] =	vst v0  }
0xe0: {  	[tilespmem:s0+$0xFFFFFFC0] =	vst v0  }
0xe1: {  	s4 =	simm.s32 $0x0;
	[tilespmem:s0+$0xFFFFFFB0] =	vst v0  }
.LBB2_14:
0xe2: {  	s4 =	sadd.s32 $0x8, s4;
	[tilespmem:s0+$0xFFFFFFA0] =	vst v0;
	s0 =	sadd.s32 $0x400, s0;
	s3 =	simm.s32 $0x105F0  }
0xe3: {  	[tilespmem:s0+$0xFFFFFF90] =	vst v0;
	p0 =	slt.u32 s4, $0x78  }
0xe4: {  	[tilespmem:s0+$0x0] =	vst v0  }
.Ltmp8:
0xe5: {  	[tilespmem:s0+$0xFFFFFFF0] =	vst v0;
	(pc) =	sbr.rel @p0 .LBB2_14-.Ltmp8, $4  }
0xe6: {  	[tilespmem:s0+$0xFFFFFFE0] =	vst v0  }
0xe7: {  	[tilespmem:s0+$0xFFFFFFD0] =	vst v0  }
0xe8: {  	[tilespmem:s0+$0xFFFFFFC0] =	vst v0  }
0xe9: {  	[tilespmem:s0+$0xFFFFFFB0] =	vst v0  }
0xea: {  	[tilespmem:s0+$0xFFFFFFA0] =	vst v0  }
0xeb: {  	[tilespmem:s3+$0xFFFFFF90] =	vst v0  }
0xec: {  	[tilespmem:s3+$0x0] =	vst v0  }
0xed: {  	[tilespmem:s3+$0xFFFFFFF0] =	vst v0  }
0xee: {  	[tilespmem:s3+$0xFFFFFFE0] =	vst v0  }
0xef: {  	[tilespmem:s3+$0xFFFFFFD0] =	vst v0  }
0xf0: {  	[tilespmem:s3+$0xFFFFFFC0] =	vst v0  }
0xf1: {  	s0 =	simm.s32 $0x0;
	[tilespmem:s3+$0xFFFFFFB0] =	vst v0  }
.LBB2_16:
0xf2: {  	s0 =	sadd.s32 $0x8, s0;
	[tilespmem:s3+$0xFFFFFFA0] =	vst v0;
	s3 =	sadd.s32 $0x400, s3  }
0xf3: {  	[tilespmem:s3+$0xFFFFFF90] =	vst v0;
	p0 =	slt.u32 s0, $0x78  }
0xf4: {  	[tilespmem:s3+$0x0] =	vst v0  }
.Ltmp9:
0xf5: {  	[tilespmem:s3+$0xFFFFFFF0] =	vst v0;
	(pc) =	sbr.rel @p0 .LBB2_16-.Ltmp9, $4  }
0xf6: {  	[tilespmem:s3+$0xFFFFFFE0] =	vst v0  }
0xf7: {  	[tilespmem:s3+$0xFFFFFFD0] =	vst v0  }
0xf8: {  	[tilespmem:s3+$0xFFFFFFC0] =	vst v0  }
0xf9: {  	[tilespmem:s3+$0xFFFFFFB0] =	vst v0  }
0xfa: {  	[tilespmem:s3+$0xFFFFFFA0] =	vst v0  }
0xfb: {  	s22 =	simm.s32 $0x0;
	s26 =	simm.s32 $0x8;
	s0 =	rddreg [dreg:$0x4]  }
0xfc: {  	[tilespmem:s26], [sflag:$0x1] =	stream.linear.gather [hbm4b:s0+s22], $0x810, $0x38;
	[tilespmem:$0x14200] =	vst v63  }
0xfd: {  	s29 =	simm.s32 $0x828;
	s28 =	rddreg [dreg:$0x5]  }
0xfe: {  	[tilespmem:s29], [sflag:$0x1] =	stream.linear.gather [hbm4b:s28+s22], $0x810, $0x38;
	[tilespmem:$0x14200] =	vst v63  }
0xff: {  	s31 =	simm.s32 $0x1048;
	s30 =	rddreg [dreg:$0x6]  }
0x100: {  	[tilespmem:s31], [sflag:$0x1] =	stream.linear.gather [hbm4b:s30+s22], $0x810, $0x38;
	[tilespmem:$0x14200] =	vst v63  }
0x101: {  	s4 =	simm.s32 $0x1868;
	s3 =	rddreg [dreg:$0x7]  }
0x102: {  	[tilespmem:s4], [sflag:$0x1] =	stream.linear.gather [hbm4b:s3+s22], $0x810, $0x38;
	[tilespmem:$0x14200] =	vst v63  }
0x103: {  	s7 =	simm.s32 $0x2088;
	s5 =	rddreg [dreg:$0x8]  }
0x104: {  	[tilespmem:s7], [sflag:$0x1] =	stream.linear.gather [hbm4b:s5+s22], $0x810, $0x38;
	[tilespmem:$0x14200] =	vst v63  }
0x105: {  	s9 =	simm.s32 $0x28A8;
	s8 =	rddreg [dreg:$0x9]  }
0x106: {  	[tilespmem:s9], [sflag:$0x1] =	stream.linear.gather [hbm4b:s8+s22], $0x810, $0x38;
	[tilespmem:$0x14200] =	vst v63  }
0x107: {  	s11 =	simm.s32 $0x30C8;
	s10 =	rddreg [dreg:$0xa]  }
0x108: {  	[tilespmem:s11], [sflag:$0x1] =	stream.linear.gather [hbm4b:s10+s22], $0x810, $0x38;
	[tilespmem:$0x14200] =	vst v63  }
0x109: {  	s13 =	simm.s32 $0x38E8;
	s12 =	rddreg [dreg:$0xb]  }
0x10a: {  	[tilespmem:s13], [sflag:$0x1] =	stream.linear.gather [hbm4b:s12+s22], $0x810, $0x38;
	[tilespmem:$0x14200] =	vst v63  }
0x10b: {  	s15 =	simm.s32 $0x4108;
	s14 =	rddreg [dreg:$0xc]  }
0x10c: {  	[tilespmem:s15], [sflag:$0x2] =	stream.linear.gather [hbm4b:s14+s22], $0x810, $0x38;
	[tilespmem:$0x14200] =	vst v63  }
0x10d: {  	s17 =	simm.s32 $0x4928;
	s16 =	rddreg [dreg:$0xd]  }
0x10e: {  	[tilespmem:s17], [sflag:$0x2] =	stream.linear.gather [hbm4b:s16+s22], $0x810, $0x38;
	[tilespmem:$0x14200] =	vst v63  }
0x10f: {  	s19 =	simm.s32 $0x5148;
	s18 =	rddreg [dreg:$0xe]  }
0x110: {  	[tilespmem:s19], [sflag:$0x2] =	stream.linear.gather [hbm4b:s18+s22], $0x810, $0x38;
	[tilespmem:$0x14200] =	vst v63  }
0x111: {  	s21 =	simm.s32 $0x5968;
	s20 =	rddreg [dreg:$0xf]  }
0x112: {  	[tilespmem:s21], [sflag:$0x2] =	stream.linear.gather [hbm4b:s20+s22], $0x810, $0x38;
	[tilespmem:$0x14200] =	vst v63  }
0x113: {  	s24 =	simm.s32 $0x6188;
	s23 =	rddreg [dreg:$0x10]  }
0x114: {  	[tilespmem:s24], [sflag:$0x2] =	stream.linear.gather [hbm4b:s23+s22], $0x810, $0x38;
	[tilespmem:$0x14200] =	vst v63  }
0x115: {  	s25 =	rddreg [dreg:$0x11];
	s26 =	simm.s32 $0x69A8  }
0x116: {  	[tilespmem:s26], [sflag:$0x2] =	stream.linear.gather [hbm4b:s25+s22], $0x810, $0x38;
	[tilespmem:$0x14200] =	vst v63  }
.Ltmp10:
0x117: {  	s28 =	rddreg [dreg:$0x12];
	(pc) =	sbr.rel .LBB2_18-.Ltmp10, $4  }
0x118: {  	s29 =	simm.s32 $0x71C8;
	s30 =	rddreg [dreg:$0x13]  }
0x119: {  	[tilespmem:s29], [sflag:$0x2] =	stream.linear.gather [hbm4b:s28+s22], $0x810, $0x38;
	[tilespmem:$0x14200] =	vst v63  }
0x11a: {  	s31 =	simm.s32 $0x79E8;
	s3 =	simm.s32 $0x0;
	s23 =	simm.s32 $0x0  }
0x11b: {  	[tilespmem:s31], [sflag:$0x2] =	stream.linear.gather [hbm4b:s30+s22], $0x810, $0x38;
	[tilespmem:$0x14200] =	vst v63  }
.LBB2_59:
0x11c: {  	s3 =	sadd.s32 $0x1, s3;
	s23 =	sadd.s32 $0x1, s23;
	s22 =	sadd.s32 $0x80, s22  }
.LBB2_18:
0x11d: {  	s4 =	sshll.u32 s3, $0x6  }
0x11e: {  	s5 =	sshll.u32 s3, $0x7;
	s0 =	sand.u32 $0x3C0, s4  }
0x11f: {  	s24 =	sand.u32 $0x1800, s5;
	s30 =	sor.u32 s1, s0  }
0x120: {  	s31 =	sadd.s32 $0x800, s24;
	s5 =	sshll.u32 s30, $0x3  }
0x121: {  	p1 =	sle.u32 s31, s5  }
0x122: {  	s0 =	simm.s32 @!p1 $0x1  }
0x123: {  	_ =	swait.ge @!p1 [sflag:s0], $0x4080  }
.Ltmp11:
0x124: {  	p0 =	seq.s32 s3, $0x0;
	[sflag:s0] =	ssyncset.done @!p1 $0x0;
	(pc) =	sbr.rel @p1 .LBB2_36-.Ltmp11, $4  }
0x125: {  	[sflag:s0] =	ssyncadd.s32 @!p1 $0xFFFFBF80;
	s0 =	simm.s32 @!p0 $0x3  }
0x126: {  	s28 =	sand.u32 $0xF, s23;
	s7 =	sshll.u32 s22, $0x2;
	_ =	swait.ge @!p0 [sflag:s0], $0x4000  }
0x127: {  	s25 =	smul.u32 $0xFFF000, s28;
	s26 =	sand.u32 $0xFFFFE000, s7;
	[sflag:s0] =	ssyncset.done @!p0 $0x0  }
0x128: {  	s29 =	sshll.u32 s28, $0x6;
	[sflag:s0] =	ssyncadd.s32 @!p0 $0xFFFFC000;
	s0 =	simm.s32 $0x10200  }
0x129: {  	s0 =	sadd.s32 $0xFFFFFFFF, s5  }
0x12a: {  	s0 =	smul.u32 s5, s0;
	_ =	sdelay $0x1  }
0x12b: {  	s7 =	smul.u32 $0xFFF8, s30;
	s0 =	sshra.s32 s0, $0x1  }
0x12c: {  	s8 =	sadd.s32 s5, s0  }
0x12d: {  	s7 =	sadd.s32 s24, s7;
	s8 =	sxor.u32 $0xFFFFFFFF, s8  }
0x12e: {  	s7 =	sadd.s32 s8, s7  }
0x12f: {  	s8 =	sshra.s32 s7, $0x1F  }
0x130: {  	s8 =	sshrl.u32 s8, $0x1D  }
0x131: {  	p1 =	slt.s32 s7, $0x1;
	s8 =	sadd.s32 s8, s7;
	s7 =	simm.s32 $0x1  }
0x132: {  	s8 =	sshrl.u32 s8, $0x3;
	s7 =	simm.s32 @!p1 $0x0  }
0x133: {  	s7 =	ssub.s32 s8, s7  }
0x134: {  	s7 =	sshll.u32 s7, $0x3  }
0x135: {  	p1 =	sgt.s32 s7, $0x0  }
0x136: {  	s18 =	sor.u32 s29, s1;
	s15 =	rddreg [dreg:$0x15];
	s7 =	simm.s32 @!p1 $0x0  }
0x137: {  	s20 =	simm.s32 $0x30;
	s10 =	sshll.u32 s18, $0x3;
	s7 =	smin.u32 s7, $0x1FFE7F0  }
0x138: {  	s16 =	simm.s32 $0x70;
	s9 =	sor.u32 $0x6, s10;
	s7 =	sadd.s32 s7, s0  }
0x139: {  	s8 =	sshllo.u32 s18, $0x3;
	s0 =	sadd.s32 s26, s25;
	s7 =	sshll.u32 s7, $0x2  }
0x13a: {  	s11 =	sor.u32 $0x5, s10;
	s8 =	smul.u32 s9, s8;
	s7 =	ssub.s32 s0, s7  }
0x13b: {  	s12 =	sor.u32 $0x4, s10;
	s9 =	smul.u32 s11, s9;
	s7 =	sshra.s32 s7, $0x2  }
0x13c: {  	s13 =	sor.u32 $0x3, s10;
	s11 =	smul.u32 s12, s11;
	s18 =	sadd.s32 s7, s15  }
0x13d: {  	s17 =	simm.s32 $0x10;
	s14 =	sor.u32 $0x2, s10;
	s12 =	smul.u32 s13, s12;
	v9 =	vld [tilespmem:s18+$0xFFFFFFF0]  }
0x13e: {  	v2 =	vor.u32 s24, v1;
	s21 =	simm.s32 $0x50;
	s19 =	sor.u32 $0x1, s10;
	s13 =	smul.u32 s14, s13;
	v10 =	vld [tilespmem:s18+$0xFFFFFFC0]  }
0x13f: {  	v6 =	vor.u32 s20, v2;
	v8 =	vor.u32 s21, v2;
	s20 =	simm.s32 $0x20;
	s21 =	simm.s32 $0x40;
	s14 =	smul.u32 s19, s14;
	v15 =	vld [tilespmem:s18+$0x30]  }
0x140: {  	v3 =	vmov s5;
	v14 =	vor.u32 s16, v2;
	s16 =	simm.s32 $0x80;
	s15 =	smul.u32 s19, s10;
	s19 =	simm.s32 $0x0;
	v4 =	vld [tilespmem:s18+$0x20]  }
0x141: {  	v5 =	vor.u32 s17, v2;
	s17 =	simm.s32 $0x8640;
	vm0 =	vgt.u32 v6, v3;
	s7 =	sshrl.u32 s8, $0x1;
	v7 =	vor.u32 s19, v2;
	v6 =	vld [tilespmem:s18+$0x10];
	s19 =	simm.s32 $0x60  }
0x142: {  	s8 =	sshrl.u32 s9, $0x1;
	s9 =	sshrl.u32 s11, $0x1;
	s10 =	sshrl.u32 s12, $0x1;
	vm1 =	vgt.u32 v7, v3;
	v7 =	vld [tilespmem:s18+$0xFFFFFFD0];
	v12 =	vor.u32 s19, v2;
	v13 =	vnsel vm0, $0x0, v9  }
0x143: {  	s11 =	sshrl.u32 s13, $0x1;
	s12 =	sshrl.u32 s14, $0x1;
	s14 =	simm.s32 $0x8240;
	v11 =	vnsel vm1, $0x0, v10;
	v10 =	vld [tilespmem:s18+$0xFFFFFFE0];
	v9 =	vor.u32 s20, v2;
	vm1 =	vgt.u32 v14, v3  }
0x144: {  	s13 =	simm.s32 $0x0;
	s15 =	sshrl.u32 s15, $0x1;
	v14 =	vor.u32 s21, v2;
	vm0 =	vgt.u32 v9, v3;
	v9 =	vld [tilespmem:s18+$0x0];
	v15 =	vnsel vm1, $0x0, v15;
	s18 =	sadd.s32 $0x80, s18  }
.LBB2_20:
0x145: {  	s19 =	sadd.s32 $0x30, s16;
	v16 =	vld [tilespmem:s18+$0xFFFFFFF0];
	s20 =	sadd.s32 $0x70, s16;
	s13 =	sadd.s32 $0x8, s13;
	[tilespmem:s14+$0xFFFFFFF0] =	vst v13;
	vm1 =	vgt.u32 v14, v3;
	vm2 =	vgt.u32 v8, v3;
	vm3 =	vgt.u32 v12, v3  }
0x146: {  	vm4 =	vgt.u32 v5, v3;
	v14 =	vld [tilespmem:s18+$0xFFFFFFC0];
	v12 =	vor.u32 s19, v2;
	v17 =	vor.u32 s20, v2;
	p1 =	slt.u32 s13, $0x78;
	[tilespmem:s14+$0x30] =	vst v15;
	s19 =	smov.u32 s14;
	s14 =	smov.u32 s17  }
0x147: {  	s21 =	sadd.s32 $0x50, s16;
	s20 =	sadd.s32 $0x10, s16;
	v15 =	vld [tilespmem:s18+$0x30];
	[tilespmem:s19+$0xFFFFFFC0] =	vst v11;
	v18 =	vnsel vm4, $0x0, v7;
	v7 =	vnsel vm2, $0x0, v6;
	v6 =	vnsel vm3, $0x0, v4  }
.Ltmp12:
0x148: {  	v8 =	vor.u32 s21, v2;
	v5 =	vor.u32 s20, v2;
	v4 =	vld [tilespmem:s18+$0x20];
	v10 =	vnsel vm0, $0x0, v10;
	[tilespmem:s19+$0x20] =	vst v6;
	(pc) =	sbr.rel @p1 .LBB2_20-.Ltmp12, $4  }
0x149: {  	v11 =	vor.u32 s16, v2;
	s20 =	sadd.s32 $0x60, s16;
	vm0 =	vgt.u32 v12, v3;
	v6 =	vld [tilespmem:s18+$0x10];
	v19 =	vnsel vm1, $0x0, v9;
	[tilespmem:s19+$0x10] =	vst v7  }
0x14a: {  	s21 =	sadd.s32 $0x20, s16;
	v12 =	vor.u32 s20, v2;
	vm1 =	vgt.u32 v11, v3;
	v7 =	vld [tilespmem:s18+$0xFFFFFFD0];
	v13 =	vnsel vm0, $0x0, v16;
	[tilespmem:s19+$0xFFFFFFE0] =	vst v10  }
0x14b: {  	s20 =	sadd.s32 $0x40, s16;
	v9 =	vor.u32 s21, v2;
	v11 =	vnsel vm1, $0x0, v14;
	v10 =	vld [tilespmem:s18+$0xFFFFFFE0];
	vm1 =	vgt.u32 v17, v3;
	[tilespmem:s19+$0xFFFFFFD0] =	vst v18  }
0x14c: {  	s17 =	sadd.s32 $0x400, s17;
	s16 =	sadd.s32 $0x80, s16;
	vm0 =	vgt.u32 v9, v3;
	v14 =	vor.u32 s20, v2;
	v9 =	vld [tilespmem:s18+$0x0];
	v15 =	vnsel vm1, $0x0, v15;
	s18 =	sadd.s32 $0x80, s18;
	[tilespmem:s19+$0x0] =	vst v19  }
0x14d: {  	s13 =	sor.u32 $0x1, s5  }
0x14e: {  	s16 =	smul.u32 s5, s13;
	_ =	sdelay $0x1  }
0x14f: {  	s16 =	sshrl.u32 s16, $0x1  }
0x150: {  	s17 =	smul.u32 $0x1FFF, s13;
	s16 =	sadd.s32 s13, s16  }
0x151: {  	s16 =	sxor.u32 $0xFFFFFFFF, s16  }
0x152: {  	s16 =	sadd.s32 s16, s17  }
0x153: {  	s17 =	sadd.s32 s24, s16;
	s16 =	sand.u32 $0x7, s16  }
0x154: {  	s18 =	sshra.s32 s17, $0x1F;
	p1 =	slt.s32 s17, $0x1;
	p2 =	sne.s32 s16, $0x0  }
0x155: {  	s21 =	sshrl.u32 s18, $0x1D;
	p1 =	por !p1, !p2  }
0x156: {  	s16 =	sadd.s32 s21, s17;
	p1 =	por !p1, !p1;
	s17 =	simm.s32 $0x1  }
0x157: {  	s16 =	sshrl.u32 s16, $0x3;
	s17 =	simm.s32 @!p1 $0x0  }
0x158: {  	[tilespmem:s14+$0xFFFFFFF0] =	vst v13;
	s16 =	ssub.s32 s16, s17  }
0x159: {  	vm1 =	vgt.u32 v12, v3;
	[tilespmem:s14+$0x30] =	vst v15;
	s16 =	sshll.u32 s16, $0x3  }
0x15a: {  	vm2 =	vgt.u32 v8, v3;
	[tilespmem:s14+$0xFFFFFFC0] =	vst v11;
	v4 =	vnsel vm1, $0x0, v4;
	p1 =	sgt.s32 s16, $0x0  }
0x15b: {  	v6 =	vnsel vm2, $0x0, v6;
	[tilespmem:s14+$0x20] =	vst v4;
	s16 =	simm.s32 @!p1 $0x0  }
0x15c: {  	vm1 =	vgt.u32 v5, v3;
	[tilespmem:s14+$0x10] =	vst v6;
	v4 =	vnsel vm0, $0x0, v10;
	s16 =	smin.u32 s16, $0x1FFE7F0  }
0x15d: {  	vm0 =	vgt.u32 v14, v3;
	v3 =	vnsel vm1, $0x0, v7;
	[tilespmem:s14+$0xFFFFFFE0] =	vst v4;
	s15 =	sadd.s32 s15, s16  }
0x15e: {  	v4 =	vnsel vm0, $0x0, v9;
	[tilespmem:s14+$0xFFFFFFD0] =	vst v3;
	s15 =	sshll.u32 s15, $0x2  }
0x15f: {  	[tilespmem:s14+$0x0] =	vst v4;
	s15 =	ssub.s32 s0, s15  }
0x160: {  	s14 =	rddreg [dreg:$0x16];
	s15 =	sshra.s32 s15, $0x2  }
0x161: {  	s18 =	sadd.s32 s15, s14  }
0x162: {  	v9 =	vld [tilespmem:s18+$0xFFFFFFC0]  }
0x163: {  	s20 =	simm.s32 $0x10;
	v10 =	vld [tilespmem:s18+$0xFFFFFF90]  }
0x164: {  	s19 =	simm.s32 $0x70;
	v5 =	vor.u32 s20, v2;
	s17 =	simm.s32 $0x30;
	v15 =	vld [tilespmem:s18+$0x0]  }
0x165: {  	v14 =	vor.u32 s19, v2;
	s19 =	simm.s32 $0x60;
	v3 =	vmov s13;
	s21 =	simm.s32 $0x0;
	v6 =	vor.u32 s17, v2;
	v4 =	vld [tilespmem:s18+$0xFFFFFFF0]  }
0x166: {  	v12 =	vor.u32 s19, v2;
	v7 =	vor.u32 s21, v2;
	vm0 =	vgt.u32 v6, v3;
	s15 =	simm.s32 $0x50;
	v6 =	vld [tilespmem:s18+$0xFFFFFFE0]  }
0x167: {  	s20 =	simm.s32 $0x20;
	vm1 =	vgt.u32 v7, v3;
	v8 =	vor.u32 s15, v2;
	v7 =	vld [tilespmem:s18+$0xFFFFFFA0];
	v13 =	vnsel vm0, $0x0, v9  }
0x168: {  	s21 =	simm.s32 $0x40;
	s17 =	simm.s32 $0x86F0;
	s16 =	simm.s32 $0x80;
	v11 =	vnsel vm1, $0x0, v10;
	v10 =	vld [tilespmem:s18+$0xFFFFFFB0];
	v9 =	vor.u32 s20, v2;
	vm1 =	vgt.u32 v14, v3  }
0x169: {  	s14 =	simm.s32 $0x0;
	s15 =	simm.s32 $0x82F0;
	v14 =	vor.u32 s21, v2;
	vm0 =	vgt.u32 v9, v3;
	v9 =	vld [tilespmem:s18+$0xFFFFFFD0];
	v15 =	vnsel vm1, $0x0, v15;
	s18 =	sadd.s32 $0x80, s18  }
.LBB2_22:
0x16a: {  	s19 =	sadd.s32 $0x30, s16;
	v16 =	vld [tilespmem:s18+$0xFFFFFFC0];
	s20 =	sadd.s32 $0x70, s16;
	s14 =	sadd.s32 $0x8, s14;
	[tilespmem:s15+$0xFFFFFFC0] =	vst v13;
	vm1 =	vgt.u32 v14, v3;
	vm2 =	vgt.u32 v8, v3;
	vm3 =	vgt.u32 v12, v3  }
0x16b: {  	vm4 =	vgt.u32 v5, v3;
	v14 =	vld [tilespmem:s18+$0xFFFFFF90];
	v12 =	vor.u32 s19, v2;
	v17 =	vor.u32 s20, v2;
	p1 =	slt.u32 s14, $0x78;
	[tilespmem:s15+$0x0] =	vst v15;
	s19 =	smov.u32 s15;
	s15 =	smov.u32 s17  }
0x16c: {  	s21 =	sadd.s32 $0x50, s16;
	s20 =	sadd.s32 $0x10, s16;
	v15 =	vld [tilespmem:s18+$0x0];
	[tilespmem:s19+$0xFFFFFF90] =	vst v11;
	v18 =	vnsel vm4, $0x0, v7;
	v7 =	vnsel vm2, $0x0, v6;
	v6 =	vnsel vm3, $0x0, v4  }
.Ltmp13:
0x16d: {  	v8 =	vor.u32 s21, v2;
	v5 =	vor.u32 s20, v2;
	v4 =	vld [tilespmem:s18+$0xFFFFFFF0];
	v10 =	vnsel vm0, $0x0, v10;
	[tilespmem:s19+$0xFFFFFFF0] =	vst v6;
	(pc) =	sbr.rel @p1 .LBB2_22-.Ltmp13, $4  }
0x16e: {  	v11 =	vor.u32 s16, v2;
	s20 =	sadd.s32 $0x60, s16;
	vm0 =	vgt.u32 v12, v3;
	v6 =	vld [tilespmem:s18+$0xFFFFFFE0];
	v19 =	vnsel vm1, $0x0, v9;
	[tilespmem:s19+$0xFFFFFFE0] =	vst v7  }
0x16f: {  	s21 =	sadd.s32 $0x20, s16;
	v12 =	vor.u32 s20, v2;
	vm1 =	vgt.u32 v11, v3;
	v7 =	vld [tilespmem:s18+$0xFFFFFFA0];
	v13 =	vnsel vm0, $0x0, v16;
	[tilespmem:s19+$0xFFFFFFB0] =	vst v10  }
0x170: {  	s20 =	sadd.s32 $0x40, s16;
	v9 =	vor.u32 s21, v2;
	v11 =	vnsel vm1, $0x0, v14;
	v10 =	vld [tilespmem:s18+$0xFFFFFFB0];
	vm1 =	vgt.u32 v17, v3;
	[tilespmem:s19+$0xFFFFFFA0] =	vst v18  }
0x171: {  	s17 =	sadd.s32 $0x400, s17;
	s16 =	sadd.s32 $0x80, s16;
	vm0 =	vgt.u32 v9, v3;
	v14 =	vor.u32 s20, v2;
	v9 =	vld [tilespmem:s18+$0xFFFFFFD0];
	v15 =	vnsel vm1, $0x0, v15;
	s18 =	sadd.s32 $0x80, s18;
	[tilespmem:s19+$0xFFFFFFD0] =	vst v19  }
0x172: {  	s14 =	sor.u32 $0x2, s5  }
0x173: {  	s13 =	smul.u32 s13, s14;
	_ =	sdelay $0x1  }
0x174: {  	s13 =	sshrl.u32 s13, $0x1  }
0x175: {  	s16 =	smul.u32 $0x1FFF, s14;
	s13 =	sadd.s32 s14, s13  }
0x176: {  	s13 =	sxor.u32 $0xFFFFFFFF, s13  }
0x177: {  	s13 =	sadd.s32 s13, s16  }
0x178: {  	s16 =	sadd.s32 s24, s13;
	s13 =	sand.u32 $0x7, s13  }
0x179: {  	s17 =	sshra.s32 s16, $0x1F;
	p1 =	slt.s32 s16, $0x1;
	p2 =	sne.s32 s13, $0x0  }
0x17a: {  	s21 =	sshrl.u32 s17, $0x1D;
	p1 =	por !p1, !p2  }
0x17b: {  	s13 =	sadd.s32 s21, s16;
	p1 =	por !p1, !p1;
	s16 =	simm.s32 $0x1  }
0x17c: {  	s13 =	sshrl.u32 s13, $0x3;
	s16 =	simm.s32 @!p1 $0x0  }
0x17d: {  	[tilespmem:s15+$0xFFFFFFC0] =	vst v13;
	s13 =	ssub.s32 s13, s16  }
0x17e: {  	vm1 =	vgt.u32 v12, v3;
	[tilespmem:s15+$0x0] =	vst v15;
	s13 =	sshll.u32 s13, $0x3  }
0x17f: {  	vm2 =	vgt.u32 v8, v3;
	[tilespmem:s15+$0xFFFFFF90] =	vst v11;
	v4 =	vnsel vm1, $0x0, v4;
	p1 =	sgt.s32 s13, $0x0  }
0x180: {  	v6 =	vnsel vm2, $0x0, v6;
	[tilespmem:s15+$0xFFFFFFF0] =	vst v4;
	s13 =	simm.s32 @!p1 $0x0  }
0x181: {  	vm1 =	vgt.u32 v5, v3;
	[tilespmem:s15+$0xFFFFFFE0] =	vst v6;
	v4 =	vnsel vm0, $0x0, v10;
	s13 =	smin.u32 s13, $0x1FFE7F0  }
0x182: {  	vm0 =	vgt.u32 v14, v3;
	v3 =	vnsel vm1, $0x0, v7;
	[tilespmem:s15+$0xFFFFFFB0] =	vst v4;
	s12 =	sadd.s32 s12, s13  }
0x183: {  	v4 =	vnsel vm0, $0x0, v9;
	[tilespmem:s15+$0xFFFFFFA0] =	vst v3;
	s12 =	sshll.u32 s12, $0x2  }
0x184: {  	[tilespmem:s15+$0xFFFFFFD0] =	vst v4;
	s12 =	ssub.s32 s0, s12  }
0x185: {  	s17 =	rddreg [dreg:$0x17];
	s12 =	sshra.s32 s12, $0x2  }
0x186: {  	s16 =	sadd.s32 s12, s17  }
0x187: {  	v9 =	vld [tilespmem:s16+$0xFFFFFFF0]  }
0x188: {  	s20 =	simm.s32 $0x10;
	v10 =	vld [tilespmem:s16+$0xFFFFFFC0]  }
0x189: {  	s18 =	simm.s32 $0x30;
	s19 =	simm.s32 $0x70;
	v5 =	vor.u32 s20, v2;
	v15 =	vld [tilespmem:s16+$0x30]  }
0x18a: {  	v6 =	vor.u32 s18, v2;
	s18 =	simm.s32 $0x50;
	v14 =	vor.u32 s19, v2;
	v3 =	vmov s14;
	s21 =	simm.s32 $0x0;
	v4 =	vld [tilespmem:s16+$0x20]  }
0x18b: {  	v8 =	vor.u32 s18, v2;
	s19 =	simm.s32 $0x60;
	vm0 =	vgt.u32 v6, v3;
	v7 =	vor.u32 s21, v2;
	v6 =	vld [tilespmem:s16+$0x10]  }
0x18c: {  	s20 =	simm.s32 $0x20;
	v12 =	vor.u32 s19, v2;
	vm1 =	vgt.u32 v7, v3;
	v7 =	vld [tilespmem:s16+$0xFFFFFFD0];
	v13 =	vnsel vm0, $0x0, v9  }
0x18d: {  	s15 =	simm.s32 $0x80;
	s21 =	simm.s32 $0x40;
	s13 =	simm.s32 $0x8370;
	v11 =	vnsel vm1, $0x0, v10;
	v10 =	vld [tilespmem:s16+$0xFFFFFFE0];
	v9 =	vor.u32 s20, v2;
	vm1 =	vgt.u32 v14, v3  }
0x18e: {  	s12 =	simm.s32 $0x0;
	s17 =	simm.s32 $0x8770;
	v14 =	vor.u32 s21, v2;
	vm0 =	vgt.u32 v9, v3;
	v9 =	vld [tilespmem:s16+$0x0];
	v15 =	vnsel vm1, $0x0, v15;
	s16 =	sadd.s32 $0x80, s16  }
.LBB2_24:
0x18f: {  	s18 =	sadd.s32 $0x30, s15;
	v16 =	vld [tilespmem:s16+$0xFFFFFFF0];
	s19 =	sadd.s32 $0x70, s15;
	s12 =	sadd.s32 $0x8, s12;
	[tilespmem:s13+$0xFFFFFFC0] =	vst v13;
	vm1 =	vgt.u32 v14, v3;
	vm2 =	vgt.u32 v8, v3;
	vm3 =	vgt.u32 v12, v3  }
0x190: {  	vm4 =	vgt.u32 v5, v3;
	v14 =	vld [tilespmem:s16+$0xFFFFFFC0];
	v12 =	vor.u32 s18, v2;
	v17 =	vor.u32 s19, v2;
	p1 =	slt.u32 s12, $0x78;
	[tilespmem:s13+$0x0] =	vst v15;
	s18 =	smov.u32 s13;
	s13 =	smov.u32 s17  }
0x191: {  	s20 =	sadd.s32 $0x50, s15;
	s19 =	sadd.s32 $0x10, s15;
	v15 =	vld [tilespmem:s16+$0x30];
	[tilespmem:s18+$0xFFFFFF90] =	vst v11;
	v18 =	vnsel vm4, $0x0, v7;
	v7 =	vnsel vm2, $0x0, v6;
	v6 =	vnsel vm3, $0x0, v4  }
.Ltmp14:
0x192: {  	v8 =	vor.u32 s20, v2;
	v5 =	vor.u32 s19, v2;
	v4 =	vld [tilespmem:s16+$0x20];
	v10 =	vnsel vm0, $0x0, v10;
	[tilespmem:s18+$0xFFFFFFF0] =	vst v6;
	(pc) =	sbr.rel @p1 .LBB2_24-.Ltmp14, $4  }
0x193: {  	v11 =	vor.u32 s15, v2;
	s19 =	sadd.s32 $0x60, s15;
	vm0 =	vgt.u32 v12, v3;
	v6 =	vld [tilespmem:s16+$0x10];
	v19 =	vnsel vm1, $0x0, v9;
	[tilespmem:s18+$0xFFFFFFE0] =	vst v7  }
0x194: {  	s20 =	sadd.s32 $0x20, s15;
	v12 =	vor.u32 s19, v2;
	vm1 =	vgt.u32 v11, v3;
	v7 =	vld [tilespmem:s16+$0xFFFFFFD0];
	v13 =	vnsel vm0, $0x0, v16;
	[tilespmem:s18+$0xFFFFFFB0] =	vst v10  }
0x195: {  	s19 =	sadd.s32 $0x40, s15;
	v9 =	vor.u32 s20, v2;
	v11 =	vnsel vm1, $0x0, v14;
	v10 =	vld [tilespmem:s16+$0xFFFFFFE0];
	vm1 =	vgt.u32 v17, v3;
	[tilespmem:s18+$0xFFFFFFA0] =	vst v18  }
0x196: {  	s17 =	sadd.s32 $0x400, s17;
	s15 =	sadd.s32 $0x80, s15;
	vm0 =	vgt.u32 v9, v3;
	v14 =	vor.u32 s19, v2;
	v9 =	vld [tilespmem:s16+$0x0];
	v15 =	vnsel vm1, $0x0, v15;
	s16 =	sadd.s32 $0x80, s16;
	[tilespmem:s18+$0xFFFFFFD0] =	vst v19  }
0x197: {  	s12 =	sor.u32 $0x3, s5  }
0x198: {  	s14 =	smul.u32 s14, s12;
	_ =	sdelay $0x1  }
0x199: {  	s14 =	sshrl.u32 s14, $0x1  }
0x19a: {  	s15 =	smul.u32 $0x1FFF, s12;
	s14 =	sadd.s32 s12, s14  }
0x19b: {  	s14 =	sxor.u32 $0xFFFFFFFF, s14  }
0x19c: {  	s14 =	sadd.s32 s14, s15  }
0x19d: {  	s15 =	sadd.s32 s24, s14;
	s14 =	sand.u32 $0x7, s14  }
0x19e: {  	s16 =	sshra.s32 s15, $0x1F;
	p1 =	slt.s32 s15, $0x1;
	p2 =	sne.s32 s14, $0x0  }
0x19f: {  	s21 =	sshrl.u32 s16, $0x1D;
	p1 =	por !p1, !p2  }
0x1a0: {  	s14 =	sadd.s32 s21, s15;
	p1 =	por !p1, !p1;
	s15 =	simm.s32 $0x1  }
0x1a1: {  	s14 =	sshrl.u32 s14, $0x3;
	s15 =	simm.s32 @!p1 $0x0  }
0x1a2: {  	[tilespmem:s13+$0xFFFFFFC0] =	vst v13;
	s14 =	ssub.s32 s14, s15  }
0x1a3: {  	vm1 =	vgt.u32 v12, v3;
	[tilespmem:s13+$0x0] =	vst v15;
	s14 =	sshll.u32 s14, $0x3  }
0x1a4: {  	vm2 =	vgt.u32 v8, v3;
	[tilespmem:s13+$0xFFFFFF90] =	vst v11;
	v4 =	vnsel vm1, $0x0, v4;
	p1 =	sgt.s32 s14, $0x0  }
0x1a5: {  	v6 =	vnsel vm2, $0x0, v6;
	[tilespmem:s13+$0xFFFFFFF0] =	vst v4;
	s14 =	simm.s32 @!p1 $0x0  }
0x1a6: {  	vm1 =	vgt.u32 v5, v3;
	[tilespmem:s13+$0xFFFFFFE0] =	vst v6;
	v4 =	vnsel vm0, $0x0, v10;
	s14 =	smin.u32 s14, $0x1FFE7F0  }
0x1a7: {  	vm0 =	vgt.u32 v14, v3;
	v3 =	vnsel vm1, $0x0, v7;
	[tilespmem:s13+$0xFFFFFFB0] =	vst v4;
	s11 =	sadd.s32 s11, s14  }
0x1a8: {  	v4 =	vnsel vm0, $0x0, v9;
	[tilespmem:s13+$0xFFFFFFA0] =	vst v3;
	s11 =	sshll.u32 s11, $0x2  }
0x1a9: {  	[tilespmem:s13+$0xFFFFFFD0] =	vst v4;
	s11 =	ssub.s32 s0, s11  }
0x1aa: {  	s13 =	rddreg [dreg:$0x18];
	s11 =	sshra.s32 s11, $0x2  }
0x1ab: {  	s15 =	sadd.s32 s11, s13  }
0x1ac: {  	v9 =	vld [tilespmem:s15+$0xFFFFFFF0]  }
0x1ad: {  	s18 =	simm.s32 $0x50;
	v10 =	vld [tilespmem:s15+$0xFFFFFFC0]  }
0x1ae: {  	s17 =	simm.s32 $0x0;
	v8 =	vor.u32 s18, v2;
	s13 =	simm.s32 $0x30;
	v15 =	vld [tilespmem:s15+$0x30]  }
0x1af: {  	s19 =	simm.s32 $0x60;
	v7 =	vor.u32 s17, v2;
	v3 =	vmov s12;
	v6 =	vor.u32 s13, v2;
	v4 =	vld [tilespmem:s15+$0x20]  }
0x1b0: {  	v12 =	vor.u32 s19, v2;
	vm1 =	vgt.u32 v7, v3;
	s16 =	simm.s32 $0x10;
	s14 =	simm.s32 $0x70;
	v7 =	vld [tilespmem:s15+$0xFFFFFFD0];
	vm0 =	vgt.u32 v6, v3  }
0x1b1: {  	s20 =	simm.s32 $0x20;
	v5 =	vor.u32 s16, v2;
	v14 =	vor.u32 s14, v2;
	v6 =	vld [tilespmem:s15+$0x10];
	v13 =	vnsel vm0, $0x0, v9  }
0x1b2: {  	s21 =	simm.s32 $0x40;
	s16 =	simm.s32 $0x87F0;
	s14 =	simm.s32 $0x80;
	v11 =	vnsel vm1, $0x0, v10;
	v10 =	vld [tilespmem:s15+$0xFFFFFFE0];
	v9 =	vor.u32 s20, v2;
	vm1 =	vgt.u32 v14, v3  }
0x1b3: {  	s11 =	simm.s32 $0x0;
	s13 =	simm.s32 $0x83F0;
	v14 =	vor.u32 s21, v2;
	vm0 =	vgt.u32 v9, v3;
	v9 =	vld [tilespmem:s15+$0x0];
	v15 =	vnsel vm1, $0x0, v15;
	s15 =	sadd.s32 $0x80, s15  }
.LBB2_26:
0x1b4: {  	s17 =	sadd.s32 $0x30, s14;
	v16 =	vld [tilespmem:s15+$0xFFFFFFF0];
	s18 =	sadd.s32 $0x70, s14;
	s11 =	sadd.s32 $0x8, s11;
	[tilespmem:s13+$0xFFFFFFC0] =	vst v13;
	vm1 =	vgt.u32 v14, v3;
	vm2 =	vgt.u32 v8, v3;
	vm3 =	vgt.u32 v12, v3  }
0x1b5: {  	vm4 =	vgt.u32 v5, v3;
	v14 =	vld [tilespmem:s15+$0xFFFFFFC0];
	v12 =	vor.u32 s17, v2;
	v17 =	vor.u32 s18, v2;
	p1 =	slt.u32 s11, $0x78;
	[tilespmem:s13+$0x0] =	vst v15;
	s17 =	smov.u32 s13;
	s13 =	smov.u32 s16  }
0x1b6: {  	s19 =	sadd.s32 $0x50, s14;
	s18 =	sadd.s32 $0x10, s14;
	v15 =	vld [tilespmem:s15+$0x30];
	[tilespmem:s17+$0xFFFFFF90] =	vst v11;
	v18 =	vnsel vm4, $0x0, v7;
	v7 =	vnsel vm2, $0x0, v6;
	v6 =	vnsel vm3, $0x0, v4  }
.Ltmp15:
0x1b7: {  	v8 =	vor.u32 s19, v2;
	v5 =	vor.u32 s18, v2;
	v4 =	vld [tilespmem:s15+$0x20];
	v10 =	vnsel vm0, $0x0, v10;
	[tilespmem:s17+$0xFFFFFFF0] =	vst v6;
	(pc) =	sbr.rel @p1 .LBB2_26-.Ltmp15, $4  }
0x1b8: {  	v11 =	vor.u32 s14, v2;
	s18 =	sadd.s32 $0x60, s14;
	vm0 =	vgt.u32 v12, v3;
	v6 =	vld [tilespmem:s15+$0x10];
	v19 =	vnsel vm1, $0x0, v9;
	[tilespmem:s17+$0xFFFFFFE0] =	vst v7  }
0x1b9: {  	s19 =	sadd.s32 $0x20, s14;
	v12 =	vor.u32 s18, v2;
	vm1 =	vgt.u32 v11, v3;
	v7 =	vld [tilespmem:s15+$0xFFFFFFD0];
	v13 =	vnsel vm0, $0x0, v16;
	[tilespmem:s17+$0xFFFFFFB0] =	vst v10  }
0x1ba: {  	s18 =	sadd.s32 $0x40, s14;
	v9 =	vor.u32 s19, v2;
	v11 =	vnsel vm1, $0x0, v14;
	v10 =	vld [tilespmem:s15+$0xFFFFFFE0];
	vm1 =	vgt.u32 v17, v3;
	[tilespmem:s17+$0xFFFFFFA0] =	vst v18  }
0x1bb: {  	s16 =	sadd.s32 $0x400, s16;
	s14 =	sadd.s32 $0x80, s14;
	vm0 =	vgt.u32 v9, v3;
	v14 =	vor.u32 s18, v2;
	v9 =	vld [tilespmem:s15+$0x0];
	v15 =	vnsel vm1, $0x0, v15;
	s15 =	sadd.s32 $0x80, s15;
	[tilespmem:s17+$0xFFFFFFD0] =	vst v19  }
0x1bc: {  	s11 =	sor.u32 $0x4, s5  }
0x1bd: {  	s12 =	smul.u32 s12, s11;
	_ =	sdelay $0x1  }
0x1be: {  	s12 =	sshrl.u32 s12, $0x1  }
0x1bf: {  	s14 =	smul.u32 $0x1FFF, s11;
	s12 =	sadd.s32 s11, s12  }
0x1c0: {  	s12 =	sxor.u32 $0xFFFFFFFF, s12  }
0x1c1: {  	s12 =	sadd.s32 s12, s14  }
0x1c2: {  	s14 =	sadd.s32 s24, s12;
	s12 =	sand.u32 $0x7, s12  }
0x1c3: {  	s15 =	sshra.s32 s14, $0x1F;
	p1 =	slt.s32 s14, $0x1;
	p2 =	sne.s32 s12, $0x0  }
0x1c4: {  	s20 =	sshrl.u32 s15, $0x1D;
	p1 =	por !p1, !p2  }
0x1c5: {  	s12 =	sadd.s32 s20, s14;
	p1 =	por !p1, !p1;
	s14 =	simm.s32 $0x1  }
0x1c6: {  	s12 =	sshrl.u32 s12, $0x3;
	s14 =	simm.s32 @!p1 $0x0  }
0x1c7: {  	[tilespmem:s13+$0xFFFFFFC0] =	vst v13;
	s12 =	ssub.s32 s12, s14  }
0x1c8: {  	vm1 =	vgt.u32 v12, v3;
	[tilespmem:s13+$0x0] =	vst v15;
	s12 =	sshll.u32 s12, $0x3  }
0x1c9: {  	vm2 =	vgt.u32 v8, v3;
	[tilespmem:s13+$0xFFFFFF90] =	vst v11;
	v4 =	vnsel vm1, $0x0, v4;
	p1 =	sgt.s32 s12, $0x0  }
0x1ca: {  	v6 =	vnsel vm2, $0x0, v6;
	[tilespmem:s13+$0xFFFFFFF0] =	vst v4;
	s12 =	simm.s32 @!p1 $0x0  }
0x1cb: {  	vm1 =	vgt.u32 v5, v3;
	[tilespmem:s13+$0xFFFFFFE0] =	vst v6;
	v4 =	vnsel vm0, $0x0, v10;
	s12 =	smin.u32 s12, $0x1FFE7F0  }
0x1cc: {  	vm0 =	vgt.u32 v14, v3;
	v3 =	vnsel vm1, $0x0, v7;
	[tilespmem:s13+$0xFFFFFFB0] =	vst v4;
	s10 =	sadd.s32 s10, s12  }
0x1cd: {  	v4 =	vnsel vm0, $0x0, v9;
	[tilespmem:s13+$0xFFFFFFA0] =	vst v3;
	s10 =	sshll.u32 s10, $0x2  }
0x1ce: {  	[tilespmem:s13+$0xFFFFFFD0] =	vst v4;
	s10 =	ssub.s32 s0, s10  }
0x1cf: {  	s21 =	rddreg [dreg:$0x19];
	s10 =	sshra.s32 s10, $0x2  }
0x1d0: {  	s14 =	sadd.s32 s10, s21  }
0x1d1: {  	v9 =	vld [tilespmem:s14+$0xFFFFFFF0]  }
0x1d2: {  	s16 =	simm.s32 $0x10;
	v10 =	vld [tilespmem:s14+$0xFFFFFFC0]  }
0x1d3: {  	s18 =	simm.s32 $0x50;
	v5 =	vor.u32 s16, v2;
	s13 =	simm.s32 $0x30;
	v15 =	vld [tilespmem:s14+$0x30]  }
0x1d4: {  	s17 =	simm.s32 $0x0;
	s19 =	simm.s32 $0x60;
	v8 =	vor.u32 s18, v2;
	v3 =	vmov s11;
	v6 =	vor.u32 s13, v2;
	v4 =	vld [tilespmem:s14+$0x20]  }
0x1d5: {  	v12 =	vor.u32 s19, v2;
	v7 =	vor.u32 s17, v2;
	vm0 =	vgt.u32 v6, v3;
	s15 =	simm.s32 $0x70;
	v6 =	vld [tilespmem:s14+$0x10]  }
0x1d6: {  	vm1 =	vgt.u32 v7, v3;
	v14 =	vor.u32 s15, v2;
	s20 =	simm.s32 $0x20;
	v7 =	vld [tilespmem:s14+$0xFFFFFFD0];
	v13 =	vnsel vm0, $0x0, v9  }
0x1d7: {  	s13 =	simm.s32 $0x80;
	s15 =	simm.s32 $0x8870;
	s21 =	simm.s32 $0x40;
	v11 =	vnsel vm1, $0x0, v10;
	v10 =	vld [tilespmem:s14+$0xFFFFFFE0];
	v9 =	vor.u32 s20, v2;
	vm1 =	vgt.u32 v14, v3  }
0x1d8: {  	s12 =	simm.s32 $0x8470;
	s10 =	simm.s32 $0x0;
	v14 =	vor.u32 s21, v2;
	vm0 =	vgt.u32 v9, v3;
	v9 =	vld [tilespmem:s14+$0x0];
	v15 =	vnsel vm1, $0x0, v15;
	s14 =	sadd.s32 $0x80, s14  }
.LBB2_28:
0x1d9: {  	s16 =	sadd.s32 $0x30, s13;
	v16 =	vld [tilespmem:s14+$0xFFFFFFF0];
	s17 =	sadd.s32 $0x70, s13;
	s10 =	sadd.s32 $0x8, s10;
	[tilespmem:s12+$0xFFFFFFC0] =	vst v13;
	vm1 =	vgt.u32 v14, v3;
	vm2 =	vgt.u32 v8, v3;
	vm3 =	vgt.u32 v12, v3  }
0x1da: {  	vm4 =	vgt.u32 v5, v3;
	v14 =	vld [tilespmem:s14+$0xFFFFFFC0];
	v12 =	vor.u32 s16, v2;
	v17 =	vor.u32 s17, v2;
	p1 =	slt.u32 s10, $0x78;
	[tilespmem:s12+$0x0] =	vst v15;
	s16 =	smov.u32 s12;
	s12 =	smov.u32 s15  }
0x1db: {  	s18 =	sadd.s32 $0x50, s13;
	s17 =	sadd.s32 $0x10, s13;
	v15 =	vld [tilespmem:s14+$0x30];
	[tilespmem:s16+$0xFFFFFF90] =	vst v11;
	v18 =	vnsel vm4, $0x0, v7;
	v7 =	vnsel vm2, $0x0, v6;
	v6 =	vnsel vm3, $0x0, v4  }
.Ltmp16:
0x1dc: {  	v8 =	vor.u32 s18, v2;
	v5 =	vor.u32 s17, v2;
	v4 =	vld [tilespmem:s14+$0x20];
	v10 =	vnsel vm0, $0x0, v10;
	[tilespmem:s16+$0xFFFFFFF0] =	vst v6;
	(pc) =	sbr.rel @p1 .LBB2_28-.Ltmp16, $4  }
0x1dd: {  	v11 =	vor.u32 s13, v2;
	s17 =	sadd.s32 $0x60, s13;
	vm0 =	vgt.u32 v12, v3;
	v6 =	vld [tilespmem:s14+$0x10];
	v19 =	vnsel vm1, $0x0, v9;
	[tilespmem:s16+$0xFFFFFFE0] =	vst v7  }
0x1de: {  	s18 =	sadd.s32 $0x20, s13;
	v12 =	vor.u32 s17, v2;
	vm1 =	vgt.u32 v11, v3;
	v7 =	vld [tilespmem:s14+$0xFFFFFFD0];
	v13 =	vnsel vm0, $0x0, v16;
	[tilespmem:s16+$0xFFFFFFB0] =	vst v10  }
0x1df: {  	s17 =	sadd.s32 $0x40, s13;
	v9 =	vor.u32 s18, v2;
	v11 =	vnsel vm1, $0x0, v14;
	v10 =	vld [tilespmem:s14+$0xFFFFFFE0];
	vm1 =	vgt.u32 v17, v3;
	[tilespmem:s16+$0xFFFFFFA0] =	vst v18  }
0x1e0: {  	s15 =	sadd.s32 $0x400, s15;
	s13 =	sadd.s32 $0x80, s13;
	vm0 =	vgt.u32 v9, v3;
	v14 =	vor.u32 s17, v2;
	v9 =	vld [tilespmem:s14+$0x0];
	v15 =	vnsel vm1, $0x0, v15;
	s14 =	sadd.s32 $0x80, s14;
	[tilespmem:s16+$0xFFFFFFD0] =	vst v19  }
0x1e1: {  	s10 =	sor.u32 $0x5, s5  }
0x1e2: {  	s11 =	smul.u32 s11, s10;
	_ =	sdelay $0x1  }
0x1e3: {  	s11 =	sshrl.u32 s11, $0x1  }
0x1e4: {  	s13 =	smul.u32 $0x1FFF, s10;
	s11 =	sadd.s32 s10, s11  }
0x1e5: {  	s11 =	sxor.u32 $0xFFFFFFFF, s11  }
0x1e6: {  	s11 =	sadd.s32 s11, s13  }
0x1e7: {  	s13 =	sadd.s32 s24, s11;
	s11 =	sand.u32 $0x7, s11  }
0x1e8: {  	s14 =	sshra.s32 s13, $0x1F;
	p1 =	slt.s32 s13, $0x1;
	p2 =	sne.s32 s11, $0x0  }
0x1e9: {  	s21 =	sshrl.u32 s14, $0x1D;
	p1 =	por !p1, !p2  }
0x1ea: {  	s11 =	sadd.s32 s21, s13;
	p1 =	por !p1, !p1;
	s13 =	simm.s32 $0x1  }
0x1eb: {  	s11 =	sshrl.u32 s11, $0x3;
	s13 =	simm.s32 @!p1 $0x0  }
0x1ec: {  	[tilespmem:s12+$0xFFFFFFC0] =	vst v13;
	s11 =	ssub.s32 s11, s13  }
0x1ed: {  	vm1 =	vgt.u32 v12, v3;
	[tilespmem:s12+$0x0] =	vst v15;
	s11 =	sshll.u32 s11, $0x3  }
0x1ee: {  	vm2 =	vgt.u32 v8, v3;
	[tilespmem:s12+$0xFFFFFF90] =	vst v11;
	v4 =	vnsel vm1, $0x0, v4;
	p1 =	sgt.s32 s11, $0x0  }
0x1ef: {  	v6 =	vnsel vm2, $0x0, v6;
	[tilespmem:s12+$0xFFFFFFF0] =	vst v4;
	s11 =	simm.s32 @!p1 $0x0  }
0x1f0: {  	vm1 =	vgt.u32 v5, v3;
	[tilespmem:s12+$0xFFFFFFE0] =	vst v6;
	v4 =	vnsel vm0, $0x0, v10;
	s11 =	smin.u32 s11, $0x1FFE7F0  }
0x1f1: {  	vm0 =	vgt.u32 v14, v3;
	v3 =	vnsel vm1, $0x0, v7;
	[tilespmem:s12+$0xFFFFFFB0] =	vst v4;
	s9 =	sadd.s32 s9, s11  }
0x1f2: {  	v4 =	vnsel vm0, $0x0, v9;
	[tilespmem:s12+$0xFFFFFFA0] =	vst v3;
	s9 =	sshll.u32 s9, $0x2  }
0x1f3: {  	[tilespmem:s12+$0xFFFFFFD0] =	vst v4;
	s9 =	ssub.s32 s0, s9  }
0x1f4: {  	s13 =	rddreg [dreg:$0x1a];
	s9 =	sshra.s32 s9, $0x2  }
0x1f5: {  	s13 =	sadd.s32 s9, s13  }
0x1f6: {  	v9 =	vld [tilespmem:s13+$0xFFFFFFF0]  }
0x1f7: {  	s16 =	simm.s32 $0x10;
	v10 =	vld [tilespmem:s13+$0xFFFFFFC0]  }
0x1f8: {  	s18 =	simm.s32 $0x50;
	v5 =	vor.u32 s16, v2;
	s14 =	simm.s32 $0x30;
	v15 =	vld [tilespmem:s13+$0x30]  }
0x1f9: {  	s17 =	simm.s32 $0x0;
	s19 =	simm.s32 $0x60;
	v8 =	vor.u32 s18, v2;
	v3 =	vmov s10;
	v6 =	vor.u32 s14, v2;
	v4 =	vld [tilespmem:s13+$0x20]  }
0x1fa: {  	s15 =	simm.s32 $0x70;
	v12 =	vor.u32 s19, v2;
	v7 =	vor.u32 s17, v2;
	vm0 =	vgt.u32 v6, v3;
	v6 =	vld [tilespmem:s13+$0x10]  }
0x1fb: {  	s20 =	simm.s32 $0x20;
	v14 =	vor.u32 s15, v2;
	vm1 =	vgt.u32 v7, v3;
	v7 =	vld [tilespmem:s13+$0xFFFFFFD0];
	v13 =	vnsel vm0, $0x0, v9  }
0x1fc: {  	s12 =	simm.s32 $0x80;
	s21 =	simm.s32 $0x40;
	s14 =	simm.s32 $0x88F0;
	v11 =	vnsel vm1, $0x0, v10;
	v10 =	vld [tilespmem:s13+$0xFFFFFFE0];
	v9 =	vor.u32 s20, v2;
	vm1 =	vgt.u32 v14, v3  }
0x1fd: {  	s11 =	simm.s32 $0x84F0;
	s9 =	simm.s32 $0x0;
	v14 =	vor.u32 s21, v2;
	vm0 =	vgt.u32 v9, v3;
	v9 =	vld [tilespmem:s13+$0x0];
	v15 =	vnsel vm1, $0x0, v15;
	s13 =	sadd.s32 $0x80, s13  }
.LBB2_30:
0x1fe: {  	s15 =	sadd.s32 $0x30, s12;
	v16 =	vld [tilespmem:s13+$0xFFFFFFF0];
	s16 =	sadd.s32 $0x70, s12;
	s9 =	sadd.s32 $0x8, s9;
	[tilespmem:s11+$0xFFFFFFC0] =	vst v13;
	vm1 =	vgt.u32 v14, v3;
	vm2 =	vgt.u32 v8, v3;
	vm3 =	vgt.u32 v12, v3  }
0x1ff: {  	vm4 =	vgt.u32 v5, v3;
	v14 =	vld [tilespmem:s13+$0xFFFFFFC0];
	v12 =	vor.u32 s15, v2;
	v17 =	vor.u32 s16, v2;
	p1 =	slt.u32 s9, $0x78;
	[tilespmem:s11+$0x0] =	vst v15;
	s15 =	smov.u32 s11;
	s11 =	smov.u32 s14  }
0x200: {  	s17 =	sadd.s32 $0x50, s12;
	s16 =	sadd.s32 $0x10, s12;
	v15 =	vld [tilespmem:s13+$0x30];
	[tilespmem:s15+$0xFFFFFF90] =	vst v11;
	v18 =	vnsel vm4, $0x0, v7;
	v7 =	vnsel vm2, $0x0, v6;
	v6 =	vnsel vm3, $0x0, v4  }
.Ltmp17:
0x201: {  	v8 =	vor.u32 s17, v2;
	v5 =	vor.u32 s16, v2;
	v4 =	vld [tilespmem:s13+$0x20];
	v10 =	vnsel vm0, $0x0, v10;
	[tilespmem:s15+$0xFFFFFFF0] =	vst v6;
	(pc) =	sbr.rel @p1 .LBB2_30-.Ltmp17, $4  }
0x202: {  	v11 =	vor.u32 s12, v2;
	s16 =	sadd.s32 $0x60, s12;
	vm0 =	vgt.u32 v12, v3;
	v6 =	vld [tilespmem:s13+$0x10];
	v19 =	vnsel vm1, $0x0, v9;
	[tilespmem:s15+$0xFFFFFFE0] =	vst v7  }
0x203: {  	s17 =	sadd.s32 $0x20, s12;
	v12 =	vor.u32 s16, v2;
	vm1 =	vgt.u32 v11, v3;
	v7 =	vld [tilespmem:s13+$0xFFFFFFD0];
	v13 =	vnsel vm0, $0x0, v16;
	[tilespmem:s15+$0xFFFFFFB0] =	vst v10  }
0x204: {  	s16 =	sadd.s32 $0x40, s12;
	v9 =	vor.u32 s17, v2;
	v11 =	vnsel vm1, $0x0, v14;
	v10 =	vld [tilespmem:s13+$0xFFFFFFE0];
	vm1 =	vgt.u32 v17, v3;
	[tilespmem:s15+$0xFFFFFFA0] =	vst v18  }
0x205: {  	s14 =	sadd.s32 $0x400, s14;
	s12 =	sadd.s32 $0x80, s12;
	vm0 =	vgt.u32 v9, v3;
	v14 =	vor.u32 s16, v2;
	v9 =	vld [tilespmem:s13+$0x0];
	v15 =	vnsel vm1, $0x0, v15;
	s13 =	sadd.s32 $0x80, s13;
	[tilespmem:s15+$0xFFFFFFD0] =	vst v19  }
0x206: {  	s9 =	sor.u32 $0x6, s5  }
0x207: {  	s10 =	smul.u32 s10, s9;
	_ =	sdelay $0x1  }
0x208: {  	s10 =	sshrl.u32 s10, $0x1  }
0x209: {  	s12 =	smul.u32 $0x1FFF, s9;
	s10 =	sadd.s32 s9, s10  }
0x20a: {  	s10 =	sxor.u32 $0xFFFFFFFF, s10  }
0x20b: {  	s10 =	sadd.s32 s10, s12  }
0x20c: {  	s12 =	sadd.s32 s24, s10;
	s10 =	sand.u32 $0x7, s10  }
0x20d: {  	s13 =	sshra.s32 s12, $0x1F;
	p1 =	slt.s32 s12, $0x1;
	p2 =	sne.s32 s10, $0x0  }
0x20e: {  	s21 =	sshrl.u32 s13, $0x1D;
	p1 =	por !p1, !p2  }
0x20f: {  	s10 =	sadd.s32 s21, s12;
	p1 =	por !p1, !p1;
	s12 =	simm.s32 $0x1  }
0x210: {  	s10 =	sshrl.u32 s10, $0x3;
	s12 =	simm.s32 @!p1 $0x0  }
0x211: {  	[tilespmem:s11+$0xFFFFFFC0] =	vst v13;
	s10 =	ssub.s32 s10, s12  }
0x212: {  	vm1 =	vgt.u32 v12, v3;
	[tilespmem:s11+$0x0] =	vst v15;
	s10 =	sshll.u32 s10, $0x3  }
0x213: {  	vm2 =	vgt.u32 v8, v3;
	[tilespmem:s11+$0xFFFFFF90] =	vst v11;
	v4 =	vnsel vm1, $0x0, v4;
	p1 =	sgt.s32 s10, $0x0  }
0x214: {  	v6 =	vnsel vm2, $0x0, v6;
	[tilespmem:s11+$0xFFFFFFF0] =	vst v4;
	s10 =	simm.s32 @!p1 $0x0  }
0x215: {  	vm1 =	vgt.u32 v5, v3;
	[tilespmem:s11+$0xFFFFFFE0] =	vst v6;
	v4 =	vnsel vm0, $0x0, v10;
	s10 =	smin.u32 s10, $0x1FFE7F0  }
0x216: {  	vm0 =	vgt.u32 v14, v3;
	v3 =	vnsel vm1, $0x0, v7;
	[tilespmem:s11+$0xFFFFFFB0] =	vst v4;
	s8 =	sadd.s32 s8, s10  }
0x217: {  	v4 =	vnsel vm0, $0x0, v9;
	[tilespmem:s11+$0xFFFFFFA0] =	vst v3;
	s8 =	sshll.u32 s8, $0x2  }
0x218: {  	[tilespmem:s11+$0xFFFFFFD0] =	vst v4;
	s8 =	ssub.s32 s0, s8  }
0x219: {  	s13 =	rddreg [dreg:$0x1d];
	s8 =	sshra.s32 s8, $0x2  }
0x21a: {  	s12 =	sadd.s32 s8, s13  }
0x21b: {  	v9 =	vld [tilespmem:s12+$0xFFFFFFF0]  }
0x21c: {  	s16 =	simm.s32 $0x10;
	v10 =	vld [tilespmem:s12+$0xFFFFFFC0]  }
0x21d: {  	s14 =	simm.s32 $0x30;
	s18 =	simm.s32 $0x50;
	v5 =	vor.u32 s16, v2;
	v15 =	vld [tilespmem:s12+$0x30]  }
0x21e: {  	s17 =	simm.s32 $0x0;
	s19 =	simm.s32 $0x60;
	v8 =	vor.u32 s18, v2;
	v6 =	vor.u32 s14, v2;
	v3 =	vmov s9;
	v4 =	vld [tilespmem:s12+$0x20]  }
0x21f: {  	s15 =	simm.s32 $0x70;
	v12 =	vor.u32 s19, v2;
	v7 =	vor.u32 s17, v2;
	vm0 =	vgt.u32 v6, v3;
	v6 =	vld [tilespmem:s12+$0x10]  }
0x220: {  	s20 =	simm.s32 $0x20;
	v14 =	vor.u32 s15, v2;
	vm1 =	vgt.u32 v7, v3;
	v7 =	vld [tilespmem:s12+$0xFFFFFFD0];
	v13 =	vnsel vm0, $0x0, v9  }
0x221: {  	s11 =	simm.s32 $0x80;
	s21 =	simm.s32 $0x40;
	s10 =	simm.s32 $0x0;
	v11 =	vnsel vm1, $0x0, v10;
	v10 =	vld [tilespmem:s12+$0xFFFFFFE0];
	v9 =	vor.u32 s20, v2;
	vm1 =	vgt.u32 v14, v3  }
0x222: {  	s8 =	simm.s32 $0x8570;
	s13 =	simm.s32 $0x8970;
	v14 =	vor.u32 s21, v2;
	vm0 =	vgt.u32 v9, v3;
	v9 =	vld [tilespmem:s12+$0x0];
	v15 =	vnsel vm1, $0x0, v15;
	s12 =	sadd.s32 $0x80, s12  }
.LBB2_32:
0x223: {  	s14 =	sadd.s32 $0x30, s11;
	v16 =	vld [tilespmem:s12+$0xFFFFFFF0];
	s15 =	sadd.s32 $0x70, s11;
	s10 =	sadd.s32 $0x8, s10;
	[tilespmem:s8+$0xFFFFFFC0] =	vst v13;
	vm1 =	vgt.u32 v14, v3;
	vm2 =	vgt.u32 v8, v3;
	vm3 =	vgt.u32 v12, v3  }
0x224: {  	vm4 =	vgt.u32 v5, v3;
	v14 =	vld [tilespmem:s12+$0xFFFFFFC0];
	v12 =	vor.u32 s14, v2;
	v17 =	vor.u32 s15, v2;
	p1 =	slt.u32 s10, $0x78;
	[tilespmem:s8+$0x0] =	vst v15;
	s14 =	smov.u32 s8;
	s8 =	smov.u32 s13  }
0x225: {  	s16 =	sadd.s32 $0x50, s11;
	s15 =	sadd.s32 $0x10, s11;
	v15 =	vld [tilespmem:s12+$0x30];
	[tilespmem:s14+$0xFFFFFF90] =	vst v11;
	v18 =	vnsel vm4, $0x0, v7;
	v7 =	vnsel vm2, $0x0, v6;
	v6 =	vnsel vm3, $0x0, v4  }
.Ltmp18:
0x226: {  	v8 =	vor.u32 s16, v2;
	v5 =	vor.u32 s15, v2;
	v4 =	vld [tilespmem:s12+$0x20];
	v10 =	vnsel vm0, $0x0, v10;
	[tilespmem:s14+$0xFFFFFFF0] =	vst v6;
	(pc) =	sbr.rel @p1 .LBB2_32-.Ltmp18, $4  }
0x227: {  	v11 =	vor.u32 s11, v2;
	s15 =	sadd.s32 $0x60, s11;
	vm0 =	vgt.u32 v12, v3;
	v6 =	vld [tilespmem:s12+$0x10];
	v19 =	vnsel vm1, $0x0, v9;
	[tilespmem:s14+$0xFFFFFFE0] =	vst v7  }
0x228: {  	s16 =	sadd.s32 $0x20, s11;
	v12 =	vor.u32 s15, v2;
	vm1 =	vgt.u32 v11, v3;
	v7 =	vld [tilespmem:s12+$0xFFFFFFD0];
	v13 =	vnsel vm0, $0x0, v16;
	[tilespmem:s14+$0xFFFFFFB0] =	vst v10  }
0x229: {  	s15 =	sadd.s32 $0x40, s11;
	v9 =	vor.u32 s16, v2;
	v11 =	vnsel vm1, $0x0, v14;
	v10 =	vld [tilespmem:s12+$0xFFFFFFE0];
	vm1 =	vgt.u32 v17, v3;
	[tilespmem:s14+$0xFFFFFFA0] =	vst v18  }
0x22a: {  	s13 =	sadd.s32 $0x400, s13;
	s11 =	sadd.s32 $0x80, s11;
	vm0 =	vgt.u32 v9, v3;
	v14 =	vor.u32 s15, v2;
	v9 =	vld [tilespmem:s12+$0x0];
	v15 =	vnsel vm1, $0x0, v15;
	s12 =	sadd.s32 $0x80, s12;
	[tilespmem:s14+$0xFFFFFFD0] =	vst v19  }
0x22b: {  	s5 =	sor.u32 $0x7, s5  }
0x22c: {  	s9 =	smul.u32 s9, s5;
	_ =	sdelay $0x1  }
0x22d: {  	s9 =	sshrl.u32 s9, $0x1  }
0x22e: {  	s10 =	smul.u32 $0x1FFF, s5;
	s9 =	sadd.s32 s5, s9  }
0x22f: {  	s9 =	sxor.u32 $0xFFFFFFFF, s9  }
0x230: {  	s9 =	sadd.s32 s9, s10  }
0x231: {  	s10 =	sadd.s32 s24, s9;
	s9 =	sand.u32 $0x7, s9  }
0x232: {  	p1 =	sne.s32 s9, $0x0;
	s11 =	sshra.s32 s10, $0x1F;
	p2 =	slt.s32 s10, $0x1  }
0x233: {  	s9 =	sshrl.u32 s11, $0x1D;
	p1 =	por !p2, !p1  }
0x234: {  	[tilespmem:s8+$0xFFFFFFC0] =	vst v13;
	s9 =	sadd.s32 s9, s10;
	p1 =	por !p1, !p1;
	s10 =	simm.s32 $0x1  }
0x235: {  	vm1 =	vgt.u32 v12, v3;
	[tilespmem:s8+$0x0] =	vst v15;
	s9 =	sshrl.u32 s9, $0x3;
	s10 =	simm.s32 @!p1 $0x0  }
0x236: {  	vm2 =	vgt.u32 v8, v3;
	[tilespmem:s8+$0xFFFFFF90] =	vst v11;
	v4 =	vnsel vm1, $0x0, v4;
	s9 =	ssub.s32 s9, s10  }
0x237: {  	v6 =	vnsel vm2, $0x0, v6;
	[tilespmem:s8+$0xFFFFFFF0] =	vst v4;
	s9 =	sshll.u32 s9, $0x3  }
0x238: {  	vm1 =	vgt.u32 v5, v3;
	[tilespmem:s8+$0xFFFFFFE0] =	vst v6;
	v4 =	vnsel vm0, $0x0, v10;
	p1 =	sgt.s32 s9, $0x0  }
0x239: {  	vm0 =	vgt.u32 v14, v3;
	v3 =	vnsel vm1, $0x0, v7;
	[tilespmem:s8+$0xFFFFFFB0] =	vst v4;
	s9 =	simm.s32 @!p1 $0x0  }
0x23a: {  	v4 =	vnsel vm0, $0x0, v9;
	[tilespmem:s8+$0xFFFFFFA0] =	vst v3;
	s9 =	smin.u32 s9, $0x1FFE7F0  }
0x23b: {  	[tilespmem:s8+$0xFFFFFFD0] =	vst v4;
	s7 =	sadd.s32 s7, s9  }
0x23c: {  	s12 =	sld [smem:$0x7F2];
	s7 =	sshll.u32 s7, $0x2  }
0x23d: {  	s0 =	ssub.s32 s0, s7  }
0x23e: {  	s0 =	sshra.s32 s0, $0x2  }
0x23f: {  	s13 =	sadd.s32 s0, s12  }
0x240: {  	v9 =	vld [tilespmem:s13+$0xFFFFFFF0]  }
0x241: {  	s16 =	simm.s32 $0x10;
	v10 =	vld [tilespmem:s13+$0xFFFFFFC0]  }
0x242: {  	s14 =	simm.s32 $0x30;
	s18 =	simm.s32 $0x50;
	v5 =	vor.u32 s16, v2;
	v15 =	vld [tilespmem:s13+$0x30]  }
0x243: {  	s17 =	simm.s32 $0x0;
	s19 =	simm.s32 $0x60;
	v8 =	vor.u32 s18, v2;
	v6 =	vor.u32 s14, v2;
	v3 =	vmov s5;
	v4 =	vld [tilespmem:s13+$0x20]  }
0x244: {  	s15 =	simm.s32 $0x70;
	v12 =	vor.u32 s19, v2;
	v7 =	vor.u32 s17, v2;
	vm0 =	vgt.u32 v6, v3;
	v6 =	vld [tilespmem:s13+$0x10]  }
0x245: {  	s20 =	simm.s32 $0x20;
	v14 =	vor.u32 s15, v2;
	vm1 =	vgt.u32 v7, v3;
	v7 =	vld [tilespmem:s13+$0xFFFFFFD0];
	v13 =	vnsel vm0, $0x0, v9  }
0x246: {  	s21 =	simm.s32 $0x40;
	s5 =	simm.s32 $0x0;
	s9 =	simm.s32 $0x89F0;
	v11 =	vnsel vm1, $0x0, v10;
	v9 =	vld [tilespmem:s13+$0xFFFFFFE0];
	v10 =	vor.u32 s20, v2;
	vm1 =	vgt.u32 v14, v3  }
0x247: {  	s7 =	simm.s32 $0x80;
	s0 =	simm.s32 $0x85F0;
	s8 =	sadd.s32 $0x80, s13;
	v14 =	vor.u32 s21, v2;
	vm0 =	vgt.u32 v10, v3;
	v10 =	vld [tilespmem:s13+$0x0];
	v15 =	vnsel vm1, $0x0, v15  }
.LBB2_34:
0x248: {  	s10 =	sadd.s32 $0x30, s7;
	v16 =	vld [tilespmem:s8+$0xFFFFFFF0];
	s11 =	sadd.s32 $0x70, s7;
	s5 =	sadd.s32 $0x8, s5;
	[tilespmem:s0+$0xFFFFFFC0] =	vst v13;
	vm1 =	vgt.u32 v14, v3;
	vm2 =	vgt.u32 v8, v3;
	vm3 =	vgt.u32 v12, v3  }
0x249: {  	vm4 =	vgt.u32 v5, v3;
	v14 =	vld [tilespmem:s8+$0xFFFFFFC0];
	v12 =	vor.u32 s10, v2;
	v17 =	vor.u32 s11, v2;
	p1 =	slt.u32 s5, $0x78;
	[tilespmem:s0+$0x0] =	vst v15;
	s10 =	smov.u32 s0;
	s0 =	smov.u32 s9  }
0x24a: {  	s12 =	sadd.s32 $0x50, s7;
	s11 =	sadd.s32 $0x10, s7;
	v15 =	vld [tilespmem:s8+$0x30];
	[tilespmem:s10+$0xFFFFFF90] =	vst v11;
	v18 =	vnsel vm4, $0x0, v7;
	v7 =	vnsel vm2, $0x0, v6;
	v6 =	vnsel vm3, $0x0, v4  }
.Ltmp19:
0x24b: {  	v8 =	vor.u32 s12, v2;
	v5 =	vor.u32 s11, v2;
	v4 =	vld [tilespmem:s8+$0x20];
	v9 =	vnsel vm0, $0x0, v9;
	[tilespmem:s10+$0xFFFFFFF0] =	vst v6;
	(pc) =	sbr.rel @p1 .LBB2_34-.Ltmp19, $4  }
0x24c: {  	v11 =	vor.u32 s7, v2;
	s11 =	sadd.s32 $0x60, s7;
	vm0 =	vgt.u32 v12, v3;
	v6 =	vld [tilespmem:s8+$0x10];
	v19 =	vnsel vm1, $0x0, v10;
	[tilespmem:s10+$0xFFFFFFE0] =	vst v7  }
0x24d: {  	s12 =	sadd.s32 $0x20, s7;
	v12 =	vor.u32 s11, v2;
	vm1 =	vgt.u32 v11, v3;
	v7 =	vld [tilespmem:s8+$0xFFFFFFD0];
	v13 =	vnsel vm0, $0x0, v16;
	[tilespmem:s10+$0xFFFFFFB0] =	vst v9  }
0x24e: {  	s11 =	sadd.s32 $0x40, s7;
	v10 =	vor.u32 s12, v2;
	v11 =	vnsel vm1, $0x0, v14;
	v9 =	vld [tilespmem:s8+$0xFFFFFFE0];
	vm1 =	vgt.u32 v17, v3;
	[tilespmem:s10+$0xFFFFFFA0] =	vst v18  }
0x24f: {  	s9 =	sadd.s32 $0x400, s9;
	s7 =	sadd.s32 $0x80, s7;
	vm0 =	vgt.u32 v10, v3;
	v14 =	vor.u32 s11, v2;
	v10 =	vld [tilespmem:s8+$0x0];
	v15 =	vnsel vm1, $0x0, v15;
	s8 =	sadd.s32 $0x80, s8;
	[tilespmem:s10+$0xFFFFFFD0] =	vst v19  }
0x250: {  	[tilespmem:s0+$0xFFFFFFC0] =	vst v13  }
0x251: {  	vm1 =	vgt.u32 v12, v3;
	[tilespmem:s0+$0x0] =	vst v15  }
0x252: {  	vm2 =	vgt.u32 v8, v3;
	[tilespmem:s0+$0xFFFFFF90] =	vst v11;
	v2 =	vnsel vm1, $0x0, v4  }
0x253: {  	vm14 =	vgt.u32 v5, v3;
	v63 =	vnsel vm2, $0x0, v6;
	[tilespmem:s0+$0xFFFFFFF0] =	vst v2  }
0x254: {  	vm15 =	vgt.u32 v14, v3;
	[tilespmem:s0+$0xFFFFFFE0] =	vst v63;
	v3 =	vnsel vm14, $0x0, v7  }
0x255: {  	v2 =	vnsel vm0, $0x0, v9;
	[tilespmem:s0+$0xFFFFFFA0] =	vst v3  }
0x256: {  	[tilespmem:s0+$0xFFFFFFB0] =	vst v2;
	v2 =	vnsel vm15, $0x0, v10  }
0x257: {  	[tilespmem:s0+$0xFFFFFFD0] =	vst v2;
	s0 =	simm.s32 $0x8200  }
.LBB2_36:
0x258: {  	s5 =	rddreg [dreg:$0x1]  }
0x259: {  	s7 =	sshll.u32 s30, $0xD;
	s5 =	sadd.s32 s5, s24  }
0x25a: {  	p1 =	seq.s32 s3, $0x3F;
	s7 =	sadd.s32 s7, s5  }
0x25b: {  	[hbm4b:s7+s6] =	stream.linear.scatter [tilespmem:s0], [sflag:$0x3], $0x4000, $0x38;
	[tilespmem:$0x14200] =	vst v63  }
0x25c: {  	s0 =	sadd.s32 @!p1 $0x40, s4  }
0x25d: {  	s7 =	sshrl.u32 @!p1 s0, $0xA  }
0x25e: {  	s0 =	sand.u32 @!p1 $0x3C0, s0;
	s8 =	sshll.u32 @!p1 s7, $0x8  }
0x25f: {  	s0 =	sor.u32 @!p1 s1, s0;
	s8 =	sadd.s32 @!p1 $0x100, s8  }
0x260: {  	p2 =	sge.u32 @!p1 s0, s8  }
0x261: {  	p2 =	por p1, p2  }
.Ltmp20:
0x262: {  	_ = 	snop;
	(pc) =	sbr.rel @p2 .LBB2_38-.Ltmp20, $1  }
0x263: {  	_ =	sdelay $0x3  }
0x264: {  	s8 =	sshll.u32 s0, $0x3  }
0x265: {  	s9 =	sadd.s32 $0xFFFFFFFF, s8  }
0x266: {  	s9 =	smul.u32 s8, s9;
	_ =	sdelay $0x1  }
0x267: {  	s10 =	smul.u32 $0xFFF8, s0;
	s9 =	sshra.s32 s9, $0x1  }
0x268: {  	s7 =	sshll.u32 s7, $0xB;
	s9 =	sadd.s32 s8, s9  }
0x269: {  	s10 =	sadd.s32 s7, s10;
	s9 =	sxor.u32 $0xFFFFFFFF, s9  }
0x26a: {  	s9 =	sadd.s32 s9, s10  }
0x26b: {  	s10 =	sshra.s32 s9, $0x1F  }
0x26c: {  	s10 =	sshrl.u32 s10, $0x1D  }
0x26d: {  	p2 =	slt.s32 s9, $0x1;
	s10 =	sadd.s32 s10, s9;
	s9 =	simm.s32 $0x1  }
0x26e: {  	s10 =	sshrl.u32 s10, $0x3;
	s9 =	simm.s32 @!p2 $0x0  }
0x26f: {  	s9 =	ssub.s32 s10, s9  }
0x270: {  	s9 =	sshll.u32 s9, $0x3  }
0x271: {  	p2 =	sgt.s32 s9, $0x0  }
0x272: {  	s21 =	sor.u32 $0x1, s8;
	s9 =	simm.s32 @!p2 $0x0  }
0x273: {  	s11 =	smul.u32 s8, s21;
	s9 =	smin.u32 s9, $0x1FFE7F0  }
0x274: {  	s9 =	sshrl.u32 s9, $0x3  }
0x275: {  	s12 =	simm.s32 $0x8;
	s13 =	sshrl.u32 s11, $0x1;
	s9 =	sadd.s32 s2, s9  }
0x276: {  	[tilespmem:s12], [sflag:$0x1] =	stream.linear.gather [hbm4b:s9+s6], $0x810, $0x38;
	[tilespmem:$0x14200] =	vst v63  }
0x277: {  	s14 =	smul.u32 $0x1FFF, s21;
	s9 =	sadd.s32 s21, s13  }
0x278: {  	s9 =	sxor.u32 $0xFFFFFFFF, s9  }
0x279: {  	s9 =	sadd.s32 s9, s14  }
0x27a: {  	s11 =	sadd.s32 s7, s9;
	s9 =	sand.u32 $0x5, s9  }
0x27b: {  	s15 =	sshra.s32 s11, $0x1F;
	p6 =	slt.s32 s11, $0x1;
	p3 =	sne.s32 s9, $0x0  }
0x27c: {  	s16 =	sshrl.u32 s15, $0x1D;
	p2 =	por !p6, !p3  }
0x27d: {  	s9 =	sadd.s32 s16, s11;
	p2 =	por !p2, !p2;
	s11 =	simm.s32 $0x1  }
0x27e: {  	s9 =	sshrl.u32 s9, $0x3;
	s11 =	simm.s32 @!p2 $0x0  }
0x27f: {  	s9 =	ssub.s32 s9, s11  }
0x280: {  	s9 =	sshll.u32 s9, $0x3  }
0x281: {  	p2 =	sgt.s32 s9, $0x0  }
0x282: {  	s17 =	sor.u32 $0x2, s8;
	s9 =	simm.s32 @!p2 $0x0  }
0x283: {  	s10 =	smul.u32 s21, s17;
	s9 =	smin.u32 s9, $0x1FFE7F0  }
0x284: {  	s9 =	sshrl.u32 s9, $0x3  }
0x285: {  	s18 =	simm.s32 $0x828;
	s19 =	sshrl.u32 s10, $0x1;
	s9 =	sadd.s32 s2, s9  }
0x286: {  	[tilespmem:s18], [sflag:$0x1] =	stream.linear.gather [hbm4b:s9+s6], $0x810, $0x38;
	[tilespmem:$0x14200] =	vst v63  }
0x287: {  	s20 =	smul.u32 $0x1FFF, s17;
	s9 =	sadd.s32 s17, s19  }
0x288: {  	s9 =	sxor.u32 $0xFFFFFFFF, s9  }
0x289: {  	s9 =	sadd.s32 s9, s20  }
0x28a: {  	s10 =	sadd.s32 s7, s9;
	s9 =	sand.u32 $0x7, s9  }
0x28b: {  	s21 =	sshra.s32 s10, $0x1F;
	p3 =	slt.s32 s10, $0x1;
	p4 =	sne.s32 s9, $0x0  }
0x28c: {  	s13 =	sshrl.u32 s21, $0x1D;
	p2 =	por !p3, !p4  }
0x28d: {  	s9 =	sadd.s32 s13, s10;
	p2 =	por !p2, !p2;
	s10 =	simm.s32 $0x1  }
0x28e: {  	s9 =	sshrl.u32 s9, $0x3;
	s10 =	simm.s32 @!p2 $0x0  }
0x28f: {  	s9 =	ssub.s32 s9, s10  }
0x290: {  	s9 =	sshll.u32 s9, $0x3  }
0x291: {  	p2 =	sgt.s32 s9, $0x0  }
0x292: {  	s14 =	sor.u32 $0x3, s8;
	s9 =	simm.s32 @!p2 $0x0  }
0x293: {  	s11 =	smul.u32 s17, s14;
	s9 =	smin.u32 s9, $0x1FFE7F0  }
0x294: {  	s9 =	sshrl.u32 s9, $0x3  }
0x295: {  	s15 =	simm.s32 $0x1048;
	s16 =	sshrl.u32 s11, $0x1;
	s9 =	sadd.s32 s2, s9  }
0x296: {  	[tilespmem:s15], [sflag:$0x1] =	stream.linear.gather [hbm4b:s9+s6], $0x810, $0x38;
	[tilespmem:$0x14200] =	vst v63  }
0x297: {  	s17 =	smul.u32 $0x1FFF, s14;
	s9 =	sadd.s32 s14, s16  }
0x298: {  	s9 =	sxor.u32 $0xFFFFFFFF, s9  }
0x299: {  	s9 =	sadd.s32 s9, s17  }
0x29a: {  	s11 =	sadd.s32 s7, s9;
	s9 =	sand.u32 $0x7, s9  }
0x29b: {  	s18 =	sshra.s32 s11, $0x1F;
	p5 =	slt.s32 s11, $0x1;
	p6 =	sne.s32 s9, $0x0  }
0x29c: {  	s19 =	sshrl.u32 s18, $0x1D;
	p2 =	por !p5, !p6  }
0x29d: {  	s9 =	sadd.s32 s19, s11;
	p2 =	por !p2, !p2;
	s11 =	simm.s32 $0x1  }
0x29e: {  	s9 =	sshrl.u32 s9, $0x3;
	s11 =	simm.s32 @!p2 $0x0  }
0x29f: {  	s9 =	ssub.s32 s9, s11  }
0x2a0: {  	s9 =	sshll.u32 s9, $0x3  }
0x2a1: {  	p2 =	sgt.s32 s9, $0x0  }
0x2a2: {  	s20 =	sor.u32 $0x4, s8;
	s9 =	simm.s32 @!p2 $0x0  }
0x2a3: {  	s10 =	smul.u32 s14, s20;
	s9 =	smin.u32 s9, $0x1FFE7F0  }
0x2a4: {  	s9 =	sshrl.u32 s9, $0x3  }
0x2a5: {  	s21 =	simm.s32 $0x1868;
	s10 =	sshrl.u32 s10, $0x1;
	s9 =	sadd.s32 s2, s9  }
0x2a6: {  	[tilespmem:s21], [sflag:$0x1] =	stream.linear.gather [hbm4b:s9+s6], $0x810, $0x38;
	[tilespmem:$0x14200] =	vst v63  }
0x2a7: {  	s12 =	smul.u32 $0x1FFF, s20;
	s9 =	sadd.s32 s20, s10  }
0x2a8: {  	s9 =	sxor.u32 $0xFFFFFFFF, s9  }
0x2a9: {  	s9 =	sadd.s32 s9, s12  }
0x2aa: {  	s10 =	sadd.s32 s7, s9;
	s9 =	sand.u32 $0x7, s9  }
0x2ab: {  	s13 =	sshra.s32 s10, $0x1F;
	p3 =	slt.s32 s10, $0x1;
	p4 =	sne.s32 s9, $0x0  }
0x2ac: {  	s14 =	sshrl.u32 s13, $0x1D;
	p2 =	por !p3, !p4  }
0x2ad: {  	s9 =	sadd.s32 s14, s10;
	p2 =	por !p2, !p2;
	s10 =	simm.s32 $0x1  }
0x2ae: {  	s9 =	sshrl.u32 s9, $0x3;
	s10 =	simm.s32 @!p2 $0x0  }
0x2af: {  	s9 =	ssub.s32 s9, s10  }
0x2b0: {  	s9 =	sshll.u32 s9, $0x3  }
0x2b1: {  	p2 =	sgt.s32 s9, $0x0  }
0x2b2: {  	s15 =	sor.u32 $0x5, s8;
	s9 =	simm.s32 @!p2 $0x0  }
0x2b3: {  	s11 =	smul.u32 s20, s15;
	s9 =	smin.u32 s9, $0x1FFE7F0  }
0x2b4: {  	s9 =	sshrl.u32 s9, $0x3  }
0x2b5: {  	s16 =	simm.s32 $0x2088;
	s17 =	sshrl.u32 s11, $0x1;
	s9 =	sadd.s32 s2, s9  }
0x2b6: {  	[tilespmem:s16], [sflag:$0x1] =	stream.linear.gather [hbm4b:s9+s6], $0x810, $0x38;
	[tilespmem:$0x14200] =	vst v63  }
0x2b7: {  	s18 =	smul.u32 $0x1FFF, s15;
	s9 =	sadd.s32 s15, s17  }
0x2b8: {  	s9 =	sxor.u32 $0xFFFFFFFF, s9  }
0x2b9: {  	s9 =	sadd.s32 s9, s18  }
0x2ba: {  	s11 =	sadd.s32 s7, s9;
	s9 =	sand.u32 $0x7, s9  }
0x2bb: {  	s19 =	sshra.s32 s11, $0x1F;
	p5 =	slt.s32 s11, $0x1;
	p6 =	sne.s32 s9, $0x0  }
0x2bc: {  	s20 =	sshrl.u32 s19, $0x1D;
	p2 =	por !p5, !p6  }
0x2bd: {  	s9 =	sadd.s32 s20, s11;
	p2 =	por !p2, !p2;
	s11 =	simm.s32 $0x1  }
0x2be: {  	s9 =	sshrl.u32 s9, $0x3;
	s11 =	simm.s32 @!p2 $0x0  }
0x2bf: {  	s9 =	ssub.s32 s9, s11  }
0x2c0: {  	s9 =	sshll.u32 s9, $0x3  }
0x2c1: {  	p2 =	sgt.s32 s9, $0x0  }
0x2c2: {  	s8 =	sor.u32 $0x6, s8;
	s9 =	simm.s32 @!p2 $0x0  }
0x2c3: {  	s10 =	smul.u32 s15, s8;
	s9 =	smin.u32 s9, $0x1FFE7F0  }
0x2c4: {  	s21 =	simm.s32 $0x28A8;
	s13 =	smul.u32 $0x1FFF, s8;
	s9 =	sshrl.u32 s9, $0x3  }
0x2c5: {  	s12 =	sshrl.u32 s10, $0x1;
	s16 =	sshllo.u32 s0, $0x3;
	s9 =	sadd.s32 s2, s9  }
0x2c6: {  	[tilespmem:s21], [sflag:$0x1] =	stream.linear.gather [hbm4b:s9+s6], $0x810, $0x38;
	[tilespmem:$0x14200] =	vst v63  }
0x2c7: {  	s9 =	sadd.s32 s8, s12;
	s8 =	smul.u32 s8, s16  }
0x2c8: {  	s9 =	sxor.u32 $0xFFFFFFFF, s9  }
0x2c9: {  	s18 =	smul.u32 $0x1FFF, s16;
	s9 =	sadd.s32 s9, s13;
	s8 =	sshrl.u32 s8, $0x1  }
0x2ca: {  	s10 =	sadd.s32 s7, s9;
	s9 =	sand.u32 $0x7, s9;
	s0 =	sadd.s32 s16, s8  }
0x2cb: {  	s14 =	sshra.s32 s10, $0x1F;
	p3 =	slt.s32 s10, $0x1;
	p4 =	sne.s32 s9, $0x0  }
0x2cc: {  	s0 =	sxor.u32 $0xFFFFFFFF, s0;
	s15 =	sshrl.u32 s14, $0x1D;
	p2 =	por !p3, !p4  }
0x2cd: {  	s9 =	sadd.s32 s15, s10;
	p2 =	por !p2, !p2;
	s10 =	simm.s32 $0x1  }
0x2ce: {  	s0 =	sadd.s32 s0, s18;
	s9 =	sshrl.u32 s9, $0x3;
	s10 =	simm.s32 @!p2 $0x0  }
0x2cf: {  	s7 =	sadd.s32 s7, s0;
	s0 =	sand.u32 $0x7, s0;
	s9 =	ssub.s32 s9, s10  }
0x2d0: {  	s19 =	sshra.s32 s7, $0x1F;
	p5 =	slt.s32 s7, $0x1;
	s9 =	sshll.u32 s9, $0x3  }
0x2d1: {  	p6 =	sne.s32 s0, $0x0;
	s20 =	sshrl.u32 s19, $0x1D;
	p2 =	sgt.s32 s9, $0x0  }
0x2d2: {  	s0 =	sadd.s32 s20, s7;
	s9 =	simm.s32 @!p2 $0x0;
	p2 =	por !p5, !p6  }
0x2d3: {  	s7 =	simm.s32 $0x1;
	s9 =	smin.u32 s9, $0x1FFE7F0;
	p2 =	por !p2, !p2  }
0x2d4: {  	s0 =	sshrl.u32 s0, $0x3;
	s9 =	sshrl.u32 s9, $0x3;
	s7 =	simm.s32 @!p2 $0x0  }
0x2d5: {  	s17 =	simm.s32 $0x30C8;
	s9 =	sadd.s32 s2, s9;
	s0 =	ssub.s32 s0, s7  }
0x2d6: {  	[tilespmem:s17], [sflag:$0x1] =	stream.linear.gather [hbm4b:s9+s6], $0x810, $0x38;
	[tilespmem:$0x14200] =	vst v63  }
0x2d7: {  	s0 =	sshll.u32 s0, $0x3  }
0x2d8: {  	p2 =	sgt.s32 s0, $0x0  }
0x2d9: {  	s0 =	simm.s32 @!p2 $0x0  }
0x2da: {  	s0 =	smin.u32 s0, $0x1FFE7F0  }
0x2db: {  	s0 =	sshrl.u32 s0, $0x3  }
0x2dc: {  	s21 =	simm.s32 $0x38E8;
	s0 =	sadd.s32 s2, s0  }
0x2dd: {  	[tilespmem:s21], [sflag:$0x1] =	stream.linear.gather [hbm4b:s0+s6], $0x810, $0x38;
	[tilespmem:$0x14200] =	vst v63  }
.LBB2_38:
0x2de: {  	s30 =	sor.u32 $0x20, s30  }
0x2df: {  	s0 =	sshll.u32 s30, $0x3  }
0x2e0: {  	p2 =	sle.u32 s31, s0  }
0x2e1: {  	s7 =	simm.s32 @!p2 $0x2  }
0x2e2: {  	_ =	swait.ge @!p2 [sflag:s7], $0x4080  }
.Ltmp21:
0x2e3: {  	[sflag:s7] =	ssyncset.done @!p2 $0x0;
	(pc) =	sbr.rel @p2 .LBB2_56-.Ltmp21, $4  }
0x2e4: {  	[sflag:s7] =	ssyncadd.s32 @!p2 $0xFFFFBF80;
	s7 =	simm.s32 @!p0 $0x4  }
0x2e5: {  	_ =	swait.ge @!p0 [sflag:s7], $0x4000  }
0x2e6: {  	[sflag:s7] =	ssyncset.done @!p0 $0x0  }
0x2e7: {  	[sflag:s7] =	ssyncadd.s32 @!p0 $0xFFFFC000;
	s7 =	simm.s32 $0x10200  }
0x2e8: {  	s7 =	sadd.s32 $0xFFFFFFFF, s0  }
0x2e9: {  	s7 =	smul.u32 s0, s7;
	_ =	sdelay $0x1  }
0x2ea: {  	s8 =	smul.u32 $0xFFF8, s30;
	s7 =	sshrl.u32 s7, $0x1  }
0x2eb: {  	s19 =	rddreg [dreg:$0x3];
	s7 =	sadd.s32 s0, s7  }
0x2ec: {  	s20 =	sld [smem:$0x7F6];
	s8 =	sadd.s32 s24, s8;
	s7 =	sxor.u32 $0xFFFFFFFF, s7  }
0x2ed: {  	s11 =	sld [smem:$0x7FD];
	s7 =	sadd.s32 s7, s8  }
0x2ee: {  	s12 =	sld [smem:$0x7FC];
	s8 =	sshra.s32 s7, $0x1F  }
0x2ef: {  	s21 =	sld [smem:$0x7FB];
	s8 =	sshrl.u32 s8, $0x1D  }
0x2f0: {  	p0 =	slt.s32 s7, $0x1;
	s8 =	sadd.s32 s8, s7;
	s7 =	simm.s32 $0x1  }
0x2f1: {  	s13 =	sld [smem:$0x7FA];
	s8 =	sshrl.u32 s8, $0x3;
	s7 =	simm.s32 @!p0 $0x0  }
0x2f2: {  	s9 =	sshll.u32 s28, $0x9;
	s14 =	sld [smem:$0x7F9];
	s7 =	ssub.s32 s8, s7  }
0x2f3: {  	s10 =	sor.u32 s29, s19;
	s8 =	sor.u32 s9, s20;
	s7 =	sshll.u32 s7, $0x3  }
0x2f4: {  	s15 =	sld [smem:$0x7F8];
	s8 =	smul.u32 s10, s8;
	p0 =	sgt.s32 s7, $0x0  }
0x2f5: {  	s25 =	sadd.s32 s26, s25;
	s16 =	rddreg [dreg:$0x1b];
	s7 =	simm.s32 @!p0 $0x0  }
0x2f6: {  	s17 =	simm.s32 $0x10;
	s8 =	sshll.u32 s8, $0x2;
	s7 =	smin.u32 s7, $0x1FFE7F0  }
0x2f7: {  	s29 =	sld [smem:$0x7F7];
	s11 =	sor.u32 s9, s11;
	s7 =	sadd.s32 s8, s7  }
0x2f8: {  	s12 =	sor.u32 s9, s12;
	s14 =	sor.u32 s9, s14;
	s7 =	sshll.u32 s7, $0x2  }
0x2f9: {  	s15 =	sor.u32 s9, s15;
	s11 =	smul.u32 s12, s11;
	s7 =	ssub.s32 s25, s7  }
0x2fa: {  	s28 =	smul.u32 s15, s14;
	s8 =	sor.u32 s9, s21;
	s7 =	sshra.s32 s7, $0x2  }
0x2fb: {  	v2 =	vor.u32 s24, v1;
	s13 =	sor.u32 s9, s13;
	s12 =	smul.u32 s8, s12;
	s16 =	sadd.s32 s7, s16  }
0x2fc: {  	s19 =	simm.s32 $0x0;
	v5 =	vor.u32 s17, v2;
	s17 =	simm.s32 $0xC640;
	s8 =	smul.u32 s13, s8;
	v9 =	vld [tilespmem:s16+$0xFFFFFFF0]  }
0x2fd: {  	s26 =	sshrl.u32 s11, $0x1;
	s9 =	sor.u32 s9, s29;
	s13 =	smul.u32 s14, s13;
	v10 =	vld [tilespmem:s16+$0xFFFFFFC0]  }
0x2fe: {  	s20 =	simm.s32 $0x70;
	s31 =	smul.u32 s9, s15;
	s15 =	simm.s32 $0x30;
	v15 =	vld [tilespmem:s16+$0x30]  }
0x2ff: {  	v3 =	vmov s0;
	v7 =	vor.u32 s19, v2;
	s21 =	simm.s32 $0x50;
	s29 =	simm.s32 $0x20;
	s18 =	smul.u32 s10, s9;
	v6 =	vor.u32 s15, v2;
	v4 =	vld [tilespmem:s16+$0x20]  }
0x300: {  	vm1 =	vgt.u32 v7, v3;
	v14 =	vor.u32 s20, v2;
	s10 =	sshrl.u32 s28, $0x1;
	s28 =	simm.s32 $0x60;
	s15 =	simm.s32 $0x80;
	vm0 =	vgt.u32 v6, v3;
	v6 =	vld [tilespmem:s16+$0x10]  }
0x301: {  	v8 =	vor.u32 s21, v2;
	v12 =	vor.u32 s28, v2;
	s8 =	sshrl.u32 s8, $0x1;
	s9 =	sshrl.u32 s13, $0x1;
	s11 =	sshrl.u32 s31, $0x1;
	v7 =	vld [tilespmem:s16+$0xFFFFFFD0];
	v13 =	vnsel vm0, $0x0, v9  }
0x302: {  	s14 =	sshll.u32 s18, $0x2;
	s13 =	simm.s32 $0xC240;
	s31 =	simm.s32 $0x40;
	v11 =	vnsel vm1, $0x0, v10;
	v10 =	vld [tilespmem:s16+$0xFFFFFFE0];
	v9 =	vor.u32 s29, v2;
	vm1 =	vgt.u32 v14, v3  }
0x303: {  	s7 =	sshrl.u32 s12, $0x1;
	s12 =	simm.s32 $0x0;
	v14 =	vor.u32 s31, v2;
	vm0 =	vgt.u32 v9, v3;
	v9 =	vld [tilespmem:s16+$0x0];
	v15 =	vnsel vm1, $0x0, v15;
	s16 =	sadd.s32 $0x80, s16  }
.LBB2_40:
0x304: {  	s18 =	sadd.s32 $0x30, s15;
	v16 =	vld [tilespmem:s16+$0xFFFFFFF0];
	s19 =	sadd.s32 $0x70, s15;
	s12 =	sadd.s32 $0x8, s12;
	[tilespmem:s13+$0xFFFFFFF0] =	vst v13;
	vm1 =	vgt.u32 v14, v3;
	vm2 =	vgt.u32 v8, v3;
	vm3 =	vgt.u32 v12, v3  }
0x305: {  	vm4 =	vgt.u32 v5, v3;
	v14 =	vld [tilespmem:s16+$0xFFFFFFC0];
	v12 =	vor.u32 s18, v2;
	v17 =	vor.u32 s19, v2;
	p0 =	slt.u32 s12, $0x78;
	[tilespmem:s13+$0x30] =	vst v15;
	s18 =	smov.u32 s13;
	s13 =	smov.u32 s17  }
0x306: {  	s20 =	sadd.s32 $0x50, s15;
	s19 =	sadd.s32 $0x10, s15;
	v15 =	vld [tilespmem:s16+$0x30];
	[tilespmem:s18+$0xFFFFFFC0] =	vst v11;
	v18 =	vnsel vm4, $0x0, v7;
	v7 =	vnsel vm2, $0x0, v6;
	v6 =	vnsel vm3, $0x0, v4  }
.Ltmp22:
0x307: {  	v8 =	vor.u32 s20, v2;
	v5 =	vor.u32 s19, v2;
	v4 =	vld [tilespmem:s16+$0x20];
	v10 =	vnsel vm0, $0x0, v10;
	[tilespmem:s18+$0x20] =	vst v6;
	(pc) =	sbr.rel @p0 .LBB2_40-.Ltmp22, $4  }
0x308: {  	v11 =	vor.u32 s15, v2;
	s19 =	sadd.s32 $0x60, s15;
	vm0 =	vgt.u32 v12, v3;
	v6 =	vld [tilespmem:s16+$0x10];
	v19 =	vnsel vm1, $0x0, v9;
	[tilespmem:s18+$0x10] =	vst v7  }
0x309: {  	s20 =	sadd.s32 $0x20, s15;
	v12 =	vor.u32 s19, v2;
	vm1 =	vgt.u32 v11, v3;
	v7 =	vld [tilespmem:s16+$0xFFFFFFD0];
	v13 =	vnsel vm0, $0x0, v16;
	[tilespmem:s18+$0xFFFFFFE0] =	vst v10  }
0x30a: {  	s19 =	sadd.s32 $0x40, s15;
	v9 =	vor.u32 s20, v2;
	v11 =	vnsel vm1, $0x0, v14;
	v10 =	vld [tilespmem:s16+$0xFFFFFFE0];
	vm1 =	vgt.u32 v17, v3;
	[tilespmem:s18+$0xFFFFFFD0] =	vst v18  }
0x30b: {  	s17 =	sadd.s32 $0x400, s17;
	s15 =	sadd.s32 $0x80, s15;
	vm0 =	vgt.u32 v9, v3;
	v14 =	vor.u32 s19, v2;
	v9 =	vld [tilespmem:s16+$0x0];
	v15 =	vnsel vm1, $0x0, v15;
	s16 =	sadd.s32 $0x80, s16;
	[tilespmem:s18+$0x0] =	vst v19  }
0x30c: {  	s12 =	sor.u32 $0x1, s0  }
0x30d: {  	s15 =	smul.u32 s0, s12;
	_ =	sdelay $0x1  }
0x30e: {  	s15 =	sshrl.u32 s15, $0x1  }
0x30f: {  	s16 =	smul.u32 $0x1FFF, s12;
	s15 =	sadd.s32 s12, s15  }
0x310: {  	s15 =	sxor.u32 $0xFFFFFFFF, s15  }
0x311: {  	s15 =	sadd.s32 s15, s16  }
0x312: {  	s16 =	sadd.s32 s24, s15;
	s15 =	sand.u32 $0x7, s15  }
0x313: {  	s17 =	sshra.s32 s16, $0x1F;
	p0 =	slt.s32 s16, $0x1;
	p2 =	sne.s32 s15, $0x0  }
0x314: {  	s31 =	sshrl.u32 s17, $0x1D;
	p0 =	por !p0, !p2  }
0x315: {  	s15 =	sadd.s32 s31, s16;
	p0 =	por !p0, !p0;
	s16 =	simm.s32 $0x1  }
0x316: {  	s15 =	sshrl.u32 s15, $0x3;
	s16 =	simm.s32 @!p0 $0x0  }
0x317: {  	[tilespmem:s13+$0xFFFFFFF0] =	vst v13;
	s15 =	ssub.s32 s15, s16  }
0x318: {  	vm1 =	vgt.u32 v12, v3;
	[tilespmem:s13+$0x30] =	vst v15;
	s15 =	sshll.u32 s15, $0x3  }
0x319: {  	vm2 =	vgt.u32 v8, v3;
	[tilespmem:s13+$0xFFFFFFC0] =	vst v11;
	v4 =	vnsel vm1, $0x0, v4;
	p0 =	sgt.s32 s15, $0x0  }
0x31a: {  	v6 =	vnsel vm2, $0x0, v6;
	[tilespmem:s13+$0x20] =	vst v4;
	s15 =	simm.s32 @!p0 $0x0  }
0x31b: {  	vm1 =	vgt.u32 v5, v3;
	[tilespmem:s13+$0x10] =	vst v6;
	v4 =	vnsel vm0, $0x0, v10;
	s15 =	smin.u32 s15, $0x1FFE7F0  }
0x31c: {  	vm0 =	vgt.u32 v14, v3;
	v3 =	vnsel vm1, $0x0, v7;
	[tilespmem:s13+$0xFFFFFFE0] =	vst v4;
	s14 =	sadd.s32 s14, s15  }
0x31d: {  	v4 =	vnsel vm0, $0x0, v9;
	[tilespmem:s13+$0xFFFFFFD0] =	vst v3;
	s14 =	sshll.u32 s14, $0x2  }
0x31e: {  	[tilespmem:s13+$0x0] =	vst v4;
	s14 =	ssub.s32 s25, s14  }
0x31f: {  	s13 =	rddreg [dreg:$0x1c];
	s14 =	sshra.s32 s14, $0x2  }
0x320: {  	s16 =	sadd.s32 s14, s13  }
0x321: {  	v9 =	vld [tilespmem:s16+$0xFFFFFFF0]  }
0x322: {  	s19 =	simm.s32 $0x10;
	v10 =	vld [tilespmem:s16+$0xFFFFFFC0]  }
0x323: {  	s21 =	simm.s32 $0x50;
	v5 =	vor.u32 s19, v2;
	s17 =	simm.s32 $0x30;
	v15 =	vld [tilespmem:s16+$0x30]  }
0x324: {  	s20 =	simm.s32 $0x0;
	s28 =	simm.s32 $0x60;
	v8 =	vor.u32 s21, v2;
	v3 =	vmov s12;
	v6 =	vor.u32 s17, v2;
	v4 =	vld [tilespmem:s16+$0x20]  }
0x325: {  	s18 =	simm.s32 $0x70;
	v12 =	vor.u32 s28, v2;
	v7 =	vor.u32 s20, v2;
	vm0 =	vgt.u32 v6, v3;
	v6 =	vld [tilespmem:s16+$0x10]  }
0x326: {  	s29 =	simm.s32 $0x20;
	v14 =	vor.u32 s18, v2;
	vm1 =	vgt.u32 v7, v3;
	v7 =	vld [tilespmem:s16+$0xFFFFFFD0];
	v13 =	vnsel vm0, $0x0, v9  }
0x327: {  	s31 =	simm.s32 $0x40;
	s17 =	simm.s32 $0xC6F0;
	s15 =	simm.s32 $0x80;
	v11 =	vnsel vm1, $0x0, v10;
	v10 =	vld [tilespmem:s16+$0xFFFFFFE0];
	v9 =	vor.u32 s29, v2;
	vm1 =	vgt.u32 v14, v3  }
0x328: {  	s14 =	simm.s32 $0xC2F0;
	s13 =	simm.s32 $0x0;
	v14 =	vor.u32 s31, v2;
	vm0 =	vgt.u32 v9, v3;
	v9 =	vld [tilespmem:s16+$0x0];
	v15 =	vnsel vm1, $0x0, v15;
	s16 =	sadd.s32 $0x80, s16  }
.LBB2_42:
0x329: {  	s18 =	sadd.s32 $0x30, s15;
	v16 =	vld [tilespmem:s16+$0xFFFFFFF0];
	s19 =	sadd.s32 $0x70, s15;
	s13 =	sadd.s32 $0x8, s13;
	[tilespmem:s14+$0xFFFFFFC0] =	vst v13;
	vm1 =	vgt.u32 v14, v3;
	vm2 =	vgt.u32 v8, v3;
	vm3 =	vgt.u32 v12, v3  }
0x32a: {  	vm4 =	vgt.u32 v5, v3;
	v14 =	vld [tilespmem:s16+$0xFFFFFFC0];
	v12 =	vor.u32 s18, v2;
	v17 =	vor.u32 s19, v2;
	p0 =	slt.u32 s13, $0x78;
	[tilespmem:s14+$0x0] =	vst v15;
	s18 =	smov.u32 s14;
	s14 =	smov.u32 s17  }
0x32b: {  	s20 =	sadd.s32 $0x50, s15;
	s19 =	sadd.s32 $0x10, s15;
	v15 =	vld [tilespmem:s16+$0x30];
	[tilespmem:s18+$0xFFFFFF90] =	vst v11;
	v18 =	vnsel vm4, $0x0, v7;
	v7 =	vnsel vm2, $0x0, v6;
	v6 =	vnsel vm3, $0x0, v4  }
.Ltmp23:
0x32c: {  	v8 =	vor.u32 s20, v2;
	v5 =	vor.u32 s19, v2;
	v4 =	vld [tilespmem:s16+$0x20];
	v10 =	vnsel vm0, $0x0, v10;
	[tilespmem:s18+$0xFFFFFFF0] =	vst v6;
	(pc) =	sbr.rel @p0 .LBB2_42-.Ltmp23, $4  }
0x32d: {  	v11 =	vor.u32 s15, v2;
	s19 =	sadd.s32 $0x60, s15;
	vm0 =	vgt.u32 v12, v3;
	v6 =	vld [tilespmem:s16+$0x10];
	v19 =	vnsel vm1, $0x0, v9;
	[tilespmem:s18+$0xFFFFFFE0] =	vst v7  }
0x32e: {  	s20 =	sadd.s32 $0x20, s15;
	v12 =	vor.u32 s19, v2;
	vm1 =	vgt.u32 v11, v3;
	v7 =	vld [tilespmem:s16+$0xFFFFFFD0];
	v13 =	vnsel vm0, $0x0, v16;
	[tilespmem:s18+$0xFFFFFFB0] =	vst v10  }
0x32f: {  	s19 =	sadd.s32 $0x40, s15;
	v9 =	vor.u32 s20, v2;
	v11 =	vnsel vm1, $0x0, v14;
	v10 =	vld [tilespmem:s16+$0xFFFFFFE0];
	vm1 =	vgt.u32 v17, v3;
	[tilespmem:s18+$0xFFFFFFA0] =	vst v18  }
0x330: {  	s17 =	sadd.s32 $0x400, s17;
	s15 =	sadd.s32 $0x80, s15;
	vm0 =	vgt.u32 v9, v3;
	v14 =	vor.u32 s19, v2;
	v9 =	vld [tilespmem:s16+$0x0];
	v15 =	vnsel vm1, $0x0, v15;
	s16 =	sadd.s32 $0x80, s16;
	[tilespmem:s18+$0xFFFFFFD0] =	vst v19  }
0x331: {  	s13 =	sor.u32 $0x2, s0  }
0x332: {  	s12 =	smul.u32 s12, s13;
	_ =	sdelay $0x1  }
0x333: {  	s12 =	sshrl.u32 s12, $0x1  }
0x334: {  	s15 =	smul.u32 $0x1FFF, s13;
	s12 =	sadd.s32 s13, s12  }
0x335: {  	s12 =	sxor.u32 $0xFFFFFFFF, s12  }
0x336: {  	s12 =	sadd.s32 s12, s15  }
0x337: {  	s15 =	sadd.s32 s24, s12;
	s12 =	sand.u32 $0x7, s12  }
0x338: {  	s16 =	sshra.s32 s15, $0x1F;
	p0 =	slt.s32 s15, $0x1;
	p2 =	sne.s32 s12, $0x0  }
0x339: {  	s31 =	sshrl.u32 s16, $0x1D;
	p0 =	por !p0, !p2  }
0x33a: {  	s12 =	sadd.s32 s31, s15;
	p0 =	por !p0, !p0;
	s15 =	simm.s32 $0x1  }
0x33b: {  	s12 =	sshrl.u32 s12, $0x3;
	s15 =	simm.s32 @!p0 $0x0  }
0x33c: {  	[tilespmem:s14+$0xFFFFFFC0] =	vst v13;
	s12 =	ssub.s32 s12, s15  }
0x33d: {  	vm1 =	vgt.u32 v12, v3;
	[tilespmem:s14+$0x0] =	vst v15;
	s12 =	sshll.u32 s12, $0x3  }
0x33e: {  	vm2 =	vgt.u32 v8, v3;
	[tilespmem:s14+$0xFFFFFF90] =	vst v11;
	v4 =	vnsel vm1, $0x0, v4;
	p0 =	sgt.s32 s12, $0x0  }
0x33f: {  	v6 =	vnsel vm2, $0x0, v6;
	[tilespmem:s14+$0xFFFFFFF0] =	vst v4;
	s12 =	simm.s32 @!p0 $0x0  }
0x340: {  	vm1 =	vgt.u32 v5, v3;
	[tilespmem:s14+$0xFFFFFFE0] =	vst v6;
	v4 =	vnsel vm0, $0x0, v10;
	s12 =	smin.u32 s12, $0x1FFE7F0  }
0x341: {  	vm0 =	vgt.u32 v14, v3;
	v3 =	vnsel vm1, $0x0, v7;
	[tilespmem:s14+$0xFFFFFFB0] =	vst v4;
	s11 =	sadd.s32 s11, s12  }
0x342: {  	v4 =	vnsel vm0, $0x0, v9;
	[tilespmem:s14+$0xFFFFFFA0] =	vst v3;
	s11 =	sshll.u32 s11, $0x2  }
0x343: {  	[tilespmem:s14+$0xFFFFFFD0] =	vst v4;
	s11 =	ssub.s32 s25, s11  }
0x344: {  	s16 =	rddreg [dreg:$0x1e];
	s11 =	sshra.s32 s11, $0x2  }
0x345: {  	s15 =	sadd.s32 s11, s16  }
0x346: {  	v9 =	vld [tilespmem:s15+$0xFFFFFFF0]  }
0x347: {  	s19 =	simm.s32 $0x10;
	v10 =	vld [tilespmem:s15+$0xFFFFFFC0]  }
0x348: {  	s17 =	simm.s32 $0x30;
	s21 =	simm.s32 $0x50;
	v5 =	vor.u32 s19, v2;
	v15 =	vld [tilespmem:s15+$0x30]  }
0x349: {  	s20 =	simm.s32 $0x0;
	s28 =	simm.s32 $0x60;
	v8 =	vor.u32 s21, v2;
	v6 =	vor.u32 s17, v2;
	v3 =	vmov s13;
	v4 =	vld [tilespmem:s15+$0x20]  }
0x34a: {  	s18 =	simm.s32 $0x70;
	v12 =	vor.u32 s28, v2;
	v7 =	vor.u32 s20, v2;
	vm0 =	vgt.u32 v6, v3;
	v6 =	vld [tilespmem:s15+$0x10]  }
0x34b: {  	s29 =	simm.s32 $0x20;
	v14 =	vor.u32 s18, v2;
	vm1 =	vgt.u32 v7, v3;
	v7 =	vld [tilespmem:s15+$0xFFFFFFD0];
	v13 =	vnsel vm0, $0x0, v9  }
0x34c: {  	s14 =	simm.s32 $0x80;
	s31 =	simm.s32 $0x40;
	s12 =	simm.s32 $0xC370;
	v11 =	vnsel vm1, $0x0, v10;
	v10 =	vld [tilespmem:s15+$0xFFFFFFE0];
	v9 =	vor.u32 s29, v2;
	vm1 =	vgt.u32 v14, v3  }
0x34d: {  	s11 =	simm.s32 $0x0;
	s16 =	simm.s32 $0xC770;
	v14 =	vor.u32 s31, v2;
	vm0 =	vgt.u32 v9, v3;
	v9 =	vld [tilespmem:s15+$0x0];
	v15 =	vnsel vm1, $0x0, v15;
	s15 =	sadd.s32 $0x80, s15  }
.LBB2_44:
0x34e: {  	s17 =	sadd.s32 $0x30, s14;
	v16 =	vld [tilespmem:s15+$0xFFFFFFF0];
	s18 =	sadd.s32 $0x70, s14;
	s11 =	sadd.s32 $0x8, s11;
	[tilespmem:s12+$0xFFFFFFC0] =	vst v13;
	vm1 =	vgt.u32 v14, v3;
	vm2 =	vgt.u32 v8, v3;
	vm3 =	vgt.u32 v12, v3  }
0x34f: {  	vm4 =	vgt.u32 v5, v3;
	v14 =	vld [tilespmem:s15+$0xFFFFFFC0];
	v12 =	vor.u32 s17, v2;
	v17 =	vor.u32 s18, v2;
	p0 =	slt.u32 s11, $0x78;
	[tilespmem:s12+$0x0] =	vst v15;
	s17 =	smov.u32 s12;
	s12 =	smov.u32 s16  }
0x350: {  	s19 =	sadd.s32 $0x50, s14;
	s18 =	sadd.s32 $0x10, s14;
	v15 =	vld [tilespmem:s15+$0x30];
	[tilespmem:s17+$0xFFFFFF90] =	vst v11;
	v18 =	vnsel vm4, $0x0, v7;
	v7 =	vnsel vm2, $0x0, v6;
	v6 =	vnsel vm3, $0x0, v4  }
.Ltmp24:
0x351: {  	v8 =	vor.u32 s19, v2;
	v5 =	vor.u32 s18, v2;
	v4 =	vld [tilespmem:s15+$0x20];
	v10 =	vnsel vm0, $0x0, v10;
	[tilespmem:s17+$0xFFFFFFF0] =	vst v6;
	(pc) =	sbr.rel @p0 .LBB2_44-.Ltmp24, $4  }
0x352: {  	v11 =	vor.u32 s14, v2;
	s18 =	sadd.s32 $0x60, s14;
	vm0 =	vgt.u32 v12, v3;
	v6 =	vld [tilespmem:s15+$0x10];
	v19 =	vnsel vm1, $0x0, v9;
	[tilespmem:s17+$0xFFFFFFE0] =	vst v7  }
0x353: {  	s19 =	sadd.s32 $0x20, s14;
	v12 =	vor.u32 s18, v2;
	vm1 =	vgt.u32 v11, v3;
	v7 =	vld [tilespmem:s15+$0xFFFFFFD0];
	v13 =	vnsel vm0, $0x0, v16;
	[tilespmem:s17+$0xFFFFFFB0] =	vst v10  }
0x354: {  	s18 =	sadd.s32 $0x40, s14;
	v9 =	vor.u32 s19, v2;
	v11 =	vnsel vm1, $0x0, v14;
	v10 =	vld [tilespmem:s15+$0xFFFFFFE0];
	vm1 =	vgt.u32 v17, v3;
	[tilespmem:s17+$0xFFFFFFA0] =	vst v18  }
0x355: {  	s16 =	sadd.s32 $0x400, s16;
	s14 =	sadd.s32 $0x80, s14;
	vm0 =	vgt.u32 v9, v3;
	v14 =	vor.u32 s18, v2;
	v9 =	vld [tilespmem:s15+$0x0];
	v15 =	vnsel vm1, $0x0, v15;
	s15 =	sadd.s32 $0x80, s15;
	[tilespmem:s17+$0xFFFFFFD0] =	vst v19  }
0x356: {  	s11 =	sor.u32 $0x3, s0  }
0x357: {  	s13 =	smul.u32 s13, s11;
	_ =	sdelay $0x1  }
0x358: {  	s13 =	sshrl.u32 s13, $0x1  }
0x359: {  	s14 =	smul.u32 $0x1FFF, s11;
	s13 =	sadd.s32 s11, s13  }
0x35a: {  	s13 =	sxor.u32 $0xFFFFFFFF, s13  }
0x35b: {  	s13 =	sadd.s32 s13, s14  }
0x35c: {  	s14 =	sadd.s32 s24, s13;
	s13 =	sand.u32 $0x7, s13  }
0x35d: {  	s15 =	sshra.s32 s14, $0x1F;
	p0 =	slt.s32 s14, $0x1;
	p2 =	sne.s32 s13, $0x0  }
0x35e: {  	s15 =	sshrl.u32 s15, $0x1D;
	p0 =	por !p0, !p2  }
0x35f: {  	s13 =	sadd.s32 s15, s14;
	p0 =	por !p0, !p0;
	s14 =	simm.s32 $0x1  }
0x360: {  	s13 =	sshrl.u32 s13, $0x3;
	s14 =	simm.s32 @!p0 $0x0  }
0x361: {  	[tilespmem:s12+$0xFFFFFFC0] =	vst v13;
	s13 =	ssub.s32 s13, s14  }
0x362: {  	vm1 =	vgt.u32 v12, v3;
	[tilespmem:s12+$0x0] =	vst v15;
	s13 =	sshll.u32 s13, $0x3  }
0x363: {  	vm2 =	vgt.u32 v8, v3;
	[tilespmem:s12+$0xFFFFFF90] =	vst v11;
	v4 =	vnsel vm1, $0x0, v4;
	p0 =	sgt.s32 s13, $0x0  }
0x364: {  	v6 =	vnsel vm2, $0x0, v6;
	[tilespmem:s12+$0xFFFFFFF0] =	vst v4;
	s13 =	simm.s32 @!p0 $0x0  }
0x365: {  	vm1 =	vgt.u32 v5, v3;
	[tilespmem:s12+$0xFFFFFFE0] =	vst v6;
	v4 =	vnsel vm0, $0x0, v10;
	s13 =	smin.u32 s13, $0x1FFE7F0  }
0x366: {  	vm0 =	vgt.u32 v14, v3;
	v3 =	vnsel vm1, $0x0, v7;
	[tilespmem:s12+$0xFFFFFFB0] =	vst v4;
	s10 =	sadd.s32 s10, s13  }
0x367: {  	v4 =	vnsel vm0, $0x0, v9;
	[tilespmem:s12+$0xFFFFFFA0] =	vst v3;
	s10 =	sshll.u32 s10, $0x2  }
0x368: {  	[tilespmem:s12+$0xFFFFFFD0] =	vst v4;
	s10 =	ssub.s32 s25, s10  }
0x369: {  	s12 =	rddreg [dreg:$0x1f];
	s10 =	sshra.s32 s10, $0x2  }
0x36a: {  	s16 =	sadd.s32 s10, s12  }
0x36b: {  	v9 =	vld [tilespmem:s16+$0xFFFFFFF0]  }
0x36c: {  	s19 =	simm.s32 $0x10;
	v10 =	vld [tilespmem:s16+$0xFFFFFFC0]  }
0x36d: {  	s17 =	simm.s32 $0x30;
	s21 =	simm.s32 $0x50;
	v5 =	vor.u32 s19, v2;
	v15 =	vld [tilespmem:s16+$0x30]  }
0x36e: {  	s20 =	simm.s32 $0x0;
	s28 =	simm.s32 $0x60;
	v8 =	vor.u32 s21, v2;
	v6 =	vor.u32 s17, v2;
	v3 =	vmov s11;
	v4 =	vld [tilespmem:s16+$0x20]  }
0x36f: {  	s18 =	simm.s32 $0x70;
	v12 =	vor.u32 s28, v2;
	v7 =	vor.u32 s20, v2;
	vm0 =	vgt.u32 v6, v3;
	v6 =	vld [tilespmem:s16+$0x10]  }
0x370: {  	s29 =	simm.s32 $0x20;
	v14 =	vor.u32 s18, v2;
	vm1 =	vgt.u32 v7, v3;
	v7 =	vld [tilespmem:s16+$0xFFFFFFD0];
	v13 =	vnsel vm0, $0x0, v9  }
0x371: {  	s31 =	simm.s32 $0x40;
	s15 =	simm.s32 $0xC7F0;
	s13 =	simm.s32 $0x80;
	v11 =	vnsel vm1, $0x0, v10;
	v10 =	vld [tilespmem:s16+$0xFFFFFFE0];
	v9 =	vor.u32 s29, v2;
	vm1 =	vgt.u32 v14, v3  }
0x372: {  	s12 =	simm.s32 $0xC3F0;
	s10 =	simm.s32 $0x0;
	s14 =	sadd.s32 $0x80, s16;
	v14 =	vor.u32 s31, v2;
	vm0 =	vgt.u32 v9, v3;
	v9 =	vld [tilespmem:s16+$0x0];
	v15 =	vnsel vm1, $0x0, v15  }
.LBB2_46:
0x373: {  	s16 =	sadd.s32 $0x30, s13;
	v16 =	vld [tilespmem:s14+$0xFFFFFFF0];
	s17 =	sadd.s32 $0x70, s13;
	s10 =	sadd.s32 $0x8, s10;
	[tilespmem:s12+$0xFFFFFFC0] =	vst v13;
	vm1 =	vgt.u32 v14, v3;
	vm2 =	vgt.u32 v8, v3;
	vm3 =	vgt.u32 v12, v3  }
0x374: {  	vm4 =	vgt.u32 v5, v3;
	v14 =	vld [tilespmem:s14+$0xFFFFFFC0];
	v12 =	vor.u32 s16, v2;
	v17 =	vor.u32 s17, v2;
	p0 =	slt.u32 s10, $0x78;
	[tilespmem:s12+$0x0] =	vst v15;
	s16 =	smov.u32 s12;
	s12 =	smov.u32 s15  }
0x375: {  	s18 =	sadd.s32 $0x50, s13;
	s17 =	sadd.s32 $0x10, s13;
	v15 =	vld [tilespmem:s14+$0x30];
	[tilespmem:s16+$0xFFFFFF90] =	vst v11;
	v18 =	vnsel vm4, $0x0, v7;
	v7 =	vnsel vm2, $0x0, v6;
	v6 =	vnsel vm3, $0x0, v4  }
.Ltmp25:
0x376: {  	v8 =	vor.u32 s18, v2;
	v5 =	vor.u32 s17, v2;
	v4 =	vld [tilespmem:s14+$0x20];
	v10 =	vnsel vm0, $0x0, v10;
	[tilespmem:s16+$0xFFFFFFF0] =	vst v6;
	(pc) =	sbr.rel @p0 .LBB2_46-.Ltmp25, $4  }
0x377: {  	v11 =	vor.u32 s13, v2;
	s17 =	sadd.s32 $0x60, s13;
	vm0 =	vgt.u32 v12, v3;
	v6 =	vld [tilespmem:s14+$0x10];
	v19 =	vnsel vm1, $0x0, v9;
	[tilespmem:s16+$0xFFFFFFE0] =	vst v7  }
0x378: {  	s18 =	sadd.s32 $0x20, s13;
	v12 =	vor.u32 s17, v2;
	vm1 =	vgt.u32 v11, v3;
	v7 =	vld [tilespmem:s14+$0xFFFFFFD0];
	v13 =	vnsel vm0, $0x0, v16;
	[tilespmem:s16+$0xFFFFFFB0] =	vst v10  }
0x379: {  	s17 =	sadd.s32 $0x40, s13;
	v9 =	vor.u32 s18, v2;
	v11 =	vnsel vm1, $0x0, v14;
	v10 =	vld [tilespmem:s14+$0xFFFFFFE0];
	vm1 =	vgt.u32 v17, v3;
	[tilespmem:s16+$0xFFFFFFA0] =	vst v18  }
0x37a: {  	s15 =	sadd.s32 $0x400, s15;
	s13 =	sadd.s32 $0x80, s13;
	vm0 =	vgt.u32 v9, v3;
	v14 =	vor.u32 s17, v2;
	v9 =	vld [tilespmem:s14+$0x0];
	v15 =	vnsel vm1, $0x0, v15;
	s14 =	sadd.s32 $0x80, s14;
	[tilespmem:s16+$0xFFFFFFD0] =	vst v19  }
0x37b: {  	s10 =	sor.u32 $0x4, s0  }
0x37c: {  	s11 =	smul.u32 s11, s10;
	_ =	sdelay $0x1  }
0x37d: {  	s11 =	sshrl.u32 s11, $0x1  }
0x37e: {  	s13 =	smul.u32 $0x1FFF, s10;
	s11 =	sadd.s32 s10, s11  }
0x37f: {  	s11 =	sxor.u32 $0xFFFFFFFF, s11  }
0x380: {  	s11 =	sadd.s32 s11, s13  }
0x381: {  	s13 =	sadd.s32 s24, s11;
	s11 =	sand.u32 $0x7, s11  }
0x382: {  	s14 =	sshra.s32 s13, $0x1F;
	p0 =	slt.s32 s13, $0x1;
	p2 =	sne.s32 s11, $0x0  }
0x383: {  	s14 =	sshrl.u32 s14, $0x1D;
	p0 =	por !p0, !p2  }
0x384: {  	[tilespmem:s12+$0xFFFFFFC0] =	vst v13;
	s11 =	sadd.s32 s14, s13;
	p0 =	por !p0, !p0;
	s13 =	simm.s32 $0x1  }
0x385: {  	vm1 =	vgt.u32 v12, v3;
	[tilespmem:s12+$0x0] =	vst v15;
	s11 =	sshrl.u32 s11, $0x3;
	s13 =	simm.s32 @!p0 $0x0  }
0x386: {  	vm2 =	vgt.u32 v8, v3;
	[tilespmem:s12+$0xFFFFFF90] =	vst v11;
	v4 =	vnsel vm1, $0x0, v4;
	s11 =	ssub.s32 s11, s13  }
0x387: {  	v6 =	vnsel vm2, $0x0, v6;
	[tilespmem:s12+$0xFFFFFFF0] =	vst v4;
	s11 =	sshll.u32 s11, $0x3  }
0x388: {  	vm1 =	vgt.u32 v5, v3;
	[tilespmem:s12+$0xFFFFFFE0] =	vst v6;
	v4 =	vnsel vm0, $0x0, v10;
	p0 =	sgt.s32 s11, $0x0  }
0x389: {  	vm0 =	vgt.u32 v14, v3;
	v3 =	vnsel vm1, $0x0, v7;
	[tilespmem:s12+$0xFFFFFFB0] =	vst v4;
	s11 =	simm.s32 @!p0 $0x0  }
0x38a: {  	v4 =	vnsel vm0, $0x0, v9;
	[tilespmem:s12+$0xFFFFFFA0] =	vst v3;
	s11 =	smin.u32 s11, $0x1FFE7F0  }
0x38b: {  	[tilespmem:s12+$0xFFFFFFD0] =	vst v4;
	s9 =	sadd.s32 s9, s11  }
0x38c: {  	s15 =	sld [smem:$0x7F1];
	s9 =	sshll.u32 s9, $0x2  }
0x38d: {  	s9 =	ssub.s32 s25, s9  }
0x38e: {  	s9 =	sshra.s32 s9, $0x2  }
0x38f: {  	s16 =	sadd.s32 s9, s15  }
0x390: {  	v9 =	vld [tilespmem:s16+$0xFFFFFFF0]  }
0x391: {  	s19 =	simm.s32 $0x10;
	v10 =	vld [tilespmem:s16+$0xFFFFFFC0]  }
0x392: {  	s17 =	simm.s32 $0x30;
	s21 =	simm.s32 $0x50;
	v5 =	vor.u32 s19, v2;
	v15 =	vld [tilespmem:s16+$0x30]  }
0x393: {  	s20 =	simm.s32 $0x0;
	s28 =	simm.s32 $0x60;
	v8 =	vor.u32 s21, v2;
	v6 =	vor.u32 s17, v2;
	v3 =	vmov s10;
	v4 =	vld [tilespmem:s16+$0x20]  }
0x394: {  	s18 =	simm.s32 $0x70;
	v12 =	vor.u32 s28, v2;
	v7 =	vor.u32 s20, v2;
	vm0 =	vgt.u32 v6, v3;
	v6 =	vld [tilespmem:s16+$0x10]  }
0x395: {  	s29 =	simm.s32 $0x20;
	v14 =	vor.u32 s18, v2;
	vm1 =	vgt.u32 v7, v3;
	v7 =	vld [tilespmem:s16+$0xFFFFFFD0];
	v13 =	vnsel vm0, $0x0, v9  }
0x396: {  	s31 =	simm.s32 $0x40;
	s12 =	simm.s32 $0x80;
	s14 =	simm.s32 $0xC870;
	v11 =	vnsel vm1, $0x0, v10;
	v10 =	vld [tilespmem:s16+$0xFFFFFFE0];
	v9 =	vor.u32 s29, v2;
	vm1 =	vgt.u32 v14, v3  }
0x397: {  	s11 =	simm.s32 $0xC470;
	s9 =	simm.s32 $0x0;
	s13 =	sadd.s32 $0x80, s16;
	v14 =	vor.u32 s31, v2;
	vm0 =	vgt.u32 v9, v3;
	v9 =	vld [tilespmem:s16+$0x0];
	v15 =	vnsel vm1, $0x0, v15  }
.LBB2_48:
0x398: {  	s15 =	sadd.s32 $0x30, s12;
	v16 =	vld [tilespmem:s13+$0xFFFFFFF0];
	s16 =	sadd.s32 $0x70, s12;
	s9 =	sadd.s32 $0x8, s9;
	[tilespmem:s11+$0xFFFFFFC0] =	vst v13;
	vm1 =	vgt.u32 v14, v3;
	vm2 =	vgt.u32 v8, v3;
	vm3 =	vgt.u32 v12, v3  }
0x399: {  	vm4 =	vgt.u32 v5, v3;
	v14 =	vld [tilespmem:s13+$0xFFFFFFC0];
	v12 =	vor.u32 s15, v2;
	v17 =	vor.u32 s16, v2;
	p0 =	slt.u32 s9, $0x78;
	[tilespmem:s11+$0x0] =	vst v15;
	s15 =	smov.u32 s11;
	s11 =	smov.u32 s14  }
0x39a: {  	s17 =	sadd.s32 $0x50, s12;
	s16 =	sadd.s32 $0x10, s12;
	v15 =	vld [tilespmem:s13+$0x30];
	[tilespmem:s15+$0xFFFFFF90] =	vst v11;
	v18 =	vnsel vm4, $0x0, v7;
	v7 =	vnsel vm2, $0x0, v6;
	v6 =	vnsel vm3, $0x0, v4  }
.Ltmp26:
0x39b: {  	v8 =	vor.u32 s17, v2;
	v5 =	vor.u32 s16, v2;
	v4 =	vld [tilespmem:s13+$0x20];
	v10 =	vnsel vm0, $0x0, v10;
	[tilespmem:s15+$0xFFFFFFF0] =	vst v6;
	(pc) =	sbr.rel @p0 .LBB2_48-.Ltmp26, $4  }
0x39c: {  	v11 =	vor.u32 s12, v2;
	s16 =	sadd.s32 $0x60, s12;
	vm0 =	vgt.u32 v12, v3;
	v6 =	vld [tilespmem:s13+$0x10];
	v19 =	vnsel vm1, $0x0, v9;
	[tilespmem:s15+$0xFFFFFFE0] =	vst v7  }
0x39d: {  	s17 =	sadd.s32 $0x20, s12;
	v12 =	vor.u32 s16, v2;
	vm1 =	vgt.u32 v11, v3;
	v7 =	vld [tilespmem:s13+$0xFFFFFFD0];
	v13 =	vnsel vm0, $0x0, v16;
	[tilespmem:s15+$0xFFFFFFB0] =	vst v10  }
0x39e: {  	s16 =	sadd.s32 $0x40, s12;
	v9 =	vor.u32 s17, v2;
	v11 =	vnsel vm1, $0x0, v14;
	v10 =	vld [tilespmem:s13+$0xFFFFFFE0];
	vm1 =	vgt.u32 v17, v3;
	[tilespmem:s15+$0xFFFFFFA0] =	vst v18  }
0x39f: {  	s14 =	sadd.s32 $0x400, s14;
	s12 =	sadd.s32 $0x80, s12;
	vm0 =	vgt.u32 v9, v3;
	v14 =	vor.u32 s16, v2;
	v9 =	vld [tilespmem:s13+$0x0];
	v15 =	vnsel vm1, $0x0, v15;
	s13 =	sadd.s32 $0x80, s13;
	[tilespmem:s15+$0xFFFFFFD0] =	vst v19  }
0x3a0: {  	s9 =	sor.u32 $0x5, s0  }
0x3a1: {  	s10 =	smul.u32 s10, s9;
	_ =	sdelay $0x1  }
0x3a2: {  	s10 =	sshrl.u32 s10, $0x1  }
0x3a3: {  	s12 =	smul.u32 $0x1FFF, s9;
	s10 =	sadd.s32 s9, s10  }
0x3a4: {  	s10 =	sxor.u32 $0xFFFFFFFF, s10  }
0x3a5: {  	s10 =	sadd.s32 s10, s12  }
0x3a6: {  	s12 =	sadd.s32 s24, s10;
	s10 =	sand.u32 $0x7, s10  }
0x3a7: {  	s13 =	sshra.s32 s12, $0x1F;
	p0 =	slt.s32 s12, $0x1;
	p2 =	sne.s32 s10, $0x0  }
0x3a8: {  	s14 =	sshrl.u32 s13, $0x1D;
	p0 =	por !p0, !p2  }
0x3a9: {  	[tilespmem:s11+$0xFFFFFFC0] =	vst v13;
	s10 =	sadd.s32 s14, s12;
	p0 =	por !p0, !p0;
	s12 =	simm.s32 $0x1  }
0x3aa: {  	vm1 =	vgt.u32 v12, v3;
	[tilespmem:s11+$0x0] =	vst v15;
	s10 =	sshrl.u32 s10, $0x3;
	s12 =	simm.s32 @!p0 $0x0  }
0x3ab: {  	vm2 =	vgt.u32 v8, v3;
	[tilespmem:s11+$0xFFFFFF90] =	vst v11;
	v4 =	vnsel vm1, $0x0, v4;
	s10 =	ssub.s32 s10, s12  }
0x3ac: {  	v6 =	vnsel vm2, $0x0, v6;
	[tilespmem:s11+$0xFFFFFFF0] =	vst v4;
	s10 =	sshll.u32 s10, $0x3  }
0x3ad: {  	vm1 =	vgt.u32 v5, v3;
	[tilespmem:s11+$0xFFFFFFE0] =	vst v6;
	v4 =	vnsel vm0, $0x0, v10;
	p0 =	sgt.s32 s10, $0x0  }
0x3ae: {  	vm0 =	vgt.u32 v14, v3;
	v3 =	vnsel vm1, $0x0, v7;
	[tilespmem:s11+$0xFFFFFFB0] =	vst v4;
	s10 =	simm.s32 @!p0 $0x0  }
0x3af: {  	v4 =	vnsel vm0, $0x0, v9;
	[tilespmem:s11+$0xFFFFFFA0] =	vst v3;
	s10 =	smin.u32 s10, $0x1FFE7F0  }
0x3b0: {  	[tilespmem:s11+$0xFFFFFFD0] =	vst v4;
	s8 =	sadd.s32 s8, s10  }
0x3b1: {  	s15 =	sld [smem:$0x7F3];
	s8 =	sshll.u32 s8, $0x2  }
0x3b2: {  	s8 =	ssub.s32 s25, s8  }
0x3b3: {  	s8 =	sshra.s32 s8, $0x2  }
0x3b4: {  	s16 =	sadd.s32 s8, s15  }
0x3b5: {  	v9 =	vld [tilespmem:s16+$0xFFFFFFF0]  }
0x3b6: {  	s19 =	simm.s32 $0x10;
	v10 =	vld [tilespmem:s16+$0xFFFFFFC0]  }
0x3b7: {  	s17 =	simm.s32 $0x30;
	s21 =	simm.s32 $0x50;
	v5 =	vor.u32 s19, v2;
	v15 =	vld [tilespmem:s16+$0x30]  }
0x3b8: {  	s20 =	simm.s32 $0x0;
	s28 =	simm.s32 $0x60;
	v8 =	vor.u32 s21, v2;
	v6 =	vor.u32 s17, v2;
	v3 =	vmov s9;
	v4 =	vld [tilespmem:s16+$0x20]  }
0x3b9: {  	s18 =	simm.s32 $0x70;
	v12 =	vor.u32 s28, v2;
	v7 =	vor.u32 s20, v2;
	vm0 =	vgt.u32 v6, v3;
	v6 =	vld [tilespmem:s16+$0x10]  }
0x3ba: {  	s29 =	simm.s32 $0x20;
	v14 =	vor.u32 s18, v2;
	vm1 =	vgt.u32 v7, v3;
	v7 =	vld [tilespmem:s16+$0xFFFFFFD0];
	v13 =	vnsel vm0, $0x0, v9  }
0x3bb: {  	s31 =	simm.s32 $0x40;
	s11 =	simm.s32 $0x80;
	s13 =	simm.s32 $0xC8F0;
	v11 =	vnsel vm1, $0x0, v10;
	v10 =	vld [tilespmem:s16+$0xFFFFFFE0];
	v9 =	vor.u32 s29, v2;
	vm1 =	vgt.u32 v14, v3  }
0x3bc: {  	s10 =	simm.s32 $0xC4F0;
	s8 =	simm.s32 $0x0;
	s12 =	sadd.s32 $0x80, s16;
	v14 =	vor.u32 s31, v2;
	vm0 =	vgt.u32 v9, v3;
	v9 =	vld [tilespmem:s16+$0x0];
	v15 =	vnsel vm1, $0x0, v15  }
.LBB2_50:
0x3bd: {  	s14 =	sadd.s32 $0x30, s11;
	v16 =	vld [tilespmem:s12+$0xFFFFFFF0];
	s15 =	sadd.s32 $0x70, s11;
	s8 =	sadd.s32 $0x8, s8;
	[tilespmem:s10+$0xFFFFFFC0] =	vst v13;
	vm1 =	vgt.u32 v14, v3;
	vm2 =	vgt.u32 v8, v3;
	vm3 =	vgt.u32 v12, v3  }
0x3be: {  	vm4 =	vgt.u32 v5, v3;
	v14 =	vld [tilespmem:s12+$0xFFFFFFC0];
	v12 =	vor.u32 s14, v2;
	v17 =	vor.u32 s15, v2;
	p0 =	slt.u32 s8, $0x78;
	[tilespmem:s10+$0x0] =	vst v15;
	s14 =	smov.u32 s10;
	s10 =	smov.u32 s13  }
0x3bf: {  	s16 =	sadd.s32 $0x50, s11;
	s15 =	sadd.s32 $0x10, s11;
	v15 =	vld [tilespmem:s12+$0x30];
	[tilespmem:s14+$0xFFFFFF90] =	vst v11;
	v18 =	vnsel vm4, $0x0, v7;
	v7 =	vnsel vm2, $0x0, v6;
	v6 =	vnsel vm3, $0x0, v4  }
.Ltmp27:
0x3c0: {  	v8 =	vor.u32 s16, v2;
	v5 =	vor.u32 s15, v2;
	v4 =	vld [tilespmem:s12+$0x20];
	v10 =	vnsel vm0, $0x0, v10;
	[tilespmem:s14+$0xFFFFFFF0] =	vst v6;
	(pc) =	sbr.rel @p0 .LBB2_50-.Ltmp27, $4  }
0x3c1: {  	v11 =	vor.u32 s11, v2;
	s15 =	sadd.s32 $0x60, s11;
	vm0 =	vgt.u32 v12, v3;
	v6 =	vld [tilespmem:s12+$0x10];
	v19 =	vnsel vm1, $0x0, v9;
	[tilespmem:s14+$0xFFFFFFE0] =	vst v7  }
0x3c2: {  	s16 =	sadd.s32 $0x20, s11;
	v12 =	vor.u32 s15, v2;
	vm1 =	vgt.u32 v11, v3;
	v7 =	vld [tilespmem:s12+$0xFFFFFFD0];
	v13 =	vnsel vm0, $0x0, v16;
	[tilespmem:s14+$0xFFFFFFB0] =	vst v10  }
0x3c3: {  	s15 =	sadd.s32 $0x40, s11;
	v9 =	vor.u32 s16, v2;
	v11 =	vnsel vm1, $0x0, v14;
	v10 =	vld [tilespmem:s12+$0xFFFFFFE0];
	vm1 =	vgt.u32 v17, v3;
	[tilespmem:s14+$0xFFFFFFA0] =	vst v18  }
0x3c4: {  	s13 =	sadd.s32 $0x400, s13;
	s11 =	sadd.s32 $0x80, s11;
	vm0 =	vgt.u32 v9, v3;
	v14 =	vor.u32 s15, v2;
	v9 =	vld [tilespmem:s12+$0x0];
	v15 =	vnsel vm1, $0x0, v15;
	s12 =	sadd.s32 $0x80, s12;
	[tilespmem:s14+$0xFFFFFFD0] =	vst v19  }
0x3c5: {  	s8 =	sor.u32 $0x6, s0  }
0x3c6: {  	s9 =	smul.u32 s9, s8;
	_ =	sdelay $0x1  }
0x3c7: {  	s9 =	sshrl.u32 s9, $0x1  }
0x3c8: {  	s11 =	smul.u32 $0x1FFF, s8;
	s9 =	sadd.s32 s8, s9  }
0x3c9: {  	s9 =	sxor.u32 $0xFFFFFFFF, s9  }
0x3ca: {  	s9 =	sadd.s32 s9, s11  }
0x3cb: {  	s11 =	sadd.s32 s24, s9;
	s9 =	sand.u32 $0x7, s9  }
0x3cc: {  	s12 =	sshra.s32 s11, $0x1F;
	p0 =	slt.s32 s11, $0x1;
	p2 =	sne.s32 s9, $0x0  }
0x3cd: {  	s14 =	sshrl.u32 s12, $0x1D;
	p0 =	por !p0, !p2  }
0x3ce: {  	[tilespmem:s10+$0xFFFFFFC0] =	vst v13;
	s9 =	sadd.s32 s14, s11;
	p0 =	por !p0, !p0;
	s11 =	simm.s32 $0x1  }
0x3cf: {  	vm1 =	vgt.u32 v12, v3;
	[tilespmem:s10+$0x0] =	vst v15;
	s9 =	sshrl.u32 s9, $0x3;
	s11 =	simm.s32 @!p0 $0x0  }
0x3d0: {  	vm2 =	vgt.u32 v8, v3;
	[tilespmem:s10+$0xFFFFFF90] =	vst v11;
	v4 =	vnsel vm1, $0x0, v4;
	s9 =	ssub.s32 s9, s11  }
0x3d1: {  	v6 =	vnsel vm2, $0x0, v6;
	[tilespmem:s10+$0xFFFFFFF0] =	vst v4;
	s9 =	sshll.u32 s9, $0x3  }
0x3d2: {  	vm1 =	vgt.u32 v5, v3;
	[tilespmem:s10+$0xFFFFFFE0] =	vst v6;
	v4 =	vnsel vm0, $0x0, v10;
	p0 =	sgt.s32 s9, $0x0  }
0x3d3: {  	vm0 =	vgt.u32 v14, v3;
	v3 =	vnsel vm1, $0x0, v7;
	[tilespmem:s10+$0xFFFFFFB0] =	vst v4;
	s9 =	simm.s32 @!p0 $0x0  }
0x3d4: {  	v4 =	vnsel vm0, $0x0, v9;
	[tilespmem:s10+$0xFFFFFFA0] =	vst v3;
	s9 =	smin.u32 s9, $0x1FFE7F0  }
0x3d5: {  	[tilespmem:s10+$0xFFFFFFD0] =	vst v4;
	s7 =	sadd.s32 s7, s9  }
0x3d6: {  	s15 =	sld [smem:$0x7F4];
	s7 =	sshll.u32 s7, $0x2  }
0x3d7: {  	s7 =	ssub.s32 s25, s7  }
0x3d8: {  	s7 =	sshra.s32 s7, $0x2  }
0x3d9: {  	s16 =	sadd.s32 s7, s15  }
0x3da: {  	v9 =	vld [tilespmem:s16+$0xFFFFFFF0]  }
0x3db: {  	s19 =	simm.s32 $0x10;
	v10 =	vld [tilespmem:s16+$0xFFFFFFC0]  }
0x3dc: {  	s17 =	simm.s32 $0x30;
	s21 =	simm.s32 $0x50;
	v5 =	vor.u32 s19, v2;
	v15 =	vld [tilespmem:s16+$0x30]  }
0x3dd: {  	s20 =	simm.s32 $0x0;
	s28 =	simm.s32 $0x60;
	v8 =	vor.u32 s21, v2;
	v6 =	vor.u32 s17, v2;
	v3 =	vmov s8;
	v4 =	vld [tilespmem:s16+$0x20]  }
0x3de: {  	s18 =	simm.s32 $0x70;
	v12 =	vor.u32 s28, v2;
	v7 =	vor.u32 s20, v2;
	vm0 =	vgt.u32 v6, v3;
	v6 =	vld [tilespmem:s16+$0x10]  }
0x3df: {  	s29 =	simm.s32 $0x20;
	v14 =	vor.u32 s18, v2;
	vm1 =	vgt.u32 v7, v3;
	v7 =	vld [tilespmem:s16+$0xFFFFFFD0];
	v13 =	vnsel vm0, $0x0, v9  }
0x3e0: {  	s31 =	simm.s32 $0x40;
	s10 =	simm.s32 $0x80;
	s12 =	simm.s32 $0xC970;
	v11 =	vnsel vm1, $0x0, v10;
	v10 =	vld [tilespmem:s16+$0xFFFFFFE0];
	v9 =	vor.u32 s29, v2;
	vm1 =	vgt.u32 v14, v3  }
0x3e1: {  	s9 =	simm.s32 $0x0;
	s7 =	simm.s32 $0xC570;
	s11 =	sadd.s32 $0x80, s16;
	v14 =	vor.u32 s31, v2;
	vm0 =	vgt.u32 v9, v3;
	v9 =	vld [tilespmem:s16+$0x0];
	v15 =	vnsel vm1, $0x0, v15  }
.LBB2_52:
0x3e2: {  	s13 =	sadd.s32 $0x30, s10;
	v16 =	vld [tilespmem:s11+$0xFFFFFFF0];
	s14 =	sadd.s32 $0x70, s10;
	s9 =	sadd.s32 $0x8, s9;
	[tilespmem:s7+$0xFFFFFFC0] =	vst v13;
	vm1 =	vgt.u32 v14, v3;
	vm2 =	vgt.u32 v8, v3;
	vm3 =	vgt.u32 v12, v3  }
0x3e3: {  	vm4 =	vgt.u32 v5, v3;
	v14 =	vld [tilespmem:s11+$0xFFFFFFC0];
	v12 =	vor.u32 s13, v2;
	v17 =	vor.u32 s14, v2;
	p0 =	slt.u32 s9, $0x78;
	[tilespmem:s7+$0x0] =	vst v15;
	s13 =	smov.u32 s7;
	s7 =	smov.u32 s12  }
0x3e4: {  	s15 =	sadd.s32 $0x50, s10;
	s14 =	sadd.s32 $0x10, s10;
	v15 =	vld [tilespmem:s11+$0x30];
	[tilespmem:s13+$0xFFFFFF90] =	vst v11;
	v18 =	vnsel vm4, $0x0, v7;
	v7 =	vnsel vm2, $0x0, v6;
	v6 =	vnsel vm3, $0x0, v4  }
.Ltmp28:
0x3e5: {  	v8 =	vor.u32 s15, v2;
	v5 =	vor.u32 s14, v2;
	v4 =	vld [tilespmem:s11+$0x20];
	v10 =	vnsel vm0, $0x0, v10;
	[tilespmem:s13+$0xFFFFFFF0] =	vst v6;
	(pc) =	sbr.rel @p0 .LBB2_52-.Ltmp28, $4  }
0x3e6: {  	v11 =	vor.u32 s10, v2;
	s14 =	sadd.s32 $0x60, s10;
	vm0 =	vgt.u32 v12, v3;
	v6 =	vld [tilespmem:s11+$0x10];
	v19 =	vnsel vm1, $0x0, v9;
	[tilespmem:s13+$0xFFFFFFE0] =	vst v7  }
0x3e7: {  	s15 =	sadd.s32 $0x20, s10;
	v12 =	vor.u32 s14, v2;
	vm1 =	vgt.u32 v11, v3;
	v7 =	vld [tilespmem:s11+$0xFFFFFFD0];
	v13 =	vnsel vm0, $0x0, v16;
	[tilespmem:s13+$0xFFFFFFB0] =	vst v10  }
0x3e8: {  	s14 =	sadd.s32 $0x40, s10;
	v9 =	vor.u32 s15, v2;
	v11 =	vnsel vm1, $0x0, v14;
	v10 =	vld [tilespmem:s11+$0xFFFFFFE0];
	vm1 =	vgt.u32 v17, v3;
	[tilespmem:s13+$0xFFFFFFA0] =	vst v18  }
0x3e9: {  	s12 =	sadd.s32 $0x400, s12;
	s10 =	sadd.s32 $0x80, s10;
	vm0 =	vgt.u32 v9, v3;
	v14 =	vor.u32 s14, v2;
	v9 =	vld [tilespmem:s11+$0x0];
	v15 =	vnsel vm1, $0x0, v15;
	s11 =	sadd.s32 $0x80, s11;
	[tilespmem:s13+$0xFFFFFFD0] =	vst v19  }
0x3ea: {  	s0 =	sor.u32 $0x7, s0  }
0x3eb: {  	s8 =	smul.u32 s8, s0;
	_ =	sdelay $0x1  }
0x3ec: {  	s8 =	sshrl.u32 s8, $0x1  }
0x3ed: {  	s9 =	smul.u32 $0x1FFF, s0;
	s8 =	sadd.s32 s0, s8  }
0x3ee: {  	s8 =	sxor.u32 $0xFFFFFFFF, s8  }
0x3ef: {  	s8 =	sadd.s32 s8, s9  }
0x3f0: {  	s9 =	sadd.s32 s24, s8;
	s8 =	sand.u32 $0x7, s8  }
0x3f1: {  	p0 =	sne.s32 s8, $0x0;
	s19 =	sshra.s32 s9, $0x1F;
	p2 =	slt.s32 s9, $0x1  }
0x3f2: {  	s8 =	sshrl.u32 s19, $0x1D;
	p0 =	por !p2, !p0  }
0x3f3: {  	[tilespmem:s7+$0xFFFFFFC0] =	vst v13;
	s8 =	sadd.s32 s8, s9;
	p0 =	por !p0, !p0;
	s9 =	simm.s32 $0x1  }
0x3f4: {  	vm1 =	vgt.u32 v12, v3;
	[tilespmem:s7+$0x0] =	vst v15;
	s8 =	sshrl.u32 s8, $0x3;
	s9 =	simm.s32 @!p0 $0x0  }
0x3f5: {  	vm2 =	vgt.u32 v8, v3;
	[tilespmem:s7+$0xFFFFFF90] =	vst v11;
	v4 =	vnsel vm1, $0x0, v4;
	s8 =	ssub.s32 s8, s9  }
0x3f6: {  	v6 =	vnsel vm2, $0x0, v6;
	[tilespmem:s7+$0xFFFFFFF0] =	vst v4;
	s8 =	sshll.u32 s8, $0x3  }
0x3f7: {  	vm1 =	vgt.u32 v5, v3;
	[tilespmem:s7+$0xFFFFFFE0] =	vst v6;
	v4 =	vnsel vm0, $0x0, v10;
	p0 =	sgt.s32 s8, $0x0  }
0x3f8: {  	vm0 =	vgt.u32 v14, v3;
	v3 =	vnsel vm1, $0x0, v7;
	[tilespmem:s7+$0xFFFFFFB0] =	vst v4;
	s8 =	simm.s32 @!p0 $0x0  }
0x3f9: {  	v4 =	vnsel vm0, $0x0, v9;
	[tilespmem:s7+$0xFFFFFFA0] =	vst v3;
	s8 =	smin.u32 s8, $0x1FFE7F0  }
0x3fa: {  	[tilespmem:s7+$0xFFFFFFD0] =	vst v4;
	s8 =	sadd.s32 s26, s8  }
0x3fb: {  	s7 =	sld [smem:$0x7F5];
	s8 =	sshll.u32 s8, $0x2  }
0x3fc: {  	s8 =	ssub.s32 s25, s8  }
0x3fd: {  	s8 =	sshra.s32 s8, $0x2  }
0x3fe: {  	s20 =	sadd.s32 s8, s7  }
0x3ff: {  	v9 =	vld [tilespmem:s20+$0xFFFFFFF0]  }
0x400: {  	s28 =	simm.s32 $0x60;
	v10 =	vld [tilespmem:s20+$0xFFFFFFC0]  }
0x401: {  	s21 =	simm.s32 $0x30;
	s10 =	simm.s32 $0x0;
	v12 =	vor.u32 s28, v2;
	v15 =	vld [tilespmem:s20+$0x30]  }
0x402: {  	v6 =	vor.u32 s21, v2;
	v7 =	vor.u32 s10, v2;
	v3 =	vmov s0;
	s24 =	simm.s32 $0x70;
	v4 =	vld [tilespmem:s20+$0x20]  }
0x403: {  	vm0 =	vgt.u32 v6, v3;
	vm1 =	vgt.u32 v7, v3;
	v14 =	vor.u32 s24, v2;
	s26 =	simm.s32 $0x50;
	s25 =	simm.s32 $0x10;
	v6 =	vld [tilespmem:s20+$0x10]  }
0x404: {  	s29 =	simm.s32 $0x20;
	v8 =	vor.u32 s26, v2;
	v5 =	vor.u32 s25, v2;
	v7 =	vld [tilespmem:s20+$0xFFFFFFD0];
	v13 =	vnsel vm0, $0x0, v9  }
0x405: {  	s31 =	simm.s32 $0x40;
	s10 =	simm.s32 $0xC9F0;
	s0 =	simm.s32 $0xC5F0;
	v11 =	vnsel vm1, $0x0, v10;
	v9 =	vld [tilespmem:s20+$0xFFFFFFE0];
	v10 =	vor.u32 s29, v2;
	vm1 =	vgt.u32 v14, v3  }
0x406: {  	s7 =	simm.s32 $0x0;
	s8 =	simm.s32 $0x80;
	s9 =	sadd.s32 $0x80, s20;
	v14 =	vor.u32 s31, v2;
	vm0 =	vgt.u32 v10, v3;
	v10 =	vld [tilespmem:s20+$0x0];
	v15 =	vnsel vm1, $0x0, v15  }
.LBB2_54:
0x407: {  	s11 =	sadd.s32 $0x30, s8;
	v16 =	vld [tilespmem:s9+$0xFFFFFFF0];
	s12 =	sadd.s32 $0x70, s8;
	s7 =	sadd.s32 $0x8, s7;
	[tilespmem:s0+$0xFFFFFFC0] =	vst v13;
	vm1 =	vgt.u32 v14, v3;
	vm2 =	vgt.u32 v8, v3;
	vm3 =	vgt.u32 v12, v3  }
0x408: {  	vm4 =	vgt.u32 v5, v3;
	v14 =	vld [tilespmem:s9+$0xFFFFFFC0];
	v12 =	vor.u32 s11, v2;
	v17 =	vor.u32 s12, v2;
	p0 =	slt.u32 s7, $0x78;
	[tilespmem:s0+$0x0] =	vst v15;
	s11 =	smov.u32 s0;
	s0 =	smov.u32 s10  }
0x409: {  	s13 =	sadd.s32 $0x50, s8;
	s12 =	sadd.s32 $0x10, s8;
	v15 =	vld [tilespmem:s9+$0x30];
	[tilespmem:s11+$0xFFFFFF90] =	vst v11;
	v18 =	vnsel vm4, $0x0, v7;
	v7 =	vnsel vm2, $0x0, v6;
	v6 =	vnsel vm3, $0x0, v4  }
.Ltmp29:
0x40a: {  	v8 =	vor.u32 s13, v2;
	v5 =	vor.u32 s12, v2;
	v4 =	vld [tilespmem:s9+$0x20];
	v9 =	vnsel vm0, $0x0, v9;
	[tilespmem:s11+$0xFFFFFFF0] =	vst v6;
	(pc) =	sbr.rel @p0 .LBB2_54-.Ltmp29, $4  }
0x40b: {  	v11 =	vor.u32 s8, v2;
	s12 =	sadd.s32 $0x60, s8;
	vm0 =	vgt.u32 v12, v3;
	v6 =	vld [tilespmem:s9+$0x10];
	v19 =	vnsel vm1, $0x0, v10;
	[tilespmem:s11+$0xFFFFFFE0] =	vst v7  }
0x40c: {  	s13 =	sadd.s32 $0x20, s8;
	v12 =	vor.u32 s12, v2;
	vm1 =	vgt.u32 v11, v3;
	v7 =	vld [tilespmem:s9+$0xFFFFFFD0];
	v13 =	vnsel vm0, $0x0, v16;
	[tilespmem:s11+$0xFFFFFFB0] =	vst v9  }
0x40d: {  	s12 =	sadd.s32 $0x40, s8;
	v10 =	vor.u32 s13, v2;
	v11 =	vnsel vm1, $0x0, v14;
	v9 =	vld [tilespmem:s9+$0xFFFFFFE0];
	vm1 =	vgt.u32 v17, v3;
	[tilespmem:s11+$0xFFFFFFA0] =	vst v18  }
0x40e: {  	s10 =	sadd.s32 $0x400, s10;
	s8 =	sadd.s32 $0x80, s8;
	vm0 =	vgt.u32 v10, v3;
	v14 =	vor.u32 s12, v2;
	v10 =	vld [tilespmem:s9+$0x0];
	v15 =	vnsel vm1, $0x0, v15;
	s9 =	sadd.s32 $0x80, s9;
	[tilespmem:s11+$0xFFFFFFD0] =	vst v19  }
0x40f: {  	[tilespmem:s0+$0xFFFFFFC0] =	vst v13  }
0x410: {  	vm1 =	vgt.u32 v12, v3;
	[tilespmem:s0+$0x0] =	vst v15  }
0x411: {  	vm2 =	vgt.u32 v8, v3;
	[tilespmem:s0+$0xFFFFFF90] =	vst v11;
	v2 =	vnsel vm1, $0x0, v4  }
0x412: {  	vm14 =	vgt.u32 v5, v3;
	v63 =	vnsel vm2, $0x0, v6;
	[tilespmem:s0+$0xFFFFFFF0] =	vst v2  }
0x413: {  	vm15 =	vgt.u32 v14, v3;
	[tilespmem:s0+$0xFFFFFFE0] =	vst v63;
	v3 =	vnsel vm14, $0x0, v7  }
0x414: {  	v2 =	vnsel vm0, $0x0, v9;
	[tilespmem:s0+$0xFFFFFFA0] =	vst v3  }
0x415: {  	[tilespmem:s0+$0xFFFFFFB0] =	vst v2;
	v2 =	vnsel vm15, $0x0, v10  }
0x416: {  	s7 =	simm.s32 $0xC200;
	[tilespmem:s0+$0xFFFFFFD0] =	vst v2  }
.LBB2_56:
.Ltmp30:
0x417: {  	(pc) =	sbr.rel @p1 .LBB2_60-.Ltmp30, $4  }
0x418: {  	_ = 	snop  }
0x419: {  	s0 =	sshll.u32 s30, $0xD  }
0x41a: {  	s0 =	sadd.s32 s0, s5  }
0x41b: {  	[hbm4b:s0+s6] =	stream.linear.scatter [tilespmem:s7], [sflag:$0x4], $0x4000, $0x38;
	[tilespmem:$0x14200] =	vst v63  }
0x41c: {  	s0 =	sadd.s32 $0x60, s4  }
0x41d: {  	s4 =	sshrl.u32 s0, $0xA  }
0x41e: {  	s0 =	sand.u32 $0x3E0, s0;
	s5 =	sshll.u32 s4, $0x8  }
0x41f: {  	s0 =	sor.u32 s1, s0;
	s5 =	sadd.s32 $0x100, s5  }
0x420: {  	p0 =	sge.u32 s0, s5  }
.Ltmp31:
0x421: {  	_ = 	snop;
	(pc) =	sbr.rel @p0 .LBB2_59-.Ltmp31, $1  }
0x422: {  	_ =	sdelay $0x3  }
0x423: {  	s5 =	sshll.u32 s0, $0x3  }
0x424: {  	s7 =	sadd.s32 $0xFFFFFFFF, s5  }
0x425: {  	s7 =	smul.u32 s5, s7;
	_ =	sdelay $0x1  }
0x426: {  	s8 =	smul.u32 $0xFFF8, s0;
	s7 =	sshrl.u32 s7, $0x1  }
0x427: {  	s4 =	sshll.u32 s4, $0xB;
	s7 =	sadd.s32 s5, s7  }
0x428: {  	s8 =	sadd.s32 s4, s8;
	s7 =	sxor.u32 $0xFFFFFFFF, s7  }
0x429: {  	s7 =	sadd.s32 s7, s8  }
0x42a: {  	s8 =	sshra.s32 s7, $0x1F  }
0x42b: {  	s8 =	sshrl.u32 s8, $0x1D  }
0x42c: {  	p0 =	slt.s32 s7, $0x1;
	s8 =	sadd.s32 s8, s7;
	s7 =	simm.s32 $0x1  }
0x42d: {  	s8 =	sshrl.u32 s8, $0x3;
	s7 =	simm.s32 @!p0 $0x0  }
0x42e: {  	s7 =	ssub.s32 s8, s7  }
0x42f: {  	s7 =	sshll.u32 s7, $0x3  }
0x430: {  	p0 =	sgt.s32 s7, $0x0  }
0x431: {  	s28 =	sor.u32 $0x1, s5;
	s7 =	simm.s32 @!p0 $0x0  }
0x432: {  	s9 =	smul.u32 s5, s28;
	s7 =	smin.u32 s7, $0x1FFE7F0  }
0x433: {  	s7 =	sshrl.u32 s7, $0x3  }
0x434: {  	s10 =	simm.s32 $0x4108;
	s29 =	sshrl.u32 s9, $0x1;
	s7 =	sadd.s32 s2, s7  }
0x435: {  	[tilespmem:s10], [sflag:$0x2] =	stream.linear.gather [hbm4b:s7+s6], $0x810, $0x38;
	[tilespmem:$0x14200] =	vst v63  }
0x436: {  	s30 =	smul.u32 $0x1FFF, s28;
	s7 =	sadd.s32 s28, s29  }
0x437: {  	s7 =	sxor.u32 $0xFFFFFFFF, s7  }
0x438: {  	s7 =	sadd.s32 s7, s30  }
0x439: {  	s9 =	sadd.s32 s4, s7;
	s7 =	sand.u32 $0x5, s7  }
0x43a: {  	s31 =	sshra.s32 s9, $0x1F;
	p6 =	slt.s32 s9, $0x1;
	p1 =	sne.s32 s7, $0x0  }
0x43b: {  	s11 =	sshrl.u32 s31, $0x1D;
	p0 =	por !p6, !p1  }
0x43c: {  	s7 =	sadd.s32 s11, s9;
	p0 =	por !p0, !p0;
	s9 =	simm.s32 $0x1  }
0x43d: {  	s7 =	sshrl.u32 s7, $0x3;
	s9 =	simm.s32 @!p0 $0x0  }
0x43e: {  	s7 =	ssub.s32 s7, s9  }
0x43f: {  	s7 =	sshll.u32 s7, $0x3  }
0x440: {  	p0 =	sgt.s32 s7, $0x0  }
0x441: {  	s12 =	sor.u32 $0x2, s5;
	s7 =	simm.s32 @!p0 $0x0  }
0x442: {  	s8 =	smul.u32 s28, s12;
	s7 =	smin.u32 s7, $0x1FFE7F0  }
0x443: {  	s7 =	sshrl.u32 s7, $0x3  }
0x444: {  	s13 =	simm.s32 $0x4928;
	s14 =	sshrl.u32 s8, $0x1;
	s7 =	sadd.s32 s2, s7  }
0x445: {  	[tilespmem:s13], [sflag:$0x2] =	stream.linear.gather [hbm4b:s7+s6], $0x810, $0x38;
	[tilespmem:$0x14200] =	vst v63  }
0x446: {  	s15 =	smul.u32 $0x1FFF, s12;
	s7 =	sadd.s32 s12, s14  }
0x447: {  	s7 =	sxor.u32 $0xFFFFFFFF, s7  }
0x448: {  	s7 =	sadd.s32 s7, s15  }
0x449: {  	s8 =	sadd.s32 s4, s7;
	s7 =	sand.u32 $0x7, s7  }
0x44a: {  	s16 =	sshra.s32 s8, $0x1F;
	p1 =	slt.s32 s8, $0x1;
	p2 =	sne.s32 s7, $0x0  }
0x44b: {  	s17 =	sshrl.u32 s16, $0x1D;
	p0 =	por !p1, !p2  }
0x44c: {  	s7 =	sadd.s32 s17, s8;
	p0 =	por !p0, !p0;
	s8 =	simm.s32 $0x1  }
0x44d: {  	s7 =	sshrl.u32 s7, $0x3;
	s8 =	simm.s32 @!p0 $0x0  }
0x44e: {  	s7 =	ssub.s32 s7, s8  }
0x44f: {  	s7 =	sshll.u32 s7, $0x3  }
0x450: {  	p0 =	sgt.s32 s7, $0x0  }
0x451: {  	s18 =	sor.u32 $0x3, s5;
	s7 =	simm.s32 @!p0 $0x0  }
0x452: {  	s9 =	smul.u32 s12, s18;
	s7 =	smin.u32 s7, $0x1FFE7F0  }
0x453: {  	s7 =	sshrl.u32 s7, $0x3  }
0x454: {  	s19 =	simm.s32 $0x5148;
	s20 =	sshrl.u32 s9, $0x1;
	s7 =	sadd.s32 s2, s7  }
0x455: {  	[tilespmem:s19], [sflag:$0x2] =	stream.linear.gather [hbm4b:s7+s6], $0x810, $0x38;
	[tilespmem:$0x14200] =	vst v63  }
0x456: {  	s21 =	smul.u32 $0x1FFF, s18;
	s7 =	sadd.s32 s18, s20  }
0x457: {  	s7 =	sxor.u32 $0xFFFFFFFF, s7  }
0x458: {  	s7 =	sadd.s32 s7, s21  }
0x459: {  	s9 =	sadd.s32 s4, s7;
	s7 =	sand.u32 $0x7, s7  }
0x45a: {  	s24 =	sshra.s32 s9, $0x1F;
	p3 =	slt.s32 s9, $0x1;
	p4 =	sne.s32 s7, $0x0  }
0x45b: {  	s25 =	sshrl.u32 s24, $0x1D;
	p0 =	por !p3, !p4  }
0x45c: {  	s7 =	sadd.s32 s25, s9;
	p0 =	por !p0, !p0;
	s9 =	simm.s32 $0x1  }
0x45d: {  	s7 =	sshrl.u32 s7, $0x3;
	s9 =	simm.s32 @!p0 $0x0  }
0x45e: {  	s7 =	ssub.s32 s7, s9  }
0x45f: {  	s7 =	sshll.u32 s7, $0x3  }
0x460: {  	p0 =	sgt.s32 s7, $0x0  }
0x461: {  	s26 =	sor.u32 $0x4, s5;
	s7 =	simm.s32 @!p0 $0x0  }
0x462: {  	s8 =	smul.u32 s18, s26;
	s7 =	smin.u32 s7, $0x1FFE7F0  }
0x463: {  	s7 =	sshrl.u32 s7, $0x3  }
0x464: {  	s28 =	simm.s32 $0x5968;
	s29 =	sshrl.u32 s8, $0x1;
	s7 =	sadd.s32 s2, s7  }
0x465: {  	[tilespmem:s28], [sflag:$0x2] =	stream.linear.gather [hbm4b:s7+s6], $0x810, $0x38;
	[tilespmem:$0x14200] =	vst v63  }
0x466: {  	s30 =	smul.u32 $0x1FFF, s26;
	s7 =	sadd.s32 s26, s29  }
0x467: {  	s7 =	sxor.u32 $0xFFFFFFFF, s7  }
0x468: {  	s7 =	sadd.s32 s7, s30  }
0x469: {  	s8 =	sadd.s32 s4, s7;
	s7 =	sand.u32 $0x7, s7  }
0x46a: {  	s31 =	sshra.s32 s8, $0x1F;
	p5 =	slt.s32 s8, $0x1;
	p6 =	sne.s32 s7, $0x0  }
0x46b: {  	s11 =	sshrl.u32 s31, $0x1D;
	p0 =	por !p5, !p6  }
0x46c: {  	s7 =	sadd.s32 s11, s8;
	p0 =	por !p0, !p0;
	s8 =	simm.s32 $0x1  }
0x46d: {  	s7 =	sshrl.u32 s7, $0x3;
	s8 =	simm.s32 @!p0 $0x0  }
0x46e: {  	s7 =	ssub.s32 s7, s8  }
0x46f: {  	s7 =	sshll.u32 s7, $0x3  }
0x470: {  	p0 =	sgt.s32 s7, $0x0  }
0x471: {  	s12 =	sor.u32 $0x5, s5;
	s7 =	simm.s32 @!p0 $0x0  }
0x472: {  	s9 =	smul.u32 s26, s12;
	s7 =	smin.u32 s7, $0x1FFE7F0  }
0x473: {  	s7 =	sshrl.u32 s7, $0x3  }
0x474: {  	s13 =	simm.s32 $0x6188;
	s14 =	sshrl.u32 s9, $0x1;
	s7 =	sadd.s32 s2, s7  }
0x475: {  	[tilespmem:s13], [sflag:$0x2] =	stream.linear.gather [hbm4b:s7+s6], $0x810, $0x38;
	[tilespmem:$0x14200] =	vst v63  }
0x476: {  	s15 =	smul.u32 $0x1FFF, s12;
	s7 =	sadd.s32 s12, s14  }
0x477: {  	s7 =	sxor.u32 $0xFFFFFFFF, s7  }
0x478: {  	s7 =	sadd.s32 s7, s15  }
0x479: {  	s9 =	sadd.s32 s4, s7;
	s7 =	sand.u32 $0x7, s7  }
0x47a: {  	s16 =	sshra.s32 s9, $0x1F;
	p1 =	slt.s32 s9, $0x1;
	p2 =	sne.s32 s7, $0x0  }
0x47b: {  	s17 =	sshrl.u32 s16, $0x1D;
	p0 =	por !p1, !p2  }
0x47c: {  	s7 =	sadd.s32 s17, s9;
	p0 =	por !p0, !p0;
	s9 =	simm.s32 $0x1  }
0x47d: {  	s7 =	sshrl.u32 s7, $0x3;
	s9 =	simm.s32 @!p0 $0x0  }
0x47e: {  	s7 =	ssub.s32 s7, s9  }
0x47f: {  	s7 =	sshll.u32 s7, $0x3  }
0x480: {  	p0 =	sgt.s32 s7, $0x0  }
0x481: {  	s5 =	sor.u32 $0x6, s5;
	s7 =	simm.s32 @!p0 $0x0  }
0x482: {  	s8 =	smul.u32 s12, s5;
	s7 =	smin.u32 s7, $0x1FFE7F0  }
0x483: {  	s18 =	simm.s32 $0x69A8;
	s20 =	smul.u32 $0x1FFF, s5;
	s7 =	sshrl.u32 s7, $0x3  }
0x484: {  	s25 =	sshllo.u32 s0, $0x3;
	s19 =	sshrl.u32 s8, $0x1;
	s7 =	sadd.s32 s2, s7  }
0x485: {  	[tilespmem:s18], [sflag:$0x2] =	stream.linear.gather [hbm4b:s7+s6], $0x810, $0x38;
	[tilespmem:$0x14200] =	vst v63  }
0x486: {  	s7 =	sadd.s32 s5, s19;
	s5 =	smul.u32 s5, s25  }
0x487: {  	s7 =	sxor.u32 $0xFFFFFFFF, s7  }
0x488: {  	s28 =	smul.u32 $0x1FFF, s25;
	s7 =	sadd.s32 s7, s20;
	s5 =	sshrl.u32 s5, $0x1  }
0x489: {  	s8 =	sadd.s32 s4, s7;
	s7 =	sand.u32 $0x7, s7;
	s0 =	sadd.s32 s25, s5  }
0x48a: {  	s21 =	sshra.s32 s8, $0x1F;
	p3 =	slt.s32 s8, $0x1;
	p4 =	sne.s32 s7, $0x0  }
0x48b: {  	s0 =	sxor.u32 $0xFFFFFFFF, s0;
	s24 =	sshrl.u32 s21, $0x1D;
	p0 =	por !p3, !p4  }
0x48c: {  	s7 =	sadd.s32 s24, s8;
	p0 =	por !p0, !p0;
	s8 =	simm.s32 $0x1  }
0x48d: {  	s0 =	sadd.s32 s0, s28;
	s7 =	sshrl.u32 s7, $0x3;
	s8 =	simm.s32 @!p0 $0x0  }
0x48e: {  	s4 =	sadd.s32 s4, s0;
	s0 =	sand.u32 $0x7, s0;
	s7 =	ssub.s32 s7, s8  }
0x48f: {  	s29 =	sshra.s32 s4, $0x1F;
	p5 =	slt.s32 s4, $0x1;
	s7 =	sshll.u32 s7, $0x3  }
0x490: {  	p6 =	sne.s32 s0, $0x0;
	s30 =	sshrl.u32 s29, $0x1D;
	p0 =	sgt.s32 s7, $0x0  }
0x491: {  	s0 =	sadd.s32 s30, s4;
	s7 =	simm.s32 @!p0 $0x0;
	p0 =	por !p5, !p6  }
0x492: {  	s4 =	simm.s32 $0x1;
	s7 =	smin.u32 s7, $0x1FFE7F0;
	p0 =	por !p0, !p0  }
0x493: {  	s0 =	sshrl.u32 s0, $0x3;
	s7 =	sshrl.u32 s7, $0x3;
	s4 =	simm.s32 @!p0 $0x0  }
0x494: {  	s26 =	simm.s32 $0x71C8;
	s7 =	sadd.s32 s2, s7;
	s0 =	ssub.s32 s0, s4  }
0x495: {  	[tilespmem:s26], [sflag:$0x2] =	stream.linear.gather [hbm4b:s7+s6], $0x810, $0x38;
	[tilespmem:$0x14200] =	vst v63  }
0x496: {  	s0 =	sshll.u32 s0, $0x3  }
0x497: {  	p0 =	sgt.s32 s0, $0x0  }
.Ltmp32:
0x498: {  	s0 =	simm.s32 @!p0 $0x0;
	(pc) =	sbr.rel .LBB2_59-.Ltmp32, $4  }
0x499: {  	s0 =	smin.u32 s0, $0x1FFE7F0  }
0x49a: {  	s0 =	sshrl.u32 s0, $0x3  }
0x49b: {  	s31 =	simm.s32 $0x79E8;
	s0 =	sadd.s32 s2, s0  }
0x49c: {  	[tilespmem:s31], [sflag:$0x2] =	stream.linear.gather [hbm4b:s0+s6], $0x810, $0x38;
	[tilespmem:$0x14200] =	vst v63  }
.LBB2_61:
0x49d: {  	_ =	sfence.sel $0x180000  }
0x49e: {  	[bflag:$0x0] =	sbarrier.arrive $0xFFFF  }
0x49f: {  	_ =	strace $0x90000047  }
0x4a0: {  	s0 =	stileid.u32;
	[bflag:$0x2] =	sbarrier.arrive $0xFFFF  }
0x4a1: {  	p0 =	sne.s32 s0, $0x0;
	s0 =	rddreg [dreg:$0x2]  }
0x4a2: {  	s0 =	sadd.s32 @!p0 $0x100000, s0  }
0x4a3: {  	[sflag:s0] =	ssyncadd.tile.s32 @!p0 $0x1;
	_ =	shalt  }
.Lfunc_end2:
_tile_overlayer_lowered:
.L_overlay_start_2:
0x4a4: {  	(tag) =	ssettag $0x2  }
0x4a5: {  	s0 =	rddreg [dreg:$0x0];
	s2 =	stileid.u32  }
0x4a6: {  	s1 =	rddreg [dreg:$0x1];
	p0 =	sne.s32 s2, $0x0  }
0x4a7: {  	s3 =	rddreg [dreg:$0x2];
	[bflag:$0x3] =	sbarrier.arrive $0xFFFF;
	s2 =	simm.s32 @!p0 $0x1C05  }
0x4a8: {  	[timem:s3], [sflag:s2] =	dma.local @!p0 [hbm:s0], s1  }
0x4a9: {  	s0 =	simm.s32 @!p0 $0x5  }
0x4aa: {  	_ =	swait.ge @!p0 [sflag:s0], s1  }
0x4ab: {  	s1 =	ssub.s32 @!p0 $0x0, s1;
	[sflag:s0] =	ssyncset.done @!p0 $0x0  }
0x4ac: {  	[sflag:s0] =	ssyncadd.s32 @!p0 s1  }
0x4ad: {  	[bflag:$0x3] =	sbarrier.arrive $0xFFFF  }
0x4ae: {  	_ =	shalt  }

</sc_bundles>
